<compile_context>
chip_gen: v7x
topology: tpu7x:2x2x1
jax: 0.10.2.dev20260603
libtpu: 0.0.44.dev20260713+nightly
codegen_flags: <defaults>
</compile_context>

<pallas_src>
import functools

import jax
import jax.numpy as jnp
from jax import lax
from jax.experimental import pallas as pl
from jax.experimental.pallas import tpu as pltpu
from jax.experimental.pallas import tpu_sc as plsc

_B = 256
_H = 128
_W = 128
_P = 32
_NW = 32
_BPW = _B // _NW
_CH = 16
_NC = _H // _CH
_CHW = _CH * _P * _W


def _sc_body(xc_hbm, yc_hbm, scal_hbm, zin_hbm, out_hbm, xv, yv, sv, buf):
    wid = lax.axis_index("s") * 2 + lax.axis_index("c")
    pltpu.sync_copy(zin_hbm, buf)
    ones = jnp.full((16,), 1.0, jnp.float32)
    zeros16 = jnp.zeros((16,), jnp.float32)
    zi16 = jnp.zeros((16,), jnp.int32)
    iota = lax.broadcasted_iota(jnp.int32, (16,), 0)
    for bi in range(_BPW):
        b = wid * _BPW + bi
        pltpu.sync_copy(xc_hbm.at[pl.ds(b, 1)], xv)
        pltpu.sync_copy(yc_hbm.at[pl.ds(b, 1)], yv)
        pltpu.sync_copy(scal_hbm.at[pl.ds(b, 1)], sv)
        rx = sv[0, 0]
        ry = sv[0, 1]
        ox = sv[0, 2]
        oy = sv[0, 3]
        cols = []
        rows = []
        ips = []
        for g in range(2):
            cols.append((xv[0, g] / rx + ox).astype(jnp.int32))
            rows.append((yv[0, g] / ry + oy).astype(jnp.int32))
            ips.append(iota + 16 * g)
        for c in range(_NC):
            fis = []
            ms = []
            for g in range(2):
                lh = rows[g] - c * _CH
                m = (lh >= 0) & (lh < _CH)
                fi = lh * (_P * _W) + ips[g] * _W + cols[g]
                fis.append(fi)
                ms.append(m)
                plsc.store_scatter(buf, [fi], ones, mask=m)
            pltpu.sync_copy(
                buf, out_hbm.at[pl.ds(b * (_H * _P * _W) + c * _CHW, _CHW)]
            )
            for g in range(2):
                plsc.store_scatter(buf, [fis[g]], zeros16, mask=ms[g])


def kernel(x, resolution, origin):
    B = x.shape[0]
    pts = x.reshape(B, _P, 2)
    xc = pts[:, :, 0].reshape(B, 2, 16)
    yc = pts[:, :, 1].reshape(B, 2, 16)
    scal = jnp.stack(
        [
            jnp.broadcast_to(resolution[:, 0:1], (B, 16)),
            jnp.broadcast_to(resolution[:, 1:2], (B, 16)),
            jnp.broadcast_to(origin[:, 0:1], (B, 16)),
            jnp.broadcast_to(origin[:, 1:2], (B, 16)),
        ],
        axis=1,
    )
    zin = jnp.zeros((_CHW,), jnp.float32)
    run = functools.partial(
        pl.kernel,
        out_type=jax.ShapeDtypeStruct((B * _H * _P * _W,), jnp.float32),
        mesh=plsc.VectorSubcoreMesh(core_axis_name="c", subcore_axis_name="s"),
        compiler_params=pltpu.CompilerParams(
            needs_layout_passes=False, use_tc_tiling_on_sc=False
        ),
        scratch_types=[
            pltpu.VMEM((1, 2, 16), jnp.float32),
            pltpu.VMEM((1, 2, 16), jnp.float32),
            pltpu.VMEM((1, 4, 16), jnp.float32),
            pltpu.VMEM((_CHW,), jnp.float32),
        ],
    )(_sc_body)
    out = run(xc, yc, scal, zin)
    return jnp.transpose(out.reshape(B, _H, _P, _W), (0, 1, 3, 2))

# --- scband reference (transcript-rebuilt; emitter-appended) ---
"""Pipeline reference for scband-raster-points-76209899700352 (READ-ONLY COPY).

The authoritative reference and input builder live on the scoring server;
editing this copy changes nothing except your own understanding.
"""

import jax, jax.numpy as jnp
import numpy as np

SDF_SHAPE = (128, 128)  # init kwarg sdf_shape


def setup_inputs(seed: int = 0) -> dict:
    key = jax.random.key(seed)
    B = 256
    n = 64  # n_points = 32
    # rope configurations must lie in [-0.5, 0.5)
    x = jax.random.uniform(jax.random.fold_in(key, 0), (B, n), dtype=jnp.float32,
                           minval=-0.5, maxval=0.5)
    # resolution/origin chosen so indices = points/resolution + origin land in [0, 128)
    resolution = jnp.full((B, 2), 1.0 / 128.0, dtype=jnp.float32)
    origin = jnp.full((B, 2), 64.0, dtype=jnp.float32)
    return {"x": x, "resolution": resolution, "origin": origin}


def reference(x, resolution, origin):
    B = x.shape[0]
    n = x.shape[1]
    n_points = n // 2
    H, W = SDF_SHAPE
    points = x.reshape(B, n_points, 2)
    # indeces = (points / resolution[:,None,:] + origin[:,None,:]).astype(int)
    idx_f = points / resolution[:, None, :] + origin[:, None, :]
    idx = jax.lax.stop_gradient(idx_f).astype(jnp.int32)  # [B, P, 2]
    batch_idx = jnp.repeat(jnp.arange(B, dtype=jnp.int32), n_points)
    row_idx = idx[:, :, 1].reshape(-1)
    col_idx = idx[:, :, 0].reshape(-1)
    chan_idx = jnp.tile(jnp.arange(n_points, dtype=jnp.int32), B)
    rope_images = jnp.zeros((B, H, W, n_points), dtype=jnp.float32)
    rope_images = rope_images.at[batch_idx, row_idx, col_idx, chan_idx].set(1.0)
    return rope_images

if __name__ == "__main__":
    import jax
    _d = setup_inputs()
    print(jax.jit(kernel)(*tuple(_d.values())))

</pallas_src>

<mosaic_0001>
#map = affine_map<(d0, d1) -> (0, 0, 0)>
#map1 = affine_map<(d0, d1) -> (0)>
module attributes {stable_mosaic.version = 14 : i64} {
  func.func @_sc_body(%arg0: i32, %arg1: i32, %arg2: memref<256x2x16xf32, #tpu.memory_space<hbm>>, %arg3: memref<256x2x16xf32, #tpu.memory_space<hbm>>, %arg4: memref<256x4x16xf32, #tpu.memory_space<hbm>>, %arg5: memref<65536xf32, #tpu.memory_space<hbm>>, %arg6: memref<134217728xf32, #tpu.memory_space<hbm>>, %arg7: memref<1x2x16xf32, #tpu.memory_space<vmem>>, %arg8: memref<1x2x16xf32, #tpu.memory_space<vmem>>, %arg9: memref<1x4x16xf32, #tpu.memory_space<vmem>>, %arg10: memref<65536xf32, #tpu.memory_space<vmem>>) attributes {dimension_semantics = [#tpu.dimension_semantics<core_parallel>, #tpu.dimension_semantics<subcore_parallel>], iteration_bounds = array<i64: 2, 16>, scalar_prefetch = 0 : i64, scratch_operands = 4 : i64, tpu.core_type = #tpu.core_type<sc_vector_subcore>, window_params = [{transform_indices = #map}, {transform_indices = #map}, {transform_indices = #map}, {transform_indices = #map1}, {transform_indices = #map1}]} {
    %mul3A = arith.constant 2 : i32
    %mul3A_0 = arith.muli %arg1, %mul3A : i32
    %add3A = arith.addi %mul3A_0, %arg0 : i32
    "tpu.region"() ({
      %run_scoped3A = tpu.sem_alloc : memref<!tpu.dma_semaphore, #tpu.memory_space<semaphore_mem>>
      tpu.enqueue_dma source(%arg5 : memref<65536xf32, #tpu.memory_space<hbm>>) target(%arg10 : memref<65536xf32, #tpu.memory_space<vmem>>) target_semaphore(%run_scoped3A : memref<!tpu.dma_semaphore, #tpu.memory_space<semaphore_mem>>)
      tpu.wait_dma2 semaphore(%run_scoped3A : memref<!tpu.dma_semaphore, #tpu.memory_space<semaphore_mem>>) src(%arg5 : memref<65536xf32, #tpu.memory_space<hbm>>) dst(%arg10 : memref<65536xf32, #tpu.memory_space<vmem>>)
      tpu.yield
    }) : () -> ()
    %broadcast_in_dim3A = arith.constant 1.000000e+00 : f32
    %broadcast_in_dim3A_1 = vector.broadcast %broadcast_in_dim3A : f32 to vector<16xf32>
    %broadcast_in_dim3A_2 = arith.constant 0.000000e+00 : f32
    %broadcast_in_dim3A_3 = vector.broadcast %broadcast_in_dim3A_2 : f32 to vector<16xf32>
    %broadcast_in_dim3A_4 = arith.constant 0 : i32
    %broadcast_in_dim3A_5 = vector.broadcast %broadcast_in_dim3A_4 : i32 to vector<16xi32>
    %iota3A = tpu.iota {dimensions = array<i32: 0>} : vector<16xi32>
    %mul3A_6 = arith.constant 8 : i32
    %mul3A_7 = arith.muli %add3A, %mul3A_6 : i32
    %add3A_8 = arith.constant 0 : i32
    %add3A_9 = arith.addi %mul3A_7, %add3A_8 : i32
    "tpu.region"() ({
      %run_scoped3A = tpu.sem_alloc : memref<!tpu.dma_semaphore, #tpu.memory_space<semaphore_mem>>
      %dma_start3A = arith.constant 0 : i32
      %dma_start3A_3119 = arith.constant 0 : i32
      %dma_start3A_3120 = tpu.memref_slice %arg2[%add3A_9, %dma_start3A, %dma_start3A_3119] : memref<256x2x16xf32, #tpu.memory_space<hbm>> -> memref<1x2x16xf32, #tpu.memory_space<hbm>>
      %dma_start3A_3121 = arith.constant 0 : i32
      %dma_start3A_3122 = arith.constant 0 : i32
      %dma_start3A_3123 = tpu.memref_slice %arg2[%add3A_9, %dma_start3A_3121, %dma_start3A_3122] : memref<256x2x16xf32, #tpu.memory_space<hbm>> -> memref<1x2x16xf32, #tpu.memory_space<hbm>>
      tpu.enqueue_dma source(%dma_start3A_3123 : memref<1x2x16xf32, #tpu.memory_space<hbm>>) target(%arg7 : memref<1x2x16xf32, #tpu.memory_space<vmem>>) target_semaphore(%run_scoped3A : memref<!tpu.dma_semaphore, #tpu.memory_space<semaphore_mem>>)
      %dma_wait3A = arith.constant 0 : i32
      %dma_wait3A_3124 = arith.constant 0 : i32
      %dma_wait3A_3125 = tpu.memref_slice %arg2[%add3A_9, %dma_wait3A, %dma_wait3A_3124] : memref<256x2x16xf32, #tpu.memory_space<hbm>> -> memref<1x2x16xf32, #tpu.memory_space<hbm>>
      %dma_wait3A_3126 = arith.constant 0 : i32
      %dma_wait3A_3127 = arith.constant 0 : i32
      %dma_wait3A_3128 = tpu.memref_slice %arg2[%add3A_9, %dma_wait3A_3126, %dma_wait3A_3127] : memref<256x2x16xf32, #tpu.memory_space<hbm>> -> memref<1x2x16xf32, #tpu.memory_space<hbm>>
      tpu.wait_dma2 semaphore(%run_scoped3A : memref<!tpu.dma_semaphore, #tpu.memory_space<semaphore_mem>>) src(%dma_wait3A_3128 : memref<1x2x16xf32, #tpu.memory_space<hbm>>) dst(%arg7 : memref<1x2x16xf32, #tpu.memory_space<vmem>>)
      tpu.yield
    }) : () -> ()
    "tpu.region"() ({
      %run_scoped3A = tpu.sem_alloc : memref<!tpu.dma_semaphore, #tpu.memory_space<semaphore_mem>>
      %dma_start3A = arith.constant 0 : i32
      %dma_start3A_3119 = arith.constant 0 : i32
      %dma_start3A_3120 = tpu.memref_slice %arg3[%add3A_9, %dma_start3A, %dma_start3A_3119] : memref<256x2x16xf32, #tpu.memory_space<hbm>> -> memref<1x2x16xf32, #tpu.memory_space<hbm>>
      %dma_start3A_3121 = arith.constant 0 : i32
      %dma_start3A_3122 = arith.constant 0 : i32
      %dma_start3A_3123 = tpu.memref_slice %arg3[%add3A_9, %dma_start3A_3121, %dma_start3A_3122] : memref<256x2x16xf32, #tpu.memory_space<hbm>> -> memref<1x2x16xf32, #tpu.memory_space<hbm>>
      tpu.enqueue_dma source(%dma_start3A_3123 : memref<1x2x16xf32, #tpu.memory_space<hbm>>) target(%arg8 : memref<1x2x16xf32, #tpu.memory_space<vmem>>) target_semaphore(%run_scoped3A : memref<!tpu.dma_semaphore, #tpu.memory_space<semaphore_mem>>)
      %dma_wait3A = arith.constant 0 : i32
      %dma_wait3A_3124 = arith.constant 0 : i32
      %dma_wait3A_3125 = tpu.memref_slice %arg3[%add3A_9, %dma_wait3A, %dma_wait3A_3124] : memref<256x2x16xf32, #tpu.memory_space<hbm>> -> memref<1x2x16xf32, #tpu.memory_space<hbm>>
      %dma_wait3A_3126 = arith.constant 0 : i32
      %dma_wait3A_3127 = arith.constant 0 : i32
      %dma_wait3A_3128 = tpu.memref_slice %arg3[%add3A_9, %dma_wait3A_3126, %dma_wait3A_3127] : memref<256x2x16xf32, #tpu.memory_space<hbm>> -> memref<1x2x16xf32, #tpu.memory_space<hbm>>
      tpu.wait_dma2 semaphore(%run_scoped3A : memref<!tpu.dma_semaphore, #tpu.memory_space<semaphore_mem>>) src(%dma_wait3A_3128 : memref<1x2x16xf32, #tpu.memory_space<hbm>>) dst(%arg8 : memref<1x2x16xf32, #tpu.memory_space<vmem>>)
      tpu.yield
    }) : () -> ()
    "tpu.region"() ({
      %run_scoped3A = tpu.sem_alloc : memref<!tpu.dma_semaphore, #tpu.memory_space<semaphore_mem>>
      %dma_start3A = arith.constant 0 : i32
      %dma_start3A_3119 = arith.constant 0 : i32
      %dma_start3A_3120 = tpu.memref_slice %arg4[%add3A_9, %dma_start3A, %dma_start3A_3119] : memref<256x4x16xf32, #tpu.memory_space<hbm>> -> memref<1x4x16xf32, #tpu.memory_space<hbm>>
      %dma_start3A_3121 = arith.constant 0 : i32
      %dma_start3A_3122 = arith.constant 0 : i32
      %dma_start3A_3123 = tpu.memref_slice %arg4[%add3A_9, %dma_start3A_3121, %dma_start3A_3122] : memref<256x4x16xf32, #tpu.memory_space<hbm>> -> memref<1x4x16xf32, #tpu.memory_space<hbm>>
      tpu.enqueue_dma source(%dma_start3A_3123 : memref<1x4x16xf32, #tpu.memory_space<hbm>>) target(%arg9 : memref<1x4x16xf32, #tpu.memory_space<vmem>>) target_semaphore(%run_scoped3A : memref<!tpu.dma_semaphore, #tpu.memory_space<semaphore_mem>>)
      %dma_wait3A = arith.constant 0 : i32
      %dma_wait3A_3124 = arith.constant 0 : i32
      %dma_wait3A_3125 = tpu.memref_slice %arg4[%add3A_9, %dma_wait3A, %dma_wait3A_3124] : memref<256x4x16xf32, #tpu.memory_space<hbm>> -> memref<1x4x16xf32, #tpu.memory_space<hbm>>
      %dma_wait3A_3126 = arith.constant 0 : i32
      %dma_wait3A_3127 = arith.constant 0 : i32
      %dma_wait3A_3128 = tpu.memref_slice %arg4[%add3A_9, %dma_wait3A_3126, %dma_wait3A_3127] : memref<256x4x16xf32, #tpu.memory_space<hbm>> -> memref<1x4x16xf32, #tpu.memory_space<hbm>>
      tpu.wait_dma2 semaphore(%run_scoped3A : memref<!tpu.dma_semaphore, #tpu.memory_space<semaphore_mem>>) src(%dma_wait3A_3128 : memref<1x4x16xf32, #tpu.memory_space<hbm>>) dst(%arg9 : memref<1x4x16xf32, #tpu.memory_space<vmem>>)
      tpu.yield
    }) : () -> ()
    %get3A = arith.constant 0 : i32
    %get3A_10 = arith.constant 0 : i32
    %get3A_11 = arith.index_cast %get3A : i32 to index
    %get3A_12 = arith.index_cast %get3A_10 : i32 to index
    %get3A_13 = arith.constant 0 : index
    %get3A_14 = tpu.vector_load %arg9[%get3A_11, %get3A_12, %get3A_13] {strides = array<i32>} : memref<1x4x16xf32, #tpu.memory_space<vmem>>, vector<16xf32>,
    %get3A_15 = arith.constant 0 : i32
    %get3A_16 = arith.constant 1 : i32
    %get3A_17 = arith.index_cast %get3A_15 : i32 to index
    %get3A_18 = arith.index_cast %get3A_16 : i32 to index
    %get3A_19 = arith.constant 0 : index
    %get3A_20 = tpu.vector_load %arg9[%get3A_17, %get3A_18, %get3A_19] {strides = array<i32>} : memref<1x4x16xf32, #tpu.memory_space<vmem>>, vector<16xf32>,
    %get3A_21 = arith.constant 0 : i32
    %get3A_22 = arith.constant 2 : i32
    %get3A_23 = arith.index_cast %get3A_21 : i32 to index
    %get3A_24 = arith.index_cast %get3A_22 : i32 to index
    %get3A_25 = arith.constant 0 : index
    %get3A_26 = tpu.vector_load %arg9[%get3A_23, %get3A_24, %get3A_25] {strides = array<i32>} : memref<1x4x16xf32, #tpu.memory_space<vmem>>, vector<16xf32>,
    %get3A_27 = arith.constant 0 : i32
    %get3A_28 = arith.constant 3 : i32
    %get3A_29 = arith.index_cast %get3A_27 : i32 to index
    %get3A_30 = arith.index_cast %get3A_28 : i32 to index
    %get3A_31 = arith.constant 0 : index
    %get3A_32 = tpu.vector_load %arg9[%get3A_29, %get3A_30, %get3A_31] {strides = array<i32>} : memref<1x4x16xf32, #tpu.memory_space<vmem>>, vector<16xf32>,
    %get3A_33 = arith.constant 0 : i32
    %get3A_34 = arith.constant 0 : i32
    %get3A_35 = arith.index_cast %get3A_33 : i32 to index
    %get3A_36 = arith.index_cast %get3A_34 : i32 to index
    %get3A_37 = arith.constant 0 : index
    %get3A_38 = tpu.vector_load %arg7[%get3A_35, %get3A_36, %get3A_37] {strides = array<i32>} : memref<1x2x16xf32, #tpu.memory_space<vmem>>, vector<16xf32>,
    %div3A = arith.divf %get3A_38, %get3A_14 : vector<16xf32>
    %add3A_39 = arith.addf %div3A, %get3A_26 : vector<16xf32>
    %convert_element_type3A = arith.fptosi %add3A_39 : vector<16xf32> to vector<16xi32>
    %get3A_40 = arith.constant 0 : i32
    %get3A_41 = arith.constant 0 : i32
    %get3A_42 = arith.index_cast %get3A_40 : i32 to index
    %get3A_43 = arith.index_cast %get3A_41 : i32 to index
    %get3A_44 = arith.constant 0 : index
    %get3A_45 = tpu.vector_load %arg8[%get3A_42, %get3A_43, %get3A_44] {strides = array<i32>} : memref<1x2x16xf32, #tpu.memory_space<vmem>>, vector<16xf32>,
    %div3A_46 = arith.divf %get3A_45, %get3A_20 : vector<16xf32>
    %add3A_47 = arith.addf %div3A_46, %get3A_32 : vector<16xf32>
    %convert_element_type3A_48 = arith.fptosi %add3A_47 : vector<16xf32> to vector<16xi32>
    %add3A_49 = arith.constant 0 : i32
    %add3A_50 = vector.broadcast %add3A_49 : i32 to vector<16xi32>
    %add3A_51 = arith.addi %iota3A, %add3A_50 : vector<16xi32>
    %get3A_52 = arith.constant 0 : i32
    %get3A_53 = arith.constant 1 : i32
    %get3A_54 = arith.index_cast %get3A_52 : i32 to index
    %get3A_55 = arith.index_cast %get3A_53 : i32 to index
    %get3A_56 = arith.constant 0 : index
    %get3A_57 = tpu.vector_load %arg7[%get3A_54, %get3A_55, %get3A_56] {strides = array<i32>} : memref<1x2x16xf32, #tpu.memory_space<vmem>>, vector<16xf32>,
    %div3A_58 = arith.divf %get3A_57, %get3A_14 : vector<16xf32>
    %add3A_59 = arith.addf %div3A_58, %get3A_26 : vector<16xf32>
    %convert_element_type3A_60 = arith.fptosi %add3A_59 : vector<16xf32> to vector<16xi32>
    %get3A_61 = arith.constant 0 : i32
    %get3A_62 = arith.constant 1 : i32
    %get3A_63 = arith.index_cast %get3A_61 : i32 to index
    %get3A_64 = arith.index_cast %get3A_62 : i32 to index
    %get3A_65 = arith.constant 0 : index
    %get3A_66 = tpu.vector_load %arg8[%get3A_63, %get3A_64, %get3A_65] {strides = array<i32>} : memref<1x2x16xf32, #tpu.memory_space<vmem>>, vector<16xf32>,
    %div3A_67 = arith.divf %get3A_66, %get3A_20 : vector<16xf32>
    %add3A_68 = arith.addf %div3A_67, %get3A_32 : vector<16xf32>
    %convert_element_type3A_69 = arith.fptosi %add3A_68 : vector<16xf32> to vector<16xi32>
    %add3A_70 = arith.constant 16 : i32
    %add3A_71 = vector.broadcast %add3A_70 : i32 to vector<16xi32>
    %add3A_72 = arith.addi %iota3A, %add3A_71 : vector<16xi32>
    %sub3A = arith.constant 0 : i32
    %sub3A_73 = vector.broadcast %sub3A : i32 to vector<16xi32>
    %sub3A_74 = arith.subi %convert_element_type3A_48, %sub3A_73 : vector<16xi32>
    %ge3A = arith.constant 0 : i32
    %ge3A_75 = vector.broadcast %ge3A : i32 to vector<16xi32>
    %ge3A_76 = arith.cmpi sge, %sub3A_74, %ge3A_75 : vector<16xi32>
    %lt3A = arith.constant 16 : i32
    %lt3A_77 = vector.broadcast %lt3A : i32 to vector<16xi32>
    %lt3A_78 = arith.cmpi slt, %sub3A_74, %lt3A_77 : vector<16xi32>
    %and3A = arith.andi %ge3A_76, %lt3A_78 : vector<16xi1>
    %mul3A_79 = arith.constant 4096 : i32
    %mul3A_80 = vector.broadcast %mul3A_79 : i32 to vector<16xi32>
    %mul3A_81 = arith.muli %sub3A_74, %mul3A_80 : vector<16xi32>
    %mul3A_82 = arith.constant 128 : i32
    %mul3A_83 = vector.broadcast %mul3A_82 : i32 to vector<16xi32>
    %mul3A_84 = arith.muli %add3A_51, %mul3A_83 : vector<16xi32>
    %add3A_85 = arith.addi %mul3A_81, %mul3A_84 : vector<16xi32>
    %add3A_86 = arith.addi %add3A_85, %convert_element_type3A : vector<16xi32>
    tpu.vector_store_idx %arg10[%add3A_86], %broadcast_in_dim3A_1 masked %and3A : memref<65536xf32, #tpu.memory_space<vmem>>[vector<16xi32>], vector<16xf32>, vector<16xi1>
    %sub3A_87 = arith.constant 0 : i32
    %sub3A_88 = vector.broadcast %sub3A_87 : i32 to vector<16xi32>
    %sub3A_89 = arith.subi %convert_element_type3A_69, %sub3A_88 : vector<16xi32>
    %ge3A_90 = arith.constant 0 : i32
    %ge3A_91 = vector.broadcast %ge3A_90 : i32 to vector<16xi32>
    %ge3A_92 = arith.cmpi sge, %sub3A_89, %ge3A_91 : vector<16xi32>
    %lt3A_93 = arith.constant 16 : i32
    %lt3A_94 = vector.broadcast %lt3A_93 : i32 to vector<16xi32>
    %lt3A_95 = arith.cmpi slt, %sub3A_89, %lt3A_94 : vector<16xi32>
    %and3A_96 = arith.andi %ge3A_92, %lt3A_95 : vector<16xi1>
    %mul3A_97 = arith.constant 4096 : i32
    %mul3A_98 = vector.broadcast %mul3A_97 : i32 to vector<16xi32>
    %mul3A_99 = arith.muli %sub3A_89, %mul3A_98 : vector<16xi32>
    %mul3A_100 = arith.constant 128 : i32
    %mul3A_101 = vector.broadcast %mul3A_100 : i32 to vector<16xi32>
    %mul3A_102 = arith.muli %add3A_72, %mul3A_101 : vector<16xi32>
    %add3A_103 = arith.addi %mul3A_99, %mul3A_102 : vector<16xi32>
    %add3A_104 = arith.addi %add3A_103, %convert_element_type3A_60 : vector<16xi32>
    tpu.vector_store_idx %arg10[%add3A_104], %broadcast_in_dim3A_1 masked %and3A_96 : memref<65536xf32, #tpu.memory_space<vmem>>[vector<16xi32>], vector<16xf32>, vector<16xi1>
    %mul3A_105 = arith.constant 524288 : i32
    %mul3A_106 = arith.muli %add3A_9, %mul3A_105 : i32
    %add3A_107 = arith.constant 0 : i32
    %add3A_108 = arith.addi %mul3A_106, %add3A_107 : i32
    "tpu.region"() ({
      %run_scoped3A = tpu.sem_alloc : memref<!tpu.dma_semaphore, #tpu.memory_space<semaphore_mem>>
      %dma_start3A = tpu.memref_slice %arg6[%add3A_108] : memref<134217728xf32, #tpu.memory_space<hbm>> -> memref<65536xf32, #tpu.memory_space<hbm>>
      %dma_start3A_3119 = tpu.memref_slice %arg6[%add3A_108] : memref<134217728xf32, #tpu.memory_space<hbm>> -> memref<65536xf32, #tpu.memory_space<hbm>>
      tpu.enqueue_dma source(%arg10 : memref<65536xf32, #tpu.memory_space<vmem>>) target(%dma_start3A_3119 : memref<65536xf32, #tpu.memory_space<hbm>>) target_semaphore(%run_scoped3A : memref<!tpu.dma_semaphore, #tpu.memory_space<semaphore_mem>>)
      %dma_wait3A = tpu.memref_slice %arg6[%add3A_108] : memref<134217728xf32, #tpu.memory_space<hbm>> -> memref<65536xf32, #tpu.memory_space<hbm>>
      %dma_wait3A_3120 = tpu.memref_slice %arg6[%add3A_108] : memref<134217728xf32, #tpu.memory_space<hbm>> -> memref<65536xf32, #tpu.memory_space<hbm>>
      tpu.wait_dma2 semaphore(%run_scoped3A : memref<!tpu.dma_semaphore, #tpu.memory_space<semaphore_mem>>) src(%arg10 : memref<65536xf32, #tpu.memory_space<vmem>>) dst(%dma_wait3A_3120 : memref<65536xf32, #tpu.memory_space<hbm>>)
      tpu.yield
    }) : () -> ()
    tpu.vector_store_idx %arg10[%add3A_86], %broadcast_in_dim3A_3 masked %and3A : memref<65536xf32, #tpu.memory_space<vmem>>[vector<16xi32>], vector<16xf32>, vector<16xi1>
    tpu.vector_store_idx %arg10[%add3A_104], %broadcast_in_dim3A_3 masked %and3A_96 : memref<65536xf32, #tpu.memory_space<vmem>>[vector<16xi32>], vector<16xf32>, vector<16xi1>
    %sub3A_109 = arith.constant 16 : i32
    %sub3A_110 = vector.broadcast %sub3A_109 : i32 to vector<16xi32>
    %sub3A_111 = arith.subi %convert_element_type3A_48, %sub3A_110 : vector<16xi32>
    %ge3A_112 = arith.constant 0 : i32
    %ge3A_113 = vector.broadcast %ge3A_112 : i32 to vector<16xi32>
    %ge3A_114 = arith.cmpi sge, %sub3A_111, %ge3A_113 : vector<16xi32>
    %lt3A_115 = arith.constant 16 : i32
    %lt3A_116 = vector.broadcast %lt3A_115 : i32 to vector<16xi32>
    %lt3A_117 = arith.cmpi slt, %sub3A_111, %lt3A_116 : vector<16xi32>
    %and3A_118 = arith.andi %ge3A_114, %lt3A_117 : vector<16xi1>
    %mul3A_119 = arith.constant 4096 : i32
    %mul3A_120 = vector.broadcast %mul3A_119 : i32 to vector<16xi32>
    %mul3A_121 = arith.muli %sub3A_111, %mul3A_120 : vector<16xi32>
    %mul3A_122 = arith.constant 128 : i32
    %mul3A_123 = vector.broadcast %mul3A_122 : i32 to vector<16xi32>
    %mul3A_124 = arith.muli %add3A_51, %mul3A_123 : vector<16xi32>
    %add3A_125 = arith.addi %mul3A_121, %mul3A_124 : vector<16xi32>
    %add3A_126 = arith.addi %add3A_125, %convert_element_type3A : vector<16xi32>
    tpu.vector_store_idx %arg10[%add3A_126], %broadcast_in_dim3A_1 masked %and3A_118 : memref<65536xf32, #tpu.memory_space<vmem>>[vector<16xi32>], vector<16xf32>, vector<16xi1>
    %sub3A_127 = arith.constant 16 : i32
    %sub3A_128 = vector.broadcast %sub3A_127 : i32 to vector<16xi32>
    %sub3A_129 = arith.subi %convert_element_type3A_69, %sub3A_128 : vector<16xi32>
    %ge3A_130 = arith.constant 0 : i32
    %ge3A_131 = vector.broadcast %ge3A_130 : i32 to vector<16xi32>
    %ge3A_132 = arith.cmpi sge, %sub3A_129, %ge3A_131 : vector<16xi32>
    %lt3A_133 = arith.constant 16 : i32
    %lt3A_134 = vector.broadcast %lt3A_133 : i32 to vector<16xi32>
    %lt3A_135 = arith.cmpi slt, %sub3A_129, %lt3A_134 : vector<16xi32>
    %and3A_136 = arith.andi %ge3A_132, %lt3A_135 : vector<16xi1>
    %mul3A_137 = arith.constant 4096 : i32
    %mul3A_138 = vector.broadcast %mul3A_137 : i32 to vector<16xi32>
    %mul3A_139 = arith.muli %sub3A_129, %mul3A_138 : vector<16xi32>
    %mul3A_140 = arith.constant 128 : i32
    %mul3A_141 = vector.broadcast %mul3A_140 : i32 to vector<16xi32>
    %mul3A_142 = arith.muli %add3A_72, %mul3A_141 : vector<16xi32>
    %add3A_143 = arith.addi %mul3A_139, %mul3A_142 : vector<16xi32>
    %add3A_144 = arith.addi %add3A_143, %convert_element_type3A_60 : vector<16xi32>
    tpu.vector_store_idx %arg10[%add3A_144], %broadcast_in_dim3A_1 masked %and3A_136 : memref<65536xf32, #tpu.memory_space<vmem>>[vector<16xi32>], vector<16xf32>, vector<16xi1>
    %mul3A_145 = arith.constant 524288 : i32
    %mul3A_146 = arith.muli %add3A_9, %mul3A_145 : i32
    %add3A_147 = arith.constant 65536 : i32
    %add3A_148 = arith.addi %mul3A_146, %add3A_147 : i32
    "tpu.region"() ({
      %run_scoped3A = tpu.sem_alloc : memref<!tpu.dma_semaphore, #tpu.memory_space<semaphore_mem>>
      %dma_start3A = tpu.memref_slice %arg6[%add3A_148] : memref<134217728xf32, #tpu.memory_space<hbm>> -> memref<65536xf32, #tpu.memory_space<hbm>>
      %dma_start3A_3119 = tpu.memref_slice %arg6[%add3A_148] : memref<134217728xf32, #tpu.memory_space<hbm>> -> memref<65536xf32, #tpu.memory_space<hbm>>
      tpu.enqueue_dma source(%arg10 : memref<65536xf32, #tpu.memory_space<vmem>>) target(%dma_start3A_3119 : memref<65536xf32, #tpu.memory_space<hbm>>) target_semaphore(%run_scoped3A : memref<!tpu.dma_semaphore, #tpu.memory_space<semaphore_mem>>)
      %dma_wait3A = tpu.memref_slice %arg6[%add3A_148] : memref<134217728xf32, #tpu.memory_space<hbm>> -> memref<65536xf32, #tpu.memory_space<hbm>>
      %dma_wait3A_3120 = tpu.memref_slice %arg6[%add3A_148] : memref<134217728xf32, #tpu.memory_space<hbm>> -> memref<65536xf32, #tpu.memory_space<hbm>>
      tpu.wait_dma2 semaphore(%run_scoped3A : memref<!tpu.dma_semaphore, #tpu.memory_space<semaphore_mem>>) src(%arg10 : memref<65536xf32, #tpu.memory_space<vmem>>) dst(%dma_wait3A_3120 : memref<65536xf32, #tpu.memory_space<hbm>>)
      tpu.yield
    }) : () -> ()
    tpu.vector_store_idx %arg10[%add3A_126], %broadcast_in_dim3A_3 masked %and3A_118 : memref<65536xf32, #tpu.memory_space<vmem>>[vector<16xi32>], vector<16xf32>, vector<16xi1>
    tpu.vector_store_idx %arg10[%add3A_144], %broadcast_in_dim3A_3 masked %and3A_136 : memref<65536xf32, #tpu.memory_space<vmem>>[vector<16xi32>], vector<16xf32>, vector<16xi1>
    %sub3A_149 = arith.constant 32 : i32
    %sub3A_150 = vector.broadcast %sub3A_149 : i32 to vector<16xi32>
    %sub3A_151 = arith.subi %convert_element_type3A_48, %sub3A_150 : vector<16xi32>
    %ge3A_152 = arith.constant 0 : i32
    %ge3A_153 = vector.broadcast %ge3A_152 : i32 to vector<16xi32>
    %ge3A_154 = arith.cmpi sge, %sub3A_151, %ge3A_153 : vector<16xi32>
    %lt3A_155 = arith.constant 16 : i32
    %lt3A_156 = vector.broadcast %lt3A_155 : i32 to vector<16xi32>
    %lt3A_157 = arith.cmpi slt, %sub3A_151, %lt3A_156 : vector<16xi32>
    %and3A_158 = arith.andi %ge3A_154, %lt3A_157 : vector<16xi1>
    %mul3A_159 = arith.constant 4096 : i32
    %mul3A_160 = vector.broadcast %mul3A_159 : i32 to vector<16xi32>
    %mul3A_161 = arith.muli %sub3A_151, %mul3A_160 : vector<16xi32>
    %mul3A_162 = arith.constant 128 : i32
    %mul3A_163 = vector.broadcast %mul3A_162 : i32 to vector<16xi32>
    %mul3A_164 = arith.muli %add3A_51, %mul3A_163 : vector<16xi32>
    %add3A_165 = arith.addi %mul3A_161, %mul3A_164 : vector<16xi32>
    %add3A_166 = arith.addi %add3A_165, %convert_element_type3A : vector<16xi32>
    tpu.vector_store_idx %arg10[%add3A_166], %broadcast_in_dim3A_1 masked %and3A_158 : memref<65536xf32, #tpu.memory_space<vmem>>[vector<16xi32>], vector<16xf32>, vector<16xi1>
    %sub3A_167 = arith.constant 32 : i32
    %sub3A_168 = vector.broadcast %sub3A_167 : i32 to vector<16xi32>
    %sub3A_169 = arith.subi %convert_element_type3A_69, %sub3A_168 : vector<16xi32>
    %ge3A_170 = arith.constant 0 : i32
    %ge3A_171 = vector.broadcast %ge3A_170 : i32 to vector<16xi32>
    %ge3A_172 = arith.cmpi sge, %sub3A_169, %ge3A_171 : vector<16xi32>
    %lt3A_173 = arith.constant 16 : i32
    %lt3A_174 = vector.broadcast %lt3A_173 : i32 to vector<16xi32>
    %lt3A_175 = arith.cmpi slt, %sub3A_169, %lt3A_174 : vector<16xi32>
    %and3A_176 = arith.andi %ge3A_172, %lt3A_175 : vector<16xi1>
    %mul3A_177 = arith.constant 4096 : i32
    %mul3A_178 = vector.broadcast %mul3A_177 : i32 to vector<16xi32>
    %mul3A_179 = arith.muli %sub3A_169, %mul3A_178 : vector<16xi32>
    %mul3A_180 = arith.constant 128 : i32
    %mul3A_181 = vector.broadcast %mul3A_180 : i32 to vector<16xi32>
    %mul3A_182 = arith.muli %add3A_72, %mul3A_181 : vector<16xi32>
    %add3A_183 = arith.addi %mul3A_179, %mul3A_182 : vector<16xi32>
    %add3A_184 = arith.addi %add3A_183, %convert_element_type3A_60 : vector<16xi32>
    tpu.vector_store_idx %arg10[%add3A_184], %broadcast_in_dim3A_1 masked %and3A_176 : memref<65536xf32, #tpu.memory_space<vmem>>[vector<16xi32>], vector<16xf32>, vector<16xi1>
    %mul3A_185 = arith.constant 524288 : i32
    %mul3A_186 = arith.muli %add3A_9, %mul3A_185 : i32
    %add3A_187 = arith.constant 131072 : i32
    %add3A_188 = arith.addi %mul3A_186, %add3A_187 : i32
    "tpu.region"() ({
      %run_scoped3A = tpu.sem_alloc : memref<!tpu.dma_semaphore, #tpu.memory_space<semaphore_mem>>
      %dma_start3A = tpu.memref_slice %arg6[%add3A_188] : memref<134217728xf32, #tpu.memory_space<hbm>> -> memref<65536xf32, #tpu.memory_space<hbm>>
      %dma_start3A_3119 = tpu.memref_slice %arg6[%add3A_188] : memref<134217728xf32, #tpu.memory_space<hbm>> -> memref<65536xf32, #tpu.memory_space<hbm>>
      tpu.enqueue_dma source(%arg10 : memref<65536xf32, #tpu.memory_space<vmem>>) target(%dma_start3A_3119 : memref<65536xf32, #tpu.memory_space<hbm>>) target_semaphore(%run_scoped3A : memref<!tpu.dma_semaphore, #tpu.memory_space<semaphore_mem>>)
      %dma_wait3A = tpu.memref_slice %arg6[%add3A_188] : memref<134217728xf32, #tpu.memory_space<hbm>> -> memref<65536xf32, #tpu.memory_space<hbm>>
      %dma_wait3A_3120 = tpu.memref_slice %arg6[%add3A_188] : memref<134217728xf32, #tpu.memory_space<hbm>> -> memref<65536xf32, #tpu.memory_space<hbm>>
      tpu.wait_dma2 semaphore(%run_scoped3A : memref<!tpu.dma_semaphore, #tpu.memory_space<semaphore_mem>>) src(%arg10 : memref<65536xf32, #tpu.memory_space<vmem>>) dst(%dma_wait3A_3120 : memref<65536xf32, #tpu.memory_space<hbm>>)
      tpu.yield
    }) : () -> ()
    tpu.vector_store_idx %arg10[%add3A_166], %broadcast_in_dim3A_3 masked %and3A_158 : memref<65536xf32, #tpu.memory_space<vmem>>[vector<16xi32>], vector<16xf32>, vector<16xi1>
    tpu.vector_store_idx %arg10[%add3A_184], %broadcast_in_dim3A_3 masked %and3A_176 : memref<65536xf32, #tpu.memory_space<vmem>>[vector<16xi32>], vector<16xf32>, vector<16xi1>
    %sub3A_189 = arith.constant 48 : i32
    %sub3A_190 = vector.broadcast %sub3A_189 : i32 to vector<16xi32>
    %sub3A_191 = arith.subi %convert_element_type3A_48, %sub3A_190 : vector<16xi32>
    %ge3A_192 = arith.constant 0 : i32
    %ge3A_193 = vector.broadcast %ge3A_192 : i32 to vector<16xi32>
    %ge3A_194 = arith.cmpi sge, %sub3A_191, %ge3A_193 : vector<16xi32>
    %lt3A_195 = arith.constant 16 : i32
    %lt3A_196 = vector.broadcast %lt3A_195 : i32 to vector<16xi32>
    %lt3A_197 = arith.cmpi slt, %sub3A_191, %lt3A_196 : vector<16xi32>
    %and3A_198 = arith.andi %ge3A_194, %lt3A_197 : vector<16xi1>
    %mul3A_199 = arith.constant 4096 : i32
    %mul3A_200 = vector.broadcast %mul3A_199 : i32 to vector<16xi32>
    %mul3A_201 = arith.muli %sub3A_191, %mul3A_200 : vector<16xi32>
    %mul3A_202 = arith.constant 128 : i32
    %mul3A_203 = vector.broadcast %mul3A_202 : i32 to vector<16xi32>
    %mul3A_204 = arith.muli %add3A_51, %mul3A_203 : vector<16xi32>
    %add3A_205 = arith.addi %mul3A_201, %mul3A_204 : vector<16xi32>
    %add3A_206 = arith.addi %add3A_205, %convert_element_type3A : vector<16xi32>
    tpu.vector_store_idx %arg10[%add3A_206], %broadcast_in_dim3A_1 masked %and3A_198 : memref<65536xf32, #tpu.memory_space<vmem>>[vector<16xi32>], vector<16xf32>, vector<16xi1>
    %sub3A_207 = arith.constant 48 : i32
    %sub3A_208 = vector.broadcast %sub3A_207 : i32 to vector<16xi32>
    %sub3A_209 = arith.subi %convert_element_type3A_69, %sub3A_208 : vector<16xi32>
    %ge3A_210 = arith.constant 0 : i32
    %ge3A_211 = vector.broadcast %ge3A_210 : i32 to vector<16xi32>
    %ge3A_212 = arith.cmpi sge, %sub3A_209, %ge3A_211 : vector<16xi32>
    %lt3A_213 = arith.constant 16 : i32
    %lt3A_214 = vector.broadcast %lt3A_213 : i32 to vector<16xi32>
    %lt3A_215 = arith.cmpi slt, %sub3A_209, %lt3A_214 : vector<16xi32>
    %and3A_216 = arith.andi %ge3A_212, %lt3A_215 : vector<16xi1>
    %mul3A_217 = arith.constant 4096 : i32
    %mul3A_218 = vector.broadcast %mul3A_217 : i32 to vector<16xi32>
    %mul3A_219 = arith.muli %sub3A_209, %mul3A_218 : vector<16xi32>
    %mul3A_220 = arith.constant 128 : i32
    %mul3A_221 = vector.broadcast %mul3A_220 : i32 to vector<16xi32>
    %mul3A_222 = arith.muli %add3A_72, %mul3A_221 : vector<16xi32>
    %add3A_223 = arith.addi %mul3A_219, %mul3A_222 : vector<16xi32>
    %add3A_224 = arith.addi %add3A_223, %convert_element_type3A_60 : vector<16xi32>
    tpu.vector_store_idx %arg10[%add3A_224], %broadcast_in_dim3A_1 masked %and3A_216 : memref<65536xf32, #tpu.memory_space<vmem>>[vector<16xi32>], vector<16xf32>, vector<16xi1>
    %mul3A_225 = arith.constant 524288 : i32
    %mul3A_226 = arith.muli %add3A_9, %mul3A_225 : i32
    %add3A_227 = arith.constant 196608 : i32
    %add3A_228 = arith.addi %mul3A_226, %add3A_227 : i32
    "tpu.region"() ({
      %run_scoped3A = tpu.sem_alloc : memref<!tpu.dma_semaphore, #tpu.memory_space<semaphore_mem>>
      %dma_start3A = tpu.memref_slice %arg6[%add3A_228] : memref<134217728xf32, #tpu.memory_space<hbm>> -> memref<65536xf32, #tpu.memory_space<hbm>>
      %dma_start3A_3119 = tpu.memref_slice %arg6[%add3A_228] : memref<134217728xf32, #tpu.memory_space<hbm>> -> memref<65536xf32, #tpu.memory_space<hbm>>
      tpu.enqueue_dma source(%arg10 : memref<65536xf32, #tpu.memory_space<vmem>>) target(%dma_start3A_3119 : memref<65536xf32, #tpu.memory_space<hbm>>) target_semaphore(%run_scoped3A : memref<!tpu.dma_semaphore, #tpu.memory_space<semaphore_mem>>)
      %dma_wait3A = tpu.memref_slice %arg6[%add3A_228] : memref<134217728xf32, #tpu.memory_space<hbm>> -> memref<65536xf32, #tpu.memory_space<hbm>>
      %dma_wait3A_3120 = tpu.memref_slice %arg6[%add3A_228] : memref<134217728xf32, #tpu.memory_space<hbm>> -> memref<65536xf32, #tpu.memory_space<hbm>>
      tpu.wait_dma2 semaphore(%run_scoped3A : memref<!tpu.dma_semaphore, #tpu.memory_space<semaphore_mem>>) src(%arg10 : memref<65536xf32, #tpu.memory_space<vmem>>) dst(%dma_wait3A_3120 : memref<65536xf32, #tpu.memory_space<hbm>>)
      tpu.yield
    }) : () -> ()
    tpu.vector_store_idx %arg10[%add3A_206], %broadcast_in_dim3A_3 masked %and3A_198 : memref<65536xf32, #tpu.memory_space<vmem>>[vector<16xi32>], vector<16xf32>, vector<16xi1>
    tpu.vector_store_idx %arg10[%add3A_224], %broadcast_in_dim3A_3 masked %and3A_216 : memref<65536xf32, #tpu.memory_space<vmem>>[vector<16xi32>], vector<16xf32>, vector<16xi1>
    %sub3A_229 = arith.constant 64 : i32
    %sub3A_230 = vector.broadcast %sub3A_229 : i32 to vector<16xi32>
    %sub3A_231 = arith.subi %convert_element_type3A_48, %sub3A_230 : vector<16xi32>
    %ge3A_232 = arith.constant 0 : i32
    %ge3A_233 = vector.broadcast %ge3A_232 : i32 to vector<16xi32>
    %ge3A_234 = arith.cmpi sge, %sub3A_231, %ge3A_233 : vector<16xi32>
    %lt3A_235 = arith.constant 16 : i32
    %lt3A_236 = vector.broadcast %lt3A_235 : i32 to vector<16xi32>
    %lt3A_237 = arith.cmpi slt, %sub3A_231, %lt3A_236 : vector<16xi32>
    %and3A_238 = arith.andi %ge3A_234, %lt3A_237 : vector<16xi1>
    %mul3A_239 = arith.constant 4096 : i32
    %mul3A_240 = vector.broadcast %mul3A_239 : i32 to vector<16xi32>
    %mul3A_241 = arith.muli %sub3A_231, %mul3A_240 : vector<16xi32>
    %mul3A_242 = arith.constant 128 : i32
    %mul3A_243 = vector.broadcast %mul3A_242 : i32 to vector<16xi32>
    %mul3A_244 = arith.muli %add3A_51, %mul3A_243 : vector<16xi32>
    %add3A_245 = arith.addi %mul3A_241, %mul3A_244 : vector<16xi32>
    %add3A_246 = arith.addi %add3A_245, %convert_element_type3A : vector<16xi32>
    tpu.vector_store_idx %arg10[%add3A_246], %broadcast_in_dim3A_1 masked %and3A_238 : memref<65536xf32, #tpu.memory_space<vmem>>[vector<16xi32>], vector<16xf32>, vector<16xi1>
    %sub3A_247 = arith.constant 64 : i32
    %sub3A_248 = vector.broadcast %sub3A_247 : i32 to vector<16xi32>
    %sub3A_249 = arith.subi %convert_element_type3A_69, %sub3A_248 : vector<16xi32>
    %ge3A_250 = arith.constant 0 : i32
    %ge3A_251 = vector.broadcast %ge3A_250 : i32 to vector<16xi32>
    %ge3A_252 = arith.cmpi sge, %sub3A_249, %ge3A_251 : vector<16xi32>
    %lt3A_253 = arith.constant 16 : i32
    %lt3A_254 = vector.broadcast %lt3A_253 : i32 to vector<16xi32>
    %lt3A_255 = arith.cmpi slt, %sub3A_249, %lt3A_254 : vector<16xi32>
    %and3A_256 = arith.andi %ge3A_252, %lt3A_255 : vector<16xi1>
    %mul3A_257 = arith.constant 4096 : i32
    %mul3A_258 = vector.broadcast %mul3A_257 : i32 to vector<16xi32>
    %mul3A_259 = arith.muli %sub3A_249, %mul3A_258 : vector<16xi32>
    %mul3A_260 = arith.constant 128 : i32
    %mul3A_261 = vector.broadcast %mul3A_260 : i32 to vector<16xi32>
    %mul3A_262 = arith.muli %add3A_72, %mul3A_261 : vector<16xi32>
    %add3A_263 = arith.addi %mul3A_259, %mul3A_262 : vector<16xi32>
    %add3A_264 = arith.addi %add3A_263, %convert_element_type3A_60 : vector<16xi32>
    tpu.vector_store_idx %arg10[%add3A_264], %broadcast_in_dim3A_1 masked %and3A_256 : memref<65536xf32, #tpu.memory_space<vmem>>[vector<16xi32>], vector<16xf32>, vector<16xi1>
    %mul3A_265 = arith.constant 524288 : i32
    %mul3A_266 = arith.muli %add3A_9, %mul3A_265 : i32
    %add3A_267 = arith.constant 262144 : i32
    %add3A_268 = arith.addi %mul3A_266, %add3A_267 : i32
    "tpu.region"() ({
      %run_scoped3A = tpu.sem_alloc : memref<!tpu.dma_semaphore, #tpu.memory_space<semaphore_mem>>
      %dma_start3A = tpu.memref_slice %arg6[%add3A_268] : memref<134217728xf32, #tpu.memory_space<hbm>> -> memref<65536xf32, #tpu.memory_space<hbm>>
      %dma_start3A_3119 = tpu.memref_slice %arg6[%add3A_268] : memref<134217728xf32, #tpu.memory_space<hbm>> -> memref<65536xf32, #tpu.memory_space<hbm>>
      tpu.enqueue_dma source(%arg10 : memref<65536xf32, #tpu.memory_space<vmem>>) target(%dma_start3A_3119 : memref<65536xf32, #tpu.memory_space<hbm>>) target_semaphore(%run_scoped3A : memref<!tpu.dma_semaphore, #tpu.memory_space<semaphore_mem>>)
      %dma_wait3A = tpu.memref_slice %arg6[%add3A_268] : memref<134217728xf32, #tpu.memory_space<hbm>> -> memref<65536xf32, #tpu.memory_space<hbm>>
      %dma_wait3A_3120 = tpu.memref_slice %arg6[%add3A_268] : memref<134217728xf32, #tpu.memory_space<hbm>> -> memref<65536xf32, #tpu.memory_space<hbm>>
      tpu.wait_dma2 semaphore(%run_scoped3A : memref<!tpu.dma_semaphore, #tpu.memory_space<semaphore_mem>>) src(%arg10 : memref<65536xf32, #tpu.memory_space<vmem>>) dst(%dma_wait3A_3120 : memref<65536xf32, #tpu.memory_space<hbm>>)
      tpu.yield
    }) : () -> ()
    tpu.vector_store_idx %arg10[%add3A_246], %broadcast_in_dim3A_3 masked %and3A_238 : memref<65536xf32, #tpu.memory_space<vmem>>[vector<16xi32>], vector<16xf32>, vector<16xi1>
    tpu.vector_store_idx %arg10[%add3A_264], %broadcast_in_dim3A_3 masked %and3A_256 : memref<65536xf32, #tpu.memory_space<vmem>>[vector<16xi32>], vector<16xf32>, vector<16xi1>
    %sub3A_269 = arith.constant 80 : i32
    %sub3A_270 = vector.broadcast %sub3A_269 : i32 to vector<16xi32>
    %sub3A_271 = arith.subi %convert_element_type3A_48, %sub3A_270 : vector<16xi32>
    %ge3A_272 = arith.constant 0 : i32
    %ge3A_273 = vector.broadcast %ge3A_272 : i32 to vector<16xi32>
    %ge3A_274 = arith.cmpi sge, %sub3A_271, %ge3A_273 : vector<16xi32>
    %lt3A_275 = arith.constant 16 : i32
    %lt3A_276 = vector.broadcast %lt3A_275 : i32 to vector<16xi32>
    %lt3A_277 = arith.cmpi slt, %sub3A_271, %lt3A_276 : vector<16xi32>
    %and3A_278 = arith.andi %ge3A_274, %lt3A_277 : vector<16xi1>
    %mul3A_279 = arith.constant 4096 : i32
    %mul3A_280 = vector.broadcast %mul3A_279 : i32 to vector<16xi32>
    %mul3A_281 = arith.muli %sub3A_271, %mul3A_280 : vector<16xi32>
    %mul3A_282 = arith.constant 128 : i32
    %mul3A_283 = vector.broadcast %mul3A_282 : i32 to vector<16xi32>
    %mul3A_284 = arith.muli %add3A_51, %mul3A_283 : vector<16xi32>
    %add3A_285 = arith.addi %mul3A_281, %mul3A_284 : vector<16xi32>
    %add3A_286 = arith.addi %add3A_285, %convert_element_type3A : vector<16xi32>
    tpu.vector_store_idx %arg10[%add3A_286], %broadcast_in_dim3A_1 masked %and3A_278 : memref<65536xf32, #tpu.memory_space<vmem>>[vector<16xi32>], vector<16xf32>, vector<16xi1>
    %sub3A_287 = arith.constant 80 : i32
    %sub3A_288 = vector.broadcast %sub3A_287 : i32 to vector<16xi32>
    %sub3A_289 = arith.subi %convert_element_type3A_69, %sub3A_288 : vector<16xi32>
    %ge3A_290 = arith.constant 0 : i32
    %ge3A_291 = vector.broadcast %ge3A_290 : i32 to vector<16xi32>
    %ge3A_292 = arith.cmpi sge, %sub3A_289, %ge3A_291 : vector<16xi32>
    %lt3A_293 = arith.constant 16 : i32
    %lt3A_294 = vector.broadcast %lt3A_293 : i32 to vector<16xi32>
    %lt3A_295 = arith.cmpi slt, %sub3A_289, %lt3A_294 : vector<16xi32>
    %and3A_296 = arith.andi %ge3A_292, %lt3A_295 : vector<16xi1>
    %mul3A_297 = arith.constant 4096 : i32
    %mul3A_298 = vector.broadcast %mul3A_297 : i32 to vector<16xi32>
    %mul3A_299 = arith.muli %sub3A_289, %mul3A_298 : vector<16xi32>
    %mul3A_300 = arith.constant 128 : i32
    %mul3A_301 = vector.broadcast %mul3A_300 : i32 to vector<16xi32>
    %mul3A_302 = arith.muli %add3A_72, %mul3A_301 : vector<16xi32>
    %add3A_303 = arith.addi %mul3A_299, %mul3A_302 : vector<16xi32>
    %add3A_304 = arith.addi %add3A_303, %convert_element_type3A_60 : vector<16xi32>
    tpu.vector_store_idx %arg10[%add3A_304], %broadcast_in_dim3A_1 masked %and3A_296 : memref<65536xf32, #tpu.memory_space<vmem>>[vector<16xi32>], vector<16xf32>, vector<16xi1>
    %mul3A_305 = arith.constant 524288 : i32
    %mul3A_306 = arith.muli %add3A_9, %mul3A_305 : i32
    %add3A_307 = arith.constant 327680 : i32
    %add3A_308 = arith.addi %mul3A_306, %add3A_307 : i32
    "tpu.region"() ({
      %run_scoped3A = tpu.sem_alloc : memref<!tpu.dma_semaphore, #tpu.memory_space<semaphore_mem>>
      %dma_start3A = tpu.memref_slice %arg6[%add3A_308] : memref<134217728xf32, #tpu.memory_space<hbm>> -> memref<65536xf32, #tpu.memory_space<hbm>>
      %dma_start3A_3119 = tpu.memref_slice %arg6[%add3A_308] : memref<134217728xf32, #tpu.memory_space<hbm>> -> memref<65536xf32, #tpu.memory_space<hbm>>
      tpu.enqueue_dma source(%arg10 : memref<65536xf32, #tpu.memory_space<vmem>>) target(%dma_start3A_3119 : memref<65536xf32, #tpu.memory_space<hbm>>) target_semaphore(%run_scoped3A : memref<!tpu.dma_semaphore, #tpu.memory_space<semaphore_mem>>)
      %dma_wait3A = tpu.memref_slice %arg6[%add3A_308] : memref<134217728xf32, #tpu.memory_space<hbm>> -> memref<65536xf32, #tpu.memory_space<hbm>>
      %dma_wait3A_3120 = tpu.memref_slice %arg6[%add3A_308] : memref<134217728xf32, #tpu.memory_space<hbm>> -> memref<65536xf32, #tpu.memory_space<hbm>>
      tpu.wait_dma2 semaphore(%run_scoped3A : memref<!tpu.dma_semaphore, #tpu.memory_space<semaphore_mem>>) src(%arg10 : memref<65536xf32, #tpu.memory_space<vmem>>) dst(%dma_wait3A_3120 : memref<65536xf32, #tpu.memory_space<hbm>>)
      tpu.yield
    }) : () -> ()
    tpu.vector_store_idx %arg10[%add3A_286], %broadcast_in_dim3A_3 masked %and3A_278 : memref<65536xf32, #tpu.memory_space<vmem>>[vector<16xi32>], vector<16xf32>, vector<16xi1>
    tpu.vector_store_idx %arg10[%add3A_304], %broadcast_in_dim3A_3 masked %and3A_296 : memref<65536xf32, #tpu.memory_space<vmem>>[vector<16xi32>], vector<16xf32>, vector<16xi1>
    %sub3A_309 = arith.constant 96 : i32
    %sub3A_310 = vector.broadcast %sub3A_309 : i32 to vector<16xi32>
    %sub3A_311 = arith.subi %convert_element_type3A_48, %sub3A_310 : vector<16xi32>
    %ge3A_312 = arith.constant 0 : i32
    %ge3A_313 = vector.broadcast %ge3A_312 : i32 to vector<16xi32>
    %ge3A_314 = arith.cmpi sge, %sub3A_311, %ge3A_313 : vector<16xi32>
    %lt3A_315 = arith.constant 16 : i32
    %lt3A_316 = vector.broadcast %lt3A_315 : i32 to vector<16xi32>
    %lt3A_317 = arith.cmpi slt, %sub3A_311, %lt3A_316 : vector<16xi32>
    %and3A_318 = arith.andi %ge3A_314, %lt3A_317 : vector<16xi1>
    %mul3A_319 = arith.constant 4096 : i32
    %mul3A_320 = vector.broadcast %mul3A_319 : i32 to vector<16xi32>
    %mul3A_321 = arith.muli %sub3A_311, %mul3A_320 : vector<16xi32>
    %mul3A_322 = arith.constant 128 : i32
    %mul3A_323 = vector.broadcast %mul3A_322 : i32 to vector<16xi32>
    %mul3A_324 = arith.muli %add3A_51, %mul3A_323 : vector<16xi32>
    %add3A_325 = arith.addi %mul3A_321, %mul3A_324 : vector<16xi32>
    %add3A_326 = arith.addi %add3A_325, %convert_element_type3A : vector<16xi32>
    tpu.vector_store_idx %arg10[%add3A_326], %broadcast_in_dim3A_1 masked %and3A_318 : memref<65536xf32, #tpu.memory_space<vmem>>[vector<16xi32>], vector<16xf32>, vector<16xi1>
    %sub3A_327 = arith.constant 96 : i32
    %sub3A_328 = vector.broadcast %sub3A_327 : i32 to vector<16xi32>
    %sub3A_329 = arith.subi %convert_element_type3A_69, %sub3A_328 : vector<16xi32>
    %ge3A_330 = arith.constant 0 : i32
    %ge3A_331 = vector.broadcast %ge3A_330 : i32 to vector<16xi32>
    %ge3A_332 = arith.cmpi sge, %sub3A_329, %ge3A_331 : vector<16xi32>
    %lt3A_333 = arith.constant 16 : i32
    %lt3A_334 = vector.broadcast %lt3A_333 : i32 to vector<16xi32>
    %lt3A_335 = arith.cmpi slt, %sub3A_329, %lt3A_334 : vector<16xi32>
    %and3A_336 = arith.andi %ge3A_332, %lt3A_335 : vector<16xi1>
    %mul3A_337 = arith.constant 4096 : i32
    %mul3A_338 = vector.broadcast %mul3A_337 : i32 to vector<16xi32>
    %mul3A_339 = arith.muli %sub3A_329, %mul3A_338 : vector<16xi32>
    %mul3A_340 = arith.constant 128 : i32
    %mul3A_341 = vector.broadcast %mul3A_340 : i32 to vector<16xi32>
    %mul3A_342 = arith.muli %add3A_72, %mul3A_341 : vector<16xi32>
    %add3A_343 = arith.addi %mul3A_339, %mul3A_342 : vector<16xi32>
    %add3A_344 = arith.addi %add3A_343, %convert_element_type3A_60 : vector<16xi32>
    tpu.vector_store_idx %arg10[%add3A_344], %broadcast_in_dim3A_1 masked %and3A_336 : memref<65536xf32, #tpu.memory_space<vmem>>[vector<16xi32>], vector<16xf32>, vector<16xi1>
    %mul3A_345 = arith.constant 524288 : i32
    %mul3A_346 = arith.muli %add3A_9, %mul3A_345 : i32
    %add3A_347 = arith.constant 393216 : i32
    %add3A_348 = arith.addi %mul3A_346, %add3A_347 : i32
    "tpu.region"() ({
      %run_scoped3A = tpu.sem_alloc : memref<!tpu.dma_semaphore, #tpu.memory_space<semaphore_mem>>
      %dma_start3A = tpu.memref_slice %arg6[%add3A_348] : memref<134217728xf32, #tpu.memory_space<hbm>> -> memref<65536xf32, #tpu.memory_space<hbm>>
      %dma_start3A_3119 = tpu.memref_slice %arg6[%add3A_348] : memref<134217728xf32, #tpu.memory_space<hbm>> -> memref<65536xf32, #tpu.memory_space<hbm>>
      tpu.enqueue_dma source(%arg10 : memref<65536xf32, #tpu.memory_space<vmem>>) target(%dma_start3A_3119 : memref<65536xf32, #tpu.memory_space<hbm>>) target_semaphore(%run_scoped3A : memref<!tpu.dma_semaphore, #tpu.memory_space<semaphore_mem>>)
      %dma_wait3A = tpu.memref_slice %arg6[%add3A_348] : memref<134217728xf32, #tpu.memory_space<hbm>> -> memref<65536xf32, #tpu.memory_space<hbm>>
      %dma_wait3A_3120 = tpu.memref_slice %arg6[%add3A_348] : memref<134217728xf32, #tpu.memory_space<hbm>> -> memref<65536xf32, #tpu.memory_space<hbm>>
      tpu.wait_dma2 semaphore(%run_scoped3A : memref<!tpu.dma_semaphore, #tpu.memory_space<semaphore_mem>>) src(%arg10 : memref<65536xf32, #tpu.memory_space<vmem>>) dst(%dma_wait3A_3120 : memref<65536xf32, #tpu.memory_space<hbm>>)
      tpu.yield
    }) : () -> ()
    tpu.vector_store_idx %arg10[%add3A_326], %broadcast_in_dim3A_3 masked %and3A_318 : memref<65536xf32, #tpu.memory_space<vmem>>[vector<16xi32>], vector<16xf32>, vector<16xi1>
    tpu.vector_store_idx %arg10[%add3A_344], %broadcast_in_dim3A_3 masked %and3A_336 : memref<65536xf32, #tpu.memory_space<vmem>>[vector<16xi32>], vector<16xf32>, vector<16xi1>
    %sub3A_349 = arith.constant 112 : i32
    %sub3A_350 = vector.broadcast %sub3A_349 : i32 to vector<16xi32>
    %sub3A_351 = arith.subi %convert_element_type3A_48, %sub3A_350 : vector<16xi32>
    %ge3A_352 = arith.constant 0 : i32
    %ge3A_353 = vector.broadcast %ge3A_352 : i32 to vector<16xi32>
    %ge3A_354 = arith.cmpi sge, %sub3A_351, %ge3A_353 : vector<16xi32>
    %lt3A_355 = arith.constant 16 : i32
    %lt3A_356 = vector.broadcast %lt3A_355 : i32 to vector<16xi32>
    %lt3A_357 = arith.cmpi slt, %sub3A_351, %lt3A_356 : vector<16xi32>
    %and3A_358 = arith.andi %ge3A_354, %lt3A_357 : vector<16xi1>
    %mul3A_359 = arith.constant 4096 : i32
    %mul3A_360 = vector.broadcast %mul3A_359 : i32 to vector<16xi32>
    %mul3A_361 = arith.muli %sub3A_351, %mul3A_360 : vector<16xi32>
    %mul3A_362 = arith.constant 128 : i32
    %mul3A_363 = vector.broadcast %mul3A_362 : i32 to vector<16xi32>
    %mul3A_364 = arith.muli %add3A_51, %mul3A_363 : vector<16xi32>
    %add3A_365 = arith.addi %mul3A_361, %mul3A_364 : vector<16xi32>
    %add3A_366 = arith.addi %add3A_365, %convert_element_type3A : vector<16xi32>
    tpu.vector_store_idx %arg10[%add3A_366], %broadcast_in_dim3A_1 masked %and3A_358 : memref<65536xf32, #tpu.memory_space<vmem>>[vector<16xi32>], vector<16xf32>, vector<16xi1>
    %sub3A_367 = arith.constant 112 : i32
    %sub3A_368 = vector.broadcast %sub3A_367 : i32 to vector<16xi32>
    %sub3A_369 = arith.subi %convert_element_type3A_69, %sub3A_368 : vector<16xi32>
    %ge3A_370 = arith.constant 0 : i32
    %ge3A_371 = vector.broadcast %ge3A_370 : i32 to vector<16xi32>
    %ge3A_372 = arith.cmpi sge, %sub3A_369, %ge3A_371 : vector<16xi32>
    %lt3A_373 = arith.constant 16 : i32
    %lt3A_374 = vector.broadcast %lt3A_373 : i32 to vector<16xi32>
    %lt3A_375 = arith.cmpi slt, %sub3A_369, %lt3A_374 : vector<16xi32>
    %and3A_376 = arith.andi %ge3A_372, %lt3A_375 : vector<16xi1>
    %mul3A_377 = arith.constant 4096 : i32
    %mul3A_378 = vector.broadcast %mul3A_377 : i32 to vector<16xi32>
    %mul3A_379 = arith.muli %sub3A_369, %mul3A_378 : vector<16xi32>
    %mul3A_380 = arith.constant 128 : i32
    %mul3A_381 = vector.broadcast %mul3A_380 : i32 to vector<16xi32>
    %mul3A_382 = arith.muli %add3A_72, %mul3A_381 : vector<16xi32>
    %add3A_383 = arith.addi %mul3A_379, %mul3A_382 : vector<16xi32>
    %add3A_384 = arith.addi %add3A_383, %convert_element_type3A_60 : vector<16xi32>
    tpu.vector_store_idx %arg10[%add3A_384], %broadcast_in_dim3A_1 masked %and3A_376 : memref<65536xf32, #tpu.memory_space<vmem>>[vector<16xi32>], vector<16xf32>, vector<16xi1>
    %mul3A_385 = arith.constant 524288 : i32
    %mul3A_386 = arith.muli %add3A_9, %mul3A_385 : i32
    %add3A_387 = arith.constant 458752 : i32
    %add3A_388 = arith.addi %mul3A_386, %add3A_387 : i32
    "tpu.region"() ({
      %run_scoped3A = tpu.sem_alloc : memref<!tpu.dma_semaphore, #tpu.memory_space<semaphore_mem>>
      %dma_start3A = tpu.memref_slice %arg6[%add3A_388] : memref<134217728xf32, #tpu.memory_space<hbm>> -> memref<65536xf32, #tpu.memory_space<hbm>>
      %dma_start3A_3119 = tpu.memref_slice %arg6[%add3A_388] : memref<134217728xf32, #tpu.memory_space<hbm>> -> memref<65536xf32, #tpu.memory_space<hbm>>
      tpu.enqueue_dma source(%arg10 : memref<65536xf32, #tpu.memory_space<vmem>>) target(%dma_start3A_3119 : memref<65536xf32, #tpu.memory_space<hbm>>) target_semaphore(%run_scoped3A : memref<!tpu.dma_semaphore, #tpu.memory_space<semaphore_mem>>)
      %dma_wait3A = tpu.memref_slice %arg6[%add3A_388] : memref<134217728xf32, #tpu.memory_space<hbm>> -> memref<65536xf32, #tpu.memory_space<hbm>>
      %dma_wait3A_3120 = tpu.memref_slice %arg6[%add3A_388] : memref<134217728xf32, #tpu.memory_space<hbm>> -> memref<65536xf32, #tpu.memory_space<hbm>>
      tpu.wait_dma2 semaphore(%run_scoped3A : memref<!tpu.dma_semaphore, #tpu.memory_space<semaphore_mem>>) src(%arg10 : memref<65536xf32, #tpu.memory_space<vmem>>) dst(%dma_wait3A_3120 : memref<65536xf32, #tpu.memory_space<hbm>>)
      tpu.yield
    }) : () -> ()
    tpu.vector_store_idx %arg10[%add3A_366], %broadcast_in_dim3A_3 masked %and3A_358 : memref<65536xf32, #tpu.memory_space<vmem>>[vector<16xi32>], vector<16xf32>, vector<16xi1>
    tpu.vector_store_idx %arg10[%add3A_384], %broadcast_in_dim3A_3 masked %and3A_376 : memref<65536xf32, #tpu.memory_space<vmem>>[vector<16xi32>], vector<16xf32>, vector<16xi1>
    %mul3A_389 = arith.constant 8 : i32
    %mul3A_390 = arith.muli %add3A, %mul3A_389 : i32
    %add3A_391 = arith.constant 1 : i32
    %add3A_392 = arith.addi %mul3A_390, %add3A_391 : i32
    "tpu.region"() ({
      %run_scoped3A = tpu.sem_alloc : memref<!tpu.dma_semaphore, #tpu.memory_space<semaphore_mem>>
      %dma_start3A = arith.constant 0 : i32
      %dma_start3A_3119 = arith.constant 0 : i32
      %dma_start3A_3120 = tpu.memref_slice %arg2[%add3A_392, %dma_start3A, %dma_start3A_3119] : memref<256x2x16xf32, #tpu.memory_space<hbm>> -> memref<1x2x16xf32, #tpu.memory_space<hbm>>
      %dma_start3A_3121 = arith.constant 0 : i32
      %dma_start3A_3122 = arith.constant 0 : i32
      %dma_start3A_3123 = tpu.memref_slice %arg2[%add3A_392, %dma_start3A_3121, %dma_start3A_3122] : memref<256x2x16xf32, #tpu.memory_space<hbm>> -> memref<1x2x16xf32, #tpu.memory_space<hbm>>
      tpu.enqueue_dma source(%dma_start3A_3123 : memref<1x2x16xf32, #tpu.memory_space<hbm>>) target(%arg7 : memref<1x2x16xf32, #tpu.memory_space<vmem>>) target_semaphore(%run_scoped3A : memref<!tpu.dma_semaphore, #tpu.memory_space<semaphore_mem>>)
      %dma_wait3A = arith.constant 0 : i32
      %dma_wait3A_3124 = arith.constant 0 : i32
      %dma_wait3A_3125 = tpu.memref_slice %arg2[%add3A_392, %dma_wait3A, %dma_wait3A_3124] : memref<256x2x16xf32, #tpu.memory_space<hbm>> -> memref<1x2x16xf32, #tpu.memory_space<hbm>>
      %dma_wait3A_3126 = arith.constant 0 : i32
      %dma_wait3A_3127 = arith.constant 0 : i32
      %dma_wait3A_3128 = tpu.memref_slice %arg2[%add3A_392, %dma_wait3A_3126, %dma_wait3A_3127] : memref<256x2x16xf32, #tpu.memory_space<hbm>> -> memref<1x2x16xf32, #tpu.memory_space<hbm>>
      tpu.wait_dma2 semaphore(%run_scoped3A : memref<!tpu.dma_semaphore, #tpu.memory_space<semaphore_mem>>) src(%dma_wait3A_3128 : memref<1x2x16xf32, #tpu.memory_space<hbm>>) dst(%arg7 : memref<1x2x16xf32, #tpu.memory_space<vmem>>)
      tpu.yield
    }) : () -> ()
    "tpu.region"() ({
      %run_scoped3A = tpu.sem_alloc : memref<!tpu.dma_semaphore, #tpu.memory_space<semaphore_mem>>
      %dma_start3A = arith.constant 0 : i32
      %dma_start3A_3119 = arith.constant 0 : i32
      %dma_start3A_3120 = tpu.memref_slice %arg3[%add3A_392, %dma_start3A, %dma_start3A_3119] : memref<256x2x16xf32, #tpu.memory_space<hbm>> -> memref<1x2x16xf32, #tpu.memory_space<hbm>>
      %dma_start3A_3121 = arith.constant 0 : i32
      %dma_start3A_3122 = arith.constant 0 : i32
      %dma_start3A_3123 = tpu.memref_slice %arg3[%add3A_392, %dma_start3A_3121, %dma_start3A_3122] : memref<256x2x16xf32, #tpu.memory_space<hbm>> -> memref<1x2x16xf32, #tpu.memory_space<hbm>>
      tpu.enqueue_dma source(%dma_start3A_3123 : memref<1x2x16xf32, #tpu.memory_space<hbm>>) target(%arg8 : memref<1x2x16xf32, #tpu.memory_space<vmem>>) target_semaphore(%run_scoped3A : memref<!tpu.dma_semaphore, #tpu.memory_space<semaphore_mem>>)
      %dma_wait3A = arith.constant 0 : i32
      %dma_wait3A_3124 = arith.constant 0 : i32
      %dma_wait3A_3125 = tpu.memref_slice %arg3[%add3A_392, %dma_wait3A, %dma_wait3A_3124] : memref<256x2x16xf32, #tpu.memory_space<hbm>> -> memref<1x2x16xf32, #tpu.memory_space<hbm>>
      %dma_wait3A_3126 = arith.constant 0 : i32
      %dma_wait3A_3127 = arith.constant 0 : i32
      %dma_wait3A_3128 = tpu.memref_slice %arg3[%add3A_392, %dma_wait3A_3126, %dma_wait3A_3127] : memref<256x2x16xf32, #tpu.memory_space<hbm>> -> memref<1x2x16xf32, #tpu.memory_space<hbm>>
      tpu.wait_dma2 semaphore(%run_scoped3A : memref<!tpu.dma_semaphore, #tpu.memory_space<semaphore_mem>>) src(%dma_wait3A_3128 : memref<1x2x16xf32, #tpu.memory_space<hbm>>) dst(%arg8 : memref<1x2x16xf32, #tpu.memory_space<vmem>>)
      tpu.yield
    }) : () -> ()
    "tpu.region"() ({
      %run_scoped3A = tpu.sem_alloc : memref<!tpu.dma_semaphore, #tpu.memory_space<semaphore_mem>>
      %dma_start3A = arith.constant 0 : i32
      %dma_start3A_3119 = arith.constant 0 : i32
      %dma_start3A_3120 = tpu.memref_slice %arg4[%add3A_392, %dma_start3A, %dma_start3A_3119] : memref<256x4x16xf32, #tpu.memory_space<hbm>> -> memref<1x4x16xf32, #tpu.memory_space<hbm>>
      %dma_start3A_3121 = arith.constant 0 : i32
      %dma_start3A_3122 = arith.constant 0 : i32
      %dma_start3A_3123 = tpu.memref_slice %arg4[%add3A_392, %dma_start3A_3121, %dma_start3A_3122] : memref<256x4x16xf32, #tpu.memory_space<hbm>> -> memref<1x4x16xf32, #tpu.memory_space<hbm>>
      tpu.enqueue_dma source(%dma_start3A_3123 : memref<1x4x16xf32, #tpu.memory_space<hbm>>) target(%arg9 : memref<1x4x16xf32, #tpu.memory_space<vmem>>) target_semaphore(%run_scoped3A : memref<!tpu.dma_semaphore, #tpu.memory_space<semaphore_mem>>)
      %dma_wait3A = arith.constant 0 : i32
      %dma_wait3A_3124 = arith.constant 0 : i32
      %dma_wait3A_3125 = tpu.memref_slice %arg4[%add3A_392, %dma_wait3A, %dma_wait3A_3124] : memref<256x4x16xf32, #tpu.memory_space<hbm>> -> memref<1x4x16xf32, #tpu.memory_space<hbm>>
      %dma_wait3A_3126 = arith.constant 0 : i32
      %dma_wait3A_3127 = arith.constant 0 : i32
      %dma_wait3A_3128 = tpu.memref_slice %arg4[%add3A_392, %dma_wait3A_3126, %dma_wait3A_3127] : memref<256x4x16xf32, #tpu.memory_space<hbm>> -> memref<1x4x16xf32, #tpu.memory_space<hbm>>
      tpu.wait_dma2 semaphore(%run_scoped3A : memref<!tpu.dma_semaphore, #tpu.memory_space<semaphore_mem>>) src(%dma_wait3A_3128 : memref<1x4x16xf32, #tpu.memory_space<hbm>>) dst(%arg9 : memref<1x4x16xf32, #tpu.memory_space<vmem>>)
      tpu.yield
    }) : () -> ()
    %get3A_393 = arith.constant 0 : i32
    %get3A_394 = arith.constant 0 : i32
    %get3A_395 = arith.index_cast %get3A_393 : i32 to index
    %get3A_396 = arith.index_cast %get3A_394 : i32 to index
    %get3A_397 = arith.constant 0 : index
    %get3A_398 = tpu.vector_load %arg9[%get3A_395, %get3A_396, %get3A_397] {strides = array<i32>} : memref<1x4x16xf32, #tpu.memory_space<vmem>>, vector<16xf32>,
    %get3A_399 = arith.constant 0 : i32
    %get3A_400 = arith.constant 1 : i32
    %get3A_401 = arith.index_cast %get3A_399 : i32 to index
    %get3A_402 = arith.index_cast %get3A_400 : i32 to index
    %get3A_403 = arith.constant 0 : index
    %get3A_404 = tpu.vector_load %arg9[%get3A_401, %get3A_402, %get3A_403] {strides = array<i32>} : memref<1x4x16xf32, #tpu.memory_space<vmem>>, vector<16xf32>,
    %get3A_405 = arith.constant 0 : i32
    %get3A_406 = arith.constant 2 : i32
    %get3A_407 = arith.index_cast %get3A_405 : i32 to index
    %get3A_408 = arith.index_cast %get3A_406 : i32 to index
    %get3A_409 = arith.constant 0 : index
    %get3A_410 = tpu.vector_load %arg9[%get3A_407, %get3A_408, %get3A_409] {strides = array<i32>} : memref<1x4x16xf32, #tpu.memory_space<vmem>>, vector<16xf32>,
    %get3A_411 = arith.constant 0 : i32
    %get3A_412 = arith.constant 3 : i32
    %get3A_413 = arith.index_cast %get3A_411 : i32 to index
    %get3A_414 = arith.index_cast %get3A_412 : i32 to index
    %get3A_415 = arith.constant 0 : index
    %get3A_416 = tpu.vector_load %arg9[%get3A_413, %get3A_414, %get3A_415] {strides = array<i32>} : memref<1x4x16xf32, #tpu.memory_space<vmem>>, vector<16xf32>,
    %get3A_417 = arith.constant 0 : i32
    %get3A_418 = arith.constant 0 : i32
    %get3A_419 = arith.index_cast %get3A_417 : i32 to index
    %get3A_420 = arith.index_cast %get3A_418 : i32 to index
    %get3A_421 = arith.constant 0 : index
    %get3A_422 = tpu.vector_load %arg7[%get3A_419, %get3A_420, %get3A_421] {strides = array<i32>} : memref<1x2x16xf32, #tpu.memory_space<vmem>>, vector<16xf32>,
    %div3A_423 = arith.divf %get3A_422, %get3A_398 : vector<16xf32>
    %add3A_424 = arith.addf %div3A_423, %get3A_410 : vector<16xf32>
    %convert_element_type3A_425 = arith.fptosi %add3A_424 : vector<16xf32> to vector<16xi32>
    %get3A_426 = arith.constant 0 : i32
    %get3A_427 = arith.constant 0 : i32
    %get3A_428 = arith.index_cast %get3A_426 : i32 to index
    %get3A_429 = arith.index_cast %get3A_427 : i32 to index
    %get3A_430 = arith.constant 0 : index
    %get3A_431 = tpu.vector_load %arg8[%get3A_428, %get3A_429, %get3A_430] {strides = array<i32>} : memref<1x2x16xf32, #tpu.memory_space<vmem>>, vector<16xf32>,
    %div3A_432 = arith.divf %get3A_431, %get3A_404 : vector<16xf32>
    %add3A_433 = arith.addf %div3A_432, %get3A_416 : vector<16xf32>
    %convert_element_type3A_434 = arith.fptosi %add3A_433 : vector<16xf32> to vector<16xi32>
    %add3A_435 = arith.constant 0 : i32
    %add3A_436 = vector.broadcast %add3A_435 : i32 to vector<16xi32>
    %add3A_437 = arith.addi %iota3A, %add3A_436 : vector<16xi32>
    %get3A_438 = arith.constant 0 : i32
    %get3A_439 = arith.constant 1 : i32
    %get3A_440 = arith.index_cast %get3A_438 : i32 to index
    %get3A_441 = arith.index_cast %get3A_439 : i32 to index
    %get3A_442 = arith.constant 0 : index
    %get3A_443 = tpu.vector_load %arg7[%get3A_440, %get3A_441, %get3A_442] {strides = array<i32>} : memref<1x2x16xf32, #tpu.memory_space<vmem>>, vector<16xf32>,
    %div3A_444 = arith.divf %get3A_443, %get3A_398 : vector<16xf32>
    %add3A_445 = arith.addf %div3A_444, %get3A_410 : vector<16xf32>
    %convert_element_type3A_446 = arith.fptosi %add3A_445 : vector<16xf32> to vector<16xi32>
    %get3A_447 = arith.constant 0 : i32
    %get3A_448 = arith.constant 1 : i32
    %get3A_449 = arith.index_cast %get3A_447 : i32 to index
    %get3A_450 = arith.index_cast %get3A_448 : i32 to index
    %get3A_451 = arith.constant 0 : index
    %get3A_452 = tpu.vector_load %arg8[%get3A_449, %get3A_450, %get3A_451] {strides = array<i32>} : memref<1x2x16xf32, #tpu.memory_space<vmem>>, vector<16xf32>,
    %div3A_453 = arith.divf %get3A_452, %get3A_404 : vector<16xf32>
    %add3A_454 = arith.addf %div3A_453, %get3A_416 : vector<16xf32>
    %convert_element_type3A_455 = arith.fptosi %add3A_454 : vector<16xf32> to vector<16xi32>
    %add3A_456 = arith.constant 16 : i32
    %add3A_457 = vector.broadcast %add3A_456 : i32 to vector<16xi32>
    %add3A_458 = arith.addi %iota3A, %add3A_457 : vector<16xi32>
    %sub3A_459 = arith.constant 0 : i32
    %sub3A_460 = vector.broadcast %sub3A_459 : i32 to vector<16xi32>
    %sub3A_461 = arith.subi %convert_element_type3A_434, %sub3A_460 : vector<16xi32>
    %ge3A_462 = arith.constant 0 : i32
    %ge3A_463 = vector.broadcast %ge3A_462 : i32 to vector<16xi32>
    %ge3A_464 = arith.cmpi sge, %sub3A_461, %ge3A_463 : vector<16xi32>
    %lt3A_465 = arith.constant 16 : i32
    %lt3A_466 = vector.broadcast %lt3A_465 : i32 to vector<16xi32>
    %lt3A_467 = arith.cmpi slt, %sub3A_461, %lt3A_466 : vector<16xi32>
    %and3A_468 = arith.andi %ge3A_464, %lt3A_467 : vector<16xi1>
    %mul3A_469 = arith.constant 4096 : i32
    %mul3A_470 = vector.broadcast %mul3A_469 : i32 to vector<16xi32>
    %mul3A_471 = arith.muli %sub3A_461, %mul3A_470 : vector<16xi32>
    %mul3A_472 = arith.constant 128 : i32
    %mul3A_473 = vector.broadcast %mul3A_472 : i32 to vector<16xi32>
    %mul3A_474 = arith.muli %add3A_437, %mul3A_473 : vector<16xi32>
    %add3A_475 = arith.addi %mul3A_471, %mul3A_474 : vector<16xi32>
    %add3A_476 = arith.addi %add3A_475, %convert_element_type3A_425 : vector<16xi32>
    tpu.vector_store_idx %arg10[%add3A_476], %broadcast_in_dim3A_1 masked %and3A_468 : memref<65536xf32, #tpu.memory_space<vmem>>[vector<16xi32>], vector<16xf32>, vector<16xi1>
    %sub3A_477 = arith.constant 0 : i32
    %sub3A_478 = vector.broadcast %sub3A_477 : i32 to vector<16xi32>
    %sub3A_479 = arith.subi %convert_element_type3A_455, %sub3A_478 : vector<16xi32>
    %ge3A_480 = arith.constant 0 : i32
    %ge3A_481 = vector.broadcast %ge3A_480 : i32 to vector<16xi32>
    %ge3A_482 = arith.cmpi sge, %sub3A_479, %ge3A_481 : vector<16xi32>
    %lt3A_483 = arith.constant 16 : i32
    %lt3A_484 = vector.broadcast %lt3A_483 : i32 to vector<16xi32>
    %lt3A_485 = arith.cmpi slt, %sub3A_479, %lt3A_484 : vector<16xi32>
    %and3A_486 = arith.andi %ge3A_482, %lt3A_485 : vector<16xi1>
    %mul3A_487 = arith.constant 4096 : i32
    %mul3A_488 = vector.broadcast %mul3A_487 : i32 to vector<16xi32>
    %mul3A_489 = arith.muli %sub3A_479, %mul3A_488 : vector<16xi32>
    %mul3A_490 = arith.constant 128 : i32
    %mul3A_491 = vector.broadcast %mul3A_490 : i32 to vector<16xi32>
    %mul3A_492 = arith.muli %add3A_458, %mul3A_491 : vector<16xi32>
    %add3A_493 = arith.addi %mul3A_489, %mul3A_492 : vector<16xi32>
    %add3A_494 = arith.addi %add3A_493, %convert_element_type3A_446 : vector<16xi32>
    tpu.vector_store_idx %arg10[%add3A_494], %broadcast_in_dim3A_1 masked %and3A_486 : memref<65536xf32, #tpu.memory_space<vmem>>[vector<16xi32>], vector<16xf32>, vector<16xi1>
    %mul3A_495 = arith.constant 524288 : i32
    %mul3A_496 = arith.muli %add3A_392, %mul3A_495 : i32
    %add3A_497 = arith.constant 0 : i32
    %add3A_498 = arith.addi %mul3A_496, %add3A_497 : i32
    "tpu.region"() ({
      %run_scoped3A = tpu.sem_alloc : memref<!tpu.dma_semaphore, #tpu.memory_space<semaphore_mem>>
      %dma_start3A = tpu.memref_slice %arg6[%add3A_498] : memref<134217728xf32, #tpu.memory_space<hbm>> -> memref<65536xf32, #tpu.memory_space<hbm>>
      %dma_start3A_3119 = tpu.memref_slice %arg6[%add3A_498] : memref<134217728xf32, #tpu.memory_space<hbm>> -> memref<65536xf32, #tpu.memory_space<hbm>>
      tpu.enqueue_dma source(%arg10 : memref<65536xf32, #tpu.memory_space<vmem>>) target(%dma_start3A_3119 : memref<65536xf32, #tpu.memory_space<hbm>>) target_semaphore(%run_scoped3A : memref<!tpu.dma_semaphore, #tpu.memory_space<semaphore_mem>>)
      %dma_wait3A = tpu.memref_slice %arg6[%add3A_498] : memref<134217728xf32, #tpu.memory_space<hbm>> -> memref<65536xf32, #tpu.memory_space<hbm>>
      %dma_wait3A_3120 = tpu.memref_slice %arg6[%add3A_498] : memref<134217728xf32, #tpu.memory_space<hbm>> -> memref<65536xf32, #tpu.memory_space<hbm>>
      tpu.wait_dma2 semaphore(%run_scoped3A : memref<!tpu.dma_semaphore, #tpu.memory_space<semaphore_mem>>) src(%arg10 : memref<65536xf32, #tpu.memory_space<vmem>>) dst(%dma_wait3A_3120 : memref<65536xf32, #tpu.memory_space<hbm>>)
      tpu.yield
    }) : () -> ()
    tpu.vector_store_idx %arg10[%add3A_476], %broadcast_in_dim3A_3 masked %and3A_468 : memref<65536xf32, #tpu.memory_space<vmem>>[vector<16xi32>], vector<16xf32>, vector<16xi1>
    tpu.vector_store_idx %arg10[%add3A_494], %broadcast_in_dim3A_3 masked %and3A_486 : memref<65536xf32, #tpu.memory_space<vmem>>[vector<16xi32>], vector<16xf32>, vector<16xi1>
    %sub3A_499 = arith.constant 16 : i32
    %sub3A_500 = vector.broadcast %sub3A_499 : i32 to vector<16xi32>
    %sub3A_501 = arith.subi %convert_element_type3A_434, %sub3A_500 : vector<16xi32>
    %ge3A_502 = arith.constant 0 : i32
    %ge3A_503 = vector.broadcast %ge3A_502 : i32 to vector<16xi32>
    %ge3A_504 = arith.cmpi sge, %sub3A_501, %ge3A_503 : vector<16xi32>
    %lt3A_505 = arith.constant 16 : i32
    %lt3A_506 = vector.broadcast %lt3A_505 : i32 to vector<16xi32>
    %lt3A_507 = arith.cmpi slt, %sub3A_501, %lt3A_506 : vector<16xi32>
    %and3A_508 = arith.andi %ge3A_504, %lt3A_507 : vector<16xi1>
    %mul3A_509 = arith.constant 4096 : i32
    %mul3A_510 = vector.broadcast %mul3A_509 : i32 to vector<16xi32>
    %mul3A_511 = arith.muli %sub3A_501, %mul3A_510 : vector<16xi32>
    %mul3A_512 = arith.constant 128 : i32
    %mul3A_513 = vector.broadcast %mul3A_512 : i32 to vector<16xi32>
    %mul3A_514 = arith.muli %add3A_437, %mul3A_513 : vector<16xi32>
    %add3A_515 = arith.addi %mul3A_511, %mul3A_514 : vector<16xi32>
    %add3A_516 = arith.addi %add3A_515, %convert_element_type3A_425 : vector<16xi32>
    tpu.vector_store_idx %arg10[%add3A_516], %broadcast_in_dim3A_1 masked %and3A_508 : memref<65536xf32, #tpu.memory_space<vmem>>[vector<16xi32>], vector<16xf32>, vector<16xi1>
    %sub3A_517 = arith.constant 16 : i32
    %sub3A_518 = vector.broadcast %sub3A_517 : i32 to vector<16xi32>
    %sub3A_519 = arith.subi %convert_element_type3A_455, %sub3A_518 : vector<16xi32>
    %ge3A_520 = arith.constant 0 : i32
    %ge3A_521 = vector.broadcast %ge3A_520 : i32 to vector<16xi32>
    %ge3A_522 = arith.cmpi sge, %sub3A_519, %ge3A_521 : vector<16xi32>
    %lt3A_523 = arith.constant 16 : i32
    %lt3A_524 = vector.broadcast %lt3A_523 : i32 to vector<16xi32>
    %lt3A_525 = arith.cmpi slt, %sub3A_519, %lt3A_524 : vector<16xi32>
    %and3A_526 = arith.andi %ge3A_522, %lt3A_525 : vector<16xi1>
    %mul3A_527 = arith.constant 4096 : i32
    %mul3A_528 = vector.broadcast %mul3A_527 : i32 to vector<16xi32>
    %mul3A_529 = arith.muli %sub3A_519, %mul3A_528 : vector<16xi32>
    %mul3A_530 = arith.constant 128 : i32
    %mul3A_531 = vector.broadcast %mul3A_530 : i32 to vector<16xi32>
    %mul3A_532 = arith.muli %add3A_458, %mul3A_531 : vector<16xi32>
    %add3A_533 = arith.addi %mul3A_529, %mul3A_532 : vector<16xi32>
    %add3A_534 = arith.addi %add3A_533, %convert_element_type3A_446 : vector<16xi32>
    tpu.vector_store_idx %arg10[%add3A_534], %broadcast_in_dim3A_1 masked %and3A_526 : memref<65536xf32, #tpu.memory_space<vmem>>[vector<16xi32>], vector<16xf32>, vector<16xi1>
    %mul3A_535 = arith.constant 524288 : i32
    %mul3A_536 = arith.muli %add3A_392, %mul3A_535 : i32
    %add3A_537 = arith.constant 65536 : i32
    %add3A_538 = arith.addi %mul3A_536, %add3A_537 : i32
    "tpu.region"() ({
      %run_scoped3A = tpu.sem_alloc : memref<!tpu.dma_semaphore, #tpu.memory_space<semaphore_mem>>
      %dma_start3A = tpu.memref_slice %arg6[%add3A_538] : memref<134217728xf32, #tpu.memory_space<hbm>> -> memref<65536xf32, #tpu.memory_space<hbm>>
      %dma_start3A_3119 = tpu.memref_slice %arg6[%add3A_538] : memref<134217728xf32, #tpu.memory_space<hbm>> -> memref<65536xf32, #tpu.memory_space<hbm>>
      tpu.enqueue_dma source(%arg10 : memref<65536xf32, #tpu.memory_space<vmem>>) target(%dma_start3A_3119 : memref<65536xf32, #tpu.memory_space<hbm>>) target_semaphore(%run_scoped3A : memref<!tpu.dma_semaphore, #tpu.memory_space<semaphore_mem>>)
      %dma_wait3A = tpu.memref_slice %arg6[%add3A_538] : memref<134217728xf32, #tpu.memory_space<hbm>> -> memref<65536xf32, #tpu.memory_space<hbm>>
      %dma_wait3A_3120 = tpu.memref_slice %arg6[%add3A_538] : memref<134217728xf32, #tpu.memory_space<hbm>> -> memref<65536xf32, #tpu.memory_space<hbm>>
      tpu.wait_dma2 semaphore(%run_scoped3A : memref<!tpu.dma_semaphore, #tpu.memory_space<semaphore_mem>>) src(%arg10 : memref<65536xf32, #tpu.memory_space<vmem>>) dst(%dma_wait3A_3120 : memref<65536xf32, #tpu.memory_space<hbm>>)
      tpu.yield
    }) : () -> ()
    tpu.vector_store_idx %arg10[%add3A_516], %broadcast_in_dim3A_3 masked %and3A_508 : memref<65536xf32, #tpu.memory_space<vmem>>[vector<16xi32>], vector<16xf32>, vector<16xi1>
    tpu.vector_store_idx %arg10[%add3A_534], %broadcast_in_dim3A_3 masked %and3A_526 : memref<65536xf32, #tpu.memory_space<vmem>>[vector<16xi32>], vector<16xf32>, vector<16xi1>
    %sub3A_539 = arith.constant 32 : i32
    %sub3A_540 = vector.broadcast %sub3A_539 : i32 to vector<16xi32>
    %sub3A_541 = arith.subi %convert_element_type3A_434, %sub3A_540 : vector<16xi32>
    %ge3A_542 = arith.constant 0 : i32
    %ge3A_543 = vector.broadcast %ge3A_542 : i32 to vector<16xi32>
    %ge3A_544 = arith.cmpi sge, %sub3A_541, %ge3A_543 : vector<16xi32>
    %lt3A_545 = arith.constant 16 : i32
    %lt3A_546 = vector.broadcast %lt3A_545 : i32 to vector<16xi32>
    %lt3A_547 = arith.cmpi slt, %sub3A_541, %lt3A_546 : vector<16xi32>
    %and3A_548 = arith.andi %ge3A_544, %lt3A_547 : vector<16xi1>
    %mul3A_549 = arith.constant 4096 : i32
    %mul3A_550 = vector.broadcast %mul3A_549 : i32 to vector<16xi32>
    %mul3A_551 = arith.muli %sub3A_541, %mul3A_550 : vector<16xi32>
    %mul3A_552 = arith.constant 128 : i32
    %mul3A_553 = vector.broadcast %mul3A_552 : i32 to vector<16xi32>
    %mul3A_554 = arith.muli %add3A_437, %mul3A_553 : vector<16xi32>
    %add3A_555 = arith.addi %mul3A_551, %mul3A_554 : vector<16xi32>
    %add3A_556 = arith.addi %add3A_555, %convert_element_type3A_425 : vector<16xi32>
    tpu.vector_store_idx %arg10[%add3A_556], %broadcast_in_dim3A_1 masked %and3A_548 : memref<65536xf32, #tpu.memory_space<vmem>>[vector<16xi32>], vector<16xf32>, vector<16xi1>
    %sub3A_557 = arith.constant 32 : i32
    %sub3A_558 = vector.broadcast %sub3A_557 : i32 to vector<16xi32>
    %sub3A_559 = arith.subi %convert_element_type3A_455, %sub3A_558 : vector<16xi32>
    %ge3A_560 = arith.constant 0 : i32
    %ge3A_561 = vector.broadcast %ge3A_560 : i32 to vector<16xi32>
    %ge3A_562 = arith.cmpi sge, %sub3A_559, %ge3A_561 : vector<16xi32>
    %lt3A_563 = arith.constant 16 : i32
    %lt3A_564 = vector.broadcast %lt3A_563 : i32 to vector<16xi32>
    %lt3A_565 = arith.cmpi slt, %sub3A_559, %lt3A_564 : vector<16xi32>
    %and3A_566 = arith.andi %ge3A_562, %lt3A_565 : vector<16xi1>
    %mul3A_567 = arith.constant 4096 : i32
    %mul3A_568 = vector.broadcast %mul3A_567 : i32 to vector<16xi32>
    %mul3A_569 = arith.muli %sub3A_559, %mul3A_568 : vector<16xi32>
    %mul3A_570 = arith.constant 128 : i32
    %mul3A_571 = vector.broadcast %mul3A_570 : i32 to vector<16xi32>
    %mul3A_572 = arith.muli %add3A_458, %mul3A_571 : vector<16xi32>
    %add3A_573 = arith.addi %mul3A_569, %mul3A_572 : vector<16xi32>
    %add3A_574 = arith.addi %add3A_573, %convert_element_type3A_446 : vector<16xi32>
    tpu.vector_store_idx %arg10[%add3A_574], %broadcast_in_dim3A_1 masked %and3A_566 : memref<65536xf32, #tpu.memory_space<vmem>>[vector<16xi32>], vector<16xf32>, vector<16xi1>
    %mul3A_575 = arith.constant 524288 : i32
    %mul3A_576 = arith.muli %add3A_392, %mul3A_575 : i32
    %add3A_577 = arith.constant 131072 : i32
    %add3A_578 = arith.addi %mul3A_576, %add3A_577 : i32
    "tpu.region"() ({
      %run_scoped3A = tpu.sem_alloc : memref<!tpu.dma_semaphore, #tpu.memory_space<semaphore_mem>>
      %dma_start3A = tpu.memref_slice %arg6[%add3A_578] : memref<134217728xf32, #tpu.memory_space<hbm>> -> memref<65536xf32, #tpu.memory_space<hbm>>
      %dma_start3A_3119 = tpu.memref_slice %arg6[%add3A_578] : memref<134217728xf32, #tpu.memory_space<hbm>> -> memref<65536xf32, #tpu.memory_space<hbm>>
      tpu.enqueue_dma source(%arg10 : memref<65536xf32, #tpu.memory_space<vmem>>) target(%dma_start3A_3119 : memref<65536xf32, #tpu.memory_space<hbm>>) target_semaphore(%run_scoped3A : memref<!tpu.dma_semaphore, #tpu.memory_space<semaphore_mem>>)
      %dma_wait3A = tpu.memref_slice %arg6[%add3A_578] : memref<134217728xf32, #tpu.memory_space<hbm>> -> memref<65536xf32, #tpu.memory_space<hbm>>
      %dma_wait3A_3120 = tpu.memref_slice %arg6[%add3A_578] : memref<134217728xf32, #tpu.memory_space<hbm>> -> memref<65536xf32, #tpu.memory_space<hbm>>
      tpu.wait_dma2 semaphore(%run_scoped3A : memref<!tpu.dma_semaphore, #tpu.memory_space<semaphore_mem>>) src(%arg10 : memref<65536xf32, #tpu.memory_space<vmem>>) dst(%dma_wait3A_3120 : memref<65536xf32, #tpu.memory_space<hbm>>)
      tpu.yield
    }) : () -> ()
    tpu.vector_store_idx %arg10[%add3A_556], %broadcast_in_dim3A_3 masked %and3A_548 : memref<65536xf32, #tpu.memory_space<vmem>>[vector<16xi32>], vector<16xf32>, vector<16xi1>
    tpu.vector_store_idx %arg10[%add3A_574], %broadcast_in_dim3A_3 masked %and3A_566 : memref<65536xf32, #tpu.memory_space<vmem>>[vector<16xi32>], vector<16xf32>, vector<16xi1>
    %sub3A_579 = arith.constant 48 : i32
    %sub3A_580 = vector.broadcast %sub3A_579 : i32 to vector<16xi32>
    %sub3A_581 = arith.subi %convert_element_type3A_434, %sub3A_580 : vector<16xi32>
    %ge3A_582 = arith.constant 0 : i32
    %ge3A_583 = vector.broadcast %ge3A_582 : i32 to vector<16xi32>
    %ge3A_584 = arith.cmpi sge, %sub3A_581, %ge3A_583 : vector<16xi32>
    %lt3A_585 = arith.constant 16 : i32
    %lt3A_586 = vector.broadcast %lt3A_585 : i32 to vector<16xi32>
    %lt3A_587 = arith.cmpi slt, %sub3A_581, %lt3A_586 : vector<16xi32>
    %and3A_588 = arith.andi %ge3A_584, %lt3A_587 : vector<16xi1>
    %mul3A_589 = arith.constant 4096 : i32
    %mul3A_590 = vector.broadcast %mul3A_589 : i32 to vector<16xi32>
    %mul3A_591 = arith.muli %sub3A_581, %mul3A_590 : vector<16xi32>
    %mul3A_592 = arith.constant 128 : i32
    %mul3A_593 = vector.broadcast %mul3A_592 : i32 to vector<16xi32>
    %mul3A_594 = arith.muli %add3A_437, %mul3A_593 : vector<16xi32>
    %add3A_595 = arith.addi %mul3A_591, %mul3A_594 : vector<16xi32>
    %add3A_596 = arith.addi %add3A_595, %convert_element_type3A_425 : vector<16xi32>
    tpu.vector_store_idx %arg10[%add3A_596], %broadcast_in_dim3A_1 masked %and3A_588 : memref<65536xf32, #tpu.memory_space<vmem>>[vector<16xi32>], vector<16xf32>, vector<16xi1>
    %sub3A_597 = arith.constant 48 : i32
    %sub3A_598 = vector.broadcast %sub3A_597 : i32 to vector<16xi32>
    %sub3A_599 = arith.subi %convert_element_type3A_455, %sub3A_598 : vector<16xi32>
    %ge3A_600 = arith.constant 0 : i32
    %ge3A_601 = vector.broadcast %ge3A_600 : i32 to vector<16xi32>
    %ge3A_602 = arith.cmpi sge, %sub3A_599, %ge3A_601 : vector<16xi32>
    %lt3A_603 = arith.constant 16 : i32
    %lt3A_604 = vector.broadcast %lt3A_603 : i32 to vector<16xi32>
    %lt3A_605 = arith.cmpi slt, %sub3A_599, %lt3A_604 : vector<16xi32>
    %and3A_606 = arith.andi %ge3A_602, %lt3A_605 : vector<16xi1>
    %mul3A_607 = arith.constant 4096 : i32
    %mul3A_608 = vector.broadcast %mul3A_607 : i32 to vector<16xi32>
    %mul3A_609 = arith.muli %sub3A_599, %mul3A_608 : vector<16xi32>
    %mul3A_610 = arith.constant 128 : i32
    %mul3A_611 = vector.broadcast %mul3A_610 : i32 to vector<16xi32>
    %mul3A_612 = arith.muli %add3A_458, %mul3A_611 : vector<16xi32>
    %add3A_613 = arith.addi %mul3A_609, %mul3A_612 : vector<16xi32>
    %add3A_614 = arith.addi %add3A_613, %convert_element_type3A_446 : vector<16xi32>
    tpu.vector_store_idx %arg10[%add3A_614], %broadcast_in_dim3A_1 masked %and3A_606 : memref<65536xf32, #tpu.memory_space<vmem>>[vector<16xi32>], vector<16xf32>, vector<16xi1>
    %mul3A_615 = arith.constant 524288 : i32
    %mul3A_616 = arith.muli %add3A_392, %mul3A_615 : i32
    %add3A_617 = arith.constant 196608 : i32
    %add3A_618 = arith.addi %mul3A_616, %add3A_617 : i32
    "tpu.region"() ({
      %run_scoped3A = tpu.sem_alloc : memref<!tpu.dma_semaphore, #tpu.memory_space<semaphore_mem>>
      %dma_start3A = tpu.memref_slice %arg6[%add3A_618] : memref<134217728xf32, #tpu.memory_space<hbm>> -> memref<65536xf32, #tpu.memory_space<hbm>>
      %dma_start3A_3119 = tpu.memref_slice %arg6[%add3A_618] : memref<134217728xf32, #tpu.memory_space<hbm>> -> memref<65536xf32, #tpu.memory_space<hbm>>
      tpu.enqueue_dma source(%arg10 : memref<65536xf32, #tpu.memory_space<vmem>>) target(%dma_start3A_3119 : memref<65536xf32, #tpu.memory_space<hbm>>) target_semaphore(%run_scoped3A : memref<!tpu.dma_semaphore, #tpu.memory_space<semaphore_mem>>)
      %dma_wait3A = tpu.memref_slice %arg6[%add3A_618] : memref<134217728xf32, #tpu.memory_space<hbm>> -> memref<65536xf32, #tpu.memory_space<hbm>>
      %dma_wait3A_3120 = tpu.memref_slice %arg6[%add3A_618] : memref<134217728xf32, #tpu.memory_space<hbm>> -> memref<65536xf32, #tpu.memory_space<hbm>>
      tpu.wait_dma2 semaphore(%run_scoped3A : memref<!tpu.dma_semaphore, #tpu.memory_space<semaphore_mem>>) src(%arg10 : memref<65536xf32, #tpu.memory_space<vmem>>) dst(%dma_wait3A_3120 : memref<65536xf32, #tpu.memory_space<hbm>>)
      tpu.yield
    }) : () -> ()
    tpu.vector_store_idx %arg10[%add3A_596], %broadcast_in_dim3A_3 masked %and3A_588 : memref<65536xf32, #tpu.memory_space<vmem>>[vector<16xi32>], vector<16xf32>, vector<16xi1>
    tpu.vector_store_idx %arg10[%add3A_614], %broadcast_in_dim3A_3 masked %and3A_606 : memref<65536xf32, #tpu.memory_space<vmem>>[vector<16xi32>], vector<16xf32>, vector<16xi1>
    %sub3A_619 = arith.constant 64 : i32
    %sub3A_620 = vector.broadcast %sub3A_619 : i32 to vector<16xi32>
    %sub3A_621 = arith.subi %convert_element_type3A_434, %sub3A_620 : vector<16xi32>
    %ge3A_622 = arith.constant 0 : i32
    %ge3A_623 = vector.broadcast %ge3A_622 : i32 to vector<16xi32>
    %ge3A_624 = arith.cmpi sge, %sub3A_621, %ge3A_623 : vector<16xi32>
    %lt3A_625 = arith.constant 16 : i32
    %lt3A_626 = vector.broadcast %lt3A_625 : i32 to vector<16xi32>
    %lt3A_627 = arith.cmpi slt, %sub3A_621, %lt3A_626 : vector<16xi32>
    %and3A_628 = arith.andi %ge3A_624, %lt3A_627 : vector<16xi1>
    %mul3A_629 = arith.constant 4096 : i32
    %mul3A_630 = vector.broadcast %mul3A_629 : i32 to vector<16xi32>
    %mul3A_631 = arith.muli %sub3A_621, %mul3A_630 : vector<16xi32>
    %mul3A_632 = arith.constant 128 : i32
    %mul3A_633 = vector.broadcast %mul3A_632 : i32 to vector<16xi32>
    %mul3A_634 = arith.muli %add3A_437, %mul3A_633 : vector<16xi32>
    %add3A_635 = arith.addi %mul3A_631, %mul3A_634 : vector<16xi32>
    %add3A_636 = arith.addi %add3A_635, %convert_element_type3A_425 : vector<16xi32>
    tpu.vector_store_idx %arg10[%add3A_636], %broadcast_in_dim3A_1 masked %and3A_628 : memref<65536xf32, #tpu.memory_space<vmem>>[vector<16xi32>], vector<16xf32>, vector<16xi1>
    %sub3A_637 = arith.constant 64 : i32
    %sub3A_638 = vector.broadcast %sub3A_637 : i32 to vector<16xi32>
    %sub3A_639 = arith.subi %convert_element_type3A_455, %sub3A_638 : vector<16xi32>
    %ge3A_640 = arith.constant 0 : i32
    %ge3A_641 = vector.broadcast %ge3A_640 : i32 to vector<16xi32>
    %ge3A_642 = arith.cmpi sge, %sub3A_639, %ge3A_641 : vector<16xi32>
    %lt3A_643 = arith.constant 16 : i32
    %lt3A_644 = vector.broadcast %lt3A_643 : i32 to vector<16xi32>
    %lt3A_645 = arith.cmpi slt, %sub3A_639, %lt3A_644 : vector<16xi32>
    %and3A_646 = arith.andi %ge3A_642, %lt3A_645 : vector<16xi1>
    %mul3A_647 = arith.constant 4096 : i32
    %mul3A_648 = vector.broadcast %mul3A_647 : i32 to vector<16xi32>
    %mul3A_649 = arith.muli %sub3A_639, %mul3A_648 : vector<16xi32>
    %mul3A_650 = arith.constant 128 : i32
    %mul3A_651 = vector.broadcast %mul3A_650 : i32 to vector<16xi32>
    %mul3A_652 = arith.muli %add3A_458, %mul3A_651 : vector<16xi32>
    %add3A_653 = arith.addi %mul3A_649, %mul3A_652 : vector<16xi32>
    %add3A_654 = arith.addi %add3A_653, %convert_element_type3A_446 : vector<16xi32>
    tpu.vector_store_idx %arg10[%add3A_654], %broadcast_in_dim3A_1 masked %and3A_646 : memref<65536xf32, #tpu.memory_space<vmem>>[vector<16xi32>], vector<16xf32>, vector<16xi1>
    %mul3A_655 = arith.constant 524288 : i32
    %mul3A_656 = arith.muli %add3A_392, %mul3A_655 : i32
    %add3A_657 = arith.constant 262144 : i32
    %add3A_658 = arith.addi %mul3A_656, %add3A_657 : i32
    "tpu.region"() ({
      %run_scoped3A = tpu.sem_alloc : memref<!tpu.dma_semaphore, #tpu.memory_space<semaphore_mem>>
      %dma_start3A = tpu.memref_slice %arg6[%add3A_658] : memref<134217728xf32, #tpu.memory_space<hbm>> -> memref<65536xf32, #tpu.memory_space<hbm>>
      %dma_start3A_3119 = tpu.memref_slice %arg6[%add3A_658] : memref<134217728xf32, #tpu.memory_space<hbm>> -> memref<65536xf32, #tpu.memory_space<hbm>>
      tpu.enqueue_dma source(%arg10 : memref<65536xf32, #tpu.memory_space<vmem>>) target(%dma_start3A_3119 : memref<65536xf32, #tpu.memory_space<hbm>>) target_semaphore(%run_scoped3A : memref<!tpu.dma_semaphore, #tpu.memory_space<semaphore_mem>>)
      %dma_wait3A = tpu.memref_slice %arg6[%add3A_658] : memref<134217728xf32, #tpu.memory_space<hbm>> -> memref<65536xf32, #tpu.memory_space<hbm>>
      %dma_wait3A_3120 = tpu.memref_slice %arg6[%add3A_658] : memref<134217728xf32, #tpu.memory_space<hbm>> -> memref<65536xf32, #tpu.memory_space<hbm>>
      tpu.wait_dma2 semaphore(%run_scoped3A : memref<!tpu.dma_semaphore, #tpu.memory_space<semaphore_mem>>) src(%arg10 : memref<65536xf32, #tpu.memory_space<vmem>>) dst(%dma_wait3A_3120 : memref<65536xf32, #tpu.memory_space<hbm>>)
      tpu.yield
    }) : () -> ()
    tpu.vector_store_idx %arg10[%add3A_636], %broadcast_in_dim3A_3 masked %and3A_628 : memref<65536xf32, #tpu.memory_space<vmem>>[vector<16xi32>], vector<16xf32>, vector<16xi1>
    tpu.vector_store_idx %arg10[%add3A_654], %broadcast_in_dim3A_3 masked %and3A_646 : memref<65536xf32, #tpu.memory_space<vmem>>[vector<16xi32>], vector<16xf32>, vector<16xi1>
    %sub3A_659 = arith.constant 80 : i32
    %sub3A_660 = vector.broadcast %sub3A_659 : i32 to vector<16xi32>
    %sub3A_661 = arith.subi %convert_element_type3A_434, %sub3A_660 : vector<16xi32>
    %ge3A_662 = arith.constant 0 : i32
    %ge3A_663 = vector.broadcast %ge3A_662 : i32 to vector<16xi32>
    %ge3A_664 = arith.cmpi sge, %sub3A_661, %ge3A_663 : vector<16xi32>
    %lt3A_665 = arith.constant 16 : i32
    %lt3A_666 = vector.broadcast %lt3A_665 : i32 to vector<16xi32>
    %lt3A_667 = arith.cmpi slt, %sub3A_661, %lt3A_666 : vector<16xi32>
    %and3A_668 = arith.andi %ge3A_664, %lt3A_667 : vector<16xi1>
    %mul3A_669 = arith.constant 4096 : i32
    %mul3A_670 = vector.broadcast %mul3A_669 : i32 to vector<16xi32>
    %mul3A_671 = arith.muli %sub3A_661, %mul3A_670 : vector<16xi32>
    %mul3A_672 = arith.constant 128 : i32
    %mul3A_673 = vector.broadcast %mul3A_672 : i32 to vector<16xi32>
    %mul3A_674 = arith.muli %add3A_437, %mul3A_673 : vector<16xi32>
    %add3A_675 = arith.addi %mul3A_671, %mul3A_674 : vector<16xi32>
    %add3A_676 = arith.addi %add3A_675, %convert_element_type3A_425 : vector<16xi32>
    tpu.vector_store_idx %arg10[%add3A_676], %broadcast_in_dim3A_1 masked %and3A_668 : memref<65536xf32, #tpu.memory_space<vmem>>[vector<16xi32>], vector<16xf32>, vector<16xi1>
    %sub3A_677 = arith.constant 80 : i32
    %sub3A_678 = vector.broadcast %sub3A_677 : i32 to vector<16xi32>
    %sub3A_679 = arith.subi %convert_element_type3A_455, %sub3A_678 : vector<16xi32>
    %ge3A_680 = arith.constant 0 : i32
    %ge3A_681 = vector.broadcast %ge3A_680 : i32 to vector<16xi32>
    %ge3A_682 = arith.cmpi sge, %sub3A_679, %ge3A_681 : vector<16xi32>
    %lt3A_683 = arith.constant 16 : i32
    %lt3A_684 = vector.broadcast %lt3A_683 : i32 to vector<16xi32>
    %lt3A_685 = arith.cmpi slt, %sub3A_679, %lt3A_684 : vector<16xi32>
    %and3A_686 = arith.andi %ge3A_682, %lt3A_685 : vector<16xi1>
    %mul3A_687 = arith.constant 4096 : i32
    %mul3A_688 = vector.broadcast %mul3A_687 : i32 to vector<16xi32>
    %mul3A_689 = arith.muli %sub3A_679, %mul3A_688 : vector<16xi32>
    %mul3A_690 = arith.constant 128 : i32
    %mul3A_691 = vector.broadcast %mul3A_690 : i32 to vector<16xi32>
    %mul3A_692 = arith.muli %add3A_458, %mul3A_691 : vector<16xi32>
    %add3A_693 = arith.addi %mul3A_689, %mul3A_692 : vector<16xi32>
    %add3A_694 = arith.addi %add3A_693, %convert_element_type3A_446 : vector<16xi32>
    tpu.vector_store_idx %arg10[%add3A_694], %broadcast_in_dim3A_1 masked %and3A_686 : memref<65536xf32, #tpu.memory_space<vmem>>[vector<16xi32>], vector<16xf32>, vector<16xi1>
    %mul3A_695 = arith.constant 524288 : i32
    %mul3A_696 = arith.muli %add3A_392, %mul3A_695 : i32
    %add3A_697 = arith.constant 327680 : i32
    %add3A_698 = arith.addi %mul3A_696, %add3A_697 : i32
    "tpu.region"() ({
      %run_scoped3A = tpu.sem_alloc : memref<!tpu.dma_semaphore, #tpu.memory_space<semaphore_mem>>
      %dma_start3A = tpu.memref_slice %arg6[%add3A_698] : memref<134217728xf32, #tpu.memory_space<hbm>> -> memref<65536xf32, #tpu.memory_space<hbm>>
      %dma_start3A_3119 = tpu.memref_slice %arg6[%add3A_698] : memref<134217728xf32, #tpu.memory_space<hbm>> -> memref<65536xf32, #tpu.memory_space<hbm>>
      tpu.enqueue_dma source(%arg10 : memref<65536xf32, #tpu.memory_space<vmem>>) target(%dma_start3A_3119 : memref<65536xf32, #tpu.memory_space<hbm>>) target_semaphore(%run_scoped3A : memref<!tpu.dma_semaphore, #tpu.memory_space<semaphore_mem>>)
      %dma_wait3A = tpu.memref_slice %arg6[%add3A_698] : memref<134217728xf32, #tpu.memory_space<hbm>> -> memref<65536xf32, #tpu.memory_space<hbm>>
      %dma_wait3A_3120 = tpu.memref_slice %arg6[%add3A_698] : memref<134217728xf32, #tpu.memory_space<hbm>> -> memref<65536xf32, #tpu.memory_space<hbm>>
      tpu.wait_dma2 semaphore(%run_scoped3A : memref<!tpu.dma_semaphore, #tpu.memory_space<semaphore_mem>>) src(%arg10 : memref<65536xf32, #tpu.memory_space<vmem>>) dst(%dma_wait3A_3120 : memref<65536xf32, #tpu.memory_space<hbm>>)
      tpu.yield
    }) : () -> ()
    tpu.vector_store_idx %arg10[%add3A_676], %broadcast_in_dim3A_3 masked %and3A_668 : memref<65536xf32, #tpu.memory_space<vmem>>[vector<16xi32>], vector<16xf32>, vector<16xi1>
    tpu.vector_store_idx %arg10[%add3A_694], %broadcast_in_dim3A_3 masked %and3A_686 : memref<65536xf32, #tpu.memory_space<vmem>>[vector<16xi32>], vector<16xf32>, vector<16xi1>
    %sub3A_699 = arith.constant 96 : i32
    %sub3A_700 = vector.broadcast %sub3A_699 : i32 to vector<16xi32>
    %sub3A_701 = arith.subi %convert_element_type3A_434, %sub3A_700 : vector<16xi32>
    %ge3A_702 = arith.constant 0 : i32
    %ge3A_703 = vector.broadcast %ge3A_702 : i32 to vector<16xi32>
    %ge3A_704 = arith.cmpi sge, %sub3A_701, %ge3A_703 : vector<16xi32>
    %lt3A_705 = arith.constant 16 : i32
    %lt3A_706 = vector.broadcast %lt3A_705 : i32 to vector<16xi32>
    %lt3A_707 = arith.cmpi slt, %sub3A_701, %lt3A_706 : vector<16xi32>
    %and3A_708 = arith.andi %ge3A_704, %lt3A_707 : vector<16xi1>
    %mul3A_709 = arith.constant 4096 : i32
    %mul3A_710 = vector.broadcast %mul3A_709 : i32 to vector<16xi32>
    %mul3A_711 = arith.muli %sub3A_701, %mul3A_710 : vector<16xi32>
    %mul3A_712 = arith.constant 128 : i32
    %mul3A_713 = vector.broadcast %mul3A_712 : i32 to vector<16xi32>
    %mul3A_714 = arith.muli %add3A_437, %mul3A_713 : vector<16xi32>
    %add3A_715 = arith.addi %mul3A_711, %mul3A_714 : vector<16xi32>
    %add3A_716 = arith.addi %add3A_715, %convert_element_type3A_425 : vector<16xi32>
    tpu.vector_store_idx %arg10[%add3A_716], %broadcast_in_dim3A_1 masked %and3A_708 : memref<65536xf32, #tpu.memory_space<vmem>>[vector<16xi32>], vector<16xf32>, vector<16xi1>
    %sub3A_717 = arith.constant 96 : i32
    %sub3A_718 = vector.broadcast %sub3A_717 : i32 to vector<16xi32>
    %sub3A_719 = arith.subi %convert_element_type3A_455, %sub3A_718 : vector<16xi32>
    %ge3A_720 = arith.constant 0 : i32
    %ge3A_721 = vector.broadcast %ge3A_720 : i32 to vector<16xi32>
    %ge3A_722 = arith.cmpi sge, %sub3A_719, %ge3A_721 : vector<16xi32>
    %lt3A_723 = arith.constant 16 : i32
    %lt3A_724 = vector.broadcast %lt3A_723 : i32 to vector<16xi32>
    %lt3A_725 = arith.cmpi slt, %sub3A_719, %lt3A_724 : vector<16xi32>
    %and3A_726 = arith.andi %ge3A_722, %lt3A_725 : vector<16xi1>
    %mul3A_727 = arith.constant 4096 : i32
    %mul3A_728 = vector.broadcast %mul3A_727 : i32 to vector<16xi32>
    %mul3A_729 = arith.muli %sub3A_719, %mul3A_728 : vector<16xi32>
    %mul3A_730 = arith.constant 128 : i32
    %mul3A_731 = vector.broadcast %mul3A_730 : i32 to vector<16xi32>
    %mul3A_732 = arith.muli %add3A_458, %mul3A_731 : vector<16xi32>
    %add3A_733 = arith.addi %mul3A_729, %mul3A_732 : vector<16xi32>
    %add3A_734 = arith.addi %add3A_733, %convert_element_type3A_446 : vector<16xi32>
    tpu.vector_store_idx %arg10[%add3A_734], %broadcast_in_dim3A_1 masked %and3A_726 : memref<65536xf32, #tpu.memory_space<vmem>>[vector<16xi32>], vector<16xf32>, vector<16xi1>
    %mul3A_735 = arith.constant 524288 : i32
    %mul3A_736 = arith.muli %add3A_392, %mul3A_735 : i32
    %add3A_737 = arith.constant 393216 : i32
    %add3A_738 = arith.addi %mul3A_736, %add3A_737 : i32
    "tpu.region"() ({
      %run_scoped3A = tpu.sem_alloc : memref<!tpu.dma_semaphore, #tpu.memory_space<semaphore_mem>>
      %dma_start3A = tpu.memref_slice %arg6[%add3A_738] : memref<134217728xf32, #tpu.memory_space<hbm>> -> memref<65536xf32, #tpu.memory_space<hbm>>
      %dma_start3A_3119 = tpu.memref_slice %arg6[%add3A_738] : memref<134217728xf32, #tpu.memory_space<hbm>> -> memref<65536xf32, #tpu.memory_space<hbm>>
      tpu.enqueue_dma source(%arg10 : memref<65536xf32, #tpu.memory_space<vmem>>) target(%dma_start3A_3119 : memref<65536xf32, #tpu.memory_space<hbm>>) target_semaphore(%run_scoped3A : memref<!tpu.dma_semaphore, #tpu.memory_space<semaphore_mem>>)
      %dma_wait3A = tpu.memref_slice %arg6[%add3A_738] : memref<134217728xf32, #tpu.memory_space<hbm>> -> memref<65536xf32, #tpu.memory_space<hbm>>
      %dma_wait3A_3120 = tpu.memref_slice %arg6[%add3A_738] : memref<134217728xf32, #tpu.memory_space<hbm>> -> memref<65536xf32, #tpu.memory_space<hbm>>
      tpu.wait_dma2 semaphore(%run_scoped3A : memref<!tpu.dma_semaphore, #tpu.memory_space<semaphore_mem>>) src(%arg10 : memref<65536xf32, #tpu.memory_space<vmem>>) dst(%dma_wait3A_3120 : memref<65536xf32, #tpu.memory_space<hbm>>)
      tpu.yield
    }) : () -> ()
    tpu.vector_store_idx %arg10[%add3A_716], %broadcast_in_dim3A_3 masked %and3A_708 : memref<65536xf32, #tpu.memory_space<vmem>>[vector<16xi32>], vector<16xf32>, vector<16xi1>
    tpu.vector_store_idx %arg10[%add3A_734], %broadcast_in_dim3A_3 masked %and3A_726 : memref<65536xf32, #tpu.memory_space<vmem>>[vector<16xi32>], vector<16xf32>, vector<16xi1>
    %sub3A_739 = arith.constant 112 : i32
    %sub3A_740 = vector.broadcast %sub3A_739 : i32 to vector<16xi32>
    %sub3A_741 = arith.subi %convert_element_type3A_434, %sub3A_740 : vector<16xi32>
    %ge3A_742 = arith.constant 0 : i32
    %ge3A_743 = vector.broadcast %ge3A_742 : i32 to vector<16xi32>
    %ge3A_744 = arith.cmpi sge, %sub3A_741, %ge3A_743 : vector<16xi32>
    %lt3A_745 = arith.constant 16 : i32
    %lt3A_746 = vector.broadcast %lt3A_745 : i32 to vector<16xi32>
    %lt3A_747 = arith.cmpi slt, %sub3A_741, %lt3A_746 : vector<16xi32>
    %and3A_748 = arith.andi %ge3A_744, %lt3A_747 : vector<16xi1>
    %mul3A_749 = arith.constant 4096 : i32
    %mul3A_750 = vector.broadcast %mul3A_749 : i32 to vector<16xi32>
    %mul3A_751 = arith.muli %sub3A_741, %mul3A_750 : vector<16xi32>
    %mul3A_752 = arith.constant 128 : i32
    %mul3A_753 = vector.broadcast %mul3A_752 : i32 to vector<16xi32>
    %mul3A_754 = arith.muli %add3A_437, %mul3A_753 : vector<16xi32>
    %add3A_755 = arith.addi %mul3A_751, %mul3A_754 : vector<16xi32>
    %add3A_756 = arith.addi %add3A_755, %convert_element_type3A_425 : vector<16xi32>
    tpu.vector_store_idx %arg10[%add3A_756], %broadcast_in_dim3A_1 masked %and3A_748 : memref<65536xf32, #tpu.memory_space<vmem>>[vector<16xi32>], vector<16xf32>, vector<16xi1>
    %sub3A_757 = arith.constant 112 : i32
    %sub3A_758 = vector.broadcast %sub3A_757 : i32 to vector<16xi32>
    %sub3A_759 = arith.subi %convert_element_type3A_455, %sub3A_758 : vector<16xi32>
    %ge3A_760 = arith.constant 0 : i32
    %ge3A_761 = vector.broadcast %ge3A_760 : i32 to vector<16xi32>
    %ge3A_762 = arith.cmpi sge, %sub3A_759, %ge3A_761 : vector<16xi32>
    %lt3A_763 = arith.constant 16 : i32
    %lt3A_764 = vector.broadcast %lt3A_763 : i32 to vector<16xi32>
    %lt3A_765 = arith.cmpi slt, %sub3A_759, %lt3A_764 : vector<16xi32>
    %and3A_766 = arith.andi %ge3A_762, %lt3A_765 : vector<16xi1>
    %mul3A_767 = arith.constant 4096 : i32
    %mul3A_768 = vector.broadcast %mul3A_767 : i32 to vector<16xi32>
    %mul3A_769 = arith.muli %sub3A_759, %mul3A_768 : vector<16xi32>
    %mul3A_770 = arith.constant 128 : i32
    %mul3A_771 = vector.broadcast %mul3A_770 : i32 to vector<16xi32>
    %mul3A_772 = arith.muli %add3A_458, %mul3A_771 : vector<16xi32>
    %add3A_773 = arith.addi %mul3A_769, %mul3A_772 : vector<16xi32>
    %add3A_774 = arith.addi %add3A_773, %convert_element_type3A_446 : vector<16xi32>
    tpu.vector_store_idx %arg10[%add3A_774], %broadcast_in_dim3A_1 masked %and3A_766 : memref<65536xf32, #tpu.memory_space<vmem>>[vector<16xi32>], vector<16xf32>, vector<16xi1>
    %mul3A_775 = arith.constant 524288 : i32
    %mul3A_776 = arith.muli %add3A_392, %mul3A_775 : i32
    %add3A_777 = arith.constant 458752 : i32
    %add3A_778 = arith.addi %mul3A_776, %add3A_777 : i32
    "tpu.region"() ({
      %run_scoped3A = tpu.sem_alloc : memref<!tpu.dma_semaphore, #tpu.memory_space<semaphore_mem>>
      %dma_start3A = tpu.memref_slice %arg6[%add3A_778] : memref<134217728xf32, #tpu.memory_space<hbm>> -> memref<65536xf32, #tpu.memory_space<hbm>>
      %dma_start3A_3119 = tpu.memref_slice %arg6[%add3A_778] : memref<134217728xf32, #tpu.memory_space<hbm>> -> memref<65536xf32, #tpu.memory_space<hbm>>
      tpu.enqueue_dma source(%arg10 : memref<65536xf32, #tpu.memory_space<vmem>>) target(%dma_start3A_3119 : memref<65536xf32, #tpu.memory_space<hbm>>) target_semaphore(%run_scoped3A : memref<!tpu.dma_semaphore, #tpu.memory_space<semaphore_mem>>)
      %dma_wait3A = tpu.memref_slice %arg6[%add3A_778] : memref<134217728xf32, #tpu.memory_space<hbm>> -> memref<65536xf32, #tpu.memory_space<hbm>>
      %dma_wait3A_3120 = tpu.memref_slice %arg6[%add3A_778] : memref<134217728xf32, #tpu.memory_space<hbm>> -> memref<65536xf32, #tpu.memory_space<hbm>>
      tpu.wait_dma2 semaphore(%run_scoped3A : memref<!tpu.dma_semaphore, #tpu.memory_space<semaphore_mem>>) src(%arg10 : memref<65536xf32, #tpu.memory_space<vmem>>) dst(%dma_wait3A_3120 : memref<65536xf32, #tpu.memory_space<hbm>>)
      tpu.yield
    }) : () -> ()
    tpu.vector_store_idx %arg10[%add3A_756], %broadcast_in_dim3A_3 masked %and3A_748 : memref<65536xf32, #tpu.memory_space<vmem>>[vector<16xi32>], vector<16xf32>, vector<16xi1>
    tpu.vector_store_idx %arg10[%add3A_774], %broadcast_in_dim3A_3 masked %and3A_766 : memref<65536xf32, #tpu.memory_space<vmem>>[vector<16xi32>], vector<16xf32>, vector<16xi1>
    %mul3A_779 = arith.constant 8 : i32
    %mul3A_780 = arith.muli %add3A, %mul3A_779 : i32
    %add3A_781 = arith.constant 2 : i32
    %add3A_782 = arith.addi %mul3A_780, %add3A_781 : i32
    "tpu.region"() ({
      %run_scoped3A = tpu.sem_alloc : memref<!tpu.dma_semaphore, #tpu.memory_space<semaphore_mem>>
      %dma_start3A = arith.constant 0 : i32
      %dma_start3A_3119 = arith.constant 0 : i32
      %dma_start3A_3120 = tpu.memref_slice %arg2[%add3A_782, %dma_start3A, %dma_start3A_3119] : memref<256x2x16xf32, #tpu.memory_space<hbm>> -> memref<1x2x16xf32, #tpu.memory_space<hbm>>
      %dma_start3A_3121 = arith.constant 0 : i32
      %dma_start3A_3122 = arith.constant 0 : i32
      %dma_start3A_3123 = tpu.memref_slice %arg2[%add3A_782, %dma_start3A_3121, %dma_start3A_3122] : memref<256x2x16xf32, #tpu.memory_space<hbm>> -> memref<1x2x16xf32, #tpu.memory_space<hbm>>
      tpu.enqueue_dma source(%dma_start3A_3123 : memref<1x2x16xf32, #tpu.memory_space<hbm>>) target(%arg7 : memref<1x2x16xf32, #tpu.memory_space<vmem>>) target_semaphore(%run_scoped3A : memref<!tpu.dma_semaphore, #tpu.memory_space<semaphore_mem>>)
      %dma_wait3A = arith.constant 0 : i32
      %dma_wait3A_3124 = arith.constant 0 : i32
      %dma_wait3A_3125 = tpu.memref_slice %arg2[%add3A_782, %dma_wait3A, %dma_wait3A_3124] : memref<256x2x16xf32, #tpu.memory_space<hbm>> -> memref<1x2x16xf32, #tpu.memory_space<hbm>>
      %dma_wait3A_3126 = arith.constant 0 : i32
      %dma_wait3A_3127 = arith.constant 0 : i32
      %dma_wait3A_3128 = tpu.memref_slice %arg2[%add3A_782, %dma_wait3A_3126, %dma_wait3A_3127] : memref<256x2x16xf32, #tpu.memory_space<hbm>> -> memref<1x2x16xf32, #tpu.memory_space<hbm>>
      tpu.wait_dma2 semaphore(%run_scoped3A : memref<!tpu.dma_semaphore, #tpu.memory_space<semaphore_mem>>) src(%dma_wait3A_3128 : memref<1x2x16xf32, #tpu.memory_space<hbm>>) dst(%arg7 : memref<1x2x16xf32, #tpu.memory_space<vmem>>)
      tpu.yield
    }) : () -> ()
    "tpu.region"() ({
      %run_scoped3A = tpu.sem_alloc : memref<!tpu.dma_semaphore, #tpu.memory_space<semaphore_mem>>
      %dma_start3A = arith.constant 0 : i32
      %dma_start3A_3119 = arith.constant 0 : i32
      %dma_start3A_3120 = tpu.memref_slice %arg3[%add3A_782, %dma_start3A, %dma_start3A_3119] : memref<256x2x16xf32, #tpu.memory_space<hbm>> -> memref<1x2x16xf32, #tpu.memory_space<hbm>>
      %dma_start3A_3121 = arith.constant 0 : i32
      %dma_start3A_3122 = arith.constant 0 : i32
      %dma_start3A_3123 = tpu.memref_slice %arg3[%add3A_782, %dma_start3A_3121, %dma_start3A_3122] : memref<256x2x16xf32, #tpu.memory_space<hbm>> -> memref<1x2x16xf32, #tpu.memory_space<hbm>>
      tpu.enqueue_dma source(%dma_start3A_3123 : memref<1x2x16xf32, #tpu.memory_space<hbm>>) target(%arg8 : memref<1x2x16xf32, #tpu.memory_space<vmem>>) target_semaphore(%run_scoped3A : memref<!tpu.dma_semaphore, #tpu.memory_space<semaphore_mem>>)
      %dma_wait3A = arith.constant 0 : i32
      %dma_wait3A_3124 = arith.constant 0 : i32
      %dma_wait3A_3125 = tpu.memref_slice %arg3[%add3A_782, %dma_wait3A, %dma_wait3A_3124] : memref<256x2x16xf32, #tpu.memory_space<hbm>> -> memref<1x2x16xf32, #tpu.memory_space<hbm>>
      %dma_wait3A_3126 = arith.constant 0 : i32
      %dma_wait3A_3127 = arith.constant 0 : i32
      %dma_wait3A_3128 = tpu.memref_slice %arg3[%add3A_782, %dma_wait3A_3126, %dma_wait3A_3127] : memref<256x2x16xf32, #tpu.memory_space<hbm>> -> memref<1x2x16xf32, #tpu.memory_space<hbm>>
      tpu.wait_dma2 semaphore(%run_scoped3A : memref<!tpu.dma_semaphore, #tpu.memory_space<semaphore_mem>>) src(%dma_wait3A_3128 : memref<1x2x16xf32, #tpu.memory_space<hbm>>) dst(%arg8 : memref<1x2x16xf32, #tpu.memory_space<vmem>>)
      tpu.yield
    }) : () -> ()
    "tpu.region"() ({
      %run_scoped3A = tpu.sem_alloc : memref<!tpu.dma_semaphore, #tpu.memory_space<semaphore_mem>>
      %dma_start3A = arith.constant 0 : i32
      %dma_start3A_3119 = arith.constant 0 : i32
      %dma_start3A_3120 = tpu.memref_slice %arg4[%add3A_782, %dma_start3A, %dma_start3A_3119] : memref<256x4x16xf32, #tpu.memory_space<hbm>> -> memref<1x4x16xf32, #tpu.memory_space<hbm>>
      %dma_start3A_3121 = arith.constant 0 : i32
      %dma_start3A_3122 = arith.constant 0 : i32
      %dma_start3A_3123 = tpu.memref_slice %arg4[%add3A_782, %dma_start3A_3121, %dma_start3A_3122] : memref<256x4x16xf32, #tpu.memory_space<hbm>> -> memref<1x4x16xf32, #tpu.memory_space<hbm>>
      tpu.enqueue_dma source(%dma_start3A_3123 : memref<1x4x16xf32, #tpu.memory_space<hbm>>) target(%arg9 : memref<1x4x16xf32, #tpu.memory_space<vmem>>) target_semaphore(%run_scoped3A : memref<!tpu.dma_semaphore, #tpu.memory_space<semaphore_mem>>)
      %dma_wait3A = arith.constant 0 : i32
      %dma_wait3A_3124 = arith.constant 0 : i32
      %dma_wait3A_3125 = tpu.memref_slice %arg4[%add3A_782, %dma_wait3A, %dma_wait3A_3124] : memref<256x4x16xf32, #tpu.memory_space<hbm>> -> memref<1x4x16xf32, #tpu.memory_space<hbm>>
      %dma_wait3A_3126 = arith.constant 0 : i32
      %dma_wait3A_3127 = arith.constant 0 : i32
      %dma_wait3A_3128 = tpu.memref_slice %arg4[%add3A_782, %dma_wait3A_3126, %dma_wait3A_3127] : memref<256x4x16xf32, #tpu.memory_space<hbm>> -> memref<1x4x16xf32, #tpu.memory_space<hbm>>
      tpu.wait_dma2 semaphore(%run_scoped3A : memref<!tpu.dma_semaphore, #tpu.memory_space<semaphore_mem>>) src(%dma_wait3A_3128 : memref<1x4x16xf32, #tpu.memory_space<hbm>>) dst(%arg9 : memref<1x4x16xf32, #tpu.memory_space<vmem>>)
      tpu.yield
    }) : () -> ()
    %get3A_783 = arith.constant 0 : i32
    %get3A_784 = arith.constant 0 : i32
    %get3A_785 = arith.index_cast %get3A_783 : i32 to index
    %get3A_786 = arith.index_cast %get3A_784 : i32 to index
    %get3A_787 = arith.constant 0 : index
    %get3A_788 = tpu.vector_load %arg9[%get3A_785, %get3A_786, %get3A_787] {strides = array<i32>} : memref<1x4x16xf32, #tpu.memory_space<vmem>>, vector<16xf32>,
    %get3A_789 = arith.constant 0 : i32
    %get3A_790 = arith.constant 1 : i32
    %get3A_791 = arith.index_cast %get3A_789 : i32 to index
    %get3A_792 = arith.index_cast %get3A_790 : i32 to index
    %get3A_793 = arith.constant 0 : index
    %get3A_794 = tpu.vector_load %arg9[%get3A_791, %get3A_792, %get3A_793] {strides = array<i32>} : memref<1x4x16xf32, #tpu.memory_space<vmem>>, vector<16xf32>,
    %get3A_795 = arith.constant 0 : i32
    %get3A_796 = arith.constant 2 : i32
    %get3A_797 = arith.index_cast %get3A_795 : i32 to index
    %get3A_798 = arith.index_cast %get3A_796 : i32 to index
    %get3A_799 = arith.constant 0 : index
    %get3A_800 = tpu.vector_load %arg9[%get3A_797, %get3A_798, %get3A_799] {strides = array<i32>} : memref<1x4x16xf32, #tpu.memory_space<vmem>>, vector<16xf32>,
    %get3A_801 = arith.constant 0 : i32
    %get3A_802 = arith.constant 3 : i32
    %get3A_803 = arith.index_cast %get3A_801 : i32 to index
    %get3A_804 = arith.index_cast %get3A_802 : i32 to index
    %get3A_805 = arith.constant 0 : index
    %get3A_806 = tpu.vector_load %arg9[%get3A_803, %get3A_804, %get3A_805] {strides = array<i32>} : memref<1x4x16xf32, #tpu.memory_space<vmem>>, vector<16xf32>,
    %get3A_807 = arith.constant 0 : i32
    %get3A_808 = arith.constant 0 : i32
    %get3A_809 = arith.index_cast %get3A_807 : i32 to index
    %get3A_810 = arith.index_cast %get3A_808 : i32 to index
    %get3A_811 = arith.constant 0 : index
    %get3A_812 = tpu.vector_load %arg7[%get3A_809, %get3A_810, %get3A_811] {strides = array<i32>} : memref<1x2x16xf32, #tpu.memory_space<vmem>>, vector<16xf32>,
    %div3A_813 = arith.divf %get3A_812, %get3A_788 : vector<16xf32>
    %add3A_814 = arith.addf %div3A_813, %get3A_800 : vector<16xf32>
    %convert_element_type3A_815 = arith.fptosi %add3A_814 : vector<16xf32> to vector<16xi32>
    %get3A_816 = arith.constant 0 : i32
    %get3A_817 = arith.constant 0 : i32
    %get3A_818 = arith.index_cast %get3A_816 : i32 to index
    %get3A_819 = arith.index_cast %get3A_817 : i32 to index
    %get3A_820 = arith.constant 0 : index
    %get3A_821 = tpu.vector_load %arg8[%get3A_818, %get3A_819, %get3A_820] {strides = array<i32>} : memref<1x2x16xf32, #tpu.memory_space<vmem>>, vector<16xf32>,
    %div3A_822 = arith.divf %get3A_821, %get3A_794 : vector<16xf32>
    %add3A_823 = arith.addf %div3A_822, %get3A_806 : vector<16xf32>
    %convert_element_type3A_824 = arith.fptosi %add3A_823 : vector<16xf32> to vector<16xi32>
    %add3A_825 = arith.constant 0 : i32
    %add3A_826 = vector.broadcast %add3A_825 : i32 to vector<16xi32>
    %add3A_827 = arith.addi %iota3A, %add3A_826 : vector<16xi32>
    %get3A_828 = arith.constant 0 : i32
    %get3A_829 = arith.constant 1 : i32
    %get3A_830 = arith.index_cast %get3A_828 : i32 to index
    %get3A_831 = arith.index_cast %get3A_829 : i32 to index
    %get3A_832 = arith.constant 0 : index
    %get3A_833 = tpu.vector_load %arg7[%get3A_830, %get3A_831, %get3A_832] {strides = array<i32>} : memref<1x2x16xf32, #tpu.memory_space<vmem>>, vector<16xf32>,
    %div3A_834 = arith.divf %get3A_833, %get3A_788 : vector<16xf32>
    %add3A_835 = arith.addf %div3A_834, %get3A_800 : vector<16xf32>
    %convert_element_type3A_836 = arith.fptosi %add3A_835 : vector<16xf32> to vector<16xi32>
    %get3A_837 = arith.constant 0 : i32
    %get3A_838 = arith.constant 1 : i32
    %get3A_839 = arith.index_cast %get3A_837 : i32 to index
    %get3A_840 = arith.index_cast %get3A_838 : i32 to index
    %get3A_841 = arith.constant 0 : index
    %get3A_842 = tpu.vector_load %arg8[%get3A_839, %get3A_840, %get3A_841] {strides = array<i32>} : memref<1x2x16xf32, #tpu.memory_space<vmem>>, vector<16xf32>,
    %div3A_843 = arith.divf %get3A_842, %get3A_794 : vector<16xf32>
    %add3A_844 = arith.addf %div3A_843, %get3A_806 : vector<16xf32>
    %convert_element_type3A_845 = arith.fptosi %add3A_844 : vector<16xf32> to vector<16xi32>
    %add3A_846 = arith.constant 16 : i32
    %add3A_847 = vector.broadcast %add3A_846 : i32 to vector<16xi32>
    %add3A_848 = arith.addi %iota3A, %add3A_847 : vector<16xi32>
    %sub3A_849 = arith.constant 0 : i32
    %sub3A_850 = vector.broadcast %sub3A_849 : i32 to vector<16xi32>
    %sub3A_851 = arith.subi %convert_element_type3A_824, %sub3A_850 : vector<16xi32>
    %ge3A_852 = arith.constant 0 : i32
    %ge3A_853 = vector.broadcast %ge3A_852 : i32 to vector<16xi32>
    %ge3A_854 = arith.cmpi sge, %sub3A_851, %ge3A_853 : vector<16xi32>
    %lt3A_855 = arith.constant 16 : i32
    %lt3A_856 = vector.broadcast %lt3A_855 : i32 to vector<16xi32>
    %lt3A_857 = arith.cmpi slt, %sub3A_851, %lt3A_856 : vector<16xi32>
    %and3A_858 = arith.andi %ge3A_854, %lt3A_857 : vector<16xi1>
    %mul3A_859 = arith.constant 4096 : i32
    %mul3A_860 = vector.broadcast %mul3A_859 : i32 to vector<16xi32>
    %mul3A_861 = arith.muli %sub3A_851, %mul3A_860 : vector<16xi32>
    %mul3A_862 = arith.constant 128 : i32
    %mul3A_863 = vector.broadcast %mul3A_862 : i32 to vector<16xi32>
    %mul3A_864 = arith.muli %add3A_827, %mul3A_863 : vector<16xi32>
    %add3A_865 = arith.addi %mul3A_861, %mul3A_864 : vector<16xi32>
    %add3A_866 = arith.addi %add3A_865, %convert_element_type3A_815 : vector<16xi32>
    tpu.vector_store_idx %arg10[%add3A_866], %broadcast_in_dim3A_1 masked %and3A_858 : memref<65536xf32, #tpu.memory_space<vmem>>[vector<16xi32>], vector<16xf32>, vector<16xi1>
    %sub3A_867 = arith.constant 0 : i32
    %sub3A_868 = vector.broadcast %sub3A_867 : i32 to vector<16xi32>
    %sub3A_869 = arith.subi %convert_element_type3A_845, %sub3A_868 : vector<16xi32>
    %ge3A_870 = arith.constant 0 : i32
    %ge3A_871 = vector.broadcast %ge3A_870 : i32 to vector<16xi32>
    %ge3A_872 = arith.cmpi sge, %sub3A_869, %ge3A_871 : vector<16xi32>
    %lt3A_873 = arith.constant 16 : i32
    %lt3A_874 = vector.broadcast %lt3A_873 : i32 to vector<16xi32>
    %lt3A_875 = arith.cmpi slt, %sub3A_869, %lt3A_874 : vector<16xi32>
    %and3A_876 = arith.andi %ge3A_872, %lt3A_875 : vector<16xi1>
    %mul3A_877 = arith.constant 4096 : i32
    %mul3A_878 = vector.broadcast %mul3A_877 : i32 to vector<16xi32>
    %mul3A_879 = arith.muli %sub3A_869, %mul3A_878 : vector<16xi32>
    %mul3A_880 = arith.constant 128 : i32
    %mul3A_881 = vector.broadcast %mul3A_880 : i32 to vector<16xi32>
    %mul3A_882 = arith.muli %add3A_848, %mul3A_881 : vector<16xi32>
    %add3A_883 = arith.addi %mul3A_879, %mul3A_882 : vector<16xi32>
    %add3A_884 = arith.addi %add3A_883, %convert_element_type3A_836 : vector<16xi32>
    tpu.vector_store_idx %arg10[%add3A_884], %broadcast_in_dim3A_1 masked %and3A_876 : memref<65536xf32, #tpu.memory_space<vmem>>[vector<16xi32>], vector<16xf32>, vector<16xi1>
    %mul3A_885 = arith.constant 524288 : i32
    %mul3A_886 = arith.muli %add3A_782, %mul3A_885 : i32
    %add3A_887 = arith.constant 0 : i32
    %add3A_888 = arith.addi %mul3A_886, %add3A_887 : i32
    "tpu.region"() ({
      %run_scoped3A = tpu.sem_alloc : memref<!tpu.dma_semaphore, #tpu.memory_space<semaphore_mem>>
      %dma_start3A = tpu.memref_slice %arg6[%add3A_888] : memref<134217728xf32, #tpu.memory_space<hbm>> -> memref<65536xf32, #tpu.memory_space<hbm>>
      %dma_start3A_3119 = tpu.memref_slice %arg6[%add3A_888] : memref<134217728xf32, #tpu.memory_space<hbm>> -> memref<65536xf32, #tpu.memory_space<hbm>>
      tpu.enqueue_dma source(%arg10 : memref<65536xf32, #tpu.memory_space<vmem>>) target(%dma_start3A_3119 : memref<65536xf32, #tpu.memory_space<hbm>>) target_semaphore(%run_scoped3A : memref<!tpu.dma_semaphore, #tpu.memory_space<semaphore_mem>>)
      %dma_wait3A = tpu.memref_slice %arg6[%add3A_888] : memref<134217728xf32, #tpu.memory_space<hbm>> -> memref<65536xf32, #tpu.memory_space<hbm>>
      %dma_wait3A_3120 = tpu.memref_slice %arg6[%add3A_888] : memref<134217728xf32, #tpu.memory_space<hbm>> -> memref<65536xf32, #tpu.memory_space<hbm>>
      tpu.wait_dma2 semaphore(%run_scoped3A : memref<!tpu.dma_semaphore, #tpu.memory_space<semaphore_mem>>) src(%arg10 : memref<65536xf32, #tpu.memory_space<vmem>>) dst(%dma_wait3A_3120 : memref<65536xf32, #tpu.memory_space<hbm>>)
      tpu.yield
    }) : () -> ()
    tpu.vector_store_idx %arg10[%add3A_866], %broadcast_in_dim3A_3 masked %and3A_858 : memref<65536xf32, #tpu.memory_space<vmem>>[vector<16xi32>], vector<16xf32>, vector<16xi1>
    tpu.vector_store_idx %arg10[%add3A_884], %broadcast_in_dim3A_3 masked %and3A_876 : memref<65536xf32, #tpu.memory_space<vmem>>[vector<16xi32>], vector<16xf32>, vector<16xi1>
    %sub3A_889 = arith.constant 16 : i32
    %sub3A_890 = vector.broadcast %sub3A_889 : i32 to vector<16xi32>
    %sub3A_891 = arith.subi %convert_element_type3A_824, %sub3A_890 : vector<16xi32>
    %ge3A_892 = arith.constant 0 : i32
    %ge3A_893 = vector.broadcast %ge3A_892 : i32 to vector<16xi32>
    %ge3A_894 = arith.cmpi sge, %sub3A_891, %ge3A_893 : vector<16xi32>
    %lt3A_895 = arith.constant 16 : i32
    %lt3A_896 = vector.broadcast %lt3A_895 : i32 to vector<16xi32>
    %lt3A_897 = arith.cmpi slt, %sub3A_891, %lt3A_896 : vector<16xi32>
    %and3A_898 = arith.andi %ge3A_894, %lt3A_897 : vector<16xi1>
    %mul3A_899 = arith.constant 4096 : i32
    %mul3A_900 = vector.broadcast %mul3A_899 : i32 to vector<16xi32>
    %mul3A_901 = arith.muli %sub3A_891, %mul3A_900 : vector<16xi32>
    %mul3A_902 = arith.constant 128 : i32
    %mul3A_903 = vector.broadcast %mul3A_902 : i32 to vector<16xi32>
    %mul3A_904 = arith.muli %add3A_827, %mul3A_903 : vector<16xi32>
    %add3A_905 = arith.addi %mul3A_901, %mul3A_904 : vector<16xi32>
    %add3A_906 = arith.addi %add3A_905, %convert_element_type3A_815 : vector<16xi32>
    tpu.vector_store_idx %arg10[%add3A_906], %broadcast_in_dim3A_1 masked %and3A_898 : memref<65536xf32, #tpu.memory_space<vmem>>[vector<16xi32>], vector<16xf32>, vector<16xi1>
    %sub3A_907 = arith.constant 16 : i32
    %sub3A_908 = vector.broadcast %sub3A_907 : i32 to vector<16xi32>
    %sub3A_909 = arith.subi %convert_element_type3A_845, %sub3A_908 : vector<16xi32>
    %ge3A_910 = arith.constant 0 : i32
    %ge3A_911 = vector.broadcast %ge3A_910 : i32 to vector<16xi32>
    %ge3A_912 = arith.cmpi sge, %sub3A_909, %ge3A_911 : vector<16xi32>
    %lt3A_913 = arith.constant 16 : i32
    %lt3A_914 = vector.broadcast %lt3A_913 : i32 to vector<16xi32>
    %lt3A_915 = arith.cmpi slt, %sub3A_909, %lt3A_914 : vector<16xi32>
    %and3A_916 = arith.andi %ge3A_912, %lt3A_915 : vector<16xi1>
    %mul3A_917 = arith.constant 4096 : i32
    %mul3A_918 = vector.broadcast %mul3A_917 : i32 to vector<16xi32>
    %mul3A_919 = arith.muli %sub3A_909, %mul3A_918 : vector<16xi32>
    %mul3A_920 = arith.constant 128 : i32
    %mul3A_921 = vector.broadcast %mul3A_920 : i32 to vector<16xi32>
    %mul3A_922 = arith.muli %add3A_848, %mul3A_921 : vector<16xi32>
    %add3A_923 = arith.addi %mul3A_919, %mul3A_922 : vector<16xi32>
    %add3A_924 = arith.addi %add3A_923, %convert_element_type3A_836 : vector<16xi32>
    tpu.vector_store_idx %arg10[%add3A_924], %broadcast_in_dim3A_1 masked %and3A_916 : memref<65536xf32, #tpu.memory_space<vmem>>[vector<16xi32>], vector<16xf32>, vector<16xi1>
    %mul3A_925 = arith.constant 524288 : i32
    %mul3A_926 = arith.muli %add3A_782, %mul3A_925 : i32
    %add3A_927 = arith.constant 65536 : i32
    %add3A_928 = arith.addi %mul3A_926, %add3A_927 : i32
    "tpu.region"() ({
      %run_scoped3A = tpu.sem_alloc : memref<!tpu.dma_semaphore, #tpu.memory_space<semaphore_mem>>
      %dma_start3A = tpu.memref_slice %arg6[%add3A_928] : memref<134217728xf32, #tpu.memory_space<hbm>> -> memref<65536xf32, #tpu.memory_space<hbm>>
      %dma_start3A_3119 = tpu.memref_slice %arg6[%add3A_928] : memref<134217728xf32, #tpu.memory_space<hbm>> -> memref<65536xf32, #tpu.memory_space<hbm>>
      tpu.enqueue_dma source(%arg10 : memref<65536xf32, #tpu.memory_space<vmem>>) target(%dma_start3A_3119 : memref<65536xf32, #tpu.memory_space<hbm>>) target_semaphore(%run_scoped3A : memref<!tpu.dma_semaphore, #tpu.memory_space<semaphore_mem>>)
      %dma_wait3A = tpu.memref_slice %arg6[%add3A_928] : memref<134217728xf32, #tpu.memory_space<hbm>> -> memref<65536xf32, #tpu.memory_space<hbm>>
      %dma_wait3A_3120 = tpu.memref_slice %arg6[%add3A_928] : memref<134217728xf32, #tpu.memory_space<hbm>> -> memref<65536xf32, #tpu.memory_space<hbm>>
      tpu.wait_dma2 semaphore(%run_scoped3A : memref<!tpu.dma_semaphore, #tpu.memory_space<semaphore_mem>>) src(%arg10 : memref<65536xf32, #tpu.memory_space<vmem>>) dst(%dma_wait3A_3120 : memref<65536xf32, #tpu.memory_space<hbm>>)
      tpu.yield
    }) : () -> ()
    tpu.vector_store_idx %arg10[%add3A_906], %broadcast_in_dim3A_3 masked %and3A_898 : memref<65536xf32, #tpu.memory_space<vmem>>[vector<16xi32>], vector<16xf32>, vector<16xi1>
    tpu.vector_store_idx %arg10[%add3A_924], %broadcast_in_dim3A_3 masked %and3A_916 : memref<65536xf32, #tpu.memory_space<vmem>>[vector<16xi32>], vector<16xf32>, vector<16xi1>
    %sub3A_929 = arith.constant 32 : i32
    %sub3A_930 = vector.broadcast %sub3A_929 : i32 to vector<16xi32>
    %sub3A_931 = arith.subi %convert_element_type3A_824, %sub3A_930 : vector<16xi32>
    %ge3A_932 = arith.constant 0 : i32
    %ge3A_933 = vector.broadcast %ge3A_932 : i32 to vector<16xi32>
    %ge3A_934 = arith.cmpi sge, %sub3A_931, %ge3A_933 : vector<16xi32>
    %lt3A_935 = arith.constant 16 : i32
    %lt3A_936 = vector.broadcast %lt3A_935 : i32 to vector<16xi32>
    %lt3A_937 = arith.cmpi slt, %sub3A_931, %lt3A_936 : vector<16xi32>
    %and3A_938 = arith.andi %ge3A_934, %lt3A_937 : vector<16xi1>
    %mul3A_939 = arith.constant 4096 : i32
    %mul3A_940 = vector.broadcast %mul3A_939 : i32 to vector<16xi32>
    %mul3A_941 = arith.muli %sub3A_931, %mul3A_940 : vector<16xi32>
    %mul3A_942 = arith.constant 128 : i32
    %mul3A_943 = vector.broadcast %mul3A_942 : i32 to vector<16xi32>
    %mul3A_944 = arith.muli %add3A_827, %mul3A_943 : vector<16xi32>
    %add3A_945 = arith.addi %mul3A_941, %mul3A_944 : vector<16xi32>
    %add3A_946 = arith.addi %add3A_945, %convert_element_type3A_815 : vector<16xi32>
    tpu.vector_store_idx %arg10[%add3A_946], %broadcast_in_dim3A_1 masked %and3A_938 : memref<65536xf32, #tpu.memory_space<vmem>>[vector<16xi32>], vector<16xf32>, vector<16xi1>
    %sub3A_947 = arith.constant 32 : i32
    %sub3A_948 = vector.broadcast %sub3A_947 : i32 to vector<16xi32>
    %sub3A_949 = arith.subi %convert_element_type3A_845, %sub3A_948 : vector<16xi32>
    %ge3A_950 = arith.constant 0 : i32
    %ge3A_951 = vector.broadcast %ge3A_950 : i32 to vector<16xi32>
    %ge3A_952 = arith.cmpi sge, %sub3A_949, %ge3A_951 : vector<16xi32>
    %lt3A_953 = arith.constant 16 : i32
    %lt3A_954 = vector.broadcast %lt3A_953 : i32 to vector<16xi32>
    %lt3A_955 = arith.cmpi slt, %sub3A_949, %lt3A_954 : vector<16xi32>
    %and3A_956 = arith.andi %ge3A_952, %lt3A_955 : vector<16xi1>
    %mul3A_957 = arith.constant 4096 : i32
    %mul3A_958 = vector.broadcast %mul3A_957 : i32 to vector<16xi32>
    %mul3A_959 = arith.muli %sub3A_949, %mul3A_958 : vector<16xi32>
    %mul3A_960 = arith.constant 128 : i32
    %mul3A_961 = vector.broadcast %mul3A_960 : i32 to vector<16xi32>
    %mul3A_962 = arith.muli %add3A_848, %mul3A_961 : vector<16xi32>
    %add3A_963 = arith.addi %mul3A_959, %mul3A_962 : vector<16xi32>
    %add3A_964 = arith.addi %add3A_963, %convert_element_type3A_836 : vector<16xi32>
    tpu.vector_store_idx %arg10[%add3A_964], %broadcast_in_dim3A_1 masked %and3A_956 : memref<65536xf32, #tpu.memory_space<vmem>>[vector<16xi32>], vector<16xf32>, vector<16xi1>
    %mul3A_965 = arith.constant 524288 : i32
    %mul3A_966 = arith.muli %add3A_782, %mul3A_965 : i32
    %add3A_967 = arith.constant 131072 : i32
    %add3A_968 = arith.addi %mul3A_966, %add3A_967 : i32
    "tpu.region"() ({
      %run_scoped3A = tpu.sem_alloc : memref<!tpu.dma_semaphore, #tpu.memory_space<semaphore_mem>>
      %dma_start3A = tpu.memref_slice %arg6[%add3A_968] : memref<134217728xf32, #tpu.memory_space<hbm>> -> memref<65536xf32, #tpu.memory_space<hbm>>
      %dma_start3A_3119 = tpu.memref_slice %arg6[%add3A_968] : memref<134217728xf32, #tpu.memory_space<hbm>> -> memref<65536xf32, #tpu.memory_space<hbm>>
      tpu.enqueue_dma source(%arg10 : memref<65536xf32, #tpu.memory_space<vmem>>) target(%dma_start3A_3119 : memref<65536xf32, #tpu.memory_space<hbm>>) target_semaphore(%run_scoped3A : memref<!tpu.dma_semaphore, #tpu.memory_space<semaphore_mem>>)
      %dma_wait3A = tpu.memref_slice %arg6[%add3A_968] : memref<134217728xf32, #tpu.memory_space<hbm>> -> memref<65536xf32, #tpu.memory_space<hbm>>
      %dma_wait3A_3120 = tpu.memref_slice %arg6[%add3A_968] : memref<134217728xf32, #tpu.memory_space<hbm>> -> memref<65536xf32, #tpu.memory_space<hbm>>
      tpu.wait_dma2 semaphore(%run_scoped3A : memref<!tpu.dma_semaphore, #tpu.memory_space<semaphore_mem>>) src(%arg10 : memref<65536xf32, #tpu.memory_space<vmem>>) dst(%dma_wait3A_3120 : memref<65536xf32, #tpu.memory_space<hbm>>)
      tpu.yield
    }) : () -> ()
    tpu.vector_store_idx %arg10[%add3A_946], %broadcast_in_dim3A_3 masked %and3A_938 : memref<65536xf32, #tpu.memory_space<vmem>>[vector<16xi32>], vector<16xf32>, vector<16xi1>
    tpu.vector_store_idx %arg10[%add3A_964], %broadcast_in_dim3A_3 masked %and3A_956 : memref<65536xf32, #tpu.memory_space<vmem>>[vector<16xi32>], vector<16xf32>, vector<16xi1>
    %sub3A_969 = arith.constant 48 : i32
    %sub3A_970 = vector.broadcast %sub3A_969 : i32 to vector<16xi32>
    %sub3A_971 = arith.subi %convert_element_type3A_824, %sub3A_970 : vector<16xi32>
    %ge3A_972 = arith.constant 0 : i32
    %ge3A_973 = vector.broadcast %ge3A_972 : i32 to vector<16xi32>
    %ge3A_974 = arith.cmpi sge, %sub3A_971, %ge3A_973 : vector<16xi32>
    %lt3A_975 = arith.constant 16 : i32
    %lt3A_976 = vector.broadcast %lt3A_975 : i32 to vector<16xi32>
    %lt3A_977 = arith.cmpi slt, %sub3A_971, %lt3A_976 : vector<16xi32>
    %and3A_978 = arith.andi %ge3A_974, %lt3A_977 : vector<16xi1>
    %mul3A_979 = arith.constant 4096 : i32
    %mul3A_980 = vector.broadcast %mul3A_979 : i32 to vector<16xi32>
    %mul3A_981 = arith.muli %sub3A_971, %mul3A_980 : vector<16xi32>
    %mul3A_982 = arith.constant 128 : i32
    %mul3A_983 = vector.broadcast %mul3A_982 : i32 to vector<16xi32>
    %mul3A_984 = arith.muli %add3A_827, %mul3A_983 : vector<16xi32>
    %add3A_985 = arith.addi %mul3A_981, %mul3A_984 : vector<16xi32>
    %add3A_986 = arith.addi %add3A_985, %convert_element_type3A_815 : vector<16xi32>
    tpu.vector_store_idx %arg10[%add3A_986], %broadcast_in_dim3A_1 masked %and3A_978 : memref<65536xf32, #tpu.memory_space<vmem>>[vector<16xi32>], vector<16xf32>, vector<16xi1>
    %sub3A_987 = arith.constant 48 : i32
    %sub3A_988 = vector.broadcast %sub3A_987 : i32 to vector<16xi32>
    %sub3A_989 = arith.subi %convert_element_type3A_845, %sub3A_988 : vector<16xi32>
    %ge3A_990 = arith.constant 0 : i32
    %ge3A_991 = vector.broadcast %ge3A_990 : i32 to vector<16xi32>
    %ge3A_992 = arith.cmpi sge, %sub3A_989, %ge3A_991 : vector<16xi32>
    %lt3A_993 = arith.constant 16 : i32
    %lt3A_994 = vector.broadcast %lt3A_993 : i32 to vector<16xi32>
    %lt3A_995 = arith.cmpi slt, %sub3A_989, %lt3A_994 : vector<16xi32>
    %and3A_996 = arith.andi %ge3A_992, %lt3A_995 : vector<16xi1>
    %mul3A_997 = arith.constant 4096 : i32
    %mul3A_998 = vector.broadcast %mul3A_997 : i32 to vector<16xi32>
    %mul3A_999 = arith.muli %sub3A_989, %mul3A_998 : vector<16xi32>
    %mul3A_1000 = arith.constant 128 : i32
    %mul3A_1001 = vector.broadcast %mul3A_1000 : i32 to vector<16xi32>
    %mul3A_1002 = arith.muli %add3A_848, %mul3A_1001 : vector<16xi32>
    %add3A_1003 = arith.addi %mul3A_999, %mul3A_1002 : vector<16xi32>
    %add3A_1004 = arith.addi %add3A_1003, %convert_element_type3A_836 : vector<16xi32>
    tpu.vector_store_idx %arg10[%add3A_1004], %broadcast_in_dim3A_1 masked %and3A_996 : memref<65536xf32, #tpu.memory_space<vmem>>[vector<16xi32>], vector<16xf32>, vector<16xi1>
    %mul3A_1005 = arith.constant 524288 : i32
    %mul3A_1006 = arith.muli %add3A_782, %mul3A_1005 : i32
    %add3A_1007 = arith.constant 196608 : i32
    %add3A_1008 = arith.addi %mul3A_1006, %add3A_1007 : i32
    "tpu.region"() ({
      %run_scoped3A = tpu.sem_alloc : memref<!tpu.dma_semaphore, #tpu.memory_space<semaphore_mem>>
      %dma_start3A = tpu.memref_slice %arg6[%add3A_1008] : memref<134217728xf32, #tpu.memory_space<hbm>> -> memref<65536xf32, #tpu.memory_space<hbm>>
      %dma_start3A_3119 = tpu.memref_slice %arg6[%add3A_1008] : memref<134217728xf32, #tpu.memory_space<hbm>> -> memref<65536xf32, #tpu.memory_space<hbm>>
      tpu.enqueue_dma source(%arg10 : memref<65536xf32, #tpu.memory_space<vmem>>) target(%dma_start3A_3119 : memref<65536xf32, #tpu.memory_space<hbm>>) target_semaphore(%run_scoped3A : memref<!tpu.dma_semaphore, #tpu.memory_space<semaphore_mem>>)
      %dma_wait3A = tpu.memref_slice %arg6[%add3A_1008] : memref<134217728xf32, #tpu.memory_space<hbm>> -> memref<65536xf32, #tpu.memory_space<hbm>>
      %dma_wait3A_3120 = tpu.memref_slice %arg6[%add3A_1008] : memref<134217728xf32, #tpu.memory_space<hbm>> -> memref<65536xf32, #tpu.memory_space<hbm>>
      tpu.wait_dma2 semaphore(%run_scoped3A : memref<!tpu.dma_semaphore, #tpu.memory_space<semaphore_mem>>) src(%arg10 : memref<65536xf32, #tpu.memory_space<vmem>>) dst(%dma_wait3A_3120 : memref<65536xf32, #tpu.memory_space<hbm>>)
      tpu.yield
    }) : () -> ()
    tpu.vector_store_idx %arg10[%add3A_986], %broadcast_in_dim3A_3 masked %and3A_978 : memref<65536xf32, #tpu.memory_space<vmem>>[vector<16xi32>], vector<16xf32>, vector<16xi1>
    tpu.vector_store_idx %arg10[%add3A_1004], %broadcast_in_dim3A_3 masked %and3A_996 : memref<65536xf32, #tpu.memory_space<vmem>>[vector<16xi32>], vector<16xf32>, vector<16xi1>
    %sub3A_1009 = arith.constant 64 : i32
    %sub3A_1010 = vector.broadcast %sub3A_1009 : i32 to vector<16xi32>
    %sub3A_1011 = arith.subi %convert_element_type3A_824, %sub3A_1010 : vector<16xi32>
    %ge3A_1012 = arith.constant 0 : i32
    %ge3A_1013 = vector.broadcast %ge3A_1012 : i32 to vector<16xi32>
    %ge3A_1014 = arith.cmpi sge, %sub3A_1011, %ge3A_1013 : vector<16xi32>
    %lt3A_1015 = arith.constant 16 : i32
    %lt3A_1016 = vector.broadcast %lt3A_1015 : i32 to vector<16xi32>
    %lt3A_1017 = arith.cmpi slt, %sub3A_1011, %lt3A_1016 : vector<16xi32>
    %and3A_1018 = arith.andi %ge3A_1014, %lt3A_1017 : vector<16xi1>
    %mul3A_1019 = arith.constant 4096 : i32
    %mul3A_1020 = vector.broadcast %mul3A_1019 : i32 to vector<16xi32>
    %mul3A_1021 = arith.muli %sub3A_1011, %mul3A_1020 : vector<16xi32>
    %mul3A_1022 = arith.constant 128 : i32
    %mul3A_1023 = vector.broadcast %mul3A_1022 : i32 to vector<16xi32>
    %mul3A_1024 = arith.muli %add3A_827, %mul3A_1023 : vector<16xi32>
    %add3A_1025 = arith.addi %mul3A_1021, %mul3A_1024 : vector<16xi32>
    %add3A_1026 = arith.addi %add3A_1025, %convert_element_type3A_815 : vector<16xi32>
    tpu.vector_store_idx %arg10[%add3A_1026], %broadcast_in_dim3A_1 masked %and3A_1018 : memref<65536xf32, #tpu.memory_space<vmem>>[vector<16xi32>], vector<16xf32>, vector<16xi1>
    %sub3A_1027 = arith.constant 64 : i32
    %sub3A_1028 = vector.broadcast %sub3A_1027 : i32 to vector<16xi32>
    %sub3A_1029 = arith.subi %convert_element_type3A_845, %sub3A_1028 : vector<16xi32>
    %ge3A_1030 = arith.constant 0 : i32
    %ge3A_1031 = vector.broadcast %ge3A_1030 : i32 to vector<16xi32>
    %ge3A_1032 = arith.cmpi sge, %sub3A_1029, %ge3A_1031 : vector<16xi32>
    %lt3A_1033 = arith.constant 16 : i32
    %lt3A_1034 = vector.broadcast %lt3A_1033 : i32 to vector<16xi32>
    %lt3A_1035 = arith.cmpi slt, %sub3A_1029, %lt3A_1034 : vector<16xi32>
    %and3A_1036 = arith.andi %ge3A_1032, %lt3A_1035 : vector<16xi1>
    %mul3A_1037 = arith.constant 4096 : i32
    %mul3A_1038 = vector.broadcast %mul3A_1037 : i32 to vector<16xi32>
    %mul3A_1039 = arith.muli %sub3A_1029, %mul3A_1038 : vector<16xi32>
    %mul3A_1040 = arith.constant 128 : i32
    %mul3A_1041 = vector.broadcast %mul3A_1040 : i32 to vector<16xi32>
    %mul3A_1042 = arith.muli %add3A_848, %mul3A_1041 : vector<16xi32>
    %add3A_1043 = arith.addi %mul3A_1039, %mul3A_1042 : vector<16xi32>
    %add3A_1044 = arith.addi %add3A_1043, %convert_element_type3A_836 : vector<16xi32>
    tpu.vector_store_idx %arg10[%add3A_1044], %broadcast_in_dim3A_1 masked %and3A_1036 : memref<65536xf32, #tpu.memory_space<vmem>>[vector<16xi32>], vector<16xf32>, vector<16xi1>
    %mul3A_1045 = arith.constant 524288 : i32
    %mul3A_1046 = arith.muli %add3A_782, %mul3A_1045 : i32
    %add3A_1047 = arith.constant 262144 : i32
    %add3A_1048 = arith.addi %mul3A_1046, %add3A_1047 : i32
    "tpu.region"() ({
      %run_scoped3A = tpu.sem_alloc : memref<!tpu.dma_semaphore, #tpu.memory_space<semaphore_mem>>
      %dma_start3A = tpu.memref_slice %arg6[%add3A_1048] : memref<134217728xf32, #tpu.memory_space<hbm>> -> memref<65536xf32, #tpu.memory_space<hbm>>
      %dma_start3A_3119 = tpu.memref_slice %arg6[%add3A_1048] : memref<134217728xf32, #tpu.memory_space<hbm>> -> memref<65536xf32, #tpu.memory_space<hbm>>
      tpu.enqueue_dma source(%arg10 : memref<65536xf32, #tpu.memory_space<vmem>>) target(%dma_start3A_3119 : memref<65536xf32, #tpu.memory_space<hbm>>) target_semaphore(%run_scoped3A : memref<!tpu.dma_semaphore, #tpu.memory_space<semaphore_mem>>)
      %dma_wait3A = tpu.memref_slice %arg6[%add3A_1048] : memref<134217728xf32, #tpu.memory_space<hbm>> -> memref<65536xf32, #tpu.memory_space<hbm>>
      %dma_wait3A_3120 = tpu.memref_slice %arg6[%add3A_1048] : memref<134217728xf32, #tpu.memory_space<hbm>> -> memref<65536xf32, #tpu.memory_space<hbm>>
      tpu.wait_dma2 semaphore(%run_scoped3A : memref<!tpu.dma_semaphore, #tpu.memory_space<semaphore_mem>>) src(%arg10 : memref<65536xf32, #tpu.memory_space<vmem>>) dst(%dma_wait3A_3120 : memref<65536xf32, #tpu.memory_space<hbm>>)
      tpu.yield
    }) : () -> ()
    tpu.vector_store_idx %arg10[%add3A_1026], %broadcast_in_dim3A_3 masked %and3A_1018 : memref<65536xf32, #tpu.memory_space<vmem>>[vector<16xi32>], vector<16xf32>, vector<16xi1>
    tpu.vector_store_idx %arg10[%add3A_1044], %broadcast_in_dim3A_3 masked %and3A_1036 : memref<65536xf32, #tpu.memory_space<vmem>>[vector<16xi32>], vector<16xf32>, vector<16xi1>
    %sub3A_1049 = arith.constant 80 : i32
    %sub3A_1050 = vector.broadcast %sub3A_1049 : i32 to vector<16xi32>
    %sub3A_1051 = arith.subi %convert_element_type3A_824, %sub3A_1050 : vector<16xi32>
    %ge3A_1052 = arith.constant 0 : i32
    %ge3A_1053 = vector.broadcast %ge3A_1052 : i32 to vector<16xi32>
    %ge3A_1054 = arith.cmpi sge, %sub3A_1051, %ge3A_1053 : vector<16xi32>
    %lt3A_1055 = arith.constant 16 : i32
    %lt3A_1056 = vector.broadcast %lt3A_1055 : i32 to vector<16xi32>
    %lt3A_1057 = arith.cmpi slt, %sub3A_1051, %lt3A_1056 : vector<16xi32>
    %and3A_1058 = arith.andi %ge3A_1054, %lt3A_1057 : vector<16xi1>
    %mul3A_1059 = arith.constant 4096 : i32
    %mul3A_1060 = vector.broadcast %mul3A_1059 : i32 to vector<16xi32>
    %mul3A_1061 = arith.muli %sub3A_1051, %mul3A_1060 : vector<16xi32>
    %mul3A_1062 = arith.constant 128 : i32
    %mul3A_1063 = vector.broadcast %mul3A_1062 : i32 to vector<16xi32>
    %mul3A_1064 = arith.muli %add3A_827, %mul3A_1063 : vector<16xi32>
    %add3A_1065 = arith.addi %mul3A_1061, %mul3A_1064 : vector<16xi32>
    %add3A_1066 = arith.addi %add3A_1065, %convert_element_type3A_815 : vector<16xi32>
    tpu.vector_store_idx %arg10[%add3A_1066], %broadcast_in_dim3A_1 masked %and3A_1058 : memref<65536xf32, #tpu.memory_space<vmem>>[vector<16xi32>], vector<16xf32>, vector<16xi1>
    %sub3A_1067 = arith.constant 80 : i32
    %sub3A_1068 = vector.broadcast %sub3A_1067 : i32 to vector<16xi32>
    %sub3A_1069 = arith.subi %convert_element_type3A_845, %sub3A_1068 : vector<16xi32>
    %ge3A_1070 = arith.constant 0 : i32
    %ge3A_1071 = vector.broadcast %ge3A_1070 : i32 to vector<16xi32>
    %ge3A_1072 = arith.cmpi sge, %sub3A_1069, %ge3A_1071 : vector<16xi32>
    %lt3A_1073 = arith.constant 16 : i32
    %lt3A_1074 = vector.broadcast %lt3A_1073 : i32 to vector<16xi32>
    %lt3A_1075 = arith.cmpi slt, %sub3A_1069, %lt3A_1074 : vector<16xi32>
    %and3A_1076 = arith.andi %ge3A_1072, %lt3A_1075 : vector<16xi1>
    %mul3A_1077 = arith.constant 4096 : i32
    %mul3A_1078 = vector.broadcast %mul3A_1077 : i32 to vector<16xi32>
    %mul3A_1079 = arith.muli %sub3A_1069, %mul3A_1078 : vector<16xi32>
    %mul3A_1080 = arith.constant 128 : i32
    %mul3A_1081 = vector.broadcast %mul3A_1080 : i32 to vector<16xi32>
    %mul3A_1082 = arith.muli %add3A_848, %mul3A_1081 : vector<16xi32>
    %add3A_1083 = arith.addi %mul3A_1079, %mul3A_1082 : vector<16xi32>
    %add3A_1084 = arith.addi %add3A_1083, %convert_element_type3A_836 : vector<16xi32>
    tpu.vector_store_idx %arg10[%add3A_1084], %broadcast_in_dim3A_1 masked %and3A_1076 : memref<65536xf32, #tpu.memory_space<vmem>>[vector<16xi32>], vector<16xf32>, vector<16xi1>
    %mul3A_1085 = arith.constant 524288 : i32
    %mul3A_1086 = arith.muli %add3A_782, %mul3A_1085 : i32
    %add3A_1087 = arith.constant 327680 : i32
    %add3A_1088 = arith.addi %mul3A_1086, %add3A_1087 : i32
    "tpu.region"() ({
      %run_scoped3A = tpu.sem_alloc : memref<!tpu.dma_semaphore, #tpu.memory_space<semaphore_mem>>
      %dma_start3A = tpu.memref_slice %arg6[%add3A_1088] : memref<134217728xf32, #tpu.memory_space<hbm>> -> memref<65536xf32, #tpu.memory_space<hbm>>
      %dma_start3A_3119 = tpu.memref_slice %arg6[%add3A_1088] : memref<134217728xf32, #tpu.memory_space<hbm>> -> memref<65536xf32, #tpu.memory_space<hbm>>
      tpu.enqueue_dma source(%arg10 : memref<65536xf32, #tpu.memory_space<vmem>>) target(%dma_start3A_3119 : memref<65536xf32, #tpu.memory_space<hbm>>) target_semaphore(%run_scoped3A : memref<!tpu.dma_semaphore, #tpu.memory_space<semaphore_mem>>)
      %dma_wait3A = tpu.memref_slice %arg6[%add3A_1088] : memref<134217728xf32, #tpu.memory_space<hbm>> -> memref<65536xf32, #tpu.memory_space<hbm>>
      %dma_wait3A_3120 = tpu.memref_slice %arg6[%add3A_1088] : memref<134217728xf32, #tpu.memory_space<hbm>> -> memref<65536xf32, #tpu.memory_space<hbm>>
      tpu.wait_dma2 semaphore(%run_scoped3A : memref<!tpu.dma_semaphore, #tpu.memory_space<semaphore_mem>>) src(%arg10 : memref<65536xf32, #tpu.memory_space<vmem>>) dst(%dma_wait3A_3120 : memref<65536xf32, #tpu.memory_space<hbm>>)
      tpu.yield
    }) : () -> ()
    tpu.vector_store_idx %arg10[%add3A_1066], %broadcast_in_dim3A_3 masked %and3A_1058 : memref<65536xf32, #tpu.memory_space<vmem>>[vector<16xi32>], vector<16xf32>, vector<16xi1>
    tpu.vector_store_idx %arg10[%add3A_1084], %broadcast_in_dim3A_3 masked %and3A_1076 : memref<65536xf32, #tpu.memory_space<vmem>>[vector<16xi32>], vector<16xf32>, vector<16xi1>
    %sub3A_1089 = arith.constant 96 : i32
    %sub3A_1090 = vector.broadcast %sub3A_1089 : i32 to vector<16xi32>
    %sub3A_1091 = arith.subi %convert_element_type3A_824, %sub3A_1090 : vector<16xi32>
    %ge3A_1092 = arith.constant 0 : i32
    %ge3A_1093 = vector.broadcast %ge3A_1092 : i32 to vector<16xi32>
    %ge3A_1094 = arith.cmpi sge, %sub3A_1091, %ge3A_1093 : vector<16xi32>
    %lt3A_1095 = arith.constant 16 : i32
    %lt3A_1096 = vector.broadcast %lt3A_1095 : i32 to vector<16xi32>
    %lt3A_1097 = arith.cmpi slt, %sub3A_1091, %lt3A_1096 : vector<16xi32>
    %and3A_1098 = arith.andi %ge3A_1094, %lt3A_1097 : vector<16xi1>
    %mul3A_1099 = arith.constant 4096 : i32
    %mul3A_1100 = vector.broadcast %mul3A_1099 : i32 to vector<16xi32>
    %mul3A_1101 = arith.muli %sub3A_1091, %mul3A_1100 : vector<16xi32>
    %mul3A_1102 = arith.constant 128 : i32
    %mul3A_1103 = vector.broadcast %mul3A_1102 : i32 to vector<16xi32>
    %mul3A_1104 = arith.muli %add3A_827, %mul3A_1103 : vector<16xi32>
    %add3A_1105 = arith.addi %mul3A_1101, %mul3A_1104 : vector<16xi32>
    %add3A_1106 = arith.addi %add3A_1105, %convert_element_type3A_815 : vector<16xi32>
    tpu.vector_store_idx %arg10[%add3A_1106], %broadcast_in_dim3A_1 masked %and3A_1098 : memref<65536xf32, #tpu.memory_space<vmem>>[vector<16xi32>], vector<16xf32>, vector<16xi1>
    %sub3A_1107 = arith.constant 96 : i32
    %sub3A_1108 = vector.broadcast %sub3A_1107 : i32 to vector<16xi32>
    %sub3A_1109 = arith.subi %convert_element_type3A_845, %sub3A_1108 : vector<16xi32>
    %ge3A_1110 = arith.constant 0 : i32
    %ge3A_1111 = vector.broadcast %ge3A_1110 : i32 to vector<16xi32>
    %ge3A_1112 = arith.cmpi sge, %sub3A_1109, %ge3A_1111 : vector<16xi32>
    %lt3A_1113 = arith.constant 16 : i32
    %lt3A_1114 = vector.broadcast %lt3A_1113 : i32 to vector<16xi32>
    %lt3A_1115 = arith.cmpi slt, %sub3A_1109, %lt3A_1114 : vector<16xi32>
    %and3A_1116 = arith.andi %ge3A_1112, %lt3A_1115 : vector<16xi1>
    %mul3A_1117 = arith.constant 4096 : i32
    %mul3A_1118 = vector.broadcast %mul3A_1117 : i32 to vector<16xi32>
    %mul3A_1119 = arith.muli %sub3A_1109, %mul3A_1118 : vector<16xi32>
    %mul3A_1120 = arith.constant 128 : i32
    %mul3A_1121 = vector.broadcast %mul3A_1120 : i32 to vector<16xi32>
    %mul3A_1122 = arith.muli %add3A_848, %mul3A_1121 : vector<16xi32>
    %add3A_1123 = arith.addi %mul3A_1119, %mul3A_1122 : vector<16xi32>
    %add3A_1124 = arith.addi %add3A_1123, %convert_element_type3A_836 : vector<16xi32>
    tpu.vector_store_idx %arg10[%add3A_1124], %broadcast_in_dim3A_1 masked %and3A_1116 : memref<65536xf32, #tpu.memory_space<vmem>>[vector<16xi32>], vector<16xf32>, vector<16xi1>
    %mul3A_1125 = arith.constant 524288 : i32
    %mul3A_1126 = arith.muli %add3A_782, %mul3A_1125 : i32
    %add3A_1127 = arith.constant 393216 : i32
    %add3A_1128 = arith.addi %mul3A_1126, %add3A_1127 : i32
    "tpu.region"() ({
      %run_scoped3A = tpu.sem_alloc : memref<!tpu.dma_semaphore, #tpu.memory_space<semaphore_mem>>
      %dma_start3A = tpu.memref_slice %arg6[%add3A_1128] : memref<134217728xf32, #tpu.memory_space<hbm>> -> memref<65536xf32, #tpu.memory_space<hbm>>
      %dma_start3A_3119 = tpu.memref_slice %arg6[%add3A_1128] : memref<134217728xf32, #tpu.memory_space<hbm>> -> memref<65536xf32, #tpu.memory_space<hbm>>
      tpu.enqueue_dma source(%arg10 : memref<65536xf32, #tpu.memory_space<vmem>>) target(%dma_start3A_3119 : memref<65536xf32, #tpu.memory_space<hbm>>) target_semaphore(%run_scoped3A : memref<!tpu.dma_semaphore, #tpu.memory_space<semaphore_mem>>)
      %dma_wait3A = tpu.memref_slice %arg6[%add3A_1128] : memref<134217728xf32, #tpu.memory_space<hbm>> -> memref<65536xf32, #tpu.memory_space<hbm>>
      %dma_wait3A_3120 = tpu.memref_slice %arg6[%add3A_1128] : memref<134217728xf32, #tpu.memory_space<hbm>> -> memref<65536xf32, #tpu.memory_space<hbm>>
      tpu.wait_dma2 semaphore(%run_scoped3A : memref<!tpu.dma_semaphore, #tpu.memory_space<semaphore_mem>>) src(%arg10 : memref<65536xf32, #tpu.memory_space<vmem>>) dst(%dma_wait3A_3120 : memref<65536xf32, #tpu.memory_space<hbm>>)
      tpu.yield
    }) : () -> ()
    tpu.vector_store_idx %arg10[%add3A_1106], %broadcast_in_dim3A_3 masked %and3A_1098 : memref<65536xf32, #tpu.memory_space<vmem>>[vector<16xi32>], vector<16xf32>, vector<16xi1>
    tpu.vector_store_idx %arg10[%add3A_1124], %broadcast_in_dim3A_3 masked %and3A_1116 : memref<65536xf32, #tpu.memory_space<vmem>>[vector<16xi32>], vector<16xf32>, vector<16xi1>
    %sub3A_1129 = arith.constant 112 : i32
    %sub3A_1130 = vector.broadcast %sub3A_1129 : i32 to vector<16xi32>
    %sub3A_1131 = arith.subi %convert_element_type3A_824, %sub3A_1130 : vector<16xi32>
    %ge3A_1132 = arith.constant 0 : i32
    %ge3A_1133 = vector.broadcast %ge3A_1132 : i32 to vector<16xi32>
    %ge3A_1134 = arith.cmpi sge, %sub3A_1131, %ge3A_1133 : vector<16xi32>
    %lt3A_1135 = arith.constant 16 : i32
    %lt3A_1136 = vector.broadcast %lt3A_1135 : i32 to vector<16xi32>
    %lt3A_1137 = arith.cmpi slt, %sub3A_1131, %lt3A_1136 : vector<16xi32>
    %and3A_1138 = arith.andi %ge3A_1134, %lt3A_1137 : vector<16xi1>
    %mul3A_1139 = arith.constant 4096 : i32
    %mul3A_1140 = vector.broadcast %mul3A_1139 : i32 to vector<16xi32>
    %mul3A_1141 = arith.muli %sub3A_1131, %mul3A_1140 : vector<16xi32>
    %mul3A_1142 = arith.constant 128 : i32
    %mul3A_1143 = vector.broadcast %mul3A_1142 : i32 to vector<16xi32>
    %mul3A_1144 = arith.muli %add3A_827, %mul3A_1143 : vector<16xi32>
    %add3A_1145 = arith.addi %mul3A_1141, %mul3A_1144 : vector<16xi32>
    %add3A_1146 = arith.addi %add3A_1145, %convert_element_type3A_815 : vector<16xi32>
    tpu.vector_store_idx %arg10[%add3A_1146], %broadcast_in_dim3A_1 masked %and3A_1138 : memref<65536xf32, #tpu.memory_space<vmem>>[vector<16xi32>], vector<16xf32>, vector<16xi1>
    %sub3A_1147 = arith.constant 112 : i32
    %sub3A_1148 = vector.broadcast %sub3A_1147 : i32 to vector<16xi32>
    %sub3A_1149 = arith.subi %convert_element_type3A_845, %sub3A_1148 : vector<16xi32>
    %ge3A_1150 = arith.constant 0 : i32
    %ge3A_1151 = vector.broadcast %ge3A_1150 : i32 to vector<16xi32>
    %ge3A_1152 = arith.cmpi sge, %sub3A_1149, %ge3A_1151 : vector<16xi32>
    %lt3A_1153 = arith.constant 16 : i32
    %lt3A_1154 = vector.broadcast %lt3A_1153 : i32 to vector<16xi32>
    %lt3A_1155 = arith.cmpi slt, %sub3A_1149, %lt3A_1154 : vector<16xi32>
    %and3A_1156 = arith.andi %ge3A_1152, %lt3A_1155 : vector<16xi1>
    %mul3A_1157 = arith.constant 4096 : i32
    %mul3A_1158 = vector.broadcast %mul3A_1157 : i32 to vector<16xi32>
    %mul3A_1159 = arith.muli %sub3A_1149, %mul3A_1158 : vector<16xi32>
    %mul3A_1160 = arith.constant 128 : i32
    %mul3A_1161 = vector.broadcast %mul3A_1160 : i32 to vector<16xi32>
    %mul3A_1162 = arith.muli %add3A_848, %mul3A_1161 : vector<16xi32>
    %add3A_1163 = arith.addi %mul3A_1159, %mul3A_1162 : vector<16xi32>
    %add3A_1164 = arith.addi %add3A_1163, %convert_element_type3A_836 : vector<16xi32>
    tpu.vector_store_idx %arg10[%add3A_1164], %broadcast_in_dim3A_1 masked %and3A_1156 : memref<65536xf32, #tpu.memory_space<vmem>>[vector<16xi32>], vector<16xf32>, vector<16xi1>
    %mul3A_1165 = arith.constant 524288 : i32
    %mul3A_1166 = arith.muli %add3A_782, %mul3A_1165 : i32
    %add3A_1167 = arith.constant 458752 : i32
    %add3A_1168 = arith.addi %mul3A_1166, %add3A_1167 : i32
    "tpu.region"() ({
      %run_scoped3A = tpu.sem_alloc : memref<!tpu.dma_semaphore, #tpu.memory_space<semaphore_mem>>
      %dma_start3A = tpu.memref_slice %arg6[%add3A_1168] : memref<134217728xf32, #tpu.memory_space<hbm>> -> memref<65536xf32, #tpu.memory_space<hbm>>
      %dma_start3A_3119 = tpu.memref_slice %arg6[%add3A_1168] : memref<134217728xf32, #tpu.memory_space<hbm>> -> memref<65536xf32, #tpu.memory_space<hbm>>
      tpu.enqueue_dma source(%arg10 : memref<65536xf32, #tpu.memory_space<vmem>>) target(%dma_start3A_3119 : memref<65536xf32, #tpu.memory_space<hbm>>) target_semaphore(%run_scoped3A : memref<!tpu.dma_semaphore, #tpu.memory_space<semaphore_mem>>)
      %dma_wait3A = tpu.memref_slice %arg6[%add3A_1168] : memref<134217728xf32, #tpu.memory_space<hbm>> -> memref<65536xf32, #tpu.memory_space<hbm>>
      %dma_wait3A_3120 = tpu.memref_slice %arg6[%add3A_1168] : memref<134217728xf32, #tpu.memory_space<hbm>> -> memref<65536xf32, #tpu.memory_space<hbm>>
      tpu.wait_dma2 semaphore(%run_scoped3A : memref<!tpu.dma_semaphore, #tpu.memory_space<semaphore_mem>>) src(%arg10 : memref<65536xf32, #tpu.memory_space<vmem>>) dst(%dma_wait3A_3120 : memref<65536xf32, #tpu.memory_space<hbm>>)
      tpu.yield
    }) : () -> ()
    tpu.vector_store_idx %arg10[%add3A_1146], %broadcast_in_dim3A_3 masked %and3A_1138 : memref<65536xf32, #tpu.memory_space<vmem>>[vector<16xi32>], vector<16xf32>, vector<16xi1>
    tpu.vector_store_idx %arg10[%add3A_1164], %broadcast_in_dim3A_3 masked %and3A_1156 : memref<65536xf32, #tpu.memory_space<vmem>>[vector<16xi32>], vector<16xf32>, vector<16xi1>
    %mul3A_1169 = arith.constant 8 : i32
    %mul3A_1170 = arith.muli %add3A, %mul3A_1169 : i32
    %add3A_1171 = arith.constant 3 : i32
    %add3A_1172 = arith.addi %mul3A_1170, %add3A_1171 : i32
    "tpu.region"() ({
      %run_scoped3A = tpu.sem_alloc : memref<!tpu.dma_semaphore, #tpu.memory_space<semaphore_mem>>
      %dma_start3A = arith.constant 0 : i32
      %dma_start3A_3119 = arith.constant 0 : i32
      %dma_start3A_3120 = tpu.memref_slice %arg2[%add3A_1172, %dma_start3A, %dma_start3A_3119] : memref<256x2x16xf32, #tpu.memory_space<hbm>> -> memref<1x2x16xf32, #tpu.memory_space<hbm>>
      %dma_start3A_3121 = arith.constant 0 : i32
      %dma_start3A_3122 = arith.constant 0 : i32
      %dma_start3A_3123 = tpu.memref_slice %arg2[%add3A_1172, %dma_start3A_3121, %dma_start3A_3122] : memref<256x2x16xf32, #tpu.memory_space<hbm>> -> memref<1x2x16xf32, #tpu.memory_space<hbm>>
      tpu.enqueue_dma source(%dma_start3A_3123 : memref<1x2x16xf32, #tpu.memory_space<hbm>>) target(%arg7 : memref<1x2x16xf32, #tpu.memory_space<vmem>>) target_semaphore(%run_scoped3A : memref<!tpu.dma_semaphore, #tpu.memory_space<semaphore_mem>>)
      %dma_wait3A = arith.constant 0 : i32
      %dma_wait3A_3124 = arith.constant 0 : i32
      %dma_wait3A_3125 = tpu.memref_slice %arg2[%add3A_1172, %dma_wait3A, %dma_wait3A_3124] : memref<256x2x16xf32, #tpu.memory_space<hbm>> -> memref<1x2x16xf32, #tpu.memory_space<hbm>>
      %dma_wait3A_3126 = arith.constant 0 : i32
      %dma_wait3A_3127 = arith.constant 0 : i32
      %dma_wait3A_3128 = tpu.memref_slice %arg2[%add3A_1172, %dma_wait3A_3126, %dma_wait3A_3127] : memref<256x2x16xf32, #tpu.memory_space<hbm>> -> memref<1x2x16xf32, #tpu.memory_space<hbm>>
      tpu.wait_dma2 semaphore(%run_scoped3A : memref<!tpu.dma_semaphore, #tpu.memory_space<semaphore_mem>>) src(%dma_wait3A_3128 : memref<1x2x16xf32, #tpu.memory_space<hbm>>) dst(%arg7 : memref<1x2x16xf32, #tpu.memory_space<vmem>>)
      tpu.yield
    }) : () -> ()
    "tpu.region"() ({
      %run_scoped3A = tpu.sem_alloc : memref<!tpu.dma_semaphore, #tpu.memory_space<semaphore_mem>>
      %dma_start3A = arith.constant 0 : i32
      %dma_start3A_3119 = arith.constant 0 : i32
      %dma_start3A_3120 = tpu.memref_slice %arg3[%add3A_1172, %dma_start3A, %dma_start3A_3119] : memref<256x2x16xf32, #tpu.memory_space<hbm>> -> memref<1x2x16xf32, #tpu.memory_space<hbm>>
      %dma_start3A_3121 = arith.constant 0 : i32
      %dma_start3A_3122 = arith.constant 0 : i32
      %dma_start3A_3123 = tpu.memref_slice %arg3[%add3A_1172, %dma_start3A_3121, %dma_start3A_3122] : memref<256x2x16xf32, #tpu.memory_space<hbm>> -> memref<1x2x16xf32, #tpu.memory_space<hbm>>
      tpu.enqueue_dma source(%dma_start3A_3123 : memref<1x2x16xf32, #tpu.memory_space<hbm>>) target(%arg8 : memref<1x2x16xf32, #tpu.memory_space<vmem>>) target_semaphore(%run_scoped3A : memref<!tpu.dma_semaphore, #tpu.memory_space<semaphore_mem>>)
      %dma_wait3A = arith.constant 0 : i32
      %dma_wait3A_3124 = arith.constant 0 : i32
      %dma_wait3A_3125 = tpu.memref_slice %arg3[%add3A_1172, %dma_wait3A, %dma_wait3A_3124] : memref<256x2x16xf32, #tpu.memory_space<hbm>> -> memref<1x2x16xf32, #tpu.memory_space<hbm>>
      %dma_wait3A_3126 = arith.constant 0 : i32
      %dma_wait3A_3127 = arith.constant 0 : i32
      %dma_wait3A_3128 = tpu.memref_slice %arg3[%add3A_1172, %dma_wait3A_3126, %dma_wait3A_3127] : memref<256x2x16xf32, #tpu.memory_space<hbm>> -> memref<1x2x16xf32, #tpu.memory_space<hbm>>
      tpu.wait_dma2 semaphore(%run_scoped3A : memref<!tpu.dma_semaphore, #tpu.memory_space<semaphore_mem>>) src(%dma_wait3A_3128 : memref<1x2x16xf32, #tpu.memory_space<hbm>>) dst(%arg8 : memref<1x2x16xf32, #tpu.memory_space<vmem>>)
      tpu.yield
    }) : () -> ()
    "tpu.region"() ({
      %run_scoped3A = tpu.sem_alloc : memref<!tpu.dma_semaphore, #tpu.memory_space<semaphore_mem>>
      %dma_start3A = arith.constant 0 : i32
      %dma_start3A_3119 = arith.constant 0 : i32
      %dma_start3A_3120 = tpu.memref_slice %arg4[%add3A_1172, %dma_start3A, %dma_start3A_3119] : memref<256x4x16xf32, #tpu.memory_space<hbm>> -> memref<1x4x16xf32, #tpu.memory_space<hbm>>
      %dma_start3A_3121 = arith.constant 0 : i32
      %dma_start3A_3122 = arith.constant 0 : i32
      %dma_start3A_3123 = tpu.memref_slice %arg4[%add3A_1172, %dma_start3A_3121, %dma_start3A_3122] : memref<256x4x16xf32, #tpu.memory_space<hbm>> -> memref<1x4x16xf32, #tpu.memory_space<hbm>>
      tpu.enqueue_dma source(%dma_start3A_3123 : memref<1x4x16xf32, #tpu.memory_space<hbm>>) target(%arg9 : memref<1x4x16xf32, #tpu.memory_space<vmem>>) target_semaphore(%run_scoped3A : memref<!tpu.dma_semaphore, #tpu.memory_space<semaphore_mem>>)
      %dma_wait3A = arith.constant 0 : i32
      %dma_wait3A_3124 = arith.constant 0 : i32
      %dma_wait3A_3125 = tpu.memref_slice %arg4[%add3A_1172, %dma_wait3A, %dma_wait3A_3124] : memref<256x4x16xf32, #tpu.memory_space<hbm>> -> memref<1x4x16xf32, #tpu.memory_space<hbm>>
      %dma_wait3A_3126 = arith.constant 0 : i32
      %dma_wait3A_3127 = arith.constant 0 : i32
      %dma_wait3A_3128 = tpu.memref_slice %arg4[%add3A_1172, %dma_wait3A_3126, %dma_wait3A_3127] : memref<256x4x16xf32, #tpu.memory_space<hbm>> -> memref<1x4x16xf32, #tpu.memory_space<hbm>>
      tpu.wait_dma2 semaphore(%run_scoped3A : memref<!tpu.dma_semaphore, #tpu.memory_space<semaphore_mem>>) src(%dma_wait3A_3128 : memref<1x4x16xf32, #tpu.memory_space<hbm>>) dst(%arg9 : memref<1x4x16xf32, #tpu.memory_space<vmem>>)
      tpu.yield
    }) : () -> ()
    %get3A_1173 = arith.constant 0 : i32
    %get3A_1174 = arith.constant 0 : i32
    %get3A_1175 = arith.index_cast %get3A_1173 : i32 to index
    %get3A_1176 = arith.index_cast %get3A_1174 : i32 to index
    %get3A_1177 = arith.constant 0 : index
    %get3A_1178 = tpu.vector_load %arg9[%get3A_1175, %get3A_1176, %get3A_1177] {strides = array<i32>} : memref<1x4x16xf32, #tpu.memory_space<vmem>>, vector<16xf32>,
    %get3A_1179 = arith.constant 0 : i32
    %get3A_1180 = arith.constant 1 : i32
    %get3A_1181 = arith.index_cast %get3A_1179 : i32 to index
    %get3A_1182 = arith.index_cast %get3A_1180 : i32 to index
    %get3A_1183 = arith.constant 0 : index
    %get3A_1184 = tpu.vector_load %arg9[%get3A_1181, %get3A_1182, %get3A_1183] {strides = array<i32>} : memref<1x4x16xf32, #tpu.memory_space<vmem>>, vector<16xf32>,
    %get3A_1185 = arith.constant 0 : i32
    %get3A_1186 = arith.constant 2 : i32
    %get3A_1187 = arith.index_cast %get3A_1185 : i32 to index
    %get3A_1188 = arith.index_cast %get3A_1186 : i32 to index
    %get3A_1189 = arith.constant 0 : index
    %get3A_1190 = tpu.vector_load %arg9[%get3A_1187, %get3A_1188, %get3A_1189] {strides = array<i32>} : memref<1x4x16xf32, #tpu.memory_space<vmem>>, vector<16xf32>,
    %get3A_1191 = arith.constant 0 : i32
    %get3A_1192 = arith.constant 3 : i32
    %get3A_1193 = arith.index_cast %get3A_1191 : i32 to index
    %get3A_1194 = arith.index_cast %get3A_1192 : i32 to index
    %get3A_1195 = arith.constant 0 : index
    %get3A_1196 = tpu.vector_load %arg9[%get3A_1193, %get3A_1194, %get3A_1195] {strides = array<i32>} : memref<1x4x16xf32, #tpu.memory_space<vmem>>, vector<16xf32>,
    %get3A_1197 = arith.constant 0 : i32
    %get3A_1198 = arith.constant 0 : i32
    %get3A_1199 = arith.index_cast %get3A_1197 : i32 to index
    %get3A_1200 = arith.index_cast %get3A_1198 : i32 to index
    %get3A_1201 = arith.constant 0 : index
    %get3A_1202 = tpu.vector_load %arg7[%get3A_1199, %get3A_1200, %get3A_1201] {strides = array<i32>} : memref<1x2x16xf32, #tpu.memory_space<vmem>>, vector<16xf32>,
    %div3A_1203 = arith.divf %get3A_1202, %get3A_1178 : vector<16xf32>
    %add3A_1204 = arith.addf %div3A_1203, %get3A_1190 : vector<16xf32>
    %convert_element_type3A_1205 = arith.fptosi %add3A_1204 : vector<16xf32> to vector<16xi32>
    %get3A_1206 = arith.constant 0 : i32
    %get3A_1207 = arith.constant 0 : i32
    %get3A_1208 = arith.index_cast %get3A_1206 : i32 to index
    %get3A_1209 = arith.index_cast %get3A_1207 : i32 to index
    %get3A_1210 = arith.constant 0 : index
    %get3A_1211 = tpu.vector_load %arg8[%get3A_1208, %get3A_1209, %get3A_1210] {strides = array<i32>} : memref<1x2x16xf32, #tpu.memory_space<vmem>>, vector<16xf32>,
    %div3A_1212 = arith.divf %get3A_1211, %get3A_1184 : vector<16xf32>
    %add3A_1213 = arith.addf %div3A_1212, %get3A_1196 : vector<16xf32>
    %convert_element_type3A_1214 = arith.fptosi %add3A_1213 : vector<16xf32> to vector<16xi32>
    %add3A_1215 = arith.constant 0 : i32
    %add3A_1216 = vector.broadcast %add3A_1215 : i32 to vector<16xi32>
    %add3A_1217 = arith.addi %iota3A, %add3A_1216 : vector<16xi32>
    %get3A_1218 = arith.constant 0 : i32
    %get3A_1219 = arith.constant 1 : i32
    %get3A_1220 = arith.index_cast %get3A_1218 : i32 to index
    %get3A_1221 = arith.index_cast %get3A_1219 : i32 to index
    %get3A_1222 = arith.constant 0 : index
    %get3A_1223 = tpu.vector_load %arg7[%get3A_1220, %get3A_1221, %get3A_1222] {strides = array<i32>} : memref<1x2x16xf32, #tpu.memory_space<vmem>>, vector<16xf32>,
    %div3A_1224 = arith.divf %get3A_1223, %get3A_1178 : vector<16xf32>
    %add3A_1225 = arith.addf %div3A_1224, %get3A_1190 : vector<16xf32>
    %convert_element_type3A_1226 = arith.fptosi %add3A_1225 : vector<16xf32> to vector<16xi32>
    %get3A_1227 = arith.constant 0 : i32
    %get3A_1228 = arith.constant 1 : i32
    %get3A_1229 = arith.index_cast %get3A_1227 : i32 to index
    %get3A_1230 = arith.index_cast %get3A_1228 : i32 to index
    %get3A_1231 = arith.constant 0 : index
    %get3A_1232 = tpu.vector_load %arg8[%get3A_1229, %get3A_1230, %get3A_1231] {strides = array<i32>} : memref<1x2x16xf32, #tpu.memory_space<vmem>>, vector<16xf32>,
    %div3A_1233 = arith.divf %get3A_1232, %get3A_1184 : vector<16xf32>
    %add3A_1234 = arith.addf %div3A_1233, %get3A_1196 : vector<16xf32>
    %convert_element_type3A_1235 = arith.fptosi %add3A_1234 : vector<16xf32> to vector<16xi32>
    %add3A_1236 = arith.constant 16 : i32
    %add3A_1237 = vector.broadcast %add3A_1236 : i32 to vector<16xi32>
    %add3A_1238 = arith.addi %iota3A, %add3A_1237 : vector<16xi32>
    %sub3A_1239 = arith.constant 0 : i32
    %sub3A_1240 = vector.broadcast %sub3A_1239 : i32 to vector<16xi32>
    %sub3A_1241 = arith.subi %convert_element_type3A_1214, %sub3A_1240 : vector<16xi32>
    %ge3A_1242 = arith.constant 0 : i32
    %ge3A_1243 = vector.broadcast %ge3A_1242 : i32 to vector<16xi32>
    %ge3A_1244 = arith.cmpi sge, %sub3A_1241, %ge3A_1243 : vector<16xi32>
    %lt3A_1245 = arith.constant 16 : i32
    %lt3A_1246 = vector.broadcast %lt3A_1245 : i32 to vector<16xi32>
    %lt3A_1247 = arith.cmpi slt, %sub3A_1241, %lt3A_1246 : vector<16xi32>
    %and3A_1248 = arith.andi %ge3A_1244, %lt3A_1247 : vector<16xi1>
    %mul3A_1249 = arith.constant 4096 : i32
    %mul3A_1250 = vector.broadcast %mul3A_1249 : i32 to vector<16xi32>
    %mul3A_1251 = arith.muli %sub3A_1241, %mul3A_1250 : vector<16xi32>
    %mul3A_1252 = arith.constant 128 : i32
    %mul3A_1253 = vector.broadcast %mul3A_1252 : i32 to vector<16xi32>
    %mul3A_1254 = arith.muli %add3A_1217, %mul3A_1253 : vector<16xi32>
    %add3A_1255 = arith.addi %mul3A_1251, %mul3A_1254 : vector<16xi32>
    %add3A_1256 = arith.addi %add3A_1255, %convert_element_type3A_1205 : vector<16xi32>
    tpu.vector_store_idx %arg10[%add3A_1256], %broadcast_in_dim3A_1 masked %and3A_1248 : memref<65536xf32, #tpu.memory_space<vmem>>[vector<16xi32>], vector<16xf32>, vector<16xi1>
    %sub3A_1257 = arith.constant 0 : i32
    %sub3A_1258 = vector.broadcast %sub3A_1257 : i32 to vector<16xi32>
    %sub3A_1259 = arith.subi %convert_element_type3A_1235, %sub3A_1258 : vector<16xi32>
    %ge3A_1260 = arith.constant 0 : i32
    %ge3A_1261 = vector.broadcast %ge3A_1260 : i32 to vector<16xi32>
    %ge3A_1262 = arith.cmpi sge, %sub3A_1259, %ge3A_1261 : vector<16xi32>
    %lt3A_1263 = arith.constant 16 : i32
    %lt3A_1264 = vector.broadcast %lt3A_1263 : i32 to vector<16xi32>
    %lt3A_1265 = arith.cmpi slt, %sub3A_1259, %lt3A_1264 : vector<16xi32>
    %and3A_1266 = arith.andi %ge3A_1262, %lt3A_1265 : vector<16xi1>
    %mul3A_1267 = arith.constant 4096 : i32
    %mul3A_1268 = vector.broadcast %mul3A_1267 : i32 to vector<16xi32>
    %mul3A_1269 = arith.muli %sub3A_1259, %mul3A_1268 : vector<16xi32>
    %mul3A_1270 = arith.constant 128 : i32
    %mul3A_1271 = vector.broadcast %mul3A_1270 : i32 to vector<16xi32>
    %mul3A_1272 = arith.muli %add3A_1238, %mul3A_1271 : vector<16xi32>
    %add3A_1273 = arith.addi %mul3A_1269, %mul3A_1272 : vector<16xi32>
    %add3A_1274 = arith.addi %add3A_1273, %convert_element_type3A_1226 : vector<16xi32>
    tpu.vector_store_idx %arg10[%add3A_1274], %broadcast_in_dim3A_1 masked %and3A_1266 : memref<65536xf32, #tpu.memory_space<vmem>>[vector<16xi32>], vector<16xf32>, vector<16xi1>
    %mul3A_1275 = arith.constant 524288 : i32
    %mul3A_1276 = arith.muli %add3A_1172, %mul3A_1275 : i32
    %add3A_1277 = arith.constant 0 : i32
    %add3A_1278 = arith.addi %mul3A_1276, %add3A_1277 : i32
    "tpu.region"() ({
      %run_scoped3A = tpu.sem_alloc : memref<!tpu.dma_semaphore, #tpu.memory_space<semaphore_mem>>
      %dma_start3A = tpu.memref_slice %arg6[%add3A_1278] : memref<134217728xf32, #tpu.memory_space<hbm>> -> memref<65536xf32, #tpu.memory_space<hbm>>
      %dma_start3A_3119 = tpu.memref_slice %arg6[%add3A_1278] : memref<134217728xf32, #tpu.memory_space<hbm>> -> memref<65536xf32, #tpu.memory_space<hbm>>
      tpu.enqueue_dma source(%arg10 : memref<65536xf32, #tpu.memory_space<vmem>>) target(%dma_start3A_3119 : memref<65536xf32, #tpu.memory_space<hbm>>) target_semaphore(%run_scoped3A : memref<!tpu.dma_semaphore, #tpu.memory_space<semaphore_mem>>)
      %dma_wait3A = tpu.memref_slice %arg6[%add3A_1278] : memref<134217728xf32, #tpu.memory_space<hbm>> -> memref<65536xf32, #tpu.memory_space<hbm>>
      %dma_wait3A_3120 = tpu.memref_slice %arg6[%add3A_1278] : memref<134217728xf32, #tpu.memory_space<hbm>> -> memref<65536xf32, #tpu.memory_space<hbm>>
      tpu.wait_dma2 semaphore(%run_scoped3A : memref<!tpu.dma_semaphore, #tpu.memory_space<semaphore_mem>>) src(%arg10 : memref<65536xf32, #tpu.memory_space<vmem>>) dst(%dma_wait3A_3120 : memref<65536xf32, #tpu.memory_space<hbm>>)
      tpu.yield
    }) : () -> ()
    tpu.vector_store_idx %arg10[%add3A_1256], %broadcast_in_dim3A_3 masked %and3A_1248 : memref<65536xf32, #tpu.memory_space<vmem>>[vector<16xi32>], vector<16xf32>, vector<16xi1>
    tpu.vector_store_idx %arg10[%add3A_1274], %broadcast_in_dim3A_3 masked %and3A_1266 : memref<65536xf32, #tpu.memory_space<vmem>>[vector<16xi32>], vector<16xf32>, vector<16xi1>
    %sub3A_1279 = arith.constant 16 : i32
    %sub3A_1280 = vector.broadcast %sub3A_1279 : i32 to vector<16xi32>
    %sub3A_1281 = arith.subi %convert_element_type3A_1214, %sub3A_1280 : vector<16xi32>
    %ge3A_1282 = arith.constant 0 : i32
    %ge3A_1283 = vector.broadcast %ge3A_1282 : i32 to vector<16xi32>
    %ge3A_1284 = arith.cmpi sge, %sub3A_1281, %ge3A_1283 : vector<16xi32>
    %lt3A_1285 = arith.constant 16 : i32
    %lt3A_1286 = vector.broadcast %lt3A_1285 : i32 to vector<16xi32>
    %lt3A_1287 = arith.cmpi slt, %sub3A_1281, %lt3A_1286 : vector<16xi32>
    %and3A_1288 = arith.andi %ge3A_1284, %lt3A_1287 : vector<16xi1>
    %mul3A_1289 = arith.constant 4096 : i32
    %mul3A_1290 = vector.broadcast %mul3A_1289 : i32 to vector<16xi32>
    %mul3A_1291 = arith.muli %sub3A_1281, %mul3A_1290 : vector<16xi32>
    %mul3A_1292 = arith.constant 128 : i32
    %mul3A_1293 = vector.broadcast %mul3A_1292 : i32 to vector<16xi32>
    %mul3A_1294 = arith.muli %add3A_1217, %mul3A_1293 : vector<16xi32>
    %add3A_1295 = arith.addi %mul3A_1291, %mul3A_1294 : vector<16xi32>
    %add3A_1296 = arith.addi %add3A_1295, %convert_element_type3A_1205 : vector<16xi32>
    tpu.vector_store_idx %arg10[%add3A_1296], %broadcast_in_dim3A_1 masked %and3A_1288 : memref<65536xf32, #tpu.memory_space<vmem>>[vector<16xi32>], vector<16xf32>, vector<16xi1>
    %sub3A_1297 = arith.constant 16 : i32
    %sub3A_1298 = vector.broadcast %sub3A_1297 : i32 to vector<16xi32>
    %sub3A_1299 = arith.subi %convert_element_type3A_1235, %sub3A_1298 : vector<16xi32>
    %ge3A_1300 = arith.constant 0 : i32
    %ge3A_1301 = vector.broadcast %ge3A_1300 : i32 to vector<16xi32>
    %ge3A_1302 = arith.cmpi sge, %sub3A_1299, %ge3A_1301 : vector<16xi32>
    %lt3A_1303 = arith.constant 16 : i32
    %lt3A_1304 = vector.broadcast %lt3A_1303 : i32 to vector<16xi32>
    %lt3A_1305 = arith.cmpi slt, %sub3A_1299, %lt3A_1304 : vector<16xi32>
    %and3A_1306 = arith.andi %ge3A_1302, %lt3A_1305 : vector<16xi1>
    %mul3A_1307 = arith.constant 4096 : i32
    %mul3A_1308 = vector.broadcast %mul3A_1307 : i32 to vector<16xi32>
    %mul3A_1309 = arith.muli %sub3A_1299, %mul3A_1308 : vector<16xi32>
    %mul3A_1310 = arith.constant 128 : i32
    %mul3A_1311 = vector.broadcast %mul3A_1310 : i32 to vector<16xi32>
    %mul3A_1312 = arith.muli %add3A_1238, %mul3A_1311 : vector<16xi32>
    %add3A_1313 = arith.addi %mul3A_1309, %mul3A_1312 : vector<16xi32>
    %add3A_1314 = arith.addi %add3A_1313, %convert_element_type3A_1226 : vector<16xi32>
    tpu.vector_store_idx %arg10[%add3A_1314], %broadcast_in_dim3A_1 masked %and3A_1306 : memref<65536xf32, #tpu.memory_space<vmem>>[vector<16xi32>], vector<16xf32>, vector<16xi1>
    %mul3A_1315 = arith.constant 524288 : i32
    %mul3A_1316 = arith.muli %add3A_1172, %mul3A_1315 : i32
    %add3A_1317 = arith.constant 65536 : i32
    %add3A_1318 = arith.addi %mul3A_1316, %add3A_1317 : i32
    "tpu.region"() ({
      %run_scoped3A = tpu.sem_alloc : memref<!tpu.dma_semaphore, #tpu.memory_space<semaphore_mem>>
      %dma_start3A = tpu.memref_slice %arg6[%add3A_1318] : memref<134217728xf32, #tpu.memory_space<hbm>> -> memref<65536xf32, #tpu.memory_space<hbm>>
      %dma_start3A_3119 = tpu.memref_slice %arg6[%add3A_1318] : memref<134217728xf32, #tpu.memory_space<hbm>> -> memref<65536xf32, #tpu.memory_space<hbm>>
      tpu.enqueue_dma source(%arg10 : memref<65536xf32, #tpu.memory_space<vmem>>) target(%dma_start3A_3119 : memref<65536xf32, #tpu.memory_space<hbm>>) target_semaphore(%run_scoped3A : memref<!tpu.dma_semaphore, #tpu.memory_space<semaphore_mem>>)
      %dma_wait3A = tpu.memref_slice %arg6[%add3A_1318] : memref<134217728xf32, #tpu.memory_space<hbm>> -> memref<65536xf32, #tpu.memory_space<hbm>>
      %dma_wait3A_3120 = tpu.memref_slice %arg6[%add3A_1318] : memref<134217728xf32, #tpu.memory_space<hbm>> -> memref<65536xf32, #tpu.memory_space<hbm>>
      tpu.wait_dma2 semaphore(%run_scoped3A : memref<!tpu.dma_semaphore, #tpu.memory_space<semaphore_mem>>) src(%arg10 : memref<65536xf32, #tpu.memory_space<vmem>>) dst(%dma_wait3A_3120 : memref<65536xf32, #tpu.memory_space<hbm>>)
      tpu.yield
    }) : () -> ()
    tpu.vector_store_idx %arg10[%add3A_1296], %broadcast_in_dim3A_3 masked %and3A_1288 : memref<65536xf32, #tpu.memory_space<vmem>>[vector<16xi32>], vector<16xf32>, vector<16xi1>
    tpu.vector_store_idx %arg10[%add3A_1314], %broadcast_in_dim3A_3 masked %and3A_1306 : memref<65536xf32, #tpu.memory_space<vmem>>[vector<16xi32>], vector<16xf32>, vector<16xi1>
    %sub3A_1319 = arith.constant 32 : i32
    %sub3A_1320 = vector.broadcast %sub3A_1319 : i32 to vector<16xi32>
    %sub3A_1321 = arith.subi %convert_element_type3A_1214, %sub3A_1320 : vector<16xi32>
    %ge3A_1322 = arith.constant 0 : i32
    %ge3A_1323 = vector.broadcast %ge3A_1322 : i32 to vector<16xi32>
    %ge3A_1324 = arith.cmpi sge, %sub3A_1321, %ge3A_1323 : vector<16xi32>
    %lt3A_1325 = arith.constant 16 : i32
    %lt3A_1326 = vector.broadcast %lt3A_1325 : i32 to vector<16xi32>
    %lt3A_1327 = arith.cmpi slt, %sub3A_1321, %lt3A_1326 : vector<16xi32>
    %and3A_1328 = arith.andi %ge3A_1324, %lt3A_1327 : vector<16xi1>
    %mul3A_1329 = arith.constant 4096 : i32
    %mul3A_1330 = vector.broadcast %mul3A_1329 : i32 to vector<16xi32>
    %mul3A_1331 = arith.muli %sub3A_1321, %mul3A_1330 : vector<16xi32>
    %mul3A_1332 = arith.constant 128 : i32
    %mul3A_1333 = vector.broadcast %mul3A_1332 : i32 to vector<16xi32>
    %mul3A_1334 = arith.muli %add3A_1217, %mul3A_1333 : vector<16xi32>
    %add3A_1335 = arith.addi %mul3A_1331, %mul3A_1334 : vector<16xi32>
    %add3A_1336 = arith.addi %add3A_1335, %convert_element_type3A_1205 : vector<16xi32>
    tpu.vector_store_idx %arg10[%add3A_1336], %broadcast_in_dim3A_1 masked %and3A_1328 : memref<65536xf32, #tpu.memory_space<vmem>>[vector<16xi32>], vector<16xf32>, vector<16xi1>
    %sub3A_1337 = arith.constant 32 : i32
    %sub3A_1338 = vector.broadcast %sub3A_1337 : i32 to vector<16xi32>
    %sub3A_1339 = arith.subi %convert_element_type3A_1235, %sub3A_1338 : vector<16xi32>
    %ge3A_1340 = arith.constant 0 : i32
    %ge3A_1341 = vector.broadcast %ge3A_1340 : i32 to vector<16xi32>
    %ge3A_1342 = arith.cmpi sge, %sub3A_1339, %ge3A_1341 : vector<16xi32>
    %lt3A_1343 = arith.constant 16 : i32
    %lt3A_1344 = vector.broadcast %lt3A_1343 : i32 to vector<16xi32>
    %lt3A_1345 = arith.cmpi slt, %sub3A_1339, %lt3A_1344 : vector<16xi32>
    %and3A_1346 = arith.andi %ge3A_1342, %lt3A_1345 : vector<16xi1>
    %mul3A_1347 = arith.constant 4096 : i32
    %mul3A_1348 = vector.broadcast %mul3A_1347 : i32 to vector<16xi32>
    %mul3A_1349 = arith.muli %sub3A_1339, %mul3A_1348 : vector<16xi32>
    %mul3A_1350 = arith.constant 128 : i32
    %mul3A_1351 = vector.broadcast %mul3A_1350 : i32 to vector<16xi32>
    %mul3A_1352 = arith.muli %add3A_1238, %mul3A_1351 : vector<16xi32>
    %add3A_1353 = arith.addi %mul3A_1349, %mul3A_1352 : vector<16xi32>
    %add3A_1354 = arith.addi %add3A_1353, %convert_element_type3A_1226 : vector<16xi32>
    tpu.vector_store_idx %arg10[%add3A_1354], %broadcast_in_dim3A_1 masked %and3A_1346 : memref<65536xf32, #tpu.memory_space<vmem>>[vector<16xi32>], vector<16xf32>, vector<16xi1>
    %mul3A_1355 = arith.constant 524288 : i32
    %mul3A_1356 = arith.muli %add3A_1172, %mul3A_1355 : i32
    %add3A_1357 = arith.constant 131072 : i32
    %add3A_1358 = arith.addi %mul3A_1356, %add3A_1357 : i32
    "tpu.region"() ({
      %run_scoped3A = tpu.sem_alloc : memref<!tpu.dma_semaphore, #tpu.memory_space<semaphore_mem>>
      %dma_start3A = tpu.memref_slice %arg6[%add3A_1358] : memref<134217728xf32, #tpu.memory_space<hbm>> -> memref<65536xf32, #tpu.memory_space<hbm>>
      %dma_start3A_3119 = tpu.memref_slice %arg6[%add3A_1358] : memref<134217728xf32, #tpu.memory_space<hbm>> -> memref<65536xf32, #tpu.memory_space<hbm>>
      tpu.enqueue_dma source(%arg10 : memref<65536xf32, #tpu.memory_space<vmem>>) target(%dma_start3A_3119 : memref<65536xf32, #tpu.memory_space<hbm>>) target_semaphore(%run_scoped3A : memref<!tpu.dma_semaphore, #tpu.memory_space<semaphore_mem>>)
      %dma_wait3A = tpu.memref_slice %arg6[%add3A_1358] : memref<134217728xf32, #tpu.memory_space<hbm>> -> memref<65536xf32, #tpu.memory_space<hbm>>
      %dma_wait3A_3120 = tpu.memref_slice %arg6[%add3A_1358] : memref<134217728xf32, #tpu.memory_space<hbm>> -> memref<65536xf32, #tpu.memory_space<hbm>>
      tpu.wait_dma2 semaphore(%run_scoped3A : memref<!tpu.dma_semaphore, #tpu.memory_space<semaphore_mem>>) src(%arg10 : memref<65536xf32, #tpu.memory_space<vmem>>) dst(%dma_wait3A_3120 : memref<65536xf32, #tpu.memory_space<hbm>>)
      tpu.yield
    }) : () -> ()
    tpu.vector_store_idx %arg10[%add3A_1336], %broadcast_in_dim3A_3 masked %and3A_1328 : memref<65536xf32, #tpu.memory_space<vmem>>[vector<16xi32>], vector<16xf32>, vector<16xi1>
    tpu.vector_store_idx %arg10[%add3A_1354], %broadcast_in_dim3A_3 masked %and3A_1346 : memref<65536xf32, #tpu.memory_space<vmem>>[vector<16xi32>], vector<16xf32>, vector<16xi1>
    %sub3A_1359 = arith.constant 48 : i32
    %sub3A_1360 = vector.broadcast %sub3A_1359 : i32 to vector<16xi32>
    %sub3A_1361 = arith.subi %convert_element_type3A_1214, %sub3A_1360 : vector<16xi32>
    %ge3A_1362 = arith.constant 0 : i32
    %ge3A_1363 = vector.broadcast %ge3A_1362 : i32 to vector<16xi32>
    %ge3A_1364 = arith.cmpi sge, %sub3A_1361, %ge3A_1363 : vector<16xi32>
    %lt3A_1365 = arith.constant 16 : i32
    %lt3A_1366 = vector.broadcast %lt3A_1365 : i32 to vector<16xi32>
    %lt3A_1367 = arith.cmpi slt, %sub3A_1361, %lt3A_1366 : vector<16xi32>
    %and3A_1368 = arith.andi %ge3A_1364, %lt3A_1367 : vector<16xi1>
    %mul3A_1369 = arith.constant 4096 : i32
    %mul3A_1370 = vector.broadcast %mul3A_1369 : i32 to vector<16xi32>
    %mul3A_1371 = arith.muli %sub3A_1361, %mul3A_1370 : vector<16xi32>
    %mul3A_1372 = arith.constant 128 : i32
    %mul3A_1373 = vector.broadcast %mul3A_1372 : i32 to vector<16xi32>
    %mul3A_1374 = arith.muli %add3A_1217, %mul3A_1373 : vector<16xi32>
    %add3A_1375 = arith.addi %mul3A_1371, %mul3A_1374 : vector<16xi32>
    %add3A_1376 = arith.addi %add3A_1375, %convert_element_type3A_1205 : vector<16xi32>
    tpu.vector_store_idx %arg10[%add3A_1376], %broadcast_in_dim3A_1 masked %and3A_1368 : memref<65536xf32, #tpu.memory_space<vmem>>[vector<16xi32>], vector<16xf32>, vector<16xi1>
    %sub3A_1377 = arith.constant 48 : i32
    %sub3A_1378 = vector.broadcast %sub3A_1377 : i32 to vector<16xi32>
    %sub3A_1379 = arith.subi %convert_element_type3A_1235, %sub3A_1378 : vector<16xi32>
    %ge3A_1380 = arith.constant 0 : i32
    %ge3A_1381 = vector.broadcast %ge3A_1380 : i32 to vector<16xi32>
    %ge3A_1382 = arith.cmpi sge, %sub3A_1379, %ge3A_1381 : vector<16xi32>
    %lt3A_1383 = arith.constant 16 : i32
    %lt3A_1384 = vector.broadcast %lt3A_1383 : i32 to vector<16xi32>
    %lt3A_1385 = arith.cmpi slt, %sub3A_1379, %lt3A_1384 : vector<16xi32>
    %and3A_1386 = arith.andi %ge3A_1382, %lt3A_1385 : vector<16xi1>
    %mul3A_1387 = arith.constant 4096 : i32
    %mul3A_1388 = vector.broadcast %mul3A_1387 : i32 to vector<16xi32>
    %mul3A_1389 = arith.muli %sub3A_1379, %mul3A_1388 : vector<16xi32>
    %mul3A_1390 = arith.constant 128 : i32
    %mul3A_1391 = vector.broadcast %mul3A_1390 : i32 to vector<16xi32>
    %mul3A_1392 = arith.muli %add3A_1238, %mul3A_1391 : vector<16xi32>
    %add3A_1393 = arith.addi %mul3A_1389, %mul3A_1392 : vector<16xi32>
    %add3A_1394 = arith.addi %add3A_1393, %convert_element_type3A_1226 : vector<16xi32>
    tpu.vector_store_idx %arg10[%add3A_1394], %broadcast_in_dim3A_1 masked %and3A_1386 : memref<65536xf32, #tpu.memory_space<vmem>>[vector<16xi32>], vector<16xf32>, vector<16xi1>
    %mul3A_1395 = arith.constant 524288 : i32
    %mul3A_1396 = arith.muli %add3A_1172, %mul3A_1395 : i32
    %add3A_1397 = arith.constant 196608 : i32
    %add3A_1398 = arith.addi %mul3A_1396, %add3A_1397 : i32
    "tpu.region"() ({
      %run_scoped3A = tpu.sem_alloc : memref<!tpu.dma_semaphore, #tpu.memory_space<semaphore_mem>>
      %dma_start3A = tpu.memref_slice %arg6[%add3A_1398] : memref<134217728xf32, #tpu.memory_space<hbm>> -> memref<65536xf32, #tpu.memory_space<hbm>>
      %dma_start3A_3119 = tpu.memref_slice %arg6[%add3A_1398] : memref<134217728xf32, #tpu.memory_space<hbm>> -> memref<65536xf32, #tpu.memory_space<hbm>>
      tpu.enqueue_dma source(%arg10 : memref<65536xf32, #tpu.memory_space<vmem>>) target(%dma_start3A_3119 : memref<65536xf32, #tpu.memory_space<hbm>>) target_semaphore(%run_scoped3A : memref<!tpu.dma_semaphore, #tpu.memory_space<semaphore_mem>>)
      %dma_wait3A = tpu.memref_slice %arg6[%add3A_1398] : memref<134217728xf32, #tpu.memory_space<hbm>> -> memref<65536xf32, #tpu.memory_space<hbm>>
      %dma_wait3A_3120 = tpu.memref_slice %arg6[%add3A_1398] : memref<134217728xf32, #tpu.memory_space<hbm>> -> memref<65536xf32, #tpu.memory_space<hbm>>
      tpu.wait_dma2 semaphore(%run_scoped3A : memref<!tpu.dma_semaphore, #tpu.memory_space<semaphore_mem>>) src(%arg10 : memref<65536xf32, #tpu.memory_space<vmem>>) dst(%dma_wait3A_3120 : memref<65536xf32, #tpu.memory_space<hbm>>)
      tpu.yield
    }) : () -> ()
    tpu.vector_store_idx %arg10[%add3A_1376], %broadcast_in_dim3A_3 masked %and3A_1368 : memref<65536xf32, #tpu.memory_space<vmem>>[vector<16xi32>], vector<16xf32>, vector<16xi1>
    tpu.vector_store_idx %arg10[%add3A_1394], %broadcast_in_dim3A_3 masked %and3A_1386 : memref<65536xf32, #tpu.memory_space<vmem>>[vector<16xi32>], vector<16xf32>, vector<16xi1>
    %sub3A_1399 = arith.constant 64 : i32
    %sub3A_1400 = vector.broadcast %sub3A_1399 : i32 to vector<16xi32>
    %sub3A_1401 = arith.subi %convert_element_type3A_1214, %sub3A_1400 : vector<16xi32>
    %ge3A_1402 = arith.constant 0 : i32
    %ge3A_1403 = vector.broadcast %ge3A_1402 : i32 to vector<16xi32>
    %ge3A_1404 = arith.cmpi sge, %sub3A_1401, %ge3A_1403 : vector<16xi32>
    %lt3A_1405 = arith.constant 16 : i32
    %lt3A_1406 = vector.broadcast %lt3A_1405 : i32 to vector<16xi32>
    %lt3A_1407 = arith.cmpi slt, %sub3A_1401, %lt3A_1406 : vector<16xi32>
    %and3A_1408 = arith.andi %ge3A_1404, %lt3A_1407 : vector<16xi1>
    %mul3A_1409 = arith.constant 4096 : i32
    %mul3A_1410 = vector.broadcast %mul3A_1409 : i32 to vector<16xi32>
    %mul3A_1411 = arith.muli %sub3A_1401, %mul3A_1410 : vector<16xi32>
    %mul3A_1412 = arith.constant 128 : i32
    %mul3A_1413 = vector.broadcast %mul3A_1412 : i32 to vector<16xi32>
    %mul3A_1414 = arith.muli %add3A_1217, %mul3A_1413 : vector<16xi32>
    %add3A_1415 = arith.addi %mul3A_1411, %mul3A_1414 : vector<16xi32>
    %add3A_1416 = arith.addi %add3A_1415, %convert_element_type3A_1205 : vector<16xi32>
    tpu.vector_store_idx %arg10[%add3A_1416], %broadcast_in_dim3A_1 masked %and3A_1408 : memref<65536xf32, #tpu.memory_space<vmem>>[vector<16xi32>], vector<16xf32>, vector<16xi1>
    %sub3A_1417 = arith.constant 64 : i32
    %sub3A_1418 = vector.broadcast %sub3A_1417 : i32 to vector<16xi32>
    %sub3A_1419 = arith.subi %convert_element_type3A_1235, %sub3A_1418 : vector<16xi32>
    %ge3A_1420 = arith.constant 0 : i32
    %ge3A_1421 = vector.broadcast %ge3A_1420 : i32 to vector<16xi32>
    %ge3A_1422 = arith.cmpi sge, %sub3A_1419, %ge3A_1421 : vector<16xi32>
    %lt3A_1423 = arith.constant 16 : i32
    %lt3A_1424 = vector.broadcast %lt3A_1423 : i32 to vector<16xi32>
    %lt3A_1425 = arith.cmpi slt, %sub3A_1419, %lt3A_1424 : vector<16xi32>
    %and3A_1426 = arith.andi %ge3A_1422, %lt3A_1425 : vector<16xi1>
    %mul3A_1427 = arith.constant 4096 : i32
    %mul3A_1428 = vector.broadcast %mul3A_1427 : i32 to vector<16xi32>
    %mul3A_1429 = arith.muli %sub3A_1419, %mul3A_1428 : vector<16xi32>
    %mul3A_1430 = arith.constant 128 : i32
    %mul3A_1431 = vector.broadcast %mul3A_1430 : i32 to vector<16xi32>
    %mul3A_1432 = arith.muli %add3A_1238, %mul3A_1431 : vector<16xi32>
    %add3A_1433 = arith.addi %mul3A_1429, %mul3A_1432 : vector<16xi32>
    %add3A_1434 = arith.addi %add3A_1433, %convert_element_type3A_1226 : vector<16xi32>
    tpu.vector_store_idx %arg10[%add3A_1434], %broadcast_in_dim3A_1 masked %and3A_1426 : memref<65536xf32, #tpu.memory_space<vmem>>[vector<16xi32>], vector<16xf32>, vector<16xi1>
    %mul3A_1435 = arith.constant 524288 : i32
    %mul3A_1436 = arith.muli %add3A_1172, %mul3A_1435 : i32
    %add3A_1437 = arith.constant 262144 : i32
    %add3A_1438 = arith.addi %mul3A_1436, %add3A_1437 : i32
    "tpu.region"() ({
      %run_scoped3A = tpu.sem_alloc : memref<!tpu.dma_semaphore, #tpu.memory_space<semaphore_mem>>
      %dma_start3A = tpu.memref_slice %arg6[%add3A_1438] : memref<134217728xf32, #tpu.memory_space<hbm>> -> memref<65536xf32, #tpu.memory_space<hbm>>
      %dma_start3A_3119 = tpu.memref_slice %arg6[%add3A_1438] : memref<134217728xf32, #tpu.memory_space<hbm>> -> memref<65536xf32, #tpu.memory_space<hbm>>
      tpu.enqueue_dma source(%arg10 : memref<65536xf32, #tpu.memory_space<vmem>>) target(%dma_start3A_3119 : memref<65536xf32, #tpu.memory_space<hbm>>) target_semaphore(%run_scoped3A : memref<!tpu.dma_semaphore, #tpu.memory_space<semaphore_mem>>)
      %dma_wait3A = tpu.memref_slice %arg6[%add3A_1438] : memref<134217728xf32, #tpu.memory_space<hbm>> -> memref<65536xf32, #tpu.memory_space<hbm>>
      %dma_wait3A_3120 = tpu.memref_slice %arg6[%add3A_1438] : memref<134217728xf32, #tpu.memory_space<hbm>> -> memref<65536xf32, #tpu.memory_space<hbm>>
      tpu.wait_dma2 semaphore(%run_scoped3A : memref<!tpu.dma_semaphore, #tpu.memory_space<semaphore_mem>>) src(%arg10 : memref<65536xf32, #tpu.memory_space<vmem>>) dst(%dma_wait3A_3120 : memref<65536xf32, #tpu.memory_space<hbm>>)
      tpu.yield
    }) : () -> ()
    tpu.vector_store_idx %arg10[%add3A_1416], %broadcast_in_dim3A_3 masked %and3A_1408 : memref<65536xf32, #tpu.memory_space<vmem>>[vector<16xi32>], vector<16xf32>, vector<16xi1>
    tpu.vector_store_idx %arg10[%add3A_1434], %broadcast_in_dim3A_3 masked %and3A_1426 : memref<65536xf32, #tpu.memory_space<vmem>>[vector<16xi32>], vector<16xf32>, vector<16xi1>
    %sub3A_1439 = arith.constant 80 : i32
    %sub3A_1440 = vector.broadcast %sub3A_1439 : i32 to vector<16xi32>
    %sub3A_1441 = arith.subi %convert_element_type3A_1214, %sub3A_1440 : vector<16xi32>
    %ge3A_1442 = arith.constant 0 : i32
    %ge3A_1443 = vector.broadcast %ge3A_1442 : i32 to vector<16xi32>
    %ge3A_1444 = arith.cmpi sge, %sub3A_1441, %ge3A_1443 : vector<16xi32>
    %lt3A_1445 = arith.constant 16 : i32
    %lt3A_1446 = vector.broadcast %lt3A_1445 : i32 to vector<16xi32>
    %lt3A_1447 = arith.cmpi slt, %sub3A_1441, %lt3A_1446 : vector<16xi32>
    %and3A_1448 = arith.andi %ge3A_1444, %lt3A_1447 : vector<16xi1>
    %mul3A_1449 = arith.constant 4096 : i32
    %mul3A_1450 = vector.broadcast %mul3A_1449 : i32 to vector<16xi32>
    %mul3A_1451 = arith.muli %sub3A_1441, %mul3A_1450 : vector<16xi32>
    %mul3A_1452 = arith.constant 128 : i32
    %mul3A_1453 = vector.broadcast %mul3A_1452 : i32 to vector<16xi32>
    %mul3A_1454 = arith.muli %add3A_1217, %mul3A_1453 : vector<16xi32>
    %add3A_1455 = arith.addi %mul3A_1451, %mul3A_1454 : vector<16xi32>
    %add3A_1456 = arith.addi %add3A_1455, %convert_element_type3A_1205 : vector<16xi32>
    tpu.vector_store_idx %arg10[%add3A_1456], %broadcast_in_dim3A_1 masked %and3A_1448 : memref<65536xf32, #tpu.memory_space<vmem>>[vector<16xi32>], vector<16xf32>, vector<16xi1>
    %sub3A_1457 = arith.constant 80 : i32
    %sub3A_1458 = vector.broadcast %sub3A_1457 : i32 to vector<16xi32>
    %sub3A_1459 = arith.subi %convert_element_type3A_1235, %sub3A_1458 : vector<16xi32>
    %ge3A_1460 = arith.constant 0 : i32
    %ge3A_1461 = vector.broadcast %ge3A_1460 : i32 to vector<16xi32>
    %ge3A_1462 = arith.cmpi sge, %sub3A_1459, %ge3A_1461 : vector<16xi32>
    %lt3A_1463 = arith.constant 16 : i32
    %lt3A_1464 = vector.broadcast %lt3A_1463 : i32 to vector<16xi32>
    %lt3A_1465 = arith.cmpi slt, %sub3A_1459, %lt3A_1464 : vector<16xi32>
    %and3A_1466 = arith.andi %ge3A_1462, %lt3A_1465 : vector<16xi1>
    %mul3A_1467 = arith.constant 4096 : i32
    %mul3A_1468 = vector.broadcast %mul3A_1467 : i32 to vector<16xi32>
    %mul3A_1469 = arith.muli %sub3A_1459, %mul3A_1468 : vector<16xi32>
    %mul3A_1470 = arith.constant 128 : i32
    %mul3A_1471 = vector.broadcast %mul3A_1470 : i32 to vector<16xi32>
    %mul3A_1472 = arith.muli %add3A_1238, %mul3A_1471 : vector<16xi32>
    %add3A_1473 = arith.addi %mul3A_1469, %mul3A_1472 : vector<16xi32>
    %add3A_1474 = arith.addi %add3A_1473, %convert_element_type3A_1226 : vector<16xi32>
    tpu.vector_store_idx %arg10[%add3A_1474], %broadcast_in_dim3A_1 masked %and3A_1466 : memref<65536xf32, #tpu.memory_space<vmem>>[vector<16xi32>], vector<16xf32>, vector<16xi1>
    %mul3A_1475 = arith.constant 524288 : i32
    %mul3A_1476 = arith.muli %add3A_1172, %mul3A_1475 : i32
    %add3A_1477 = arith.constant 327680 : i32
    %add3A_1478 = arith.addi %mul3A_1476, %add3A_1477 : i32
    "tpu.region"() ({
      %run_scoped3A = tpu.sem_alloc : memref<!tpu.dma_semaphore, #tpu.memory_space<semaphore_mem>>
      %dma_start3A = tpu.memref_slice %arg6[%add3A_1478] : memref<134217728xf32, #tpu.memory_space<hbm>> -> memref<65536xf32, #tpu.memory_space<hbm>>
      %dma_start3A_3119 = tpu.memref_slice %arg6[%add3A_1478] : memref<134217728xf32, #tpu.memory_space<hbm>> -> memref<65536xf32, #tpu.memory_space<hbm>>
      tpu.enqueue_dma source(%arg10 : memref<65536xf32, #tpu.memory_space<vmem>>) target(%dma_start3A_3119 : memref<65536xf32, #tpu.memory_space<hbm>>) target_semaphore(%run_scoped3A : memref<!tpu.dma_semaphore, #tpu.memory_space<semaphore_mem>>)
      %dma_wait3A = tpu.memref_slice %arg6[%add3A_1478] : memref<134217728xf32, #tpu.memory_space<hbm>> -> memref<65536xf32, #tpu.memory_space<hbm>>
      %dma_wait3A_3120 = tpu.memref_slice %arg6[%add3A_1478] : memref<134217728xf32, #tpu.memory_space<hbm>> -> memref<65536xf32, #tpu.memory_space<hbm>>
      tpu.wait_dma2 semaphore(%run_scoped3A : memref<!tpu.dma_semaphore, #tpu.memory_space<semaphore_mem>>) src(%arg10 : memref<65536xf32, #tpu.memory_space<vmem>>) dst(%dma_wait3A_3120 : memref<65536xf32, #tpu.memory_space<hbm>>)
      tpu.yield
    }) : () -> ()
    tpu.vector_store_idx %arg10[%add3A_1456], %broadcast_in_dim3A_3 masked %and3A_1448 : memref<65536xf32, #tpu.memory_space<vmem>>[vector<16xi32>], vector<16xf32>, vector<16xi1>
    tpu.vector_store_idx %arg10[%add3A_1474], %broadcast_in_dim3A_3 masked %and3A_1466 : memref<65536xf32, #tpu.memory_space<vmem>>[vector<16xi32>], vector<16xf32>, vector<16xi1>
    %sub3A_1479 = arith.constant 96 : i32
    %sub3A_1480 = vector.broadcast %sub3A_1479 : i32 to vector<16xi32>
    %sub3A_1481 = arith.subi %convert_element_type3A_1214, %sub3A_1480 : vector<16xi32>
    %ge3A_1482 = arith.constant 0 : i32
    %ge3A_1483 = vector.broadcast %ge3A_1482 : i32 to vector<16xi32>
    %ge3A_1484 = arith.cmpi sge, %sub3A_1481, %ge3A_1483 : vector<16xi32>
    %lt3A_1485 = arith.constant 16 : i32
    %lt3A_1486 = vector.broadcast %lt3A_1485 : i32 to vector<16xi32>
    %lt3A_1487 = arith.cmpi slt, %sub3A_1481, %lt3A_1486 : vector<16xi32>
    %and3A_1488 = arith.andi %ge3A_1484, %lt3A_1487 : vector<16xi1>
    %mul3A_1489 = arith.constant 4096 : i32
    %mul3A_1490 = vector.broadcast %mul3A_1489 : i32 to vector<16xi32>
    %mul3A_1491 = arith.muli %sub3A_1481, %mul3A_1490 : vector<16xi32>
    %mul3A_1492 = arith.constant 128 : i32
    %mul3A_1493 = vector.broadcast %mul3A_1492 : i32 to vector<16xi32>
    %mul3A_1494 = arith.muli %add3A_1217, %mul3A_1493 : vector<16xi32>
    %add3A_1495 = arith.addi %mul3A_1491, %mul3A_1494 : vector<16xi32>
    %add3A_1496 = arith.addi %add3A_1495, %convert_element_type3A_1205 : vector<16xi32>
    tpu.vector_store_idx %arg10[%add3A_1496], %broadcast_in_dim3A_1 masked %and3A_1488 : memref<65536xf32, #tpu.memory_space<vmem>>[vector<16xi32>], vector<16xf32>, vector<16xi1>
    %sub3A_1497 = arith.constant 96 : i32
    %sub3A_1498 = vector.broadcast %sub3A_1497 : i32 to vector<16xi32>
    %sub3A_1499 = arith.subi %convert_element_type3A_1235, %sub3A_1498 : vector<16xi32>
    %ge3A_1500 = arith.constant 0 : i32
    %ge3A_1501 = vector.broadcast %ge3A_1500 : i32 to vector<16xi32>
    %ge3A_1502 = arith.cmpi sge, %sub3A_1499, %ge3A_1501 : vector<16xi32>
    %lt3A_1503 = arith.constant 16 : i32
    %lt3A_1504 = vector.broadcast %lt3A_1503 : i32 to vector<16xi32>
    %lt3A_1505 = arith.cmpi slt, %sub3A_1499, %lt3A_1504 : vector<16xi32>
    %and3A_1506 = arith.andi %ge3A_1502, %lt3A_1505 : vector<16xi1>
    %mul3A_1507 = arith.constant 4096 : i32
    %mul3A_1508 = vector.broadcast %mul3A_1507 : i32 to vector<16xi32>
    %mul3A_1509 = arith.muli %sub3A_1499, %mul3A_1508 : vector<16xi32>
    %mul3A_1510 = arith.constant 128 : i32
    %mul3A_1511 = vector.broadcast %mul3A_1510 : i32 to vector<16xi32>
    %mul3A_1512 = arith.muli %add3A_1238, %mul3A_1511 : vector<16xi32>
    %add3A_1513 = arith.addi %mul3A_1509, %mul3A_1512 : vector<16xi32>
    %add3A_1514 = arith.addi %add3A_1513, %convert_element_type3A_1226 : vector<16xi32>
    tpu.vector_store_idx %arg10[%add3A_1514], %broadcast_in_dim3A_1 masked %and3A_1506 : memref<65536xf32, #tpu.memory_space<vmem>>[vector<16xi32>], vector<16xf32>, vector<16xi1>
    %mul3A_1515 = arith.constant 524288 : i32
    %mul3A_1516 = arith.muli %add3A_1172, %mul3A_1515 : i32
    %add3A_1517 = arith.constant 393216 : i32
    %add3A_1518 = arith.addi %mul3A_1516, %add3A_1517 : i32
    "tpu.region"() ({
      %run_scoped3A = tpu.sem_alloc : memref<!tpu.dma_semaphore, #tpu.memory_space<semaphore_mem>>
      %dma_start3A = tpu.memref_slice %arg6[%add3A_1518] : memref<134217728xf32, #tpu.memory_space<hbm>> -> memref<65536xf32, #tpu.memory_space<hbm>>
      %dma_start3A_3119 = tpu.memref_slice %arg6[%add3A_1518] : memref<134217728xf32, #tpu.memory_space<hbm>> -> memref<65536xf32, #tpu.memory_space<hbm>>
      tpu.enqueue_dma source(%arg10 : memref<65536xf32, #tpu.memory_space<vmem>>) target(%dma_start3A_3119 : memref<65536xf32, #tpu.memory_space<hbm>>) target_semaphore(%run_scoped3A : memref<!tpu.dma_semaphore, #tpu.memory_space<semaphore_mem>>)
      %dma_wait3A = tpu.memref_slice %arg6[%add3A_1518] : memref<134217728xf32, #tpu.memory_space<hbm>> -> memref<65536xf32, #tpu.memory_space<hbm>>
      %dma_wait3A_3120 = tpu.memref_slice %arg6[%add3A_1518] : memref<134217728xf32, #tpu.memory_space<hbm>> -> memref<65536xf32, #tpu.memory_space<hbm>>
      tpu.wait_dma2 semaphore(%run_scoped3A : memref<!tpu.dma_semaphore, #tpu.memory_space<semaphore_mem>>) src(%arg10 : memref<65536xf32, #tpu.memory_space<vmem>>) dst(%dma_wait3A_3120 : memref<65536xf32, #tpu.memory_space<hbm>>)
      tpu.yield
    }) : () -> ()
    tpu.vector_store_idx %arg10[%add3A_1496], %broadcast_in_dim3A_3 masked %and3A_1488 : memref<65536xf32, #tpu.memory_space<vmem>>[vector<16xi32>], vector<16xf32>, vector<16xi1>
    tpu.vector_store_idx %arg10[%add3A_1514], %broadcast_in_dim3A_3 masked %and3A_1506 : memref<65536xf32, #tpu.memory_space<vmem>>[vector<16xi32>], vector<16xf32>, vector<16xi1>
    %sub3A_1519 = arith.constant 112 : i32
    %sub3A_1520 = vector.broadcast %sub3A_1519 : i32 to vector<16xi32>
    %sub3A_1521 = arith.subi %convert_element_type3A_1214, %sub3A_1520 : vector<16xi32>
    %ge3A_1522 = arith.constant 0 : i32
    %ge3A_1523 = vector.broadcast %ge3A_1522 : i32 to vector<16xi32>
    %ge3A_1524 = arith.cmpi sge, %sub3A_1521, %ge3A_1523 : vector<16xi32>
    %lt3A_1525 = arith.constant 16 : i32
    %lt3A_1526 = vector.broadcast %lt3A_1525 : i32 to vector<16xi32>
    %lt3A_1527 = arith.cmpi slt, %sub3A_1521, %lt3A_1526 : vector<16xi32>
    %and3A_1528 = arith.andi %ge3A_1524, %lt3A_1527 : vector<16xi1>
    %mul3A_1529 = arith.constant 4096 : i32
    %mul3A_1530 = vector.broadcast %mul3A_1529 : i32 to vector<16xi32>
    %mul3A_1531 = arith.muli %sub3A_1521, %mul3A_1530 : vector<16xi32>
    %mul3A_1532 = arith.constant 128 : i32
    %mul3A_1533 = vector.broadcast %mul3A_1532 : i32 to vector<16xi32>
    %mul3A_1534 = arith.muli %add3A_1217, %mul3A_1533 : vector<16xi32>
    %add3A_1535 = arith.addi %mul3A_1531, %mul3A_1534 : vector<16xi32>
    %add3A_1536 = arith.addi %add3A_1535, %convert_element_type3A_1205 : vector<16xi32>
    tpu.vector_store_idx %arg10[%add3A_1536], %broadcast_in_dim3A_1 masked %and3A_1528 : memref<65536xf32, #tpu.memory_space<vmem>>[vector<16xi32>], vector<16xf32>, vector<16xi1>
    %sub3A_1537 = arith.constant 112 : i32
    %sub3A_1538 = vector.broadcast %sub3A_1537 : i32 to vector<16xi32>
    %sub3A_1539 = arith.subi %convert_element_type3A_1235, %sub3A_1538 : vector<16xi32>
    %ge3A_1540 = arith.constant 0 : i32
    %ge3A_1541 = vector.broadcast %ge3A_1540 : i32 to vector<16xi32>
    %ge3A_1542 = arith.cmpi sge, %sub3A_1539, %ge3A_1541 : vector<16xi32>
    %lt3A_1543 = arith.constant 16 : i32
    %lt3A_1544 = vector.broadcast %lt3A_1543 : i32 to vector<16xi32>
    %lt3A_1545 = arith.cmpi slt, %sub3A_1539, %lt3A_1544 : vector<16xi32>
    %and3A_1546 = arith.andi %ge3A_1542, %lt3A_1545 : vector<16xi1>
    %mul3A_1547 = arith.constant 4096 : i32
    %mul3A_1548 = vector.broadcast %mul3A_1547 : i32 to vector<16xi32>
    %mul3A_1549 = arith.muli %sub3A_1539, %mul3A_1548 : vector<16xi32>
    %mul3A_1550 = arith.constant 128 : i32
    %mul3A_1551 = vector.broadcast %mul3A_1550 : i32 to vector<16xi32>
    %mul3A_1552 = arith.muli %add3A_1238, %mul3A_1551 : vector<16xi32>
    %add3A_1553 = arith.addi %mul3A_1549, %mul3A_1552 : vector<16xi32>
    %add3A_1554 = arith.addi %add3A_1553, %convert_element_type3A_1226 : vector<16xi32>
    tpu.vector_store_idx %arg10[%add3A_1554], %broadcast_in_dim3A_1 masked %and3A_1546 : memref<65536xf32, #tpu.memory_space<vmem>>[vector<16xi32>], vector<16xf32>, vector<16xi1>
    %mul3A_1555 = arith.constant 524288 : i32
    %mul3A_1556 = arith.muli %add3A_1172, %mul3A_1555 : i32
    %add3A_1557 = arith.constant 458752 : i32
    %add3A_1558 = arith.addi %mul3A_1556, %add3A_1557 : i32
    "tpu.region"() ({
      %run_scoped3A = tpu.sem_alloc : memref<!tpu.dma_semaphore, #tpu.memory_space<semaphore_mem>>
      %dma_start3A = tpu.memref_slice %arg6[%add3A_1558] : memref<134217728xf32, #tpu.memory_space<hbm>> -> memref<65536xf32, #tpu.memory_space<hbm>>
      %dma_start3A_3119 = tpu.memref_slice %arg6[%add3A_1558] : memref<134217728xf32, #tpu.memory_space<hbm>> -> memref<65536xf32, #tpu.memory_space<hbm>>
      tpu.enqueue_dma source(%arg10 : memref<65536xf32, #tpu.memory_space<vmem>>) target(%dma_start3A_3119 : memref<65536xf32, #tpu.memory_space<hbm>>) target_semaphore(%run_scoped3A : memref<!tpu.dma_semaphore, #tpu.memory_space<semaphore_mem>>)
      %dma_wait3A = tpu.memref_slice %arg6[%add3A_1558] : memref<134217728xf32, #tpu.memory_space<hbm>> -> memref<65536xf32, #tpu.memory_space<hbm>>
      %dma_wait3A_3120 = tpu.memref_slice %arg6[%add3A_1558] : memref<134217728xf32, #tpu.memory_space<hbm>> -> memref<65536xf32, #tpu.memory_space<hbm>>
      tpu.wait_dma2 semaphore(%run_scoped3A : memref<!tpu.dma_semaphore, #tpu.memory_space<semaphore_mem>>) src(%arg10 : memref<65536xf32, #tpu.memory_space<vmem>>) dst(%dma_wait3A_3120 : memref<65536xf32, #tpu.memory_space<hbm>>)
      tpu.yield
    }) : () -> ()
    tpu.vector_store_idx %arg10[%add3A_1536], %broadcast_in_dim3A_3 masked %and3A_1528 : memref<65536xf32, #tpu.memory_space<vmem>>[vector<16xi32>], vector<16xf32>, vector<16xi1>
    tpu.vector_store_idx %arg10[%add3A_1554], %broadcast_in_dim3A_3 masked %and3A_1546 : memref<65536xf32, #tpu.memory_space<vmem>>[vector<16xi32>], vector<16xf32>, vector<16xi1>
    %mul3A_1559 = arith.constant 8 : i32
    %mul3A_1560 = arith.muli %add3A, %mul3A_1559 : i32
    %add3A_1561 = arith.constant 4 : i32
    %add3A_1562 = arith.addi %mul3A_1560, %add3A_1561 : i32
    "tpu.region"() ({
      %run_scoped3A = tpu.sem_alloc : memref<!tpu.dma_semaphore, #tpu.memory_space<semaphore_mem>>
      %dma_start3A = arith.constant 0 : i32
      %dma_start3A_3119 = arith.constant 0 : i32
      %dma_start3A_3120 = tpu.memref_slice %arg2[%add3A_1562, %dma_start3A, %dma_start3A_3119] : memref<256x2x16xf32, #tpu.memory_space<hbm>> -> memref<1x2x16xf32, #tpu.memory_space<hbm>>
      %dma_start3A_3121 = arith.constant 0 : i32
      %dma_start3A_3122 = arith.constant 0 : i32
      %dma_start3A_3123 = tpu.memref_slice %arg2[%add3A_1562, %dma_start3A_3121, %dma_start3A_3122] : memref<256x2x16xf32, #tpu.memory_space<hbm>> -> memref<1x2x16xf32, #tpu.memory_space<hbm>>
      tpu.enqueue_dma source(%dma_start3A_3123 : memref<1x2x16xf32, #tpu.memory_space<hbm>>) target(%arg7 : memref<1x2x16xf32, #tpu.memory_space<vmem>>) target_semaphore(%run_scoped3A : memref<!tpu.dma_semaphore, #tpu.memory_space<semaphore_mem>>)
      %dma_wait3A = arith.constant 0 : i32
      %dma_wait3A_3124 = arith.constant 0 : i32
      %dma_wait3A_3125 = tpu.memref_slice %arg2[%add3A_1562, %dma_wait3A, %dma_wait3A_3124] : memref<256x2x16xf32, #tpu.memory_space<hbm>> -> memref<1x2x16xf32, #tpu.memory_space<hbm>>
      %dma_wait3A_3126 = arith.constant 0 : i32
      %dma_wait3A_3127 = arith.constant 0 : i32
      %dma_wait3A_3128 = tpu.memref_slice %arg2[%add3A_1562, %dma_wait3A_3126, %dma_wait3A_3127] : memref<256x2x16xf32, #tpu.memory_space<hbm>> -> memref<1x2x16xf32, #tpu.memory_space<hbm>>
      tpu.wait_dma2 semaphore(%run_scoped3A : memref<!tpu.dma_semaphore, #tpu.memory_space<semaphore_mem>>) src(%dma_wait3A_3128 : memref<1x2x16xf32, #tpu.memory_space<hbm>>) dst(%arg7 : memref<1x2x16xf32, #tpu.memory_space<vmem>>)
      tpu.yield
    }) : () -> ()
    "tpu.region"() ({
      %run_scoped3A = tpu.sem_alloc : memref<!tpu.dma_semaphore, #tpu.memory_space<semaphore_mem>>
      %dma_start3A = arith.constant 0 : i32
      %dma_start3A_3119 = arith.constant 0 : i32
      %dma_start3A_3120 = tpu.memref_slice %arg3[%add3A_1562, %dma_start3A, %dma_start3A_3119] : memref<256x2x16xf32, #tpu.memory_space<hbm>> -> memref<1x2x16xf32, #tpu.memory_space<hbm>>
      %dma_start3A_3121 = arith.constant 0 : i32
      %dma_start3A_3122 = arith.constant 0 : i32
      %dma_start3A_3123 = tpu.memref_slice %arg3[%add3A_1562, %dma_start3A_3121, %dma_start3A_3122] : memref<256x2x16xf32, #tpu.memory_space<hbm>> -> memref<1x2x16xf32, #tpu.memory_space<hbm>>
      tpu.enqueue_dma source(%dma_start3A_3123 : memref<1x2x16xf32, #tpu.memory_space<hbm>>) target(%arg8 : memref<1x2x16xf32, #tpu.memory_space<vmem>>) target_semaphore(%run_scoped3A : memref<!tpu.dma_semaphore, #tpu.memory_space<semaphore_mem>>)
      %dma_wait3A = arith.constant 0 : i32
      %dma_wait3A_3124 = arith.constant 0 : i32
      %dma_wait3A_3125 = tpu.memref_slice %arg3[%add3A_1562, %dma_wait3A, %dma_wait3A_3124] : memref<256x2x16xf32, #tpu.memory_space<hbm>> -> memref<1x2x16xf32, #tpu.memory_space<hbm>>
      %dma_wait3A_3126 = arith.constant 0 : i32
      %dma_wait3A_3127 = arith.constant 0 : i32
      %dma_wait3A_3128 = tpu.memref_slice %arg3[%add3A_1562, %dma_wait3A_3126, %dma_wait3A_3127] : memref<256x2x16xf32, #tpu.memory_space<hbm>> -> memref<1x2x16xf32, #tpu.memory_space<hbm>>
      tpu.wait_dma2 semaphore(%run_scoped3A : memref<!tpu.dma_semaphore, #tpu.memory_space<semaphore_mem>>) src(%dma_wait3A_3128 : memref<1x2x16xf32, #tpu.memory_space<hbm>>) dst(%arg8 : memref<1x2x16xf32, #tpu.memory_space<vmem>>)
      tpu.yield
    }) : () -> ()
    "tpu.region"() ({
      %run_scoped3A = tpu.sem_alloc : memref<!tpu.dma_semaphore, #tpu.memory_space<semaphore_mem>>
      %dma_start3A = arith.constant 0 : i32
      %dma_start3A_3119 = arith.constant 0 : i32
      %dma_start3A_3120 = tpu.memref_slice %arg4[%add3A_1562, %dma_start3A, %dma_start3A_3119] : memref<256x4x16xf32, #tpu.memory_space<hbm>> -> memref<1x4x16xf32, #tpu.memory_space<hbm>>
      %dma_start3A_3121 = arith.constant 0 : i32
      %dma_start3A_3122 = arith.constant 0 : i32
      %dma_start3A_3123 = tpu.memref_slice %arg4[%add3A_1562, %dma_start3A_3121, %dma_start3A_3122] : memref<256x4x16xf32, #tpu.memory_space<hbm>> -> memref<1x4x16xf32, #tpu.memory_space<hbm>>
      tpu.enqueue_dma source(%dma_start3A_3123 : memref<1x4x16xf32, #tpu.memory_space<hbm>>) target(%arg9 : memref<1x4x16xf32, #tpu.memory_space<vmem>>) target_semaphore(%run_scoped3A : memref<!tpu.dma_semaphore, #tpu.memory_space<semaphore_mem>>)
      %dma_wait3A = arith.constant 0 : i32
      %dma_wait3A_3124 = arith.constant 0 : i32
      %dma_wait3A_3125 = tpu.memref_slice %arg4[%add3A_1562, %dma_wait3A, %dma_wait3A_3124] : memref<256x4x16xf32, #tpu.memory_space<hbm>> -> memref<1x4x16xf32, #tpu.memory_space<hbm>>
      %dma_wait3A_3126 = arith.constant 0 : i32
      %dma_wait3A_3127 = arith.constant 0 : i32
      %dma_wait3A_3128 = tpu.memref_slice %arg4[%add3A_1562, %dma_wait3A_3126, %dma_wait3A_3127] : memref<256x4x16xf32, #tpu.memory_space<hbm>> -> memref<1x4x16xf32, #tpu.memory_space<hbm>>
      tpu.wait_dma2 semaphore(%run_scoped3A : memref<!tpu.dma_semaphore, #tpu.memory_space<semaphore_mem>>) src(%dma_wait3A_3128 : memref<1x4x16xf32, #tpu.memory_space<hbm>>) dst(%arg9 : memref<1x4x16xf32, #tpu.memory_space<vmem>>)
      tpu.yield
    }) : () -> ()
    %get3A_1563 = arith.constant 0 : i32
    %get3A_1564 = arith.constant 0 : i32
    %get3A_1565 = arith.index_cast %get3A_1563 : i32 to index
    %get3A_1566 = arith.index_cast %get3A_1564 : i32 to index
    %get3A_1567 = arith.constant 0 : index
    %get3A_1568 = tpu.vector_load %arg9[%get3A_1565, %get3A_1566, %get3A_1567] {strides = array<i32>} : memref<1x4x16xf32, #tpu.memory_space<vmem>>, vector<16xf32>,
    %get3A_1569 = arith.constant 0 : i32
    %get3A_1570 = arith.constant 1 : i32
    %get3A_1571 = arith.index_cast %get3A_1569 : i32 to index
    %get3A_1572 = arith.index_cast %get3A_1570 : i32 to index
    %get3A_1573 = arith.constant 0 : index
    %get3A_1574 = tpu.vector_load %arg9[%get3A_1571, %get3A_1572, %get3A_1573] {strides = array<i32>} : memref<1x4x16xf32, #tpu.memory_space<vmem>>, vector<16xf32>,
    %get3A_1575 = arith.constant 0 : i32
    %get3A_1576 = arith.constant 2 : i32
    %get3A_1577 = arith.index_cast %get3A_1575 : i32 to index
    %get3A_1578 = arith.index_cast %get3A_1576 : i32 to index
    %get3A_1579 = arith.constant 0 : index
    %get3A_1580 = tpu.vector_load %arg9[%get3A_1577, %get3A_1578, %get3A_1579] {strides = array<i32>} : memref<1x4x16xf32, #tpu.memory_space<vmem>>, vector<16xf32>,
    %get3A_1581 = arith.constant 0 : i32
    %get3A_1582 = arith.constant 3 : i32
    %get3A_1583 = arith.index_cast %get3A_1581 : i32 to index
    %get3A_1584 = arith.index_cast %get3A_1582 : i32 to index
    %get3A_1585 = arith.constant 0 : index
    %get3A_1586 = tpu.vector_load %arg9[%get3A_1583, %get3A_1584, %get3A_1585] {strides = array<i32>} : memref<1x4x16xf32, #tpu.memory_space<vmem>>, vector<16xf32>,
    %get3A_1587 = arith.constant 0 : i32
    %get3A_1588 = arith.constant 0 : i32
    %get3A_1589 = arith.index_cast %get3A_1587 : i32 to index
    %get3A_1590 = arith.index_cast %get3A_1588 : i32 to index
    %get3A_1591 = arith.constant 0 : index
    %get3A_1592 = tpu.vector_load %arg7[%get3A_1589, %get3A_1590, %get3A_1591] {strides = array<i32>} : memref<1x2x16xf32, #tpu.memory_space<vmem>>, vector<16xf32>,
    %div3A_1593 = arith.divf %get3A_1592, %get3A_1568 : vector<16xf32>
    %add3A_1594 = arith.addf %div3A_1593, %get3A_1580 : vector<16xf32>
    %convert_element_type3A_1595 = arith.fptosi %add3A_1594 : vector<16xf32> to vector<16xi32>
    %get3A_1596 = arith.constant 0 : i32
    %get3A_1597 = arith.constant 0 : i32
    %get3A_1598 = arith.index_cast %get3A_1596 : i32 to index
    %get3A_1599 = arith.index_cast %get3A_1597 : i32 to index
    %get3A_1600 = arith.constant 0 : index
    %get3A_1601 = tpu.vector_load %arg8[%get3A_1598, %get3A_1599, %get3A_1600] {strides = array<i32>} : memref<1x2x16xf32, #tpu.memory_space<vmem>>, vector<16xf32>,
    %div3A_1602 = arith.divf %get3A_1601, %get3A_1574 : vector<16xf32>
    %add3A_1603 = arith.addf %div3A_1602, %get3A_1586 : vector<16xf32>
    %convert_element_type3A_1604 = arith.fptosi %add3A_1603 : vector<16xf32> to vector<16xi32>
    %add3A_1605 = arith.constant 0 : i32
    %add3A_1606 = vector.broadcast %add3A_1605 : i32 to vector<16xi32>
    %add3A_1607 = arith.addi %iota3A, %add3A_1606 : vector<16xi32>
    %get3A_1608 = arith.constant 0 : i32
    %get3A_1609 = arith.constant 1 : i32
    %get3A_1610 = arith.index_cast %get3A_1608 : i32 to index
    %get3A_1611 = arith.index_cast %get3A_1609 : i32 to index
    %get3A_1612 = arith.constant 0 : index
    %get3A_1613 = tpu.vector_load %arg7[%get3A_1610, %get3A_1611, %get3A_1612] {strides = array<i32>} : memref<1x2x16xf32, #tpu.memory_space<vmem>>, vector<16xf32>,
    %div3A_1614 = arith.divf %get3A_1613, %get3A_1568 : vector<16xf32>
    %add3A_1615 = arith.addf %div3A_1614, %get3A_1580 : vector<16xf32>
    %convert_element_type3A_1616 = arith.fptosi %add3A_1615 : vector<16xf32> to vector<16xi32>
    %get3A_1617 = arith.constant 0 : i32
    %get3A_1618 = arith.constant 1 : i32
    %get3A_1619 = arith.index_cast %get3A_1617 : i32 to index
    %get3A_1620 = arith.index_cast %get3A_1618 : i32 to index
    %get3A_1621 = arith.constant 0 : index
    %get3A_1622 = tpu.vector_load %arg8[%get3A_1619, %get3A_1620, %get3A_1621] {strides = array<i32>} : memref<1x2x16xf32, #tpu.memory_space<vmem>>, vector<16xf32>,
    %div3A_1623 = arith.divf %get3A_1622, %get3A_1574 : vector<16xf32>
    %add3A_1624 = arith.addf %div3A_1623, %get3A_1586 : vector<16xf32>
    %convert_element_type3A_1625 = arith.fptosi %add3A_1624 : vector<16xf32> to vector<16xi32>
    %add3A_1626 = arith.constant 16 : i32
    %add3A_1627 = vector.broadcast %add3A_1626 : i32 to vector<16xi32>
    %add3A_1628 = arith.addi %iota3A, %add3A_1627 : vector<16xi32>
    %sub3A_1629 = arith.constant 0 : i32
    %sub3A_1630 = vector.broadcast %sub3A_1629 : i32 to vector<16xi32>
    %sub3A_1631 = arith.subi %convert_element_type3A_1604, %sub3A_1630 : vector<16xi32>
    %ge3A_1632 = arith.constant 0 : i32
    %ge3A_1633 = vector.broadcast %ge3A_1632 : i32 to vector<16xi32>
    %ge3A_1634 = arith.cmpi sge, %sub3A_1631, %ge3A_1633 : vector<16xi32>
    %lt3A_1635 = arith.constant 16 : i32
    %lt3A_1636 = vector.broadcast %lt3A_1635 : i32 to vector<16xi32>
    %lt3A_1637 = arith.cmpi slt, %sub3A_1631, %lt3A_1636 : vector<16xi32>
    %and3A_1638 = arith.andi %ge3A_1634, %lt3A_1637 : vector<16xi1>
    %mul3A_1639 = arith.constant 4096 : i32
    %mul3A_1640 = vector.broadcast %mul3A_1639 : i32 to vector<16xi32>
    %mul3A_1641 = arith.muli %sub3A_1631, %mul3A_1640 : vector<16xi32>
    %mul3A_1642 = arith.constant 128 : i32
    %mul3A_1643 = vector.broadcast %mul3A_1642 : i32 to vector<16xi32>
    %mul3A_1644 = arith.muli %add3A_1607, %mul3A_1643 : vector<16xi32>
    %add3A_1645 = arith.addi %mul3A_1641, %mul3A_1644 : vector<16xi32>
    %add3A_1646 = arith.addi %add3A_1645, %convert_element_type3A_1595 : vector<16xi32>
    tpu.vector_store_idx %arg10[%add3A_1646], %broadcast_in_dim3A_1 masked %and3A_1638 : memref<65536xf32, #tpu.memory_space<vmem>>[vector<16xi32>], vector<16xf32>, vector<16xi1>
    %sub3A_1647 = arith.constant 0 : i32
    %sub3A_1648 = vector.broadcast %sub3A_1647 : i32 to vector<16xi32>
    %sub3A_1649 = arith.subi %convert_element_type3A_1625, %sub3A_1648 : vector<16xi32>
    %ge3A_1650 = arith.constant 0 : i32
    %ge3A_1651 = vector.broadcast %ge3A_1650 : i32 to vector<16xi32>
    %ge3A_1652 = arith.cmpi sge, %sub3A_1649, %ge3A_1651 : vector<16xi32>
    %lt3A_1653 = arith.constant 16 : i32
    %lt3A_1654 = vector.broadcast %lt3A_1653 : i32 to vector<16xi32>
    %lt3A_1655 = arith.cmpi slt, %sub3A_1649, %lt3A_1654 : vector<16xi32>
    %and3A_1656 = arith.andi %ge3A_1652, %lt3A_1655 : vector<16xi1>
    %mul3A_1657 = arith.constant 4096 : i32
    %mul3A_1658 = vector.broadcast %mul3A_1657 : i32 to vector<16xi32>
    %mul3A_1659 = arith.muli %sub3A_1649, %mul3A_1658 : vector<16xi32>
    %mul3A_1660 = arith.constant 128 : i32
    %mul3A_1661 = vector.broadcast %mul3A_1660 : i32 to vector<16xi32>
    %mul3A_1662 = arith.muli %add3A_1628, %mul3A_1661 : vector<16xi32>
    %add3A_1663 = arith.addi %mul3A_1659, %mul3A_1662 : vector<16xi32>
    %add3A_1664 = arith.addi %add3A_1663, %convert_element_type3A_1616 : vector<16xi32>
    tpu.vector_store_idx %arg10[%add3A_1664], %broadcast_in_dim3A_1 masked %and3A_1656 : memref<65536xf32, #tpu.memory_space<vmem>>[vector<16xi32>], vector<16xf32>, vector<16xi1>
    %mul3A_1665 = arith.constant 524288 : i32
    %mul3A_1666 = arith.muli %add3A_1562, %mul3A_1665 : i32
    %add3A_1667 = arith.constant 0 : i32
    %add3A_1668 = arith.addi %mul3A_1666, %add3A_1667 : i32
    "tpu.region"() ({
      %run_scoped3A = tpu.sem_alloc : memref<!tpu.dma_semaphore, #tpu.memory_space<semaphore_mem>>
      %dma_start3A = tpu.memref_slice %arg6[%add3A_1668] : memref<134217728xf32, #tpu.memory_space<hbm>> -> memref<65536xf32, #tpu.memory_space<hbm>>
      %dma_start3A_3119 = tpu.memref_slice %arg6[%add3A_1668] : memref<134217728xf32, #tpu.memory_space<hbm>> -> memref<65536xf32, #tpu.memory_space<hbm>>
      tpu.enqueue_dma source(%arg10 : memref<65536xf32, #tpu.memory_space<vmem>>) target(%dma_start3A_3119 : memref<65536xf32, #tpu.memory_space<hbm>>) target_semaphore(%run_scoped3A : memref<!tpu.dma_semaphore, #tpu.memory_space<semaphore_mem>>)
      %dma_wait3A = tpu.memref_slice %arg6[%add3A_1668] : memref<134217728xf32, #tpu.memory_space<hbm>> -> memref<65536xf32, #tpu.memory_space<hbm>>
      %dma_wait3A_3120 = tpu.memref_slice %arg6[%add3A_1668] : memref<134217728xf32, #tpu.memory_space<hbm>> -> memref<65536xf32, #tpu.memory_space<hbm>>
      tpu.wait_dma2 semaphore(%run_scoped3A : memref<!tpu.dma_semaphore, #tpu.memory_space<semaphore_mem>>) src(%arg10 : memref<65536xf32, #tpu.memory_space<vmem>>) dst(%dma_wait3A_3120 : memref<65536xf32, #tpu.memory_space<hbm>>)
      tpu.yield
    }) : () -> ()
    tpu.vector_store_idx %arg10[%add3A_1646], %broadcast_in_dim3A_3 masked %and3A_1638 : memref<65536xf32, #tpu.memory_space<vmem>>[vector<16xi32>], vector<16xf32>, vector<16xi1>
    tpu.vector_store_idx %arg10[%add3A_1664], %broadcast_in_dim3A_3 masked %and3A_1656 : memref<65536xf32, #tpu.memory_space<vmem>>[vector<16xi32>], vector<16xf32>, vector<16xi1>
    %sub3A_1669 = arith.constant 16 : i32
    %sub3A_1670 = vector.broadcast %sub3A_1669 : i32 to vector<16xi32>
    %sub3A_1671 = arith.subi %convert_element_type3A_1604, %sub3A_1670 : vector<16xi32>
    %ge3A_1672 = arith.constant 0 : i32
    %ge3A_1673 = vector.broadcast %ge3A_1672 : i32 to vector<16xi32>
    %ge3A_1674 = arith.cmpi sge, %sub3A_1671, %ge3A_1673 : vector<16xi32>
    %lt3A_1675 = arith.constant 16 : i32
    %lt3A_1676 = vector.broadcast %lt3A_1675 : i32 to vector<16xi32>
    %lt3A_1677 = arith.cmpi slt, %sub3A_1671, %lt3A_1676 : vector<16xi32>
    %and3A_1678 = arith.andi %ge3A_1674, %lt3A_1677 : vector<16xi1>
    %mul3A_1679 = arith.constant 4096 : i32
    %mul3A_1680 = vector.broadcast %mul3A_1679 : i32 to vector<16xi32>
    %mul3A_1681 = arith.muli %sub3A_1671, %mul3A_1680 : vector<16xi32>
    %mul3A_1682 = arith.constant 128 : i32
    %mul3A_1683 = vector.broadcast %mul3A_1682 : i32 to vector<16xi32>
    %mul3A_1684 = arith.muli %add3A_1607, %mul3A_1683 : vector<16xi32>
    %add3A_1685 = arith.addi %mul3A_1681, %mul3A_1684 : vector<16xi32>
    %add3A_1686 = arith.addi %add3A_1685, %convert_element_type3A_1595 : vector<16xi32>
    tpu.vector_store_idx %arg10[%add3A_1686], %broadcast_in_dim3A_1 masked %and3A_1678 : memref<65536xf32, #tpu.memory_space<vmem>>[vector<16xi32>], vector<16xf32>, vector<16xi1>
    %sub3A_1687 = arith.constant 16 : i32
    %sub3A_1688 = vector.broadcast %sub3A_1687 : i32 to vector<16xi32>
    %sub3A_1689 = arith.subi %convert_element_type3A_1625, %sub3A_1688 : vector<16xi32>
    %ge3A_1690 = arith.constant 0 : i32
    %ge3A_1691 = vector.broadcast %ge3A_1690 : i32 to vector<16xi32>
    %ge3A_1692 = arith.cmpi sge, %sub3A_1689, %ge3A_1691 : vector<16xi32>
    %lt3A_1693 = arith.constant 16 : i32
    %lt3A_1694 = vector.broadcast %lt3A_1693 : i32 to vector<16xi32>
    %lt3A_1695 = arith.cmpi slt, %sub3A_1689, %lt3A_1694 : vector<16xi32>
    %and3A_1696 = arith.andi %ge3A_1692, %lt3A_1695 : vector<16xi1>
    %mul3A_1697 = arith.constant 4096 : i32
    %mul3A_1698 = vector.broadcast %mul3A_1697 : i32 to vector<16xi32>
    %mul3A_1699 = arith.muli %sub3A_1689, %mul3A_1698 : vector<16xi32>
    %mul3A_1700 = arith.constant 128 : i32
    %mul3A_1701 = vector.broadcast %mul3A_1700 : i32 to vector<16xi32>
    %mul3A_1702 = arith.muli %add3A_1628, %mul3A_1701 : vector<16xi32>
    %add3A_1703 = arith.addi %mul3A_1699, %mul3A_1702 : vector<16xi32>
    %add3A_1704 = arith.addi %add3A_1703, %convert_element_type3A_1616 : vector<16xi32>
    tpu.vector_store_idx %arg10[%add3A_1704], %broadcast_in_dim3A_1 masked %and3A_1696 : memref<65536xf32, #tpu.memory_space<vmem>>[vector<16xi32>], vector<16xf32>, vector<16xi1>
    %mul3A_1705 = arith.constant 524288 : i32
    %mul3A_1706 = arith.muli %add3A_1562, %mul3A_1705 : i32
    %add3A_1707 = arith.constant 65536 : i32
    %add3A_1708 = arith.addi %mul3A_1706, %add3A_1707 : i32
    "tpu.region"() ({
      %run_scoped3A = tpu.sem_alloc : memref<!tpu.dma_semaphore, #tpu.memory_space<semaphore_mem>>
      %dma_start3A = tpu.memref_slice %arg6[%add3A_1708] : memref<134217728xf32, #tpu.memory_space<hbm>> -> memref<65536xf32, #tpu.memory_space<hbm>>
      %dma_start3A_3119 = tpu.memref_slice %arg6[%add3A_1708] : memref<134217728xf32, #tpu.memory_space<hbm>> -> memref<65536xf32, #tpu.memory_space<hbm>>
      tpu.enqueue_dma source(%arg10 : memref<65536xf32, #tpu.memory_space<vmem>>) target(%dma_start3A_3119 : memref<65536xf32, #tpu.memory_space<hbm>>) target_semaphore(%run_scoped3A : memref<!tpu.dma_semaphore, #tpu.memory_space<semaphore_mem>>)
      %dma_wait3A = tpu.memref_slice %arg6[%add3A_1708] : memref<134217728xf32, #tpu.memory_space<hbm>> -> memref<65536xf32, #tpu.memory_space<hbm>>
      %dma_wait3A_3120 = tpu.memref_slice %arg6[%add3A_1708] : memref<134217728xf32, #tpu.memory_space<hbm>> -> memref<65536xf32, #tpu.memory_space<hbm>>
      tpu.wait_dma2 semaphore(%run_scoped3A : memref<!tpu.dma_semaphore, #tpu.memory_space<semaphore_mem>>) src(%arg10 : memref<65536xf32, #tpu.memory_space<vmem>>) dst(%dma_wait3A_3120 : memref<65536xf32, #tpu.memory_space<hbm>>)
      tpu.yield
    }) : () -> ()
    tpu.vector_store_idx %arg10[%add3A_1686], %broadcast_in_dim3A_3 masked %and3A_1678 : memref<65536xf32, #tpu.memory_space<vmem>>[vector<16xi32>], vector<16xf32>, vector<16xi1>
    tpu.vector_store_idx %arg10[%add3A_1704], %broadcast_in_dim3A_3 masked %and3A_1696 : memref<65536xf32, #tpu.memory_space<vmem>>[vector<16xi32>], vector<16xf32>, vector<16xi1>
    %sub3A_1709 = arith.constant 32 : i32
    %sub3A_1710 = vector.broadcast %sub3A_1709 : i32 to vector<16xi32>
    %sub3A_1711 = arith.subi %convert_element_type3A_1604, %sub3A_1710 : vector<16xi32>
    %ge3A_1712 = arith.constant 0 : i32
    %ge3A_1713 = vector.broadcast %ge3A_1712 : i32 to vector<16xi32>
    %ge3A_1714 = arith.cmpi sge, %sub3A_1711, %ge3A_1713 : vector<16xi32>
    %lt3A_1715 = arith.constant 16 : i32
    %lt3A_1716 = vector.broadcast %lt3A_1715 : i32 to vector<16xi32>
    %lt3A_1717 = arith.cmpi slt, %sub3A_1711, %lt3A_1716 : vector<16xi32>
    %and3A_1718 = arith.andi %ge3A_1714, %lt3A_1717 : vector<16xi1>
    %mul3A_1719 = arith.constant 4096 : i32
    %mul3A_1720 = vector.broadcast %mul3A_1719 : i32 to vector<16xi32>
    %mul3A_1721 = arith.muli %sub3A_1711, %mul3A_1720 : vector<16xi32>
    %mul3A_1722 = arith.constant 128 : i32
    %mul3A_1723 = vector.broadcast %mul3A_1722 : i32 to vector<16xi32>
    %mul3A_1724 = arith.muli %add3A_1607, %mul3A_1723 : vector<16xi32>
    %add3A_1725 = arith.addi %mul3A_1721, %mul3A_1724 : vector<16xi32>
    %add3A_1726 = arith.addi %add3A_1725, %convert_element_type3A_1595 : vector<16xi32>
    tpu.vector_store_idx %arg10[%add3A_1726], %broadcast_in_dim3A_1 masked %and3A_1718 : memref<65536xf32, #tpu.memory_space<vmem>>[vector<16xi32>], vector<16xf32>, vector<16xi1>
    %sub3A_1727 = arith.constant 32 : i32
    %sub3A_1728 = vector.broadcast %sub3A_1727 : i32 to vector<16xi32>
    %sub3A_1729 = arith.subi %convert_element_type3A_1625, %sub3A_1728 : vector<16xi32>
    %ge3A_1730 = arith.constant 0 : i32
    %ge3A_1731 = vector.broadcast %ge3A_1730 : i32 to vector<16xi32>
    %ge3A_1732 = arith.cmpi sge, %sub3A_1729, %ge3A_1731 : vector<16xi32>
    %lt3A_1733 = arith.constant 16 : i32
    %lt3A_1734 = vector.broadcast %lt3A_1733 : i32 to vector<16xi32>
    %lt3A_1735 = arith.cmpi slt, %sub3A_1729, %lt3A_1734 : vector<16xi32>
    %and3A_1736 = arith.andi %ge3A_1732, %lt3A_1735 : vector<16xi1>
    %mul3A_1737 = arith.constant 4096 : i32
    %mul3A_1738 = vector.broadcast %mul3A_1737 : i32 to vector<16xi32>
    %mul3A_1739 = arith.muli %sub3A_1729, %mul3A_1738 : vector<16xi32>
    %mul3A_1740 = arith.constant 128 : i32
    %mul3A_1741 = vector.broadcast %mul3A_1740 : i32 to vector<16xi32>
    %mul3A_1742 = arith.muli %add3A_1628, %mul3A_1741 : vector<16xi32>
    %add3A_1743 = arith.addi %mul3A_1739, %mul3A_1742 : vector<16xi32>
    %add3A_1744 = arith.addi %add3A_1743, %convert_element_type3A_1616 : vector<16xi32>
    tpu.vector_store_idx %arg10[%add3A_1744], %broadcast_in_dim3A_1 masked %and3A_1736 : memref<65536xf32, #tpu.memory_space<vmem>>[vector<16xi32>], vector<16xf32>, vector<16xi1>
    %mul3A_1745 = arith.constant 524288 : i32
    %mul3A_1746 = arith.muli %add3A_1562, %mul3A_1745 : i32
    %add3A_1747 = arith.constant 131072 : i32
    %add3A_1748 = arith.addi %mul3A_1746, %add3A_1747 : i32
    "tpu.region"() ({
      %run_scoped3A = tpu.sem_alloc : memref<!tpu.dma_semaphore, #tpu.memory_space<semaphore_mem>>
      %dma_start3A = tpu.memref_slice %arg6[%add3A_1748] : memref<134217728xf32, #tpu.memory_space<hbm>> -> memref<65536xf32, #tpu.memory_space<hbm>>
      %dma_start3A_3119 = tpu.memref_slice %arg6[%add3A_1748] : memref<134217728xf32, #tpu.memory_space<hbm>> -> memref<65536xf32, #tpu.memory_space<hbm>>
      tpu.enqueue_dma source(%arg10 : memref<65536xf32, #tpu.memory_space<vmem>>) target(%dma_start3A_3119 : memref<65536xf32, #tpu.memory_space<hbm>>) target_semaphore(%run_scoped3A : memref<!tpu.dma_semaphore, #tpu.memory_space<semaphore_mem>>)
      %dma_wait3A = tpu.memref_slice %arg6[%add3A_1748] : memref<134217728xf32, #tpu.memory_space<hbm>> -> memref<65536xf32, #tpu.memory_space<hbm>>
      %dma_wait3A_3120 = tpu.memref_slice %arg6[%add3A_1748] : memref<134217728xf32, #tpu.memory_space<hbm>> -> memref<65536xf32, #tpu.memory_space<hbm>>
      tpu.wait_dma2 semaphore(%run_scoped3A : memref<!tpu.dma_semaphore, #tpu.memory_space<semaphore_mem>>) src(%arg10 : memref<65536xf32, #tpu.memory_space<vmem>>) dst(%dma_wait3A_3120 : memref<65536xf32, #tpu.memory_space<hbm>>)
      tpu.yield
    }) : () -> ()
    tpu.vector_store_idx %arg10[%add3A_1726], %broadcast_in_dim3A_3 masked %and3A_1718 : memref<65536xf32, #tpu.memory_space<vmem>>[vector<16xi32>], vector<16xf32>, vector<16xi1>
    tpu.vector_store_idx %arg10[%add3A_1744], %broadcast_in_dim3A_3 masked %and3A_1736 : memref<65536xf32, #tpu.memory_space<vmem>>[vector<16xi32>], vector<16xf32>, vector<16xi1>
    %sub3A_1749 = arith.constant 48 : i32
    %sub3A_1750 = vector.broadcast %sub3A_1749 : i32 to vector<16xi32>
    %sub3A_1751 = arith.subi %convert_element_type3A_1604, %sub3A_1750 : vector<16xi32>
    %ge3A_1752 = arith.constant 0 : i32
    %ge3A_1753 = vector.broadcast %ge3A_1752 : i32 to vector<16xi32>
    %ge3A_1754 = arith.cmpi sge, %sub3A_1751, %ge3A_1753 : vector<16xi32>
    %lt3A_1755 = arith.constant 16 : i32
    %lt3A_1756 = vector.broadcast %lt3A_1755 : i32 to vector<16xi32>
    %lt3A_1757 = arith.cmpi slt, %sub3A_1751, %lt3A_1756 : vector<16xi32>
    %and3A_1758 = arith.andi %ge3A_1754, %lt3A_1757 : vector<16xi1>
    %mul3A_1759 = arith.constant 4096 : i32
    %mul3A_1760 = vector.broadcast %mul3A_1759 : i32 to vector<16xi32>
    %mul3A_1761 = arith.muli %sub3A_1751, %mul3A_1760 : vector<16xi32>
    %mul3A_1762 = arith.constant 128 : i32
    %mul3A_1763 = vector.broadcast %mul3A_1762 : i32 to vector<16xi32>
    %mul3A_1764 = arith.muli %add3A_1607, %mul3A_1763 : vector<16xi32>
    %add3A_1765 = arith.addi %mul3A_1761, %mul3A_1764 : vector<16xi32>
    %add3A_1766 = arith.addi %add3A_1765, %convert_element_type3A_1595 : vector<16xi32>
    tpu.vector_store_idx %arg10[%add3A_1766], %broadcast_in_dim3A_1 masked %and3A_1758 : memref<65536xf32, #tpu.memory_space<vmem>>[vector<16xi32>], vector<16xf32>, vector<16xi1>
    %sub3A_1767 = arith.constant 48 : i32
    %sub3A_1768 = vector.broadcast %sub3A_1767 : i32 to vector<16xi32>
    %sub3A_1769 = arith.subi %convert_element_type3A_1625, %sub3A_1768 : vector<16xi32>
    %ge3A_1770 = arith.constant 0 : i32
    %ge3A_1771 = vector.broadcast %ge3A_1770 : i32 to vector<16xi32>
    %ge3A_1772 = arith.cmpi sge, %sub3A_1769, %ge3A_1771 : vector<16xi32>
    %lt3A_1773 = arith.constant 16 : i32
    %lt3A_1774 = vector.broadcast %lt3A_1773 : i32 to vector<16xi32>
    %lt3A_1775 = arith.cmpi slt, %sub3A_1769, %lt3A_1774 : vector<16xi32>
    %and3A_1776 = arith.andi %ge3A_1772, %lt3A_1775 : vector<16xi1>
    %mul3A_1777 = arith.constant 4096 : i32
    %mul3A_1778 = vector.broadcast %mul3A_1777 : i32 to vector<16xi32>
    %mul3A_1779 = arith.muli %sub3A_1769, %mul3A_1778 : vector<16xi32>
    %mul3A_1780 = arith.constant 128 : i32
    %mul3A_1781 = vector.broadcast %mul3A_1780 : i32 to vector<16xi32>
    %mul3A_1782 = arith.muli %add3A_1628, %mul3A_1781 : vector<16xi32>
    %add3A_1783 = arith.addi %mul3A_1779, %mul3A_1782 : vector<16xi32>
    %add3A_1784 = arith.addi %add3A_1783, %convert_element_type3A_1616 : vector<16xi32>
    tpu.vector_store_idx %arg10[%add3A_1784], %broadcast_in_dim3A_1 masked %and3A_1776 : memref<65536xf32, #tpu.memory_space<vmem>>[vector<16xi32>], vector<16xf32>, vector<16xi1>
    %mul3A_1785 = arith.constant 524288 : i32
    %mul3A_1786 = arith.muli %add3A_1562, %mul3A_1785 : i32
    %add3A_1787 = arith.constant 196608 : i32
    %add3A_1788 = arith.addi %mul3A_1786, %add3A_1787 : i32
    "tpu.region"() ({
      %run_scoped3A = tpu.sem_alloc : memref<!tpu.dma_semaphore, #tpu.memory_space<semaphore_mem>>
      %dma_start3A = tpu.memref_slice %arg6[%add3A_1788] : memref<134217728xf32, #tpu.memory_space<hbm>> -> memref<65536xf32, #tpu.memory_space<hbm>>
      %dma_start3A_3119 = tpu.memref_slice %arg6[%add3A_1788] : memref<134217728xf32, #tpu.memory_space<hbm>> -> memref<65536xf32, #tpu.memory_space<hbm>>
      tpu.enqueue_dma source(%arg10 : memref<65536xf32, #tpu.memory_space<vmem>>) target(%dma_start3A_3119 : memref<65536xf32, #tpu.memory_space<hbm>>) target_semaphore(%run_scoped3A : memref<!tpu.dma_semaphore, #tpu.memory_space<semaphore_mem>>)
      %dma_wait3A = tpu.memref_slice %arg6[%add3A_1788] : memref<134217728xf32, #tpu.memory_space<hbm>> -> memref<65536xf32, #tpu.memory_space<hbm>>
      %dma_wait3A_3120 = tpu.memref_slice %arg6[%add3A_1788] : memref<134217728xf32, #tpu.memory_space<hbm>> -> memref<65536xf32, #tpu.memory_space<hbm>>
      tpu.wait_dma2 semaphore(%run_scoped3A : memref<!tpu.dma_semaphore, #tpu.memory_space<semaphore_mem>>) src(%arg10 : memref<65536xf32, #tpu.memory_space<vmem>>) dst(%dma_wait3A_3120 : memref<65536xf32, #tpu.memory_space<hbm>>)
      tpu.yield
    }) : () -> ()
    tpu.vector_store_idx %arg10[%add3A_1766], %broadcast_in_dim3A_3 masked %and3A_1758 : memref<65536xf32, #tpu.memory_space<vmem>>[vector<16xi32>], vector<16xf32>, vector<16xi1>
    tpu.vector_store_idx %arg10[%add3A_1784], %broadcast_in_dim3A_3 masked %and3A_1776 : memref<65536xf32, #tpu.memory_space<vmem>>[vector<16xi32>], vector<16xf32>, vector<16xi1>
    %sub3A_1789 = arith.constant 64 : i32
    %sub3A_1790 = vector.broadcast %sub3A_1789 : i32 to vector<16xi32>
    %sub3A_1791 = arith.subi %convert_element_type3A_1604, %sub3A_1790 : vector<16xi32>
    %ge3A_1792 = arith.constant 0 : i32
    %ge3A_1793 = vector.broadcast %ge3A_1792 : i32 to vector<16xi32>
    %ge3A_1794 = arith.cmpi sge, %sub3A_1791, %ge3A_1793 : vector<16xi32>
    %lt3A_1795 = arith.constant 16 : i32
    %lt3A_1796 = vector.broadcast %lt3A_1795 : i32 to vector<16xi32>
    %lt3A_1797 = arith.cmpi slt, %sub3A_1791, %lt3A_1796 : vector<16xi32>
    %and3A_1798 = arith.andi %ge3A_1794, %lt3A_1797 : vector<16xi1>
    %mul3A_1799 = arith.constant 4096 : i32
    %mul3A_1800 = vector.broadcast %mul3A_1799 : i32 to vector<16xi32>
    %mul3A_1801 = arith.muli %sub3A_1791, %mul3A_1800 : vector<16xi32>
    %mul3A_1802 = arith.constant 128 : i32
    %mul3A_1803 = vector.broadcast %mul3A_1802 : i32 to vector<16xi32>
    %mul3A_1804 = arith.muli %add3A_1607, %mul3A_1803 : vector<16xi32>
    %add3A_1805 = arith.addi %mul3A_1801, %mul3A_1804 : vector<16xi32>
    %add3A_1806 = arith.addi %add3A_1805, %convert_element_type3A_1595 : vector<16xi32>
    tpu.vector_store_idx %arg10[%add3A_1806], %broadcast_in_dim3A_1 masked %and3A_1798 : memref<65536xf32, #tpu.memory_space<vmem>>[vector<16xi32>], vector<16xf32>, vector<16xi1>
    %sub3A_1807 = arith.constant 64 : i32
    %sub3A_1808 = vector.broadcast %sub3A_1807 : i32 to vector<16xi32>
    %sub3A_1809 = arith.subi %convert_element_type3A_1625, %sub3A_1808 : vector<16xi32>
    %ge3A_1810 = arith.constant 0 : i32
    %ge3A_1811 = vector.broadcast %ge3A_1810 : i32 to vector<16xi32>
    %ge3A_1812 = arith.cmpi sge, %sub3A_1809, %ge3A_1811 : vector<16xi32>
    %lt3A_1813 = arith.constant 16 : i32
    %lt3A_1814 = vector.broadcast %lt3A_1813 : i32 to vector<16xi32>
    %lt3A_1815 = arith.cmpi slt, %sub3A_1809, %lt3A_1814 : vector<16xi32>
    %and3A_1816 = arith.andi %ge3A_1812, %lt3A_1815 : vector<16xi1>
    %mul3A_1817 = arith.constant 4096 : i32
    %mul3A_1818 = vector.broadcast %mul3A_1817 : i32 to vector<16xi32>
    %mul3A_1819 = arith.muli %sub3A_1809, %mul3A_1818 : vector<16xi32>
    %mul3A_1820 = arith.constant 128 : i32
    %mul3A_1821 = vector.broadcast %mul3A_1820 : i32 to vector<16xi32>
    %mul3A_1822 = arith.muli %add3A_1628, %mul3A_1821 : vector<16xi32>
    %add3A_1823 = arith.addi %mul3A_1819, %mul3A_1822 : vector<16xi32>
    %add3A_1824 = arith.addi %add3A_1823, %convert_element_type3A_1616 : vector<16xi32>
    tpu.vector_store_idx %arg10[%add3A_1824], %broadcast_in_dim3A_1 masked %and3A_1816 : memref<65536xf32, #tpu.memory_space<vmem>>[vector<16xi32>], vector<16xf32>, vector<16xi1>
    %mul3A_1825 = arith.constant 524288 : i32
    %mul3A_1826 = arith.muli %add3A_1562, %mul3A_1825 : i32
    %add3A_1827 = arith.constant 262144 : i32
    %add3A_1828 = arith.addi %mul3A_1826, %add3A_1827 : i32
    "tpu.region"() ({
      %run_scoped3A = tpu.sem_alloc : memref<!tpu.dma_semaphore, #tpu.memory_space<semaphore_mem>>
      %dma_start3A = tpu.memref_slice %arg6[%add3A_1828] : memref<134217728xf32, #tpu.memory_space<hbm>> -> memref<65536xf32, #tpu.memory_space<hbm>>
      %dma_start3A_3119 = tpu.memref_slice %arg6[%add3A_1828] : memref<134217728xf32, #tpu.memory_space<hbm>> -> memref<65536xf32, #tpu.memory_space<hbm>>
      tpu.enqueue_dma source(%arg10 : memref<65536xf32, #tpu.memory_space<vmem>>) target(%dma_start3A_3119 : memref<65536xf32, #tpu.memory_space<hbm>>) target_semaphore(%run_scoped3A : memref<!tpu.dma_semaphore, #tpu.memory_space<semaphore_mem>>)
      %dma_wait3A = tpu.memref_slice %arg6[%add3A_1828] : memref<134217728xf32, #tpu.memory_space<hbm>> -> memref<65536xf32, #tpu.memory_space<hbm>>
      %dma_wait3A_3120 = tpu.memref_slice %arg6[%add3A_1828] : memref<134217728xf32, #tpu.memory_space<hbm>> -> memref<65536xf32, #tpu.memory_space<hbm>>
      tpu.wait_dma2 semaphore(%run_scoped3A : memref<!tpu.dma_semaphore, #tpu.memory_space<semaphore_mem>>) src(%arg10 : memref<65536xf32, #tpu.memory_space<vmem>>) dst(%dma_wait3A_3120 : memref<65536xf32, #tpu.memory_space<hbm>>)
      tpu.yield
    }) : () -> ()
    tpu.vector_store_idx %arg10[%add3A_1806], %broadcast_in_dim3A_3 masked %and3A_1798 : memref<65536xf32, #tpu.memory_space<vmem>>[vector<16xi32>], vector<16xf32>, vector<16xi1>
    tpu.vector_store_idx %arg10[%add3A_1824], %broadcast_in_dim3A_3 masked %and3A_1816 : memref<65536xf32, #tpu.memory_space<vmem>>[vector<16xi32>], vector<16xf32>, vector<16xi1>
    %sub3A_1829 = arith.constant 80 : i32
    %sub3A_1830 = vector.broadcast %sub3A_1829 : i32 to vector<16xi32>
    %sub3A_1831 = arith.subi %convert_element_type3A_1604, %sub3A_1830 : vector<16xi32>
    %ge3A_1832 = arith.constant 0 : i32
    %ge3A_1833 = vector.broadcast %ge3A_1832 : i32 to vector<16xi32>
    %ge3A_1834 = arith.cmpi sge, %sub3A_1831, %ge3A_1833 : vector<16xi32>
    %lt3A_1835 = arith.constant 16 : i32
    %lt3A_1836 = vector.broadcast %lt3A_1835 : i32 to vector<16xi32>
    %lt3A_1837 = arith.cmpi slt, %sub3A_1831, %lt3A_1836 : vector<16xi32>
    %and3A_1838 = arith.andi %ge3A_1834, %lt3A_1837 : vector<16xi1>
    %mul3A_1839 = arith.constant 4096 : i32
    %mul3A_1840 = vector.broadcast %mul3A_1839 : i32 to vector<16xi32>
    %mul3A_1841 = arith.muli %sub3A_1831, %mul3A_1840 : vector<16xi32>
    %mul3A_1842 = arith.constant 128 : i32
    %mul3A_1843 = vector.broadcast %mul3A_1842 : i32 to vector<16xi32>
    %mul3A_1844 = arith.muli %add3A_1607, %mul3A_1843 : vector<16xi32>
    %add3A_1845 = arith.addi %mul3A_1841, %mul3A_1844 : vector<16xi32>
    %add3A_1846 = arith.addi %add3A_1845, %convert_element_type3A_1595 : vector<16xi32>
    tpu.vector_store_idx %arg10[%add3A_1846], %broadcast_in_dim3A_1 masked %and3A_1838 : memref<65536xf32, #tpu.memory_space<vmem>>[vector<16xi32>], vector<16xf32>, vector<16xi1>
    %sub3A_1847 = arith.constant 80 : i32
    %sub3A_1848 = vector.broadcast %sub3A_1847 : i32 to vector<16xi32>
    %sub3A_1849 = arith.subi %convert_element_type3A_1625, %sub3A_1848 : vector<16xi32>
    %ge3A_1850 = arith.constant 0 : i32
    %ge3A_1851 = vector.broadcast %ge3A_1850 : i32 to vector<16xi32>
    %ge3A_1852 = arith.cmpi sge, %sub3A_1849, %ge3A_1851 : vector<16xi32>
    %lt3A_1853 = arith.constant 16 : i32
    %lt3A_1854 = vector.broadcast %lt3A_1853 : i32 to vector<16xi32>
    %lt3A_1855 = arith.cmpi slt, %sub3A_1849, %lt3A_1854 : vector<16xi32>
    %and3A_1856 = arith.andi %ge3A_1852, %lt3A_1855 : vector<16xi1>
    %mul3A_1857 = arith.constant 4096 : i32
    %mul3A_1858 = vector.broadcast %mul3A_1857 : i32 to vector<16xi32>
    %mul3A_1859 = arith.muli %sub3A_1849, %mul3A_1858 : vector<16xi32>
    %mul3A_1860 = arith.constant 128 : i32
    %mul3A_1861 = vector.broadcast %mul3A_1860 : i32 to vector<16xi32>
    %mul3A_1862 = arith.muli %add3A_1628, %mul3A_1861 : vector<16xi32>
    %add3A_1863 = arith.addi %mul3A_1859, %mul3A_1862 : vector<16xi32>
    %add3A_1864 = arith.addi %add3A_1863, %convert_element_type3A_1616 : vector<16xi32>
    tpu.vector_store_idx %arg10[%add3A_1864], %broadcast_in_dim3A_1 masked %and3A_1856 : memref<65536xf32, #tpu.memory_space<vmem>>[vector<16xi32>], vector<16xf32>, vector<16xi1>
    %mul3A_1865 = arith.constant 524288 : i32
    %mul3A_1866 = arith.muli %add3A_1562, %mul3A_1865 : i32
    %add3A_1867 = arith.constant 327680 : i32
    %add3A_1868 = arith.addi %mul3A_1866, %add3A_1867 : i32
    "tpu.region"() ({
      %run_scoped3A = tpu.sem_alloc : memref<!tpu.dma_semaphore, #tpu.memory_space<semaphore_mem>>
      %dma_start3A = tpu.memref_slice %arg6[%add3A_1868] : memref<134217728xf32, #tpu.memory_space<hbm>> -> memref<65536xf32, #tpu.memory_space<hbm>>
      %dma_start3A_3119 = tpu.memref_slice %arg6[%add3A_1868] : memref<134217728xf32, #tpu.memory_space<hbm>> -> memref<65536xf32, #tpu.memory_space<hbm>>
      tpu.enqueue_dma source(%arg10 : memref<65536xf32, #tpu.memory_space<vmem>>) target(%dma_start3A_3119 : memref<65536xf32, #tpu.memory_space<hbm>>) target_semaphore(%run_scoped3A : memref<!tpu.dma_semaphore, #tpu.memory_space<semaphore_mem>>)
      %dma_wait3A = tpu.memref_slice %arg6[%add3A_1868] : memref<134217728xf32, #tpu.memory_space<hbm>> -> memref<65536xf32, #tpu.memory_space<hbm>>
      %dma_wait3A_3120 = tpu.memref_slice %arg6[%add3A_1868] : memref<134217728xf32, #tpu.memory_space<hbm>> -> memref<65536xf32, #tpu.memory_space<hbm>>
      tpu.wait_dma2 semaphore(%run_scoped3A : memref<!tpu.dma_semaphore, #tpu.memory_space<semaphore_mem>>) src(%arg10 : memref<65536xf32, #tpu.memory_space<vmem>>) dst(%dma_wait3A_3120 : memref<65536xf32, #tpu.memory_space<hbm>>)
      tpu.yield
    }) : () -> ()
    tpu.vector_store_idx %arg10[%add3A_1846], %broadcast_in_dim3A_3 masked %and3A_1838 : memref<65536xf32, #tpu.memory_space<vmem>>[vector<16xi32>], vector<16xf32>, vector<16xi1>
    tpu.vector_store_idx %arg10[%add3A_1864], %broadcast_in_dim3A_3 masked %and3A_1856 : memref<65536xf32, #tpu.memory_space<vmem>>[vector<16xi32>], vector<16xf32>, vector<16xi1>
    %sub3A_1869 = arith.constant 96 : i32
    %sub3A_1870 = vector.broadcast %sub3A_1869 : i32 to vector<16xi32>
    %sub3A_1871 = arith.subi %convert_element_type3A_1604, %sub3A_1870 : vector<16xi32>
    %ge3A_1872 = arith.constant 0 : i32
    %ge3A_1873 = vector.broadcast %ge3A_1872 : i32 to vector<16xi32>
    %ge3A_1874 = arith.cmpi sge, %sub3A_1871, %ge3A_1873 : vector<16xi32>
    %lt3A_1875 = arith.constant 16 : i32
    %lt3A_1876 = vector.broadcast %lt3A_1875 : i32 to vector<16xi32>
    %lt3A_1877 = arith.cmpi slt, %sub3A_1871, %lt3A_1876 : vector<16xi32>
    %and3A_1878 = arith.andi %ge3A_1874, %lt3A_1877 : vector<16xi1>
    %mul3A_1879 = arith.constant 4096 : i32
    %mul3A_1880 = vector.broadcast %mul3A_1879 : i32 to vector<16xi32>
    %mul3A_1881 = arith.muli %sub3A_1871, %mul3A_1880 : vector<16xi32>
    %mul3A_1882 = arith.constant 128 : i32
    %mul3A_1883 = vector.broadcast %mul3A_1882 : i32 to vector<16xi32>
    %mul3A_1884 = arith.muli %add3A_1607, %mul3A_1883 : vector<16xi32>
    %add3A_1885 = arith.addi %mul3A_1881, %mul3A_1884 : vector<16xi32>
    %add3A_1886 = arith.addi %add3A_1885, %convert_element_type3A_1595 : vector<16xi32>
    tpu.vector_store_idx %arg10[%add3A_1886], %broadcast_in_dim3A_1 masked %and3A_1878 : memref<65536xf32, #tpu.memory_space<vmem>>[vector<16xi32>], vector<16xf32>, vector<16xi1>
    %sub3A_1887 = arith.constant 96 : i32
    %sub3A_1888 = vector.broadcast %sub3A_1887 : i32 to vector<16xi32>
    %sub3A_1889 = arith.subi %convert_element_type3A_1625, %sub3A_1888 : vector<16xi32>
    %ge3A_1890 = arith.constant 0 : i32
    %ge3A_1891 = vector.broadcast %ge3A_1890 : i32 to vector<16xi32>
    %ge3A_1892 = arith.cmpi sge, %sub3A_1889, %ge3A_1891 : vector<16xi32>
    %lt3A_1893 = arith.constant 16 : i32
    %lt3A_1894 = vector.broadcast %lt3A_1893 : i32 to vector<16xi32>
    %lt3A_1895 = arith.cmpi slt, %sub3A_1889, %lt3A_1894 : vector<16xi32>
    %and3A_1896 = arith.andi %ge3A_1892, %lt3A_1895 : vector<16xi1>
    %mul3A_1897 = arith.constant 4096 : i32
    %mul3A_1898 = vector.broadcast %mul3A_1897 : i32 to vector<16xi32>
    %mul3A_1899 = arith.muli %sub3A_1889, %mul3A_1898 : vector<16xi32>
    %mul3A_1900 = arith.constant 128 : i32
    %mul3A_1901 = vector.broadcast %mul3A_1900 : i32 to vector<16xi32>
    %mul3A_1902 = arith.muli %add3A_1628, %mul3A_1901 : vector<16xi32>
    %add3A_1903 = arith.addi %mul3A_1899, %mul3A_1902 : vector<16xi32>
    %add3A_1904 = arith.addi %add3A_1903, %convert_element_type3A_1616 : vector<16xi32>
    tpu.vector_store_idx %arg10[%add3A_1904], %broadcast_in_dim3A_1 masked %and3A_1896 : memref<65536xf32, #tpu.memory_space<vmem>>[vector<16xi32>], vector<16xf32>, vector<16xi1>
    %mul3A_1905 = arith.constant 524288 : i32
    %mul3A_1906 = arith.muli %add3A_1562, %mul3A_1905 : i32
    %add3A_1907 = arith.constant 393216 : i32
    %add3A_1908 = arith.addi %mul3A_1906, %add3A_1907 : i32
    "tpu.region"() ({
      %run_scoped3A = tpu.sem_alloc : memref<!tpu.dma_semaphore, #tpu.memory_space<semaphore_mem>>
      %dma_start3A = tpu.memref_slice %arg6[%add3A_1908] : memref<134217728xf32, #tpu.memory_space<hbm>> -> memref<65536xf32, #tpu.memory_space<hbm>>
      %dma_start3A_3119 = tpu.memref_slice %arg6[%add3A_1908] : memref<134217728xf32, #tpu.memory_space<hbm>> -> memref<65536xf32, #tpu.memory_space<hbm>>
      tpu.enqueue_dma source(%arg10 : memref<65536xf32, #tpu.memory_space<vmem>>) target(%dma_start3A_3119 : memref<65536xf32, #tpu.memory_space<hbm>>) target_semaphore(%run_scoped3A : memref<!tpu.dma_semaphore, #tpu.memory_space<semaphore_mem>>)
      %dma_wait3A = tpu.memref_slice %arg6[%add3A_1908] : memref<134217728xf32, #tpu.memory_space<hbm>> -> memref<65536xf32, #tpu.memory_space<hbm>>
      %dma_wait3A_3120 = tpu.memref_slice %arg6[%add3A_1908] : memref<134217728xf32, #tpu.memory_space<hbm>> -> memref<65536xf32, #tpu.memory_space<hbm>>
      tpu.wait_dma2 semaphore(%run_scoped3A : memref<!tpu.dma_semaphore, #tpu.memory_space<semaphore_mem>>) src(%arg10 : memref<65536xf32, #tpu.memory_space<vmem>>) dst(%dma_wait3A_3120 : memref<65536xf32, #tpu.memory_space<hbm>>)
      tpu.yield
    }) : () -> ()
    tpu.vector_store_idx %arg10[%add3A_1886], %broadcast_in_dim3A_3 masked %and3A_1878 : memref<65536xf32, #tpu.memory_space<vmem>>[vector<16xi32>], vector<16xf32>, vector<16xi1>
    tpu.vector_store_idx %arg10[%add3A_1904], %broadcast_in_dim3A_3 masked %and3A_1896 : memref<65536xf32, #tpu.memory_space<vmem>>[vector<16xi32>], vector<16xf32>, vector<16xi1>
    %sub3A_1909 = arith.constant 112 : i32
    %sub3A_1910 = vector.broadcast %sub3A_1909 : i32 to vector<16xi32>
    %sub3A_1911 = arith.subi %convert_element_type3A_1604, %sub3A_1910 : vector<16xi32>
    %ge3A_1912 = arith.constant 0 : i32
    %ge3A_1913 = vector.broadcast %ge3A_1912 : i32 to vector<16xi32>
    %ge3A_1914 = arith.cmpi sge, %sub3A_1911, %ge3A_1913 : vector<16xi32>
    %lt3A_1915 = arith.constant 16 : i32
    %lt3A_1916 = vector.broadcast %lt3A_1915 : i32 to vector<16xi32>
    %lt3A_1917 = arith.cmpi slt, %sub3A_1911, %lt3A_1916 : vector<16xi32>
    %and3A_1918 = arith.andi %ge3A_1914, %lt3A_1917 : vector<16xi1>
    %mul3A_1919 = arith.constant 4096 : i32
    %mul3A_1920 = vector.broadcast %mul3A_1919 : i32 to vector<16xi32>
    %mul3A_1921 = arith.muli %sub3A_1911, %mul3A_1920 : vector<16xi32>
    %mul3A_1922 = arith.constant 128 : i32
    %mul3A_1923 = vector.broadcast %mul3A_1922 : i32 to vector<16xi32>
    %mul3A_1924 = arith.muli %add3A_1607, %mul3A_1923 : vector<16xi32>
    %add3A_1925 = arith.addi %mul3A_1921, %mul3A_1924 : vector<16xi32>
    %add3A_1926 = arith.addi %add3A_1925, %convert_element_type3A_1595 : vector<16xi32>
    tpu.vector_store_idx %arg10[%add3A_1926], %broadcast_in_dim3A_1 masked %and3A_1918 : memref<65536xf32, #tpu.memory_space<vmem>>[vector<16xi32>], vector<16xf32>, vector<16xi1>
    %sub3A_1927 = arith.constant 112 : i32
    %sub3A_1928 = vector.broadcast %sub3A_1927 : i32 to vector<16xi32>
    %sub3A_1929 = arith.subi %convert_element_type3A_1625, %sub3A_1928 : vector<16xi32>
    %ge3A_1930 = arith.constant 0 : i32
    %ge3A_1931 = vector.broadcast %ge3A_1930 : i32 to vector<16xi32>
    %ge3A_1932 = arith.cmpi sge, %sub3A_1929, %ge3A_1931 : vector<16xi32>
    %lt3A_1933 = arith.constant 16 : i32
    %lt3A_1934 = vector.broadcast %lt3A_1933 : i32 to vector<16xi32>
    %lt3A_1935 = arith.cmpi slt, %sub3A_1929, %lt3A_1934 : vector<16xi32>
    %and3A_1936 = arith.andi %ge3A_1932, %lt3A_1935 : vector<16xi1>
    %mul3A_1937 = arith.constant 4096 : i32
    %mul3A_1938 = vector.broadcast %mul3A_1937 : i32 to vector<16xi32>
    %mul3A_1939 = arith.muli %sub3A_1929, %mul3A_1938 : vector<16xi32>
    %mul3A_1940 = arith.constant 128 : i32
    %mul3A_1941 = vector.broadcast %mul3A_1940 : i32 to vector<16xi32>
    %mul3A_1942 = arith.muli %add3A_1628, %mul3A_1941 : vector<16xi32>
    %add3A_1943 = arith.addi %mul3A_1939, %mul3A_1942 : vector<16xi32>
    %add3A_1944 = arith.addi %add3A_1943, %convert_element_type3A_1616 : vector<16xi32>
    tpu.vector_store_idx %arg10[%add3A_1944], %broadcast_in_dim3A_1 masked %and3A_1936 : memref<65536xf32, #tpu.memory_space<vmem>>[vector<16xi32>], vector<16xf32>, vector<16xi1>
    %mul3A_1945 = arith.constant 524288 : i32
    %mul3A_1946 = arith.muli %add3A_1562, %mul3A_1945 : i32
    %add3A_1947 = arith.constant 458752 : i32
    %add3A_1948 = arith.addi %mul3A_1946, %add3A_1947 : i32
    "tpu.region"() ({
      %run_scoped3A = tpu.sem_alloc : memref<!tpu.dma_semaphore, #tpu.memory_space<semaphore_mem>>
      %dma_start3A = tpu.memref_slice %arg6[%add3A_1948] : memref<134217728xf32, #tpu.memory_space<hbm>> -> memref<65536xf32, #tpu.memory_space<hbm>>
      %dma_start3A_3119 = tpu.memref_slice %arg6[%add3A_1948] : memref<134217728xf32, #tpu.memory_space<hbm>> -> memref<65536xf32, #tpu.memory_space<hbm>>
      tpu.enqueue_dma source(%arg10 : memref<65536xf32, #tpu.memory_space<vmem>>) target(%dma_start3A_3119 : memref<65536xf32, #tpu.memory_space<hbm>>) target_semaphore(%run_scoped3A : memref<!tpu.dma_semaphore, #tpu.memory_space<semaphore_mem>>)
      %dma_wait3A = tpu.memref_slice %arg6[%add3A_1948] : memref<134217728xf32, #tpu.memory_space<hbm>> -> memref<65536xf32, #tpu.memory_space<hbm>>
      %dma_wait3A_3120 = tpu.memref_slice %arg6[%add3A_1948] : memref<134217728xf32, #tpu.memory_space<hbm>> -> memref<65536xf32, #tpu.memory_space<hbm>>
      tpu.wait_dma2 semaphore(%run_scoped3A : memref<!tpu.dma_semaphore, #tpu.memory_space<semaphore_mem>>) src(%arg10 : memref<65536xf32, #tpu.memory_space<vmem>>) dst(%dma_wait3A_3120 : memref<65536xf32, #tpu.memory_space<hbm>>)
      tpu.yield
    }) : () -> ()
    tpu.vector_store_idx %arg10[%add3A_1926], %broadcast_in_dim3A_3 masked %and3A_1918 : memref<65536xf32, #tpu.memory_space<vmem>>[vector<16xi32>], vector<16xf32>, vector<16xi1>
    tpu.vector_store_idx %arg10[%add3A_1944], %broadcast_in_dim3A_3 masked %and3A_1936 : memref<65536xf32, #tpu.memory_space<vmem>>[vector<16xi32>], vector<16xf32>, vector<16xi1>
    %mul3A_1949 = arith.constant 8 : i32
    %mul3A_1950 = arith.muli %add3A, %mul3A_1949 : i32
    %add3A_1951 = arith.constant 5 : i32
    %add3A_1952 = arith.addi %mul3A_1950, %add3A_1951 : i32
    "tpu.region"() ({
      %run_scoped3A = tpu.sem_alloc : memref<!tpu.dma_semaphore, #tpu.memory_space<semaphore_mem>>
      %dma_start3A = arith.constant 0 : i32
      %dma_start3A_3119 = arith.constant 0 : i32
      %dma_start3A_3120 = tpu.memref_slice %arg2[%add3A_1952, %dma_start3A, %dma_start3A_3119] : memref<256x2x16xf32, #tpu.memory_space<hbm>> -> memref<1x2x16xf32, #tpu.memory_space<hbm>>
      %dma_start3A_3121 = arith.constant 0 : i32
      %dma_start3A_3122 = arith.constant 0 : i32
      %dma_start3A_3123 = tpu.memref_slice %arg2[%add3A_1952, %dma_start3A_3121, %dma_start3A_3122] : memref<256x2x16xf32, #tpu.memory_space<hbm>> -> memref<1x2x16xf32, #tpu.memory_space<hbm>>
      tpu.enqueue_dma source(%dma_start3A_3123 : memref<1x2x16xf32, #tpu.memory_space<hbm>>) target(%arg7 : memref<1x2x16xf32, #tpu.memory_space<vmem>>) target_semaphore(%run_scoped3A : memref<!tpu.dma_semaphore, #tpu.memory_space<semaphore_mem>>)
      %dma_wait3A = arith.constant 0 : i32
      %dma_wait3A_3124 = arith.constant 0 : i32
      %dma_wait3A_3125 = tpu.memref_slice %arg2[%add3A_1952, %dma_wait3A, %dma_wait3A_3124] : memref<256x2x16xf32, #tpu.memory_space<hbm>> -> memref<1x2x16xf32, #tpu.memory_space<hbm>>
      %dma_wait3A_3126 = arith.constant 0 : i32
      %dma_wait3A_3127 = arith.constant 0 : i32
      %dma_wait3A_3128 = tpu.memref_slice %arg2[%add3A_1952, %dma_wait3A_3126, %dma_wait3A_3127] : memref<256x2x16xf32, #tpu.memory_space<hbm>> -> memref<1x2x16xf32, #tpu.memory_space<hbm>>
      tpu.wait_dma2 semaphore(%run_scoped3A : memref<!tpu.dma_semaphore, #tpu.memory_space<semaphore_mem>>) src(%dma_wait3A_3128 : memref<1x2x16xf32, #tpu.memory_space<hbm>>) dst(%arg7 : memref<1x2x16xf32, #tpu.memory_space<vmem>>)
      tpu.yield
    }) : () -> ()
    "tpu.region"() ({
      %run_scoped3A = tpu.sem_alloc : memref<!tpu.dma_semaphore, #tpu.memory_space<semaphore_mem>>
      %dma_start3A = arith.constant 0 : i32
      %dma_start3A_3119 = arith.constant 0 : i32
      %dma_start3A_3120 = tpu.memref_slice %arg3[%add3A_1952, %dma_start3A, %dma_start3A_3119] : memref<256x2x16xf32, #tpu.memory_space<hbm>> -> memref<1x2x16xf32, #tpu.memory_space<hbm>>
      %dma_start3A_3121 = arith.constant 0 : i32
      %dma_start3A_3122 = arith.constant 0 : i32
      %dma_start3A_3123 = tpu.memref_slice %arg3[%add3A_1952, %dma_start3A_3121, %dma_start3A_3122] : memref<256x2x16xf32, #tpu.memory_space<hbm>> -> memref<1x2x16xf32, #tpu.memory_space<hbm>>
      tpu.enqueue_dma source(%dma_start3A_3123 : memref<1x2x16xf32, #tpu.memory_space<hbm>>) target(%arg8 : memref<1x2x16xf32, #tpu.memory_space<vmem>>) target_semaphore(%run_scoped3A : memref<!tpu.dma_semaphore, #tpu.memory_space<semaphore_mem>>)
      %dma_wait3A = arith.constant 0 : i32
      %dma_wait3A_3124 = arith.constant 0 : i32
      %dma_wait3A_3125 = tpu.memref_slice %arg3[%add3A_1952, %dma_wait3A, %dma_wait3A_3124] : memref<256x2x16xf32, #tpu.memory_space<hbm>> -> memref<1x2x16xf32, #tpu.memory_space<hbm>>
      %dma_wait3A_3126 = arith.constant 0 : i32
      %dma_wait3A_3127 = arith.constant 0 : i32
      %dma_wait3A_3128 = tpu.memref_slice %arg3[%add3A_1952, %dma_wait3A_3126, %dma_wait3A_3127] : memref<256x2x16xf32, #tpu.memory_space<hbm>> -> memref<1x2x16xf32, #tpu.memory_space<hbm>>
      tpu.wait_dma2 semaphore(%run_scoped3A : memref<!tpu.dma_semaphore, #tpu.memory_space<semaphore_mem>>) src(%dma_wait3A_3128 : memref<1x2x16xf32, #tpu.memory_space<hbm>>) dst(%arg8 : memref<1x2x16xf32, #tpu.memory_space<vmem>>)
      tpu.yield
    }) : () -> ()
    "tpu.region"() ({
      %run_scoped3A = tpu.sem_alloc : memref<!tpu.dma_semaphore, #tpu.memory_space<semaphore_mem>>
      %dma_start3A = arith.constant 0 : i32
      %dma_start3A_3119 = arith.constant 0 : i32
      %dma_start3A_3120 = tpu.memref_slice %arg4[%add3A_1952, %dma_start3A, %dma_start3A_3119] : memref<256x4x16xf32, #tpu.memory_space<hbm>> -> memref<1x4x16xf32, #tpu.memory_space<hbm>>
      %dma_start3A_3121 = arith.constant 0 : i32
      %dma_start3A_3122 = arith.constant 0 : i32
      %dma_start3A_3123 = tpu.memref_slice %arg4[%add3A_1952, %dma_start3A_3121, %dma_start3A_3122] : memref<256x4x16xf32, #tpu.memory_space<hbm>> -> memref<1x4x16xf32, #tpu.memory_space<hbm>>
      tpu.enqueue_dma source(%dma_start3A_3123 : memref<1x4x16xf32, #tpu.memory_space<hbm>>) target(%arg9 : memref<1x4x16xf32, #tpu.memory_space<vmem>>) target_semaphore(%run_scoped3A : memref<!tpu.dma_semaphore, #tpu.memory_space<semaphore_mem>>)
      %dma_wait3A = arith.constant 0 : i32
      %dma_wait3A_3124 = arith.constant 0 : i32
      %dma_wait3A_3125 = tpu.memref_slice %arg4[%add3A_1952, %dma_wait3A, %dma_wait3A_3124] : memref<256x4x16xf32, #tpu.memory_space<hbm>> -> memref<1x4x16xf32, #tpu.memory_space<hbm>>
      %dma_wait3A_3126 = arith.constant 0 : i32
      %dma_wait3A_3127 = arith.constant 0 : i32
      %dma_wait3A_3128 = tpu.memref_slice %arg4[%add3A_1952, %dma_wait3A_3126, %dma_wait3A_3127] : memref<256x4x16xf32, #tpu.memory_space<hbm>> -> memref<1x4x16xf32, #tpu.memory_space<hbm>>
      tpu.wait_dma2 semaphore(%run_scoped3A : memref<!tpu.dma_semaphore, #tpu.memory_space<semaphore_mem>>) src(%dma_wait3A_3128 : memref<1x4x16xf32, #tpu.memory_space<hbm>>) dst(%arg9 : memref<1x4x16xf32, #tpu.memory_space<vmem>>)
      tpu.yield
    }) : () -> ()
    %get3A_1953 = arith.constant 0 : i32
    %get3A_1954 = arith.constant 0 : i32
    %get3A_1955 = arith.index_cast %get3A_1953 : i32 to index
    %get3A_1956 = arith.index_cast %get3A_1954 : i32 to index
    %get3A_1957 = arith.constant 0 : index
    %get3A_1958 = tpu.vector_load %arg9[%get3A_1955, %get3A_1956, %get3A_1957] {strides = array<i32>} : memref<1x4x16xf32, #tpu.memory_space<vmem>>, vector<16xf32>,
    %get3A_1959 = arith.constant 0 : i32
    %get3A_1960 = arith.constant 1 : i32
    %get3A_1961 = arith.index_cast %get3A_1959 : i32 to index
    %get3A_1962 = arith.index_cast %get3A_1960 : i32 to index
    %get3A_1963 = arith.constant 0 : index
    %get3A_1964 = tpu.vector_load %arg9[%get3A_1961, %get3A_1962, %get3A_1963] {strides = array<i32>} : memref<1x4x16xf32, #tpu.memory_space<vmem>>, vector<16xf32>,
    %get3A_1965 = arith.constant 0 : i32
    %get3A_1966 = arith.constant 2 : i32
    %get3A_1967 = arith.index_cast %get3A_1965 : i32 to index
    %get3A_1968 = arith.index_cast %get3A_1966 : i32 to index
    %get3A_1969 = arith.constant 0 : index
    %get3A_1970 = tpu.vector_load %arg9[%get3A_1967, %get3A_1968, %get3A_1969] {strides = array<i32>} : memref<1x4x16xf32, #tpu.memory_space<vmem>>, vector<16xf32>,
    %get3A_1971 = arith.constant 0 : i32
    %get3A_1972 = arith.constant 3 : i32
    %get3A_1973 = arith.index_cast %get3A_1971 : i32 to index
    %get3A_1974 = arith.index_cast %get3A_1972 : i32 to index
    %get3A_1975 = arith.constant 0 : index
    %get3A_1976 = tpu.vector_load %arg9[%get3A_1973, %get3A_1974, %get3A_1975] {strides = array<i32>} : memref<1x4x16xf32, #tpu.memory_space<vmem>>, vector<16xf32>,
    %get3A_1977 = arith.constant 0 : i32
    %get3A_1978 = arith.constant 0 : i32
    %get3A_1979 = arith.index_cast %get3A_1977 : i32 to index
    %get3A_1980 = arith.index_cast %get3A_1978 : i32 to index
    %get3A_1981 = arith.constant 0 : index
    %get3A_1982 = tpu.vector_load %arg7[%get3A_1979, %get3A_1980, %get3A_1981] {strides = array<i32>} : memref<1x2x16xf32, #tpu.memory_space<vmem>>, vector<16xf32>,
    %div3A_1983 = arith.divf %get3A_1982, %get3A_1958 : vector<16xf32>
    %add3A_1984 = arith.addf %div3A_1983, %get3A_1970 : vector<16xf32>
    %convert_element_type3A_1985 = arith.fptosi %add3A_1984 : vector<16xf32> to vector<16xi32>
    %get3A_1986 = arith.constant 0 : i32
    %get3A_1987 = arith.constant 0 : i32
    %get3A_1988 = arith.index_cast %get3A_1986 : i32 to index
    %get3A_1989 = arith.index_cast %get3A_1987 : i32 to index
    %get3A_1990 = arith.constant 0 : index
    %get3A_1991 = tpu.vector_load %arg8[%get3A_1988, %get3A_1989, %get3A_1990] {strides = array<i32>} : memref<1x2x16xf32, #tpu.memory_space<vmem>>, vector<16xf32>,
    %div3A_1992 = arith.divf %get3A_1991, %get3A_1964 : vector<16xf32>
    %add3A_1993 = arith.addf %div3A_1992, %get3A_1976 : vector<16xf32>
    %convert_element_type3A_1994 = arith.fptosi %add3A_1993 : vector<16xf32> to vector<16xi32>
    %add3A_1995 = arith.constant 0 : i32
    %add3A_1996 = vector.broadcast %add3A_1995 : i32 to vector<16xi32>
    %add3A_1997 = arith.addi %iota3A, %add3A_1996 : vector<16xi32>
    %get3A_1998 = arith.constant 0 : i32
    %get3A_1999 = arith.constant 1 : i32
    %get3A_2000 = arith.index_cast %get3A_1998 : i32 to index
    %get3A_2001 = arith.index_cast %get3A_1999 : i32 to index
    %get3A_2002 = arith.constant 0 : index
    %get3A_2003 = tpu.vector_load %arg7[%get3A_2000, %get3A_2001, %get3A_2002] {strides = array<i32>} : memref<1x2x16xf32, #tpu.memory_space<vmem>>, vector<16xf32>,
    %div3A_2004 = arith.divf %get3A_2003, %get3A_1958 : vector<16xf32>
    %add3A_2005 = arith.addf %div3A_2004, %get3A_1970 : vector<16xf32>
    %convert_element_type3A_2006 = arith.fptosi %add3A_2005 : vector<16xf32> to vector<16xi32>
    %get3A_2007 = arith.constant 0 : i32
    %get3A_2008 = arith.constant 1 : i32
    %get3A_2009 = arith.index_cast %get3A_2007 : i32 to index
    %get3A_2010 = arith.index_cast %get3A_2008 : i32 to index
    %get3A_2011 = arith.constant 0 : index
    %get3A_2012 = tpu.vector_load %arg8[%get3A_2009, %get3A_2010, %get3A_2011] {strides = array<i32>} : memref<1x2x16xf32, #tpu.memory_space<vmem>>, vector<16xf32>,
    %div3A_2013 = arith.divf %get3A_2012, %get3A_1964 : vector<16xf32>
    %add3A_2014 = arith.addf %div3A_2013, %get3A_1976 : vector<16xf32>
    %convert_element_type3A_2015 = arith.fptosi %add3A_2014 : vector<16xf32> to vector<16xi32>
    %add3A_2016 = arith.constant 16 : i32
    %add3A_2017 = vector.broadcast %add3A_2016 : i32 to vector<16xi32>
    %add3A_2018 = arith.addi %iota3A, %add3A_2017 : vector<16xi32>
    %sub3A_2019 = arith.constant 0 : i32
    %sub3A_2020 = vector.broadcast %sub3A_2019 : i32 to vector<16xi32>
    %sub3A_2021 = arith.subi %convert_element_type3A_1994, %sub3A_2020 : vector<16xi32>
    %ge3A_2022 = arith.constant 0 : i32
    %ge3A_2023 = vector.broadcast %ge3A_2022 : i32 to vector<16xi32>
    %ge3A_2024 = arith.cmpi sge, %sub3A_2021, %ge3A_2023 : vector<16xi32>
    %lt3A_2025 = arith.constant 16 : i32
    %lt3A_2026 = vector.broadcast %lt3A_2025 : i32 to vector<16xi32>
    %lt3A_2027 = arith.cmpi slt, %sub3A_2021, %lt3A_2026 : vector<16xi32>
    %and3A_2028 = arith.andi %ge3A_2024, %lt3A_2027 : vector<16xi1>
    %mul3A_2029 = arith.constant 4096 : i32
    %mul3A_2030 = vector.broadcast %mul3A_2029 : i32 to vector<16xi32>
    %mul3A_2031 = arith.muli %sub3A_2021, %mul3A_2030 : vector<16xi32>
    %mul3A_2032 = arith.constant 128 : i32
    %mul3A_2033 = vector.broadcast %mul3A_2032 : i32 to vector<16xi32>
    %mul3A_2034 = arith.muli %add3A_1997, %mul3A_2033 : vector<16xi32>
    %add3A_2035 = arith.addi %mul3A_2031, %mul3A_2034 : vector<16xi32>
    %add3A_2036 = arith.addi %add3A_2035, %convert_element_type3A_1985 : vector<16xi32>
    tpu.vector_store_idx %arg10[%add3A_2036], %broadcast_in_dim3A_1 masked %and3A_2028 : memref<65536xf32, #tpu.memory_space<vmem>>[vector<16xi32>], vector<16xf32>, vector<16xi1>
    %sub3A_2037 = arith.constant 0 : i32
    %sub3A_2038 = vector.broadcast %sub3A_2037 : i32 to vector<16xi32>
    %sub3A_2039 = arith.subi %convert_element_type3A_2015, %sub3A_2038 : vector<16xi32>
    %ge3A_2040 = arith.constant 0 : i32
    %ge3A_2041 = vector.broadcast %ge3A_2040 : i32 to vector<16xi32>
    %ge3A_2042 = arith.cmpi sge, %sub3A_2039, %ge3A_2041 : vector<16xi32>
    %lt3A_2043 = arith.constant 16 : i32
    %lt3A_2044 = vector.broadcast %lt3A_2043 : i32 to vector<16xi32>
    %lt3A_2045 = arith.cmpi slt, %sub3A_2039, %lt3A_2044 : vector<16xi32>
    %and3A_2046 = arith.andi %ge3A_2042, %lt3A_2045 : vector<16xi1>
    %mul3A_2047 = arith.constant 4096 : i32
    %mul3A_2048 = vector.broadcast %mul3A_2047 : i32 to vector<16xi32>
    %mul3A_2049 = arith.muli %sub3A_2039, %mul3A_2048 : vector<16xi32>
    %mul3A_2050 = arith.constant 128 : i32
    %mul3A_2051 = vector.broadcast %mul3A_2050 : i32 to vector<16xi32>
    %mul3A_2052 = arith.muli %add3A_2018, %mul3A_2051 : vector<16xi32>
    %add3A_2053 = arith.addi %mul3A_2049, %mul3A_2052 : vector<16xi32>
    %add3A_2054 = arith.addi %add3A_2053, %convert_element_type3A_2006 : vector<16xi32>
    tpu.vector_store_idx %arg10[%add3A_2054], %broadcast_in_dim3A_1 masked %and3A_2046 : memref<65536xf32, #tpu.memory_space<vmem>>[vector<16xi32>], vector<16xf32>, vector<16xi1>
    %mul3A_2055 = arith.constant 524288 : i32
    %mul3A_2056 = arith.muli %add3A_1952, %mul3A_2055 : i32
    %add3A_2057 = arith.constant 0 : i32
    %add3A_2058 = arith.addi %mul3A_2056, %add3A_2057 : i32
    "tpu.region"() ({
      %run_scoped3A = tpu.sem_alloc : memref<!tpu.dma_semaphore, #tpu.memory_space<semaphore_mem>>
      %dma_start3A = tpu.memref_slice %arg6[%add3A_2058] : memref<134217728xf32, #tpu.memory_space<hbm>> -> memref<65536xf32, #tpu.memory_space<hbm>>
      %dma_start3A_3119 = tpu.memref_slice %arg6[%add3A_2058] : memref<134217728xf32, #tpu.memory_space<hbm>> -> memref<65536xf32, #tpu.memory_space<hbm>>
      tpu.enqueue_dma source(%arg10 : memref<65536xf32, #tpu.memory_space<vmem>>) target(%dma_start3A_3119 : memref<65536xf32, #tpu.memory_space<hbm>>) target_semaphore(%run_scoped3A : memref<!tpu.dma_semaphore, #tpu.memory_space<semaphore_mem>>)
      %dma_wait3A = tpu.memref_slice %arg6[%add3A_2058] : memref<134217728xf32, #tpu.memory_space<hbm>> -> memref<65536xf32, #tpu.memory_space<hbm>>
      %dma_wait3A_3120 = tpu.memref_slice %arg6[%add3A_2058] : memref<134217728xf32, #tpu.memory_space<hbm>> -> memref<65536xf32, #tpu.memory_space<hbm>>
      tpu.wait_dma2 semaphore(%run_scoped3A : memref<!tpu.dma_semaphore, #tpu.memory_space<semaphore_mem>>) src(%arg10 : memref<65536xf32, #tpu.memory_space<vmem>>) dst(%dma_wait3A_3120 : memref<65536xf32, #tpu.memory_space<hbm>>)
      tpu.yield
    }) : () -> ()
    tpu.vector_store_idx %arg10[%add3A_2036], %broadcast_in_dim3A_3 masked %and3A_2028 : memref<65536xf32, #tpu.memory_space<vmem>>[vector<16xi32>], vector<16xf32>, vector<16xi1>
    tpu.vector_store_idx %arg10[%add3A_2054], %broadcast_in_dim3A_3 masked %and3A_2046 : memref<65536xf32, #tpu.memory_space<vmem>>[vector<16xi32>], vector<16xf32>, vector<16xi1>
    %sub3A_2059 = arith.constant 16 : i32
    %sub3A_2060 = vector.broadcast %sub3A_2059 : i32 to vector<16xi32>
    %sub3A_2061 = arith.subi %convert_element_type3A_1994, %sub3A_2060 : vector<16xi32>
    %ge3A_2062 = arith.constant 0 : i32
    %ge3A_2063 = vector.broadcast %ge3A_2062 : i32 to vector<16xi32>
    %ge3A_2064 = arith.cmpi sge, %sub3A_2061, %ge3A_2063 : vector<16xi32>
    %lt3A_2065 = arith.constant 16 : i32
    %lt3A_2066 = vector.broadcast %lt3A_2065 : i32 to vector<16xi32>
    %lt3A_2067 = arith.cmpi slt, %sub3A_2061, %lt3A_2066 : vector<16xi32>
    %and3A_2068 = arith.andi %ge3A_2064, %lt3A_2067 : vector<16xi1>
    %mul3A_2069 = arith.constant 4096 : i32
    %mul3A_2070 = vector.broadcast %mul3A_2069 : i32 to vector<16xi32>
    %mul3A_2071 = arith.muli %sub3A_2061, %mul3A_2070 : vector<16xi32>
    %mul3A_2072 = arith.constant 128 : i32
    %mul3A_2073 = vector.broadcast %mul3A_2072 : i32 to vector<16xi32>
    %mul3A_2074 = arith.muli %add3A_1997, %mul3A_2073 : vector<16xi32>
    %add3A_2075 = arith.addi %mul3A_2071, %mul3A_2074 : vector<16xi32>
    %add3A_2076 = arith.addi %add3A_2075, %convert_element_type3A_1985 : vector<16xi32>
    tpu.vector_store_idx %arg10[%add3A_2076], %broadcast_in_dim3A_1 masked %and3A_2068 : memref<65536xf32, #tpu.memory_space<vmem>>[vector<16xi32>], vector<16xf32>, vector<16xi1>
    %sub3A_2077 = arith.constant 16 : i32
    %sub3A_2078 = vector.broadcast %sub3A_2077 : i32 to vector<16xi32>
    %sub3A_2079 = arith.subi %convert_element_type3A_2015, %sub3A_2078 : vector<16xi32>
    %ge3A_2080 = arith.constant 0 : i32
    %ge3A_2081 = vector.broadcast %ge3A_2080 : i32 to vector<16xi32>
    %ge3A_2082 = arith.cmpi sge, %sub3A_2079, %ge3A_2081 : vector<16xi32>
    %lt3A_2083 = arith.constant 16 : i32
    %lt3A_2084 = vector.broadcast %lt3A_2083 : i32 to vector<16xi32>
    %lt3A_2085 = arith.cmpi slt, %sub3A_2079, %lt3A_2084 : vector<16xi32>
    %and3A_2086 = arith.andi %ge3A_2082, %lt3A_2085 : vector<16xi1>
    %mul3A_2087 = arith.constant 4096 : i32
    %mul3A_2088 = vector.broadcast %mul3A_2087 : i32 to vector<16xi32>
    %mul3A_2089 = arith.muli %sub3A_2079, %mul3A_2088 : vector<16xi32>
    %mul3A_2090 = arith.constant 128 : i32
    %mul3A_2091 = vector.broadcast %mul3A_2090 : i32 to vector<16xi32>
    %mul3A_2092 = arith.muli %add3A_2018, %mul3A_2091 : vector<16xi32>
    %add3A_2093 = arith.addi %mul3A_2089, %mul3A_2092 : vector<16xi32>
    %add3A_2094 = arith.addi %add3A_2093, %convert_element_type3A_2006 : vector<16xi32>
    tpu.vector_store_idx %arg10[%add3A_2094], %broadcast_in_dim3A_1 masked %and3A_2086 : memref<65536xf32, #tpu.memory_space<vmem>>[vector<16xi32>], vector<16xf32>, vector<16xi1>
    %mul3A_2095 = arith.constant 524288 : i32
    %mul3A_2096 = arith.muli %add3A_1952, %mul3A_2095 : i32
    %add3A_2097 = arith.constant 65536 : i32
    %add3A_2098 = arith.addi %mul3A_2096, %add3A_2097 : i32
    "tpu.region"() ({
      %run_scoped3A = tpu.sem_alloc : memref<!tpu.dma_semaphore, #tpu.memory_space<semaphore_mem>>
      %dma_start3A = tpu.memref_slice %arg6[%add3A_2098] : memref<134217728xf32, #tpu.memory_space<hbm>> -> memref<65536xf32, #tpu.memory_space<hbm>>
      %dma_start3A_3119 = tpu.memref_slice %arg6[%add3A_2098] : memref<134217728xf32, #tpu.memory_space<hbm>> -> memref<65536xf32, #tpu.memory_space<hbm>>
      tpu.enqueue_dma source(%arg10 : memref<65536xf32, #tpu.memory_space<vmem>>) target(%dma_start3A_3119 : memref<65536xf32, #tpu.memory_space<hbm>>) target_semaphore(%run_scoped3A : memref<!tpu.dma_semaphore, #tpu.memory_space<semaphore_mem>>)
      %dma_wait3A = tpu.memref_slice %arg6[%add3A_2098] : memref<134217728xf32, #tpu.memory_space<hbm>> -> memref<65536xf32, #tpu.memory_space<hbm>>
      %dma_wait3A_3120 = tpu.memref_slice %arg6[%add3A_2098] : memref<134217728xf32, #tpu.memory_space<hbm>> -> memref<65536xf32, #tpu.memory_space<hbm>>
      tpu.wait_dma2 semaphore(%run_scoped3A : memref<!tpu.dma_semaphore, #tpu.memory_space<semaphore_mem>>) src(%arg10 : memref<65536xf32, #tpu.memory_space<vmem>>) dst(%dma_wait3A_3120 : memref<65536xf32, #tpu.memory_space<hbm>>)
      tpu.yield
    }) : () -> ()
    tpu.vector_store_idx %arg10[%add3A_2076], %broadcast_in_dim3A_3 masked %and3A_2068 : memref<65536xf32, #tpu.memory_space<vmem>>[vector<16xi32>], vector<16xf32>, vector<16xi1>
    tpu.vector_store_idx %arg10[%add3A_2094], %broadcast_in_dim3A_3 masked %and3A_2086 : memref<65536xf32, #tpu.memory_space<vmem>>[vector<16xi32>], vector<16xf32>, vector<16xi1>
    %sub3A_2099 = arith.constant 32 : i32
    %sub3A_2100 = vector.broadcast %sub3A_2099 : i32 to vector<16xi32>
    %sub3A_2101 = arith.subi %convert_element_type3A_1994, %sub3A_2100 : vector<16xi32>
    %ge3A_2102 = arith.constant 0 : i32
    %ge3A_2103 = vector.broadcast %ge3A_2102 : i32 to vector<16xi32>
    %ge3A_2104 = arith.cmpi sge, %sub3A_2101, %ge3A_2103 : vector<16xi32>
    %lt3A_2105 = arith.constant 16 : i32
    %lt3A_2106 = vector.broadcast %lt3A_2105 : i32 to vector<16xi32>
    %lt3A_2107 = arith.cmpi slt, %sub3A_2101, %lt3A_2106 : vector<16xi32>
    %and3A_2108 = arith.andi %ge3A_2104, %lt3A_2107 : vector<16xi1>
    %mul3A_2109 = arith.constant 4096 : i32
    %mul3A_2110 = vector.broadcast %mul3A_2109 : i32 to vector<16xi32>
    %mul3A_2111 = arith.muli %sub3A_2101, %mul3A_2110 : vector<16xi32>
    %mul3A_2112 = arith.constant 128 : i32
    %mul3A_2113 = vector.broadcast %mul3A_2112 : i32 to vector<16xi32>
    %mul3A_2114 = arith.muli %add3A_1997, %mul3A_2113 : vector<16xi32>
    %add3A_2115 = arith.addi %mul3A_2111, %mul3A_2114 : vector<16xi32>
    %add3A_2116 = arith.addi %add3A_2115, %convert_element_type3A_1985 : vector<16xi32>
    tpu.vector_store_idx %arg10[%add3A_2116], %broadcast_in_dim3A_1 masked %and3A_2108 : memref<65536xf32, #tpu.memory_space<vmem>>[vector<16xi32>], vector<16xf32>, vector<16xi1>
    %sub3A_2117 = arith.constant 32 : i32
    %sub3A_2118 = vector.broadcast %sub3A_2117 : i32 to vector<16xi32>
    %sub3A_2119 = arith.subi %convert_element_type3A_2015, %sub3A_2118 : vector<16xi32>
    %ge3A_2120 = arith.constant 0 : i32
    %ge3A_2121 = vector.broadcast %ge3A_2120 : i32 to vector<16xi32>
    %ge3A_2122 = arith.cmpi sge, %sub3A_2119, %ge3A_2121 : vector<16xi32>
    %lt3A_2123 = arith.constant 16 : i32
    %lt3A_2124 = vector.broadcast %lt3A_2123 : i32 to vector<16xi32>
    %lt3A_2125 = arith.cmpi slt, %sub3A_2119, %lt3A_2124 : vector<16xi32>
    %and3A_2126 = arith.andi %ge3A_2122, %lt3A_2125 : vector<16xi1>
    %mul3A_2127 = arith.constant 4096 : i32
    %mul3A_2128 = vector.broadcast %mul3A_2127 : i32 to vector<16xi32>
    %mul3A_2129 = arith.muli %sub3A_2119, %mul3A_2128 : vector<16xi32>
    %mul3A_2130 = arith.constant 128 : i32
    %mul3A_2131 = vector.broadcast %mul3A_2130 : i32 to vector<16xi32>
    %mul3A_2132 = arith.muli %add3A_2018, %mul3A_2131 : vector<16xi32>
    %add3A_2133 = arith.addi %mul3A_2129, %mul3A_2132 : vector<16xi32>
    %add3A_2134 = arith.addi %add3A_2133, %convert_element_type3A_2006 : vector<16xi32>
    tpu.vector_store_idx %arg10[%add3A_2134], %broadcast_in_dim3A_1 masked %and3A_2126 : memref<65536xf32, #tpu.memory_space<vmem>>[vector<16xi32>], vector<16xf32>, vector<16xi1>
    %mul3A_2135 = arith.constant 524288 : i32
    %mul3A_2136 = arith.muli %add3A_1952, %mul3A_2135 : i32
    %add3A_2137 = arith.constant 131072 : i32
    %add3A_2138 = arith.addi %mul3A_2136, %add3A_2137 : i32
    "tpu.region"() ({
      %run_scoped3A = tpu.sem_alloc : memref<!tpu.dma_semaphore, #tpu.memory_space<semaphore_mem>>
      %dma_start3A = tpu.memref_slice %arg6[%add3A_2138] : memref<134217728xf32, #tpu.memory_space<hbm>> -> memref<65536xf32, #tpu.memory_space<hbm>>
      %dma_start3A_3119 = tpu.memref_slice %arg6[%add3A_2138] : memref<134217728xf32, #tpu.memory_space<hbm>> -> memref<65536xf32, #tpu.memory_space<hbm>>
      tpu.enqueue_dma source(%arg10 : memref<65536xf32, #tpu.memory_space<vmem>>) target(%dma_start3A_3119 : memref<65536xf32, #tpu.memory_space<hbm>>) target_semaphore(%run_scoped3A : memref<!tpu.dma_semaphore, #tpu.memory_space<semaphore_mem>>)
      %dma_wait3A = tpu.memref_slice %arg6[%add3A_2138] : memref<134217728xf32, #tpu.memory_space<hbm>> -> memref<65536xf32, #tpu.memory_space<hbm>>
      %dma_wait3A_3120 = tpu.memref_slice %arg6[%add3A_2138] : memref<134217728xf32, #tpu.memory_space<hbm>> -> memref<65536xf32, #tpu.memory_space<hbm>>
      tpu.wait_dma2 semaphore(%run_scoped3A : memref<!tpu.dma_semaphore, #tpu.memory_space<semaphore_mem>>) src(%arg10 : memref<65536xf32, #tpu.memory_space<vmem>>) dst(%dma_wait3A_3120 : memref<65536xf32, #tpu.memory_space<hbm>>)
      tpu.yield
    }) : () -> ()
    tpu.vector_store_idx %arg10[%add3A_2116], %broadcast_in_dim3A_3 masked %and3A_2108 : memref<65536xf32, #tpu.memory_space<vmem>>[vector<16xi32>], vector<16xf32>, vector<16xi1>
    tpu.vector_store_idx %arg10[%add3A_2134], %broadcast_in_dim3A_3 masked %and3A_2126 : memref<65536xf32, #tpu.memory_space<vmem>>[vector<16xi32>], vector<16xf32>, vector<16xi1>
    %sub3A_2139 = arith.constant 48 : i32
    %sub3A_2140 = vector.broadcast %sub3A_2139 : i32 to vector<16xi32>
    %sub3A_2141 = arith.subi %convert_element_type3A_1994, %sub3A_2140 : vector<16xi32>
    %ge3A_2142 = arith.constant 0 : i32
    %ge3A_2143 = vector.broadcast %ge3A_2142 : i32 to vector<16xi32>
    %ge3A_2144 = arith.cmpi sge, %sub3A_2141, %ge3A_2143 : vector<16xi32>
    %lt3A_2145 = arith.constant 16 : i32
    %lt3A_2146 = vector.broadcast %lt3A_2145 : i32 to vector<16xi32>
    %lt3A_2147 = arith.cmpi slt, %sub3A_2141, %lt3A_2146 : vector<16xi32>
    %and3A_2148 = arith.andi %ge3A_2144, %lt3A_2147 : vector<16xi1>
    %mul3A_2149 = arith.constant 4096 : i32
    %mul3A_2150 = vector.broadcast %mul3A_2149 : i32 to vector<16xi32>
    %mul3A_2151 = arith.muli %sub3A_2141, %mul3A_2150 : vector<16xi32>
    %mul3A_2152 = arith.constant 128 : i32
    %mul3A_2153 = vector.broadcast %mul3A_2152 : i32 to vector<16xi32>
    %mul3A_2154 = arith.muli %add3A_1997, %mul3A_2153 : vector<16xi32>
    %add3A_2155 = arith.addi %mul3A_2151, %mul3A_2154 : vector<16xi32>
    %add3A_2156 = arith.addi %add3A_2155, %convert_element_type3A_1985 : vector<16xi32>
    tpu.vector_store_idx %arg10[%add3A_2156], %broadcast_in_dim3A_1 masked %and3A_2148 : memref<65536xf32, #tpu.memory_space<vmem>>[vector<16xi32>], vector<16xf32>, vector<16xi1>
    %sub3A_2157 = arith.constant 48 : i32
    %sub3A_2158 = vector.broadcast %sub3A_2157 : i32 to vector<16xi32>
    %sub3A_2159 = arith.subi %convert_element_type3A_2015, %sub3A_2158 : vector<16xi32>
    %ge3A_2160 = arith.constant 0 : i32
    %ge3A_2161 = vector.broadcast %ge3A_2160 : i32 to vector<16xi32>
    %ge3A_2162 = arith.cmpi sge, %sub3A_2159, %ge3A_2161 : vector<16xi32>
    %lt3A_2163 = arith.constant 16 : i32
    %lt3A_2164 = vector.broadcast %lt3A_2163 : i32 to vector<16xi32>
    %lt3A_2165 = arith.cmpi slt, %sub3A_2159, %lt3A_2164 : vector<16xi32>
    %and3A_2166 = arith.andi %ge3A_2162, %lt3A_2165 : vector<16xi1>
    %mul3A_2167 = arith.constant 4096 : i32
    %mul3A_2168 = vector.broadcast %mul3A_2167 : i32 to vector<16xi32>
    %mul3A_2169 = arith.muli %sub3A_2159, %mul3A_2168 : vector<16xi32>
    %mul3A_2170 = arith.constant 128 : i32
    %mul3A_2171 = vector.broadcast %mul3A_2170 : i32 to vector<16xi32>
    %mul3A_2172 = arith.muli %add3A_2018, %mul3A_2171 : vector<16xi32>
    %add3A_2173 = arith.addi %mul3A_2169, %mul3A_2172 : vector<16xi32>
    %add3A_2174 = arith.addi %add3A_2173, %convert_element_type3A_2006 : vector<16xi32>
    tpu.vector_store_idx %arg10[%add3A_2174], %broadcast_in_dim3A_1 masked %and3A_2166 : memref<65536xf32, #tpu.memory_space<vmem>>[vector<16xi32>], vector<16xf32>, vector<16xi1>
    %mul3A_2175 = arith.constant 524288 : i32
    %mul3A_2176 = arith.muli %add3A_1952, %mul3A_2175 : i32
    %add3A_2177 = arith.constant 196608 : i32
    %add3A_2178 = arith.addi %mul3A_2176, %add3A_2177 : i32
    "tpu.region"() ({
      %run_scoped3A = tpu.sem_alloc : memref<!tpu.dma_semaphore, #tpu.memory_space<semaphore_mem>>
      %dma_start3A = tpu.memref_slice %arg6[%add3A_2178] : memref<134217728xf32, #tpu.memory_space<hbm>> -> memref<65536xf32, #tpu.memory_space<hbm>>
      %dma_start3A_3119 = tpu.memref_slice %arg6[%add3A_2178] : memref<134217728xf32, #tpu.memory_space<hbm>> -> memref<65536xf32, #tpu.memory_space<hbm>>
      tpu.enqueue_dma source(%arg10 : memref<65536xf32, #tpu.memory_space<vmem>>) target(%dma_start3A_3119 : memref<65536xf32, #tpu.memory_space<hbm>>) target_semaphore(%run_scoped3A : memref<!tpu.dma_semaphore, #tpu.memory_space<semaphore_mem>>)
      %dma_wait3A = tpu.memref_slice %arg6[%add3A_2178] : memref<134217728xf32, #tpu.memory_space<hbm>> -> memref<65536xf32, #tpu.memory_space<hbm>>
      %dma_wait3A_3120 = tpu.memref_slice %arg6[%add3A_2178] : memref<134217728xf32, #tpu.memory_space<hbm>> -> memref<65536xf32, #tpu.memory_space<hbm>>
      tpu.wait_dma2 semaphore(%run_scoped3A : memref<!tpu.dma_semaphore, #tpu.memory_space<semaphore_mem>>) src(%arg10 : memref<65536xf32, #tpu.memory_space<vmem>>) dst(%dma_wait3A_3120 : memref<65536xf32, #tpu.memory_space<hbm>>)
      tpu.yield
    }) : () -> ()
    tpu.vector_store_idx %arg10[%add3A_2156], %broadcast_in_dim3A_3 masked %and3A_2148 : memref<65536xf32, #tpu.memory_space<vmem>>[vector<16xi32>], vector<16xf32>, vector<16xi1>
    tpu.vector_store_idx %arg10[%add3A_2174], %broadcast_in_dim3A_3 masked %and3A_2166 : memref<65536xf32, #tpu.memory_space<vmem>>[vector<16xi32>], vector<16xf32>, vector<16xi1>
    %sub3A_2179 = arith.constant 64 : i32
    %sub3A_2180 = vector.broadcast %sub3A_2179 : i32 to vector<16xi32>
    %sub3A_2181 = arith.subi %convert_element_type3A_1994, %sub3A_2180 : vector<16xi32>
    %ge3A_2182 = arith.constant 0 : i32
    %ge3A_2183 = vector.broadcast %ge3A_2182 : i32 to vector<16xi32>
    %ge3A_2184 = arith.cmpi sge, %sub3A_2181, %ge3A_2183 : vector<16xi32>
    %lt3A_2185 = arith.constant 16 : i32
    %lt3A_2186 = vector.broadcast %lt3A_2185 : i32 to vector<16xi32>
    %lt3A_2187 = arith.cmpi slt, %sub3A_2181, %lt3A_2186 : vector<16xi32>
    %and3A_2188 = arith.andi %ge3A_2184, %lt3A_2187 : vector<16xi1>
    %mul3A_2189 = arith.constant 4096 : i32
    %mul3A_2190 = vector.broadcast %mul3A_2189 : i32 to vector<16xi32>
    %mul3A_2191 = arith.muli %sub3A_2181, %mul3A_2190 : vector<16xi32>
    %mul3A_2192 = arith.constant 128 : i32
    %mul3A_2193 = vector.broadcast %mul3A_2192 : i32 to vector<16xi32>
    %mul3A_2194 = arith.muli %add3A_1997, %mul3A_2193 : vector<16xi32>
    %add3A_2195 = arith.addi %mul3A_2191, %mul3A_2194 : vector<16xi32>
    %add3A_2196 = arith.addi %add3A_2195, %convert_element_type3A_1985 : vector<16xi32>
    tpu.vector_store_idx %arg10[%add3A_2196], %broadcast_in_dim3A_1 masked %and3A_2188 : memref<65536xf32, #tpu.memory_space<vmem>>[vector<16xi32>], vector<16xf32>, vector<16xi1>
    %sub3A_2197 = arith.constant 64 : i32
    %sub3A_2198 = vector.broadcast %sub3A_2197 : i32 to vector<16xi32>
    %sub3A_2199 = arith.subi %convert_element_type3A_2015, %sub3A_2198 : vector<16xi32>
    %ge3A_2200 = arith.constant 0 : i32
    %ge3A_2201 = vector.broadcast %ge3A_2200 : i32 to vector<16xi32>
    %ge3A_2202 = arith.cmpi sge, %sub3A_2199, %ge3A_2201 : vector<16xi32>
    %lt3A_2203 = arith.constant 16 : i32
    %lt3A_2204 = vector.broadcast %lt3A_2203 : i32 to vector<16xi32>
    %lt3A_2205 = arith.cmpi slt, %sub3A_2199, %lt3A_2204 : vector<16xi32>
    %and3A_2206 = arith.andi %ge3A_2202, %lt3A_2205 : vector<16xi1>
    %mul3A_2207 = arith.constant 4096 : i32
    %mul3A_2208 = vector.broadcast %mul3A_2207 : i32 to vector<16xi32>
    %mul3A_2209 = arith.muli %sub3A_2199, %mul3A_2208 : vector<16xi32>
    %mul3A_2210 = arith.constant 128 : i32
    %mul3A_2211 = vector.broadcast %mul3A_2210 : i32 to vector<16xi32>
    %mul3A_2212 = arith.muli %add3A_2018, %mul3A_2211 : vector<16xi32>
    %add3A_2213 = arith.addi %mul3A_2209, %mul3A_2212 : vector<16xi32>
    %add3A_2214 = arith.addi %add3A_2213, %convert_element_type3A_2006 : vector<16xi32>
    tpu.vector_store_idx %arg10[%add3A_2214], %broadcast_in_dim3A_1 masked %and3A_2206 : memref<65536xf32, #tpu.memory_space<vmem>>[vector<16xi32>], vector<16xf32>, vector<16xi1>
    %mul3A_2215 = arith.constant 524288 : i32
    %mul3A_2216 = arith.muli %add3A_1952, %mul3A_2215 : i32
    %add3A_2217 = arith.constant 262144 : i32
    %add3A_2218 = arith.addi %mul3A_2216, %add3A_2217 : i32
    "tpu.region"() ({
      %run_scoped3A = tpu.sem_alloc : memref<!tpu.dma_semaphore, #tpu.memory_space<semaphore_mem>>
      %dma_start3A = tpu.memref_slice %arg6[%add3A_2218] : memref<134217728xf32, #tpu.memory_space<hbm>> -> memref<65536xf32, #tpu.memory_space<hbm>>
      %dma_start3A_3119 = tpu.memref_slice %arg6[%add3A_2218] : memref<134217728xf32, #tpu.memory_space<hbm>> -> memref<65536xf32, #tpu.memory_space<hbm>>
      tpu.enqueue_dma source(%arg10 : memref<65536xf32, #tpu.memory_space<vmem>>) target(%dma_start3A_3119 : memref<65536xf32, #tpu.memory_space<hbm>>) target_semaphore(%run_scoped3A : memref<!tpu.dma_semaphore, #tpu.memory_space<semaphore_mem>>)
      %dma_wait3A = tpu.memref_slice %arg6[%add3A_2218] : memref<134217728xf32, #tpu.memory_space<hbm>> -> memref<65536xf32, #tpu.memory_space<hbm>>
      %dma_wait3A_3120 = tpu.memref_slice %arg6[%add3A_2218] : memref<134217728xf32, #tpu.memory_space<hbm>> -> memref<65536xf32, #tpu.memory_space<hbm>>
      tpu.wait_dma2 semaphore(%run_scoped3A : memref<!tpu.dma_semaphore, #tpu.memory_space<semaphore_mem>>) src(%arg10 : memref<65536xf32, #tpu.memory_space<vmem>>) dst(%dma_wait3A_3120 : memref<65536xf32, #tpu.memory_space<hbm>>)
      tpu.yield
    }) : () -> ()
    tpu.vector_store_idx %arg10[%add3A_2196], %broadcast_in_dim3A_3 masked %and3A_2188 : memref<65536xf32, #tpu.memory_space<vmem>>[vector<16xi32>], vector<16xf32>, vector<16xi1>
    tpu.vector_store_idx %arg10[%add3A_2214], %broadcast_in_dim3A_3 masked %and3A_2206 : memref<65536xf32, #tpu.memory_space<vmem>>[vector<16xi32>], vector<16xf32>, vector<16xi1>
    %sub3A_2219 = arith.constant 80 : i32
    %sub3A_2220 = vector.broadcast %sub3A_2219 : i32 to vector<16xi32>
    %sub3A_2221 = arith.subi %convert_element_type3A_1994, %sub3A_2220 : vector<16xi32>
    %ge3A_2222 = arith.constant 0 : i32
    %ge3A_2223 = vector.broadcast %ge3A_2222 : i32 to vector<16xi32>
    %ge3A_2224 = arith.cmpi sge, %sub3A_2221, %ge3A_2223 : vector<16xi32>
    %lt3A_2225 = arith.constant 16 : i32
    %lt3A_2226 = vector.broadcast %lt3A_2225 : i32 to vector<16xi32>
    %lt3A_2227 = arith.cmpi slt, %sub3A_2221, %lt3A_2226 : vector<16xi32>
    %and3A_2228 = arith.andi %ge3A_2224, %lt3A_2227 : vector<16xi1>
    %mul3A_2229 = arith.constant 4096 : i32
    %mul3A_2230 = vector.broadcast %mul3A_2229 : i32 to vector<16xi32>
    %mul3A_2231 = arith.muli %sub3A_2221, %mul3A_2230 : vector<16xi32>
    %mul3A_2232 = arith.constant 128 : i32
    %mul3A_2233 = vector.broadcast %mul3A_2232 : i32 to vector<16xi32>
    %mul3A_2234 = arith.muli %add3A_1997, %mul3A_2233 : vector<16xi32>
    %add3A_2235 = arith.addi %mul3A_2231, %mul3A_2234 : vector<16xi32>
    %add3A_2236 = arith.addi %add3A_2235, %convert_element_type3A_1985 : vector<16xi32>
    tpu.vector_store_idx %arg10[%add3A_2236], %broadcast_in_dim3A_1 masked %and3A_2228 : memref<65536xf32, #tpu.memory_space<vmem>>[vector<16xi32>], vector<16xf32>, vector<16xi1>
    %sub3A_2237 = arith.constant 80 : i32
    %sub3A_2238 = vector.broadcast %sub3A_2237 : i32 to vector<16xi32>
    %sub3A_2239 = arith.subi %convert_element_type3A_2015, %sub3A_2238 : vector<16xi32>
    %ge3A_2240 = arith.constant 0 : i32
    %ge3A_2241 = vector.broadcast %ge3A_2240 : i32 to vector<16xi32>
    %ge3A_2242 = arith.cmpi sge, %sub3A_2239, %ge3A_2241 : vector<16xi32>
    %lt3A_2243 = arith.constant 16 : i32
    %lt3A_2244 = vector.broadcast %lt3A_2243 : i32 to vector<16xi32>
    %lt3A_2245 = arith.cmpi slt, %sub3A_2239, %lt3A_2244 : vector<16xi32>
    %and3A_2246 = arith.andi %ge3A_2242, %lt3A_2245 : vector<16xi1>
    %mul3A_2247 = arith.constant 4096 : i32
    %mul3A_2248 = vector.broadcast %mul3A_2247 : i32 to vector<16xi32>
    %mul3A_2249 = arith.muli %sub3A_2239, %mul3A_2248 : vector<16xi32>
    %mul3A_2250 = arith.constant 128 : i32
    %mul3A_2251 = vector.broadcast %mul3A_2250 : i32 to vector<16xi32>
    %mul3A_2252 = arith.muli %add3A_2018, %mul3A_2251 : vector<16xi32>
    %add3A_2253 = arith.addi %mul3A_2249, %mul3A_2252 : vector<16xi32>
    %add3A_2254 = arith.addi %add3A_2253, %convert_element_type3A_2006 : vector<16xi32>
    tpu.vector_store_idx %arg10[%add3A_2254], %broadcast_in_dim3A_1 masked %and3A_2246 : memref<65536xf32, #tpu.memory_space<vmem>>[vector<16xi32>], vector<16xf32>, vector<16xi1>
    %mul3A_2255 = arith.constant 524288 : i32
    %mul3A_2256 = arith.muli %add3A_1952, %mul3A_2255 : i32
    %add3A_2257 = arith.constant 327680 : i32
    %add3A_2258 = arith.addi %mul3A_2256, %add3A_2257 : i32
    "tpu.region"() ({
      %run_scoped3A = tpu.sem_alloc : memref<!tpu.dma_semaphore, #tpu.memory_space<semaphore_mem>>
      %dma_start3A = tpu.memref_slice %arg6[%add3A_2258] : memref<134217728xf32, #tpu.memory_space<hbm>> -> memref<65536xf32, #tpu.memory_space<hbm>>
      %dma_start3A_3119 = tpu.memref_slice %arg6[%add3A_2258] : memref<134217728xf32, #tpu.memory_space<hbm>> -> memref<65536xf32, #tpu.memory_space<hbm>>
      tpu.enqueue_dma source(%arg10 : memref<65536xf32, #tpu.memory_space<vmem>>) target(%dma_start3A_3119 : memref<65536xf32, #tpu.memory_space<hbm>>) target_semaphore(%run_scoped3A : memref<!tpu.dma_semaphore, #tpu.memory_space<semaphore_mem>>)
      %dma_wait3A = tpu.memref_slice %arg6[%add3A_2258] : memref<134217728xf32, #tpu.memory_space<hbm>> -> memref<65536xf32, #tpu.memory_space<hbm>>
      %dma_wait3A_3120 = tpu.memref_slice %arg6[%add3A_2258] : memref<134217728xf32, #tpu.memory_space<hbm>> -> memref<65536xf32, #tpu.memory_space<hbm>>
      tpu.wait_dma2 semaphore(%run_scoped3A : memref<!tpu.dma_semaphore, #tpu.memory_space<semaphore_mem>>) src(%arg10 : memref<65536xf32, #tpu.memory_space<vmem>>) dst(%dma_wait3A_3120 : memref<65536xf32, #tpu.memory_space<hbm>>)
      tpu.yield
    }) : () -> ()
    tpu.vector_store_idx %arg10[%add3A_2236], %broadcast_in_dim3A_3 masked %and3A_2228 : memref<65536xf32, #tpu.memory_space<vmem>>[vector<16xi32>], vector<16xf32>, vector<16xi1>
    tpu.vector_store_idx %arg10[%add3A_2254], %broadcast_in_dim3A_3 masked %and3A_2246 : memref<65536xf32, #tpu.memory_space<vmem>>[vector<16xi32>], vector<16xf32>, vector<16xi1>
    %sub3A_2259 = arith.constant 96 : i32
    %sub3A_2260 = vector.broadcast %sub3A_2259 : i32 to vector<16xi32>
    %sub3A_2261 = arith.subi %convert_element_type3A_1994, %sub3A_2260 : vector<16xi32>
    %ge3A_2262 = arith.constant 0 : i32
    %ge3A_2263 = vector.broadcast %ge3A_2262 : i32 to vector<16xi32>
    %ge3A_2264 = arith.cmpi sge, %sub3A_2261, %ge3A_2263 : vector<16xi32>
    %lt3A_2265 = arith.constant 16 : i32
    %lt3A_2266 = vector.broadcast %lt3A_2265 : i32 to vector<16xi32>
    %lt3A_2267 = arith.cmpi slt, %sub3A_2261, %lt3A_2266 : vector<16xi32>
    %and3A_2268 = arith.andi %ge3A_2264, %lt3A_2267 : vector<16xi1>
    %mul3A_2269 = arith.constant 4096 : i32
    %mul3A_2270 = vector.broadcast %mul3A_2269 : i32 to vector<16xi32>
    %mul3A_2271 = arith.muli %sub3A_2261, %mul3A_2270 : vector<16xi32>
    %mul3A_2272 = arith.constant 128 : i32
    %mul3A_2273 = vector.broadcast %mul3A_2272 : i32 to vector<16xi32>
    %mul3A_2274 = arith.muli %add3A_1997, %mul3A_2273 : vector<16xi32>
    %add3A_2275 = arith.addi %mul3A_2271, %mul3A_2274 : vector<16xi32>
    %add3A_2276 = arith.addi %add3A_2275, %convert_element_type3A_1985 : vector<16xi32>
    tpu.vector_store_idx %arg10[%add3A_2276], %broadcast_in_dim3A_1 masked %and3A_2268 : memref<65536xf32, #tpu.memory_space<vmem>>[vector<16xi32>], vector<16xf32>, vector<16xi1>
    %sub3A_2277 = arith.constant 96 : i32
    %sub3A_2278 = vector.broadcast %sub3A_2277 : i32 to vector<16xi32>
    %sub3A_2279 = arith.subi %convert_element_type3A_2015, %sub3A_2278 : vector<16xi32>
    %ge3A_2280 = arith.constant 0 : i32
    %ge3A_2281 = vector.broadcast %ge3A_2280 : i32 to vector<16xi32>
    %ge3A_2282 = arith.cmpi sge, %sub3A_2279, %ge3A_2281 : vector<16xi32>
    %lt3A_2283 = arith.constant 16 : i32
    %lt3A_2284 = vector.broadcast %lt3A_2283 : i32 to vector<16xi32>
    %lt3A_2285 = arith.cmpi slt, %sub3A_2279, %lt3A_2284 : vector<16xi32>
    %and3A_2286 = arith.andi %ge3A_2282, %lt3A_2285 : vector<16xi1>
    %mul3A_2287 = arith.constant 4096 : i32
    %mul3A_2288 = vector.broadcast %mul3A_2287 : i32 to vector<16xi32>
    %mul3A_2289 = arith.muli %sub3A_2279, %mul3A_2288 : vector<16xi32>
    %mul3A_2290 = arith.constant 128 : i32
    %mul3A_2291 = vector.broadcast %mul3A_2290 : i32 to vector<16xi32>
    %mul3A_2292 = arith.muli %add3A_2018, %mul3A_2291 : vector<16xi32>
    %add3A_2293 = arith.addi %mul3A_2289, %mul3A_2292 : vector<16xi32>
    %add3A_2294 = arith.addi %add3A_2293, %convert_element_type3A_2006 : vector<16xi32>
    tpu.vector_store_idx %arg10[%add3A_2294], %broadcast_in_dim3A_1 masked %and3A_2286 : memref<65536xf32, #tpu.memory_space<vmem>>[vector<16xi32>], vector<16xf32>, vector<16xi1>
    %mul3A_2295 = arith.constant 524288 : i32
    %mul3A_2296 = arith.muli %add3A_1952, %mul3A_2295 : i32
    %add3A_2297 = arith.constant 393216 : i32
    %add3A_2298 = arith.addi %mul3A_2296, %add3A_2297 : i32
    "tpu.region"() ({
      %run_scoped3A = tpu.sem_alloc : memref<!tpu.dma_semaphore, #tpu.memory_space<semaphore_mem>>
      %dma_start3A = tpu.memref_slice %arg6[%add3A_2298] : memref<134217728xf32, #tpu.memory_space<hbm>> -> memref<65536xf32, #tpu.memory_space<hbm>>
      %dma_start3A_3119 = tpu.memref_slice %arg6[%add3A_2298] : memref<134217728xf32, #tpu.memory_space<hbm>> -> memref<65536xf32, #tpu.memory_space<hbm>>
      tpu.enqueue_dma source(%arg10 : memref<65536xf32, #tpu.memory_space<vmem>>) target(%dma_start3A_3119 : memref<65536xf32, #tpu.memory_space<hbm>>) target_semaphore(%run_scoped3A : memref<!tpu.dma_semaphore, #tpu.memory_space<semaphore_mem>>)
      %dma_wait3A = tpu.memref_slice %arg6[%add3A_2298] : memref<134217728xf32, #tpu.memory_space<hbm>> -> memref<65536xf32, #tpu.memory_space<hbm>>
      %dma_wait3A_3120 = tpu.memref_slice %arg6[%add3A_2298] : memref<134217728xf32, #tpu.memory_space<hbm>> -> memref<65536xf32, #tpu.memory_space<hbm>>
      tpu.wait_dma2 semaphore(%run_scoped3A : memref<!tpu.dma_semaphore, #tpu.memory_space<semaphore_mem>>) src(%arg10 : memref<65536xf32, #tpu.memory_space<vmem>>) dst(%dma_wait3A_3120 : memref<65536xf32, #tpu.memory_space<hbm>>)
      tpu.yield
    }) : () -> ()
    tpu.vector_store_idx %arg10[%add3A_2276], %broadcast_in_dim3A_3 masked %and3A_2268 : memref<65536xf32, #tpu.memory_space<vmem>>[vector<16xi32>], vector<16xf32>, vector<16xi1>
    tpu.vector_store_idx %arg10[%add3A_2294], %broadcast_in_dim3A_3 masked %and3A_2286 : memref<65536xf32, #tpu.memory_space<vmem>>[vector<16xi32>], vector<16xf32>, vector<16xi1>
    %sub3A_2299 = arith.constant 112 : i32
    %sub3A_2300 = vector.broadcast %sub3A_2299 : i32 to vector<16xi32>
    %sub3A_2301 = arith.subi %convert_element_type3A_1994, %sub3A_2300 : vector<16xi32>
    %ge3A_2302 = arith.constant 0 : i32
    %ge3A_2303 = vector.broadcast %ge3A_2302 : i32 to vector<16xi32>
    %ge3A_2304 = arith.cmpi sge, %sub3A_2301, %ge3A_2303 : vector<16xi32>
    %lt3A_2305 = arith.constant 16 : i32
    %lt3A_2306 = vector.broadcast %lt3A_2305 : i32 to vector<16xi32>
    %lt3A_2307 = arith.cmpi slt, %sub3A_2301, %lt3A_2306 : vector<16xi32>
    %and3A_2308 = arith.andi %ge3A_2304, %lt3A_2307 : vector<16xi1>
    %mul3A_2309 = arith.constant 4096 : i32
    %mul3A_2310 = vector.broadcast %mul3A_2309 : i32 to vector<16xi32>
    %mul3A_2311 = arith.muli %sub3A_2301, %mul3A_2310 : vector<16xi32>
    %mul3A_2312 = arith.constant 128 : i32
    %mul3A_2313 = vector.broadcast %mul3A_2312 : i32 to vector<16xi32>
    %mul3A_2314 = arith.muli %add3A_1997, %mul3A_2313 : vector<16xi32>
    %add3A_2315 = arith.addi %mul3A_2311, %mul3A_2314 : vector<16xi32>
    %add3A_2316 = arith.addi %add3A_2315, %convert_element_type3A_1985 : vector<16xi32>
    tpu.vector_store_idx %arg10[%add3A_2316], %broadcast_in_dim3A_1 masked %and3A_2308 : memref<65536xf32, #tpu.memory_space<vmem>>[vector<16xi32>], vector<16xf32>, vector<16xi1>
    %sub3A_2317 = arith.constant 112 : i32
    %sub3A_2318 = vector.broadcast %sub3A_2317 : i32 to vector<16xi32>
    %sub3A_2319 = arith.subi %convert_element_type3A_2015, %sub3A_2318 : vector<16xi32>
    %ge3A_2320 = arith.constant 0 : i32
    %ge3A_2321 = vector.broadcast %ge3A_2320 : i32 to vector<16xi32>
    %ge3A_2322 = arith.cmpi sge, %sub3A_2319, %ge3A_2321 : vector<16xi32>
    %lt3A_2323 = arith.constant 16 : i32
    %lt3A_2324 = vector.broadcast %lt3A_2323 : i32 to vector<16xi32>
    %lt3A_2325 = arith.cmpi slt, %sub3A_2319, %lt3A_2324 : vector<16xi32>
    %and3A_2326 = arith.andi %ge3A_2322, %lt3A_2325 : vector<16xi1>
    %mul3A_2327 = arith.constant 4096 : i32
    %mul3A_2328 = vector.broadcast %mul3A_2327 : i32 to vector<16xi32>
    %mul3A_2329 = arith.muli %sub3A_2319, %mul3A_2328 : vector<16xi32>
    %mul3A_2330 = arith.constant 128 : i32
    %mul3A_2331 = vector.broadcast %mul3A_2330 : i32 to vector<16xi32>
    %mul3A_2332 = arith.muli %add3A_2018, %mul3A_2331 : vector<16xi32>
    %add3A_2333 = arith.addi %mul3A_2329, %mul3A_2332 : vector<16xi32>
    %add3A_2334 = arith.addi %add3A_2333, %convert_element_type3A_2006 : vector<16xi32>
    tpu.vector_store_idx %arg10[%add3A_2334], %broadcast_in_dim3A_1 masked %and3A_2326 : memref<65536xf32, #tpu.memory_space<vmem>>[vector<16xi32>], vector<16xf32>, vector<16xi1>
    %mul3A_2335 = arith.constant 524288 : i32
    %mul3A_2336 = arith.muli %add3A_1952, %mul3A_2335 : i32
    %add3A_2337 = arith.constant 458752 : i32
    %add3A_2338 = arith.addi %mul3A_2336, %add3A_2337 : i32
    "tpu.region"() ({
      %run_scoped3A = tpu.sem_alloc : memref<!tpu.dma_semaphore, #tpu.memory_space<semaphore_mem>>
      %dma_start3A = tpu.memref_slice %arg6[%add3A_2338] : memref<134217728xf32, #tpu.memory_space<hbm>> -> memref<65536xf32, #tpu.memory_space<hbm>>
      %dma_start3A_3119 = tpu.memref_slice %arg6[%add3A_2338] : memref<134217728xf32, #tpu.memory_space<hbm>> -> memref<65536xf32, #tpu.memory_space<hbm>>
      tpu.enqueue_dma source(%arg10 : memref<65536xf32, #tpu.memory_space<vmem>>) target(%dma_start3A_3119 : memref<65536xf32, #tpu.memory_space<hbm>>) target_semaphore(%run_scoped3A : memref<!tpu.dma_semaphore, #tpu.memory_space<semaphore_mem>>)
      %dma_wait3A = tpu.memref_slice %arg6[%add3A_2338] : memref<134217728xf32, #tpu.memory_space<hbm>> -> memref<65536xf32, #tpu.memory_space<hbm>>
      %dma_wait3A_3120 = tpu.memref_slice %arg6[%add3A_2338] : memref<134217728xf32, #tpu.memory_space<hbm>> -> memref<65536xf32, #tpu.memory_space<hbm>>
      tpu.wait_dma2 semaphore(%run_scoped3A : memref<!tpu.dma_semaphore, #tpu.memory_space<semaphore_mem>>) src(%arg10 : memref<65536xf32, #tpu.memory_space<vmem>>) dst(%dma_wait3A_3120 : memref<65536xf32, #tpu.memory_space<hbm>>)
      tpu.yield
    }) : () -> ()
    tpu.vector_store_idx %arg10[%add3A_2316], %broadcast_in_dim3A_3 masked %and3A_2308 : memref<65536xf32, #tpu.memory_space<vmem>>[vector<16xi32>], vector<16xf32>, vector<16xi1>
    tpu.vector_store_idx %arg10[%add3A_2334], %broadcast_in_dim3A_3 masked %and3A_2326 : memref<65536xf32, #tpu.memory_space<vmem>>[vector<16xi32>], vector<16xf32>, vector<16xi1>
    %mul3A_2339 = arith.constant 8 : i32
    %mul3A_2340 = arith.muli %add3A, %mul3A_2339 : i32
    %add3A_2341 = arith.constant 6 : i32
    %add3A_2342 = arith.addi %mul3A_2340, %add3A_2341 : i32
    "tpu.region"() ({
      %run_scoped3A = tpu.sem_alloc : memref<!tpu.dma_semaphore, #tpu.memory_space<semaphore_mem>>
      %dma_start3A = arith.constant 0 : i32
      %dma_start3A_3119 = arith.constant 0 : i32
      %dma_start3A_3120 = tpu.memref_slice %arg2[%add3A_2342, %dma_start3A, %dma_start3A_3119] : memref<256x2x16xf32, #tpu.memory_space<hbm>> -> memref<1x2x16xf32, #tpu.memory_space<hbm>>
      %dma_start3A_3121 = arith.constant 0 : i32
      %dma_start3A_3122 = arith.constant 0 : i32
      %dma_start3A_3123 = tpu.memref_slice %arg2[%add3A_2342, %dma_start3A_3121, %dma_start3A_3122] : memref<256x2x16xf32, #tpu.memory_space<hbm>> -> memref<1x2x16xf32, #tpu.memory_space<hbm>>
      tpu.enqueue_dma source(%dma_start3A_3123 : memref<1x2x16xf32, #tpu.memory_space<hbm>>) target(%arg7 : memref<1x2x16xf32, #tpu.memory_space<vmem>>) target_semaphore(%run_scoped3A : memref<!tpu.dma_semaphore, #tpu.memory_space<semaphore_mem>>)
      %dma_wait3A = arith.constant 0 : i32
      %dma_wait3A_3124 = arith.constant 0 : i32
      %dma_wait3A_3125 = tpu.memref_slice %arg2[%add3A_2342, %dma_wait3A, %dma_wait3A_3124] : memref<256x2x16xf32, #tpu.memory_space<hbm>> -> memref<1x2x16xf32, #tpu.memory_space<hbm>>
      %dma_wait3A_3126 = arith.constant 0 : i32
      %dma_wait3A_3127 = arith.constant 0 : i32
      %dma_wait3A_3128 = tpu.memref_slice %arg2[%add3A_2342, %dma_wait3A_3126, %dma_wait3A_3127] : memref<256x2x16xf32, #tpu.memory_space<hbm>> -> memref<1x2x16xf32, #tpu.memory_space<hbm>>
      tpu.wait_dma2 semaphore(%run_scoped3A : memref<!tpu.dma_semaphore, #tpu.memory_space<semaphore_mem>>) src(%dma_wait3A_3128 : memref<1x2x16xf32, #tpu.memory_space<hbm>>) dst(%arg7 : memref<1x2x16xf32, #tpu.memory_space<vmem>>)
      tpu.yield
    }) : () -> ()
    "tpu.region"() ({
      %run_scoped3A = tpu.sem_alloc : memref<!tpu.dma_semaphore, #tpu.memory_space<semaphore_mem>>
      %dma_start3A = arith.constant 0 : i32
      %dma_start3A_3119 = arith.constant 0 : i32
      %dma_start3A_3120 = tpu.memref_slice %arg3[%add3A_2342, %dma_start3A, %dma_start3A_3119] : memref<256x2x16xf32, #tpu.memory_space<hbm>> -> memref<1x2x16xf32, #tpu.memory_space<hbm>>
      %dma_start3A_3121 = arith.constant 0 : i32
      %dma_start3A_3122 = arith.constant 0 : i32
      %dma_start3A_3123 = tpu.memref_slice %arg3[%add3A_2342, %dma_start3A_3121, %dma_start3A_3122] : memref<256x2x16xf32, #tpu.memory_space<hbm>> -> memref<1x2x16xf32, #tpu.memory_space<hbm>>
      tpu.enqueue_dma source(%dma_start3A_3123 : memref<1x2x16xf32, #tpu.memory_space<hbm>>) target(%arg8 : memref<1x2x16xf32, #tpu.memory_space<vmem>>) target_semaphore(%run_scoped3A : memref<!tpu.dma_semaphore, #tpu.memory_space<semaphore_mem>>)
      %dma_wait3A = arith.constant 0 : i32
      %dma_wait3A_3124 = arith.constant 0 : i32
      %dma_wait3A_3125 = tpu.memref_slice %arg3[%add3A_2342, %dma_wait3A, %dma_wait3A_3124] : memref<256x2x16xf32, #tpu.memory_space<hbm>> -> memref<1x2x16xf32, #tpu.memory_space<hbm>>
      %dma_wait3A_3126 = arith.constant 0 : i32
      %dma_wait3A_3127 = arith.constant 0 : i32
      %dma_wait3A_3128 = tpu.memref_slice %arg3[%add3A_2342, %dma_wait3A_3126, %dma_wait3A_3127] : memref<256x2x16xf32, #tpu.memory_space<hbm>> -> memref<1x2x16xf32, #tpu.memory_space<hbm>>
      tpu.wait_dma2 semaphore(%run_scoped3A : memref<!tpu.dma_semaphore, #tpu.memory_space<semaphore_mem>>) src(%dma_wait3A_3128 : memref<1x2x16xf32, #tpu.memory_space<hbm>>) dst(%arg8 : memref<1x2x16xf32, #tpu.memory_space<vmem>>)
      tpu.yield
    }) : () -> ()
    "tpu.region"() ({
      %run_scoped3A = tpu.sem_alloc : memref<!tpu.dma_semaphore, #tpu.memory_space<semaphore_mem>>
      %dma_start3A = arith.constant 0 : i32
      %dma_start3A_3119 = arith.constant 0 : i32
      %dma_start3A_3120 = tpu.memref_slice %arg4[%add3A_2342, %dma_start3A, %dma_start3A_3119] : memref<256x4x16xf32, #tpu.memory_space<hbm>> -> memref<1x4x16xf32, #tpu.memory_space<hbm>>
      %dma_start3A_3121 = arith.constant 0 : i32
      %dma_start3A_3122 = arith.constant 0 : i32
      %dma_start3A_3123 = tpu.memref_slice %arg4[%add3A_2342, %dma_start3A_3121, %dma_start3A_3122] : memref<256x4x16xf32, #tpu.memory_space<hbm>> -> memref<1x4x16xf32, #tpu.memory_space<hbm>>
      tpu.enqueue_dma source(%dma_start3A_3123 : memref<1x4x16xf32, #tpu.memory_space<hbm>>) target(%arg9 : memref<1x4x16xf32, #tpu.memory_space<vmem>>) target_semaphore(%run_scoped3A : memref<!tpu.dma_semaphore, #tpu.memory_space<semaphore_mem>>)
      %dma_wait3A = arith.constant 0 : i32
      %dma_wait3A_3124 = arith.constant 0 : i32
      %dma_wait3A_3125 = tpu.memref_slice %arg4[%add3A_2342, %dma_wait3A, %dma_wait3A_3124] : memref<256x4x16xf32, #tpu.memory_space<hbm>> -> memref<1x4x16xf32, #tpu.memory_space<hbm>>
      %dma_wait3A_3126 = arith.constant 0 : i32
      %dma_wait3A_3127 = arith.constant 0 : i32
      %dma_wait3A_3128 = tpu.memref_slice %arg4[%add3A_2342, %dma_wait3A_3126, %dma_wait3A_3127] : memref<256x4x16xf32, #tpu.memory_space<hbm>> -> memref<1x4x16xf32, #tpu.memory_space<hbm>>
      tpu.wait_dma2 semaphore(%run_scoped3A : memref<!tpu.dma_semaphore, #tpu.memory_space<semaphore_mem>>) src(%dma_wait3A_3128 : memref<1x4x16xf32, #tpu.memory_space<hbm>>) dst(%arg9 : memref<1x4x16xf32, #tpu.memory_space<vmem>>)
      tpu.yield
    }) : () -> ()
    %get3A_2343 = arith.constant 0 : i32
    %get3A_2344 = arith.constant 0 : i32
    %get3A_2345 = arith.index_cast %get3A_2343 : i32 to index
    %get3A_2346 = arith.index_cast %get3A_2344 : i32 to index
    %get3A_2347 = arith.constant 0 : index
    %get3A_2348 = tpu.vector_load %arg9[%get3A_2345, %get3A_2346, %get3A_2347] {strides = array<i32>} : memref<1x4x16xf32, #tpu.memory_space<vmem>>, vector<16xf32>,
    %get3A_2349 = arith.constant 0 : i32
    %get3A_2350 = arith.constant 1 : i32
    %get3A_2351 = arith.index_cast %get3A_2349 : i32 to index
    %get3A_2352 = arith.index_cast %get3A_2350 : i32 to index
    %get3A_2353 = arith.constant 0 : index
    %get3A_2354 = tpu.vector_load %arg9[%get3A_2351, %get3A_2352, %get3A_2353] {strides = array<i32>} : memref<1x4x16xf32, #tpu.memory_space<vmem>>, vector<16xf32>,
    %get3A_2355 = arith.constant 0 : i32
    %get3A_2356 = arith.constant 2 : i32
    %get3A_2357 = arith.index_cast %get3A_2355 : i32 to index
    %get3A_2358 = arith.index_cast %get3A_2356 : i32 to index
    %get3A_2359 = arith.constant 0 : index
    %get3A_2360 = tpu.vector_load %arg9[%get3A_2357, %get3A_2358, %get3A_2359] {strides = array<i32>} : memref<1x4x16xf32, #tpu.memory_space<vmem>>, vector<16xf32>,
    %get3A_2361 = arith.constant 0 : i32
    %get3A_2362 = arith.constant 3 : i32
    %get3A_2363 = arith.index_cast %get3A_2361 : i32 to index
    %get3A_2364 = arith.index_cast %get3A_2362 : i32 to index
    %get3A_2365 = arith.constant 0 : index
    %get3A_2366 = tpu.vector_load %arg9[%get3A_2363, %get3A_2364, %get3A_2365] {strides = array<i32>} : memref<1x4x16xf32, #tpu.memory_space<vmem>>, vector<16xf32>,
    %get3A_2367 = arith.constant 0 : i32
    %get3A_2368 = arith.constant 0 : i32
    %get3A_2369 = arith.index_cast %get3A_2367 : i32 to index
    %get3A_2370 = arith.index_cast %get3A_2368 : i32 to index
    %get3A_2371 = arith.constant 0 : index
    %get3A_2372 = tpu.vector_load %arg7[%get3A_2369, %get3A_2370, %get3A_2371] {strides = array<i32>} : memref<1x2x16xf32, #tpu.memory_space<vmem>>, vector<16xf32>,
    %div3A_2373 = arith.divf %get3A_2372, %get3A_2348 : vector<16xf32>
    %add3A_2374 = arith.addf %div3A_2373, %get3A_2360 : vector<16xf32>
    %convert_element_type3A_2375 = arith.fptosi %add3A_2374 : vector<16xf32> to vector<16xi32>
    %get3A_2376 = arith.constant 0 : i32
    %get3A_2377 = arith.constant 0 : i32
    %get3A_2378 = arith.index_cast %get3A_2376 : i32 to index
    %get3A_2379 = arith.index_cast %get3A_2377 : i32 to index
    %get3A_2380 = arith.constant 0 : index
    %get3A_2381 = tpu.vector_load %arg8[%get3A_2378, %get3A_2379, %get3A_2380] {strides = array<i32>} : memref<1x2x16xf32, #tpu.memory_space<vmem>>, vector<16xf32>,
    %div3A_2382 = arith.divf %get3A_2381, %get3A_2354 : vector<16xf32>
    %add3A_2383 = arith.addf %div3A_2382, %get3A_2366 : vector<16xf32>
    %convert_element_type3A_2384 = arith.fptosi %add3A_2383 : vector<16xf32> to vector<16xi32>
    %add3A_2385 = arith.constant 0 : i32
    %add3A_2386 = vector.broadcast %add3A_2385 : i32 to vector<16xi32>
    %add3A_2387 = arith.addi %iota3A, %add3A_2386 : vector<16xi32>
    %get3A_2388 = arith.constant 0 : i32
    %get3A_2389 = arith.constant 1 : i32
    %get3A_2390 = arith.index_cast %get3A_2388 : i32 to index
    %get3A_2391 = arith.index_cast %get3A_2389 : i32 to index
    %get3A_2392 = arith.constant 0 : index
    %get3A_2393 = tpu.vector_load %arg7[%get3A_2390, %get3A_2391, %get3A_2392] {strides = array<i32>} : memref<1x2x16xf32, #tpu.memory_space<vmem>>, vector<16xf32>,
    %div3A_2394 = arith.divf %get3A_2393, %get3A_2348 : vector<16xf32>
    %add3A_2395 = arith.addf %div3A_2394, %get3A_2360 : vector<16xf32>
    %convert_element_type3A_2396 = arith.fptosi %add3A_2395 : vector<16xf32> to vector<16xi32>
    %get3A_2397 = arith.constant 0 : i32
    %get3A_2398 = arith.constant 1 : i32
    %get3A_2399 = arith.index_cast %get3A_2397 : i32 to index
    %get3A_2400 = arith.index_cast %get3A_2398 : i32 to index
    %get3A_2401 = arith.constant 0 : index
    %get3A_2402 = tpu.vector_load %arg8[%get3A_2399, %get3A_2400, %get3A_2401] {strides = array<i32>} : memref<1x2x16xf32, #tpu.memory_space<vmem>>, vector<16xf32>,
    %div3A_2403 = arith.divf %get3A_2402, %get3A_2354 : vector<16xf32>
    %add3A_2404 = arith.addf %div3A_2403, %get3A_2366 : vector<16xf32>
    %convert_element_type3A_2405 = arith.fptosi %add3A_2404 : vector<16xf32> to vector<16xi32>
    %add3A_2406 = arith.constant 16 : i32
    %add3A_2407 = vector.broadcast %add3A_2406 : i32 to vector<16xi32>
    %add3A_2408 = arith.addi %iota3A, %add3A_2407 : vector<16xi32>
    %sub3A_2409 = arith.constant 0 : i32
    %sub3A_2410 = vector.broadcast %sub3A_2409 : i32 to vector<16xi32>
    %sub3A_2411 = arith.subi %convert_element_type3A_2384, %sub3A_2410 : vector<16xi32>
    %ge3A_2412 = arith.constant 0 : i32
    %ge3A_2413 = vector.broadcast %ge3A_2412 : i32 to vector<16xi32>
    %ge3A_2414 = arith.cmpi sge, %sub3A_2411, %ge3A_2413 : vector<16xi32>
    %lt3A_2415 = arith.constant 16 : i32
    %lt3A_2416 = vector.broadcast %lt3A_2415 : i32 to vector<16xi32>
    %lt3A_2417 = arith.cmpi slt, %sub3A_2411, %lt3A_2416 : vector<16xi32>
    %and3A_2418 = arith.andi %ge3A_2414, %lt3A_2417 : vector<16xi1>
    %mul3A_2419 = arith.constant 4096 : i32
    %mul3A_2420 = vector.broadcast %mul3A_2419 : i32 to vector<16xi32>
    %mul3A_2421 = arith.muli %sub3A_2411, %mul3A_2420 : vector<16xi32>
    %mul3A_2422 = arith.constant 128 : i32
    %mul3A_2423 = vector.broadcast %mul3A_2422 : i32 to vector<16xi32>
    %mul3A_2424 = arith.muli %add3A_2387, %mul3A_2423 : vector<16xi32>
    %add3A_2425 = arith.addi %mul3A_2421, %mul3A_2424 : vector<16xi32>
    %add3A_2426 = arith.addi %add3A_2425, %convert_element_type3A_2375 : vector<16xi32>
    tpu.vector_store_idx %arg10[%add3A_2426], %broadcast_in_dim3A_1 masked %and3A_2418 : memref<65536xf32, #tpu.memory_space<vmem>>[vector<16xi32>], vector<16xf32>, vector<16xi1>
    %sub3A_2427 = arith.constant 0 : i32
    %sub3A_2428 = vector.broadcast %sub3A_2427 : i32 to vector<16xi32>
    %sub3A_2429 = arith.subi %convert_element_type3A_2405, %sub3A_2428 : vector<16xi32>
    %ge3A_2430 = arith.constant 0 : i32
    %ge3A_2431 = vector.broadcast %ge3A_2430 : i32 to vector<16xi32>
    %ge3A_2432 = arith.cmpi sge, %sub3A_2429, %ge3A_2431 : vector<16xi32>
    %lt3A_2433 = arith.constant 16 : i32
    %lt3A_2434 = vector.broadcast %lt3A_2433 : i32 to vector<16xi32>
    %lt3A_2435 = arith.cmpi slt, %sub3A_2429, %lt3A_2434 : vector<16xi32>
    %and3A_2436 = arith.andi %ge3A_2432, %lt3A_2435 : vector<16xi1>
    %mul3A_2437 = arith.constant 4096 : i32
    %mul3A_2438 = vector.broadcast %mul3A_2437 : i32 to vector<16xi32>
    %mul3A_2439 = arith.muli %sub3A_2429, %mul3A_2438 : vector<16xi32>
    %mul3A_2440 = arith.constant 128 : i32
    %mul3A_2441 = vector.broadcast %mul3A_2440 : i32 to vector<16xi32>
    %mul3A_2442 = arith.muli %add3A_2408, %mul3A_2441 : vector<16xi32>
    %add3A_2443 = arith.addi %mul3A_2439, %mul3A_2442 : vector<16xi32>
    %add3A_2444 = arith.addi %add3A_2443, %convert_element_type3A_2396 : vector<16xi32>
    tpu.vector_store_idx %arg10[%add3A_2444], %broadcast_in_dim3A_1 masked %and3A_2436 : memref<65536xf32, #tpu.memory_space<vmem>>[vector<16xi32>], vector<16xf32>, vector<16xi1>
    %mul3A_2445 = arith.constant 524288 : i32
    %mul3A_2446 = arith.muli %add3A_2342, %mul3A_2445 : i32
    %add3A_2447 = arith.constant 0 : i32
    %add3A_2448 = arith.addi %mul3A_2446, %add3A_2447 : i32
    "tpu.region"() ({
      %run_scoped3A = tpu.sem_alloc : memref<!tpu.dma_semaphore, #tpu.memory_space<semaphore_mem>>
      %dma_start3A = tpu.memref_slice %arg6[%add3A_2448] : memref<134217728xf32, #tpu.memory_space<hbm>> -> memref<65536xf32, #tpu.memory_space<hbm>>
      %dma_start3A_3119 = tpu.memref_slice %arg6[%add3A_2448] : memref<134217728xf32, #tpu.memory_space<hbm>> -> memref<65536xf32, #tpu.memory_space<hbm>>
      tpu.enqueue_dma source(%arg10 : memref<65536xf32, #tpu.memory_space<vmem>>) target(%dma_start3A_3119 : memref<65536xf32, #tpu.memory_space<hbm>>) target_semaphore(%run_scoped3A : memref<!tpu.dma_semaphore, #tpu.memory_space<semaphore_mem>>)
      %dma_wait3A = tpu.memref_slice %arg6[%add3A_2448] : memref<134217728xf32, #tpu.memory_space<hbm>> -> memref<65536xf32, #tpu.memory_space<hbm>>
      %dma_wait3A_3120 = tpu.memref_slice %arg6[%add3A_2448] : memref<134217728xf32, #tpu.memory_space<hbm>> -> memref<65536xf32, #tpu.memory_space<hbm>>
      tpu.wait_dma2 semaphore(%run_scoped3A : memref<!tpu.dma_semaphore, #tpu.memory_space<semaphore_mem>>) src(%arg10 : memref<65536xf32, #tpu.memory_space<vmem>>) dst(%dma_wait3A_3120 : memref<65536xf32, #tpu.memory_space<hbm>>)
      tpu.yield
    }) : () -> ()
    tpu.vector_store_idx %arg10[%add3A_2426], %broadcast_in_dim3A_3 masked %and3A_2418 : memref<65536xf32, #tpu.memory_space<vmem>>[vector<16xi32>], vector<16xf32>, vector<16xi1>
    tpu.vector_store_idx %arg10[%add3A_2444], %broadcast_in_dim3A_3 masked %and3A_2436 : memref<65536xf32, #tpu.memory_space<vmem>>[vector<16xi32>], vector<16xf32>, vector<16xi1>
    %sub3A_2449 = arith.constant 16 : i32
    %sub3A_2450 = vector.broadcast %sub3A_2449 : i32 to vector<16xi32>
    %sub3A_2451 = arith.subi %convert_element_type3A_2384, %sub3A_2450 : vector<16xi32>
    %ge3A_2452 = arith.constant 0 : i32
    %ge3A_2453 = vector.broadcast %ge3A_2452 : i32 to vector<16xi32>
    %ge3A_2454 = arith.cmpi sge, %sub3A_2451, %ge3A_2453 : vector<16xi32>
    %lt3A_2455 = arith.constant 16 : i32
    %lt3A_2456 = vector.broadcast %lt3A_2455 : i32 to vector<16xi32>
    %lt3A_2457 = arith.cmpi slt, %sub3A_2451, %lt3A_2456 : vector<16xi32>
    %and3A_2458 = arith.andi %ge3A_2454, %lt3A_2457 : vector<16xi1>
    %mul3A_2459 = arith.constant 4096 : i32
    %mul3A_2460 = vector.broadcast %mul3A_2459 : i32 to vector<16xi32>
    %mul3A_2461 = arith.muli %sub3A_2451, %mul3A_2460 : vector<16xi32>
    %mul3A_2462 = arith.constant 128 : i32
    %mul3A_2463 = vector.broadcast %mul3A_2462 : i32 to vector<16xi32>
    %mul3A_2464 = arith.muli %add3A_2387, %mul3A_2463 : vector<16xi32>
    %add3A_2465 = arith.addi %mul3A_2461, %mul3A_2464 : vector<16xi32>
    %add3A_2466 = arith.addi %add3A_2465, %convert_element_type3A_2375 : vector<16xi32>
    tpu.vector_store_idx %arg10[%add3A_2466], %broadcast_in_dim3A_1 masked %and3A_2458 : memref<65536xf32, #tpu.memory_space<vmem>>[vector<16xi32>], vector<16xf32>, vector<16xi1>
    %sub3A_2467 = arith.constant 16 : i32
    %sub3A_2468 = vector.broadcast %sub3A_2467 : i32 to vector<16xi32>
    %sub3A_2469 = arith.subi %convert_element_type3A_2405, %sub3A_2468 : vector<16xi32>
    %ge3A_2470 = arith.constant 0 : i32
    %ge3A_2471 = vector.broadcast %ge3A_2470 : i32 to vector<16xi32>
    %ge3A_2472 = arith.cmpi sge, %sub3A_2469, %ge3A_2471 : vector<16xi32>
    %lt3A_2473 = arith.constant 16 : i32
    %lt3A_2474 = vector.broadcast %lt3A_2473 : i32 to vector<16xi32>
    %lt3A_2475 = arith.cmpi slt, %sub3A_2469, %lt3A_2474 : vector<16xi32>
    %and3A_2476 = arith.andi %ge3A_2472, %lt3A_2475 : vector<16xi1>
    %mul3A_2477 = arith.constant 4096 : i32
    %mul3A_2478 = vector.broadcast %mul3A_2477 : i32 to vector<16xi32>
    %mul3A_2479 = arith.muli %sub3A_2469, %mul3A_2478 : vector<16xi32>
    %mul3A_2480 = arith.constant 128 : i32
    %mul3A_2481 = vector.broadcast %mul3A_2480 : i32 to vector<16xi32>
    %mul3A_2482 = arith.muli %add3A_2408, %mul3A_2481 : vector<16xi32>
    %add3A_2483 = arith.addi %mul3A_2479, %mul3A_2482 : vector<16xi32>
    %add3A_2484 = arith.addi %add3A_2483, %convert_element_type3A_2396 : vector<16xi32>
    tpu.vector_store_idx %arg10[%add3A_2484], %broadcast_in_dim3A_1 masked %and3A_2476 : memref<65536xf32, #tpu.memory_space<vmem>>[vector<16xi32>], vector<16xf32>, vector<16xi1>
    %mul3A_2485 = arith.constant 524288 : i32
    %mul3A_2486 = arith.muli %add3A_2342, %mul3A_2485 : i32
    %add3A_2487 = arith.constant 65536 : i32
    %add3A_2488 = arith.addi %mul3A_2486, %add3A_2487 : i32
    "tpu.region"() ({
      %run_scoped3A = tpu.sem_alloc : memref<!tpu.dma_semaphore, #tpu.memory_space<semaphore_mem>>
      %dma_start3A = tpu.memref_slice %arg6[%add3A_2488] : memref<134217728xf32, #tpu.memory_space<hbm>> -> memref<65536xf32, #tpu.memory_space<hbm>>
      %dma_start3A_3119 = tpu.memref_slice %arg6[%add3A_2488] : memref<134217728xf32, #tpu.memory_space<hbm>> -> memref<65536xf32, #tpu.memory_space<hbm>>
      tpu.enqueue_dma source(%arg10 : memref<65536xf32, #tpu.memory_space<vmem>>) target(%dma_start3A_3119 : memref<65536xf32, #tpu.memory_space<hbm>>) target_semaphore(%run_scoped3A : memref<!tpu.dma_semaphore, #tpu.memory_space<semaphore_mem>>)
      %dma_wait3A = tpu.memref_slice %arg6[%add3A_2488] : memref<134217728xf32, #tpu.memory_space<hbm>> -> memref<65536xf32, #tpu.memory_space<hbm>>
      %dma_wait3A_3120 = tpu.memref_slice %arg6[%add3A_2488] : memref<134217728xf32, #tpu.memory_space<hbm>> -> memref<65536xf32, #tpu.memory_space<hbm>>
      tpu.wait_dma2 semaphore(%run_scoped3A : memref<!tpu.dma_semaphore, #tpu.memory_space<semaphore_mem>>) src(%arg10 : memref<65536xf32, #tpu.memory_space<vmem>>) dst(%dma_wait3A_3120 : memref<65536xf32, #tpu.memory_space<hbm>>)
      tpu.yield
    }) : () -> ()
    tpu.vector_store_idx %arg10[%add3A_2466], %broadcast_in_dim3A_3 masked %and3A_2458 : memref<65536xf32, #tpu.memory_space<vmem>>[vector<16xi32>], vector<16xf32>, vector<16xi1>
    tpu.vector_store_idx %arg10[%add3A_2484], %broadcast_in_dim3A_3 masked %and3A_2476 : memref<65536xf32, #tpu.memory_space<vmem>>[vector<16xi32>], vector<16xf32>, vector<16xi1>
    %sub3A_2489 = arith.constant 32 : i32
    %sub3A_2490 = vector.broadcast %sub3A_2489 : i32 to vector<16xi32>
    %sub3A_2491 = arith.subi %convert_element_type3A_2384, %sub3A_2490 : vector<16xi32>
    %ge3A_2492 = arith.constant 0 : i32
    %ge3A_2493 = vector.broadcast %ge3A_2492 : i32 to vector<16xi32>
    %ge3A_2494 = arith.cmpi sge, %sub3A_2491, %ge3A_2493 : vector<16xi32>
    %lt3A_2495 = arith.constant 16 : i32
    %lt3A_2496 = vector.broadcast %lt3A_2495 : i32 to vector<16xi32>
    %lt3A_2497 = arith.cmpi slt, %sub3A_2491, %lt3A_2496 : vector<16xi32>
    %and3A_2498 = arith.andi %ge3A_2494, %lt3A_2497 : vector<16xi1>
    %mul3A_2499 = arith.constant 4096 : i32
    %mul3A_2500 = vector.broadcast %mul3A_2499 : i32 to vector<16xi32>
    %mul3A_2501 = arith.muli %sub3A_2491, %mul3A_2500 : vector<16xi32>
    %mul3A_2502 = arith.constant 128 : i32
    %mul3A_2503 = vector.broadcast %mul3A_2502 : i32 to vector<16xi32>
    %mul3A_2504 = arith.muli %add3A_2387, %mul3A_2503 : vector<16xi32>
    %add3A_2505 = arith.addi %mul3A_2501, %mul3A_2504 : vector<16xi32>
    %add3A_2506 = arith.addi %add3A_2505, %convert_element_type3A_2375 : vector<16xi32>
    tpu.vector_store_idx %arg10[%add3A_2506], %broadcast_in_dim3A_1 masked %and3A_2498 : memref<65536xf32, #tpu.memory_space<vmem>>[vector<16xi32>], vector<16xf32>, vector<16xi1>
    %sub3A_2507 = arith.constant 32 : i32
    %sub3A_2508 = vector.broadcast %sub3A_2507 : i32 to vector<16xi32>
    %sub3A_2509 = arith.subi %convert_element_type3A_2405, %sub3A_2508 : vector<16xi32>
    %ge3A_2510 = arith.constant 0 : i32
    %ge3A_2511 = vector.broadcast %ge3A_2510 : i32 to vector<16xi32>
    %ge3A_2512 = arith.cmpi sge, %sub3A_2509, %ge3A_2511 : vector<16xi32>
    %lt3A_2513 = arith.constant 16 : i32
    %lt3A_2514 = vector.broadcast %lt3A_2513 : i32 to vector<16xi32>
    %lt3A_2515 = arith.cmpi slt, %sub3A_2509, %lt3A_2514 : vector<16xi32>
    %and3A_2516 = arith.andi %ge3A_2512, %lt3A_2515 : vector<16xi1>
    %mul3A_2517 = arith.constant 4096 : i32
    %mul3A_2518 = vector.broadcast %mul3A_2517 : i32 to vector<16xi32>
    %mul3A_2519 = arith.muli %sub3A_2509, %mul3A_2518 : vector<16xi32>
    %mul3A_2520 = arith.constant 128 : i32
    %mul3A_2521 = vector.broadcast %mul3A_2520 : i32 to vector<16xi32>
    %mul3A_2522 = arith.muli %add3A_2408, %mul3A_2521 : vector<16xi32>
    %add3A_2523 = arith.addi %mul3A_2519, %mul3A_2522 : vector<16xi32>
    %add3A_2524 = arith.addi %add3A_2523, %convert_element_type3A_2396 : vector<16xi32>
    tpu.vector_store_idx %arg10[%add3A_2524], %broadcast_in_dim3A_1 masked %and3A_2516 : memref<65536xf32, #tpu.memory_space<vmem>>[vector<16xi32>], vector<16xf32>, vector<16xi1>
    %mul3A_2525 = arith.constant 524288 : i32
    %mul3A_2526 = arith.muli %add3A_2342, %mul3A_2525 : i32
    %add3A_2527 = arith.constant 131072 : i32
    %add3A_2528 = arith.addi %mul3A_2526, %add3A_2527 : i32
    "tpu.region"() ({
      %run_scoped3A = tpu.sem_alloc : memref<!tpu.dma_semaphore, #tpu.memory_space<semaphore_mem>>
      %dma_start3A = tpu.memref_slice %arg6[%add3A_2528] : memref<134217728xf32, #tpu.memory_space<hbm>> -> memref<65536xf32, #tpu.memory_space<hbm>>
      %dma_start3A_3119 = tpu.memref_slice %arg6[%add3A_2528] : memref<134217728xf32, #tpu.memory_space<hbm>> -> memref<65536xf32, #tpu.memory_space<hbm>>
      tpu.enqueue_dma source(%arg10 : memref<65536xf32, #tpu.memory_space<vmem>>) target(%dma_start3A_3119 : memref<65536xf32, #tpu.memory_space<hbm>>) target_semaphore(%run_scoped3A : memref<!tpu.dma_semaphore, #tpu.memory_space<semaphore_mem>>)
      %dma_wait3A = tpu.memref_slice %arg6[%add3A_2528] : memref<134217728xf32, #tpu.memory_space<hbm>> -> memref<65536xf32, #tpu.memory_space<hbm>>
      %dma_wait3A_3120 = tpu.memref_slice %arg6[%add3A_2528] : memref<134217728xf32, #tpu.memory_space<hbm>> -> memref<65536xf32, #tpu.memory_space<hbm>>
      tpu.wait_dma2 semaphore(%run_scoped3A : memref<!tpu.dma_semaphore, #tpu.memory_space<semaphore_mem>>) src(%arg10 : memref<65536xf32, #tpu.memory_space<vmem>>) dst(%dma_wait3A_3120 : memref<65536xf32, #tpu.memory_space<hbm>>)
      tpu.yield
    }) : () -> ()
    tpu.vector_store_idx %arg10[%add3A_2506], %broadcast_in_dim3A_3 masked %and3A_2498 : memref<65536xf32, #tpu.memory_space<vmem>>[vector<16xi32>], vector<16xf32>, vector<16xi1>
    tpu.vector_store_idx %arg10[%add3A_2524], %broadcast_in_dim3A_3 masked %and3A_2516 : memref<65536xf32, #tpu.memory_space<vmem>>[vector<16xi32>], vector<16xf32>, vector<16xi1>
    %sub3A_2529 = arith.constant 48 : i32
    %sub3A_2530 = vector.broadcast %sub3A_2529 : i32 to vector<16xi32>
    %sub3A_2531 = arith.subi %convert_element_type3A_2384, %sub3A_2530 : vector<16xi32>
    %ge3A_2532 = arith.constant 0 : i32
    %ge3A_2533 = vector.broadcast %ge3A_2532 : i32 to vector<16xi32>
    %ge3A_2534 = arith.cmpi sge, %sub3A_2531, %ge3A_2533 : vector<16xi32>
    %lt3A_2535 = arith.constant 16 : i32
    %lt3A_2536 = vector.broadcast %lt3A_2535 : i32 to vector<16xi32>
    %lt3A_2537 = arith.cmpi slt, %sub3A_2531, %lt3A_2536 : vector<16xi32>
    %and3A_2538 = arith.andi %ge3A_2534, %lt3A_2537 : vector<16xi1>
    %mul3A_2539 = arith.constant 4096 : i32
    %mul3A_2540 = vector.broadcast %mul3A_2539 : i32 to vector<16xi32>
    %mul3A_2541 = arith.muli %sub3A_2531, %mul3A_2540 : vector<16xi32>
    %mul3A_2542 = arith.constant 128 : i32
    %mul3A_2543 = vector.broadcast %mul3A_2542 : i32 to vector<16xi32>
    %mul3A_2544 = arith.muli %add3A_2387, %mul3A_2543 : vector<16xi32>
    %add3A_2545 = arith.addi %mul3A_2541, %mul3A_2544 : vector<16xi32>
    %add3A_2546 = arith.addi %add3A_2545, %convert_element_type3A_2375 : vector<16xi32>
    tpu.vector_store_idx %arg10[%add3A_2546], %broadcast_in_dim3A_1 masked %and3A_2538 : memref<65536xf32, #tpu.memory_space<vmem>>[vector<16xi32>], vector<16xf32>, vector<16xi1>
    %sub3A_2547 = arith.constant 48 : i32
    %sub3A_2548 = vector.broadcast %sub3A_2547 : i32 to vector<16xi32>
    %sub3A_2549 = arith.subi %convert_element_type3A_2405, %sub3A_2548 : vector<16xi32>
    %ge3A_2550 = arith.constant 0 : i32
    %ge3A_2551 = vector.broadcast %ge3A_2550 : i32 to vector<16xi32>
    %ge3A_2552 = arith.cmpi sge, %sub3A_2549, %ge3A_2551 : vector<16xi32>
    %lt3A_2553 = arith.constant 16 : i32
    %lt3A_2554 = vector.broadcast %lt3A_2553 : i32 to vector<16xi32>
    %lt3A_2555 = arith.cmpi slt, %sub3A_2549, %lt3A_2554 : vector<16xi32>
    %and3A_2556 = arith.andi %ge3A_2552, %lt3A_2555 : vector<16xi1>
    %mul3A_2557 = arith.constant 4096 : i32
    %mul3A_2558 = vector.broadcast %mul3A_2557 : i32 to vector<16xi32>
    %mul3A_2559 = arith.muli %sub3A_2549, %mul3A_2558 : vector<16xi32>
    %mul3A_2560 = arith.constant 128 : i32
    %mul3A_2561 = vector.broadcast %mul3A_2560 : i32 to vector<16xi32>
    %mul3A_2562 = arith.muli %add3A_2408, %mul3A_2561 : vector<16xi32>
    %add3A_2563 = arith.addi %mul3A_2559, %mul3A_2562 : vector<16xi32>
    %add3A_2564 = arith.addi %add3A_2563, %convert_element_type3A_2396 : vector<16xi32>
    tpu.vector_store_idx %arg10[%add3A_2564], %broadcast_in_dim3A_1 masked %and3A_2556 : memref<65536xf32, #tpu.memory_space<vmem>>[vector<16xi32>], vector<16xf32>, vector<16xi1>
    %mul3A_2565 = arith.constant 524288 : i32
    %mul3A_2566 = arith.muli %add3A_2342, %mul3A_2565 : i32
    %add3A_2567 = arith.constant 196608 : i32
    %add3A_2568 = arith.addi %mul3A_2566, %add3A_2567 : i32
    "tpu.region"() ({
      %run_scoped3A = tpu.sem_alloc : memref<!tpu.dma_semaphore, #tpu.memory_space<semaphore_mem>>
      %dma_start3A = tpu.memref_slice %arg6[%add3A_2568] : memref<134217728xf32, #tpu.memory_space<hbm>> -> memref<65536xf32, #tpu.memory_space<hbm>>
      %dma_start3A_3119 = tpu.memref_slice %arg6[%add3A_2568] : memref<134217728xf32, #tpu.memory_space<hbm>> -> memref<65536xf32, #tpu.memory_space<hbm>>
      tpu.enqueue_dma source(%arg10 : memref<65536xf32, #tpu.memory_space<vmem>>) target(%dma_start3A_3119 : memref<65536xf32, #tpu.memory_space<hbm>>) target_semaphore(%run_scoped3A : memref<!tpu.dma_semaphore, #tpu.memory_space<semaphore_mem>>)
      %dma_wait3A = tpu.memref_slice %arg6[%add3A_2568] : memref<134217728xf32, #tpu.memory_space<hbm>> -> memref<65536xf32, #tpu.memory_space<hbm>>
      %dma_wait3A_3120 = tpu.memref_slice %arg6[%add3A_2568] : memref<134217728xf32, #tpu.memory_space<hbm>> -> memref<65536xf32, #tpu.memory_space<hbm>>
      tpu.wait_dma2 semaphore(%run_scoped3A : memref<!tpu.dma_semaphore, #tpu.memory_space<semaphore_mem>>) src(%arg10 : memref<65536xf32, #tpu.memory_space<vmem>>) dst(%dma_wait3A_3120 : memref<65536xf32, #tpu.memory_space<hbm>>)
      tpu.yield
    }) : () -> ()
    tpu.vector_store_idx %arg10[%add3A_2546], %broadcast_in_dim3A_3 masked %and3A_2538 : memref<65536xf32, #tpu.memory_space<vmem>>[vector<16xi32>], vector<16xf32>, vector<16xi1>
    tpu.vector_store_idx %arg10[%add3A_2564], %broadcast_in_dim3A_3 masked %and3A_2556 : memref<65536xf32, #tpu.memory_space<vmem>>[vector<16xi32>], vector<16xf32>, vector<16xi1>
    %sub3A_2569 = arith.constant 64 : i32
    %sub3A_2570 = vector.broadcast %sub3A_2569 : i32 to vector<16xi32>
    %sub3A_2571 = arith.subi %convert_element_type3A_2384, %sub3A_2570 : vector<16xi32>
    %ge3A_2572 = arith.constant 0 : i32
    %ge3A_2573 = vector.broadcast %ge3A_2572 : i32 to vector<16xi32>
    %ge3A_2574 = arith.cmpi sge, %sub3A_2571, %ge3A_2573 : vector<16xi32>
    %lt3A_2575 = arith.constant 16 : i32
    %lt3A_2576 = vector.broadcast %lt3A_2575 : i32 to vector<16xi32>
    %lt3A_2577 = arith.cmpi slt, %sub3A_2571, %lt3A_2576 : vector<16xi32>
    %and3A_2578 = arith.andi %ge3A_2574, %lt3A_2577 : vector<16xi1>
    %mul3A_2579 = arith.constant 4096 : i32
    %mul3A_2580 = vector.broadcast %mul3A_2579 : i32 to vector<16xi32>
    %mul3A_2581 = arith.muli %sub3A_2571, %mul3A_2580 : vector<16xi32>
    %mul3A_2582 = arith.constant 128 : i32
    %mul3A_2583 = vector.broadcast %mul3A_2582 : i32 to vector<16xi32>
    %mul3A_2584 = arith.muli %add3A_2387, %mul3A_2583 : vector<16xi32>
    %add3A_2585 = arith.addi %mul3A_2581, %mul3A_2584 : vector<16xi32>
    %add3A_2586 = arith.addi %add3A_2585, %convert_element_type3A_2375 : vector<16xi32>
    tpu.vector_store_idx %arg10[%add3A_2586], %broadcast_in_dim3A_1 masked %and3A_2578 : memref<65536xf32, #tpu.memory_space<vmem>>[vector<16xi32>], vector<16xf32>, vector<16xi1>
    %sub3A_2587 = arith.constant 64 : i32
    %sub3A_2588 = vector.broadcast %sub3A_2587 : i32 to vector<16xi32>
    %sub3A_2589 = arith.subi %convert_element_type3A_2405, %sub3A_2588 : vector<16xi32>
    %ge3A_2590 = arith.constant 0 : i32
    %ge3A_2591 = vector.broadcast %ge3A_2590 : i32 to vector<16xi32>
    %ge3A_2592 = arith.cmpi sge, %sub3A_2589, %ge3A_2591 : vector<16xi32>
    %lt3A_2593 = arith.constant 16 : i32
    %lt3A_2594 = vector.broadcast %lt3A_2593 : i32 to vector<16xi32>
    %lt3A_2595 = arith.cmpi slt, %sub3A_2589, %lt3A_2594 : vector<16xi32>
    %and3A_2596 = arith.andi %ge3A_2592, %lt3A_2595 : vector<16xi1>
    %mul3A_2597 = arith.constant 4096 : i32
    %mul3A_2598 = vector.broadcast %mul3A_2597 : i32 to vector<16xi32>
    %mul3A_2599 = arith.muli %sub3A_2589, %mul3A_2598 : vector<16xi32>
    %mul3A_2600 = arith.constant 128 : i32
    %mul3A_2601 = vector.broadcast %mul3A_2600 : i32 to vector<16xi32>
    %mul3A_2602 = arith.muli %add3A_2408, %mul3A_2601 : vector<16xi32>
    %add3A_2603 = arith.addi %mul3A_2599, %mul3A_2602 : vector<16xi32>
    %add3A_2604 = arith.addi %add3A_2603, %convert_element_type3A_2396 : vector<16xi32>
    tpu.vector_store_idx %arg10[%add3A_2604], %broadcast_in_dim3A_1 masked %and3A_2596 : memref<65536xf32, #tpu.memory_space<vmem>>[vector<16xi32>], vector<16xf32>, vector<16xi1>
    %mul3A_2605 = arith.constant 524288 : i32
    %mul3A_2606 = arith.muli %add3A_2342, %mul3A_2605 : i32
    %add3A_2607 = arith.constant 262144 : i32
    %add3A_2608 = arith.addi %mul3A_2606, %add3A_2607 : i32
    "tpu.region"() ({
      %run_scoped3A = tpu.sem_alloc : memref<!tpu.dma_semaphore, #tpu.memory_space<semaphore_mem>>
      %dma_start3A = tpu.memref_slice %arg6[%add3A_2608] : memref<134217728xf32, #tpu.memory_space<hbm>> -> memref<65536xf32, #tpu.memory_space<hbm>>
      %dma_start3A_3119 = tpu.memref_slice %arg6[%add3A_2608] : memref<134217728xf32, #tpu.memory_space<hbm>> -> memref<65536xf32, #tpu.memory_space<hbm>>
      tpu.enqueue_dma source(%arg10 : memref<65536xf32, #tpu.memory_space<vmem>>) target(%dma_start3A_3119 : memref<65536xf32, #tpu.memory_space<hbm>>) target_semaphore(%run_scoped3A : memref<!tpu.dma_semaphore, #tpu.memory_space<semaphore_mem>>)
      %dma_wait3A = tpu.memref_slice %arg6[%add3A_2608] : memref<134217728xf32, #tpu.memory_space<hbm>> -> memref<65536xf32, #tpu.memory_space<hbm>>
      %dma_wait3A_3120 = tpu.memref_slice %arg6[%add3A_2608] : memref<134217728xf32, #tpu.memory_space<hbm>> -> memref<65536xf32, #tpu.memory_space<hbm>>
      tpu.wait_dma2 semaphore(%run_scoped3A : memref<!tpu.dma_semaphore, #tpu.memory_space<semaphore_mem>>) src(%arg10 : memref<65536xf32, #tpu.memory_space<vmem>>) dst(%dma_wait3A_3120 : memref<65536xf32, #tpu.memory_space<hbm>>)
      tpu.yield
    }) : () -> ()
    tpu.vector_store_idx %arg10[%add3A_2586], %broadcast_in_dim3A_3 masked %and3A_2578 : memref<65536xf32, #tpu.memory_space<vmem>>[vector<16xi32>], vector<16xf32>, vector<16xi1>
    tpu.vector_store_idx %arg10[%add3A_2604], %broadcast_in_dim3A_3 masked %and3A_2596 : memref<65536xf32, #tpu.memory_space<vmem>>[vector<16xi32>], vector<16xf32>, vector<16xi1>
    %sub3A_2609 = arith.constant 80 : i32
    %sub3A_2610 = vector.broadcast %sub3A_2609 : i32 to vector<16xi32>
    %sub3A_2611 = arith.subi %convert_element_type3A_2384, %sub3A_2610 : vector<16xi32>
    %ge3A_2612 = arith.constant 0 : i32
    %ge3A_2613 = vector.broadcast %ge3A_2612 : i32 to vector<16xi32>
    %ge3A_2614 = arith.cmpi sge, %sub3A_2611, %ge3A_2613 : vector<16xi32>
    %lt3A_2615 = arith.constant 16 : i32
    %lt3A_2616 = vector.broadcast %lt3A_2615 : i32 to vector<16xi32>
    %lt3A_2617 = arith.cmpi slt, %sub3A_2611, %lt3A_2616 : vector<16xi32>
    %and3A_2618 = arith.andi %ge3A_2614, %lt3A_2617 : vector<16xi1>
    %mul3A_2619 = arith.constant 4096 : i32
    %mul3A_2620 = vector.broadcast %mul3A_2619 : i32 to vector<16xi32>
    %mul3A_2621 = arith.muli %sub3A_2611, %mul3A_2620 : vector<16xi32>
    %mul3A_2622 = arith.constant 128 : i32
    %mul3A_2623 = vector.broadcast %mul3A_2622 : i32 to vector<16xi32>
    %mul3A_2624 = arith.muli %add3A_2387, %mul3A_2623 : vector<16xi32>
    %add3A_2625 = arith.addi %mul3A_2621, %mul3A_2624 : vector<16xi32>
    %add3A_2626 = arith.addi %add3A_2625, %convert_element_type3A_2375 : vector<16xi32>
    tpu.vector_store_idx %arg10[%add3A_2626], %broadcast_in_dim3A_1 masked %and3A_2618 : memref<65536xf32, #tpu.memory_space<vmem>>[vector<16xi32>], vector<16xf32>, vector<16xi1>
    %sub3A_2627 = arith.constant 80 : i32
    %sub3A_2628 = vector.broadcast %sub3A_2627 : i32 to vector<16xi32>
    %sub3A_2629 = arith.subi %convert_element_type3A_2405, %sub3A_2628 : vector<16xi32>
    %ge3A_2630 = arith.constant 0 : i32
    %ge3A_2631 = vector.broadcast %ge3A_2630 : i32 to vector<16xi32>
    %ge3A_2632 = arith.cmpi sge, %sub3A_2629, %ge3A_2631 : vector<16xi32>
    %lt3A_2633 = arith.constant 16 : i32
    %lt3A_2634 = vector.broadcast %lt3A_2633 : i32 to vector<16xi32>
    %lt3A_2635 = arith.cmpi slt, %sub3A_2629, %lt3A_2634 : vector<16xi32>
    %and3A_2636 = arith.andi %ge3A_2632, %lt3A_2635 : vector<16xi1>
    %mul3A_2637 = arith.constant 4096 : i32
    %mul3A_2638 = vector.broadcast %mul3A_2637 : i32 to vector<16xi32>
    %mul3A_2639 = arith.muli %sub3A_2629, %mul3A_2638 : vector<16xi32>
    %mul3A_2640 = arith.constant 128 : i32
    %mul3A_2641 = vector.broadcast %mul3A_2640 : i32 to vector<16xi32>
    %mul3A_2642 = arith.muli %add3A_2408, %mul3A_2641 : vector<16xi32>
    %add3A_2643 = arith.addi %mul3A_2639, %mul3A_2642 : vector<16xi32>
    %add3A_2644 = arith.addi %add3A_2643, %convert_element_type3A_2396 : vector<16xi32>
    tpu.vector_store_idx %arg10[%add3A_2644], %broadcast_in_dim3A_1 masked %and3A_2636 : memref<65536xf32, #tpu.memory_space<vmem>>[vector<16xi32>], vector<16xf32>, vector<16xi1>
    %mul3A_2645 = arith.constant 524288 : i32
    %mul3A_2646 = arith.muli %add3A_2342, %mul3A_2645 : i32
    %add3A_2647 = arith.constant 327680 : i32
    %add3A_2648 = arith.addi %mul3A_2646, %add3A_2647 : i32
    "tpu.region"() ({
      %run_scoped3A = tpu.sem_alloc : memref<!tpu.dma_semaphore, #tpu.memory_space<semaphore_mem>>
      %dma_start3A = tpu.memref_slice %arg6[%add3A_2648] : memref<134217728xf32, #tpu.memory_space<hbm>> -> memref<65536xf32, #tpu.memory_space<hbm>>
      %dma_start3A_3119 = tpu.memref_slice %arg6[%add3A_2648] : memref<134217728xf32, #tpu.memory_space<hbm>> -> memref<65536xf32, #tpu.memory_space<hbm>>
      tpu.enqueue_dma source(%arg10 : memref<65536xf32, #tpu.memory_space<vmem>>) target(%dma_start3A_3119 : memref<65536xf32, #tpu.memory_space<hbm>>) target_semaphore(%run_scoped3A : memref<!tpu.dma_semaphore, #tpu.memory_space<semaphore_mem>>)
      %dma_wait3A = tpu.memref_slice %arg6[%add3A_2648] : memref<134217728xf32, #tpu.memory_space<hbm>> -> memref<65536xf32, #tpu.memory_space<hbm>>
      %dma_wait3A_3120 = tpu.memref_slice %arg6[%add3A_2648] : memref<134217728xf32, #tpu.memory_space<hbm>> -> memref<65536xf32, #tpu.memory_space<hbm>>
      tpu.wait_dma2 semaphore(%run_scoped3A : memref<!tpu.dma_semaphore, #tpu.memory_space<semaphore_mem>>) src(%arg10 : memref<65536xf32, #tpu.memory_space<vmem>>) dst(%dma_wait3A_3120 : memref<65536xf32, #tpu.memory_space<hbm>>)
      tpu.yield
    }) : () -> ()
    tpu.vector_store_idx %arg10[%add3A_2626], %broadcast_in_dim3A_3 masked %and3A_2618 : memref<65536xf32, #tpu.memory_space<vmem>>[vector<16xi32>], vector<16xf32>, vector<16xi1>
    tpu.vector_store_idx %arg10[%add3A_2644], %broadcast_in_dim3A_3 masked %and3A_2636 : memref<65536xf32, #tpu.memory_space<vmem>>[vector<16xi32>], vector<16xf32>, vector<16xi1>
    %sub3A_2649 = arith.constant 96 : i32
    %sub3A_2650 = vector.broadcast %sub3A_2649 : i32 to vector<16xi32>
    %sub3A_2651 = arith.subi %convert_element_type3A_2384, %sub3A_2650 : vector<16xi32>
    %ge3A_2652 = arith.constant 0 : i32
    %ge3A_2653 = vector.broadcast %ge3A_2652 : i32 to vector<16xi32>
    %ge3A_2654 = arith.cmpi sge, %sub3A_2651, %ge3A_2653 : vector<16xi32>
    %lt3A_2655 = arith.constant 16 : i32
    %lt3A_2656 = vector.broadcast %lt3A_2655 : i32 to vector<16xi32>
    %lt3A_2657 = arith.cmpi slt, %sub3A_2651, %lt3A_2656 : vector<16xi32>
    %and3A_2658 = arith.andi %ge3A_2654, %lt3A_2657 : vector<16xi1>
    %mul3A_2659 = arith.constant 4096 : i32
    %mul3A_2660 = vector.broadcast %mul3A_2659 : i32 to vector<16xi32>
    %mul3A_2661 = arith.muli %sub3A_2651, %mul3A_2660 : vector<16xi32>
    %mul3A_2662 = arith.constant 128 : i32
    %mul3A_2663 = vector.broadcast %mul3A_2662 : i32 to vector<16xi32>
    %mul3A_2664 = arith.muli %add3A_2387, %mul3A_2663 : vector<16xi32>
    %add3A_2665 = arith.addi %mul3A_2661, %mul3A_2664 : vector<16xi32>
    %add3A_2666 = arith.addi %add3A_2665, %convert_element_type3A_2375 : vector<16xi32>
    tpu.vector_store_idx %arg10[%add3A_2666], %broadcast_in_dim3A_1 masked %and3A_2658 : memref<65536xf32, #tpu.memory_space<vmem>>[vector<16xi32>], vector<16xf32>, vector<16xi1>
    %sub3A_2667 = arith.constant 96 : i32
    %sub3A_2668 = vector.broadcast %sub3A_2667 : i32 to vector<16xi32>
    %sub3A_2669 = arith.subi %convert_element_type3A_2405, %sub3A_2668 : vector<16xi32>
    %ge3A_2670 = arith.constant 0 : i32
    %ge3A_2671 = vector.broadcast %ge3A_2670 : i32 to vector<16xi32>
    %ge3A_2672 = arith.cmpi sge, %sub3A_2669, %ge3A_2671 : vector<16xi32>
    %lt3A_2673 = arith.constant 16 : i32
    %lt3A_2674 = vector.broadcast %lt3A_2673 : i32 to vector<16xi32>
    %lt3A_2675 = arith.cmpi slt, %sub3A_2669, %lt3A_2674 : vector<16xi32>
    %and3A_2676 = arith.andi %ge3A_2672, %lt3A_2675 : vector<16xi1>
    %mul3A_2677 = arith.constant 4096 : i32
    %mul3A_2678 = vector.broadcast %mul3A_2677 : i32 to vector<16xi32>
    %mul3A_2679 = arith.muli %sub3A_2669, %mul3A_2678 : vector<16xi32>
    %mul3A_2680 = arith.constant 128 : i32
    %mul3A_2681 = vector.broadcast %mul3A_2680 : i32 to vector<16xi32>
    %mul3A_2682 = arith.muli %add3A_2408, %mul3A_2681 : vector<16xi32>
    %add3A_2683 = arith.addi %mul3A_2679, %mul3A_2682 : vector<16xi32>
    %add3A_2684 = arith.addi %add3A_2683, %convert_element_type3A_2396 : vector<16xi32>
    tpu.vector_store_idx %arg10[%add3A_2684], %broadcast_in_dim3A_1 masked %and3A_2676 : memref<65536xf32, #tpu.memory_space<vmem>>[vector<16xi32>], vector<16xf32>, vector<16xi1>
    %mul3A_2685 = arith.constant 524288 : i32
    %mul3A_2686 = arith.muli %add3A_2342, %mul3A_2685 : i32
    %add3A_2687 = arith.constant 393216 : i32
    %add3A_2688 = arith.addi %mul3A_2686, %add3A_2687 : i32
    "tpu.region"() ({
      %run_scoped3A = tpu.sem_alloc : memref<!tpu.dma_semaphore, #tpu.memory_space<semaphore_mem>>
      %dma_start3A = tpu.memref_slice %arg6[%add3A_2688] : memref<134217728xf32, #tpu.memory_space<hbm>> -> memref<65536xf32, #tpu.memory_space<hbm>>
      %dma_start3A_3119 = tpu.memref_slice %arg6[%add3A_2688] : memref<134217728xf32, #tpu.memory_space<hbm>> -> memref<65536xf32, #tpu.memory_space<hbm>>
      tpu.enqueue_dma source(%arg10 : memref<65536xf32, #tpu.memory_space<vmem>>) target(%dma_start3A_3119 : memref<65536xf32, #tpu.memory_space<hbm>>) target_semaphore(%run_scoped3A : memref<!tpu.dma_semaphore, #tpu.memory_space<semaphore_mem>>)
      %dma_wait3A = tpu.memref_slice %arg6[%add3A_2688] : memref<134217728xf32, #tpu.memory_space<hbm>> -> memref<65536xf32, #tpu.memory_space<hbm>>
      %dma_wait3A_3120 = tpu.memref_slice %arg6[%add3A_2688] : memref<134217728xf32, #tpu.memory_space<hbm>> -> memref<65536xf32, #tpu.memory_space<hbm>>
      tpu.wait_dma2 semaphore(%run_scoped3A : memref<!tpu.dma_semaphore, #tpu.memory_space<semaphore_mem>>) src(%arg10 : memref<65536xf32, #tpu.memory_space<vmem>>) dst(%dma_wait3A_3120 : memref<65536xf32, #tpu.memory_space<hbm>>)
      tpu.yield
    }) : () -> ()
    tpu.vector_store_idx %arg10[%add3A_2666], %broadcast_in_dim3A_3 masked %and3A_2658 : memref<65536xf32, #tpu.memory_space<vmem>>[vector<16xi32>], vector<16xf32>, vector<16xi1>
    tpu.vector_store_idx %arg10[%add3A_2684], %broadcast_in_dim3A_3 masked %and3A_2676 : memref<65536xf32, #tpu.memory_space<vmem>>[vector<16xi32>], vector<16xf32>, vector<16xi1>
    %sub3A_2689 = arith.constant 112 : i32
    %sub3A_2690 = vector.broadcast %sub3A_2689 : i32 to vector<16xi32>
    %sub3A_2691 = arith.subi %convert_element_type3A_2384, %sub3A_2690 : vector<16xi32>
    %ge3A_2692 = arith.constant 0 : i32
    %ge3A_2693 = vector.broadcast %ge3A_2692 : i32 to vector<16xi32>
    %ge3A_2694 = arith.cmpi sge, %sub3A_2691, %ge3A_2693 : vector<16xi32>
    %lt3A_2695 = arith.constant 16 : i32
    %lt3A_2696 = vector.broadcast %lt3A_2695 : i32 to vector<16xi32>
    %lt3A_2697 = arith.cmpi slt, %sub3A_2691, %lt3A_2696 : vector<16xi32>
    %and3A_2698 = arith.andi %ge3A_2694, %lt3A_2697 : vector<16xi1>
    %mul3A_2699 = arith.constant 4096 : i32
    %mul3A_2700 = vector.broadcast %mul3A_2699 : i32 to vector<16xi32>
    %mul3A_2701 = arith.muli %sub3A_2691, %mul3A_2700 : vector<16xi32>
    %mul3A_2702 = arith.constant 128 : i32
    %mul3A_2703 = vector.broadcast %mul3A_2702 : i32 to vector<16xi32>
    %mul3A_2704 = arith.muli %add3A_2387, %mul3A_2703 : vector<16xi32>
    %add3A_2705 = arith.addi %mul3A_2701, %mul3A_2704 : vector<16xi32>
    %add3A_2706 = arith.addi %add3A_2705, %convert_element_type3A_2375 : vector<16xi32>
    tpu.vector_store_idx %arg10[%add3A_2706], %broadcast_in_dim3A_1 masked %and3A_2698 : memref<65536xf32, #tpu.memory_space<vmem>>[vector<16xi32>], vector<16xf32>, vector<16xi1>
    %sub3A_2707 = arith.constant 112 : i32
    %sub3A_2708 = vector.broadcast %sub3A_2707 : i32 to vector<16xi32>
    %sub3A_2709 = arith.subi %convert_element_type3A_2405, %sub3A_2708 : vector<16xi32>
    %ge3A_2710 = arith.constant 0 : i32
    %ge3A_2711 = vector.broadcast %ge3A_2710 : i32 to vector<16xi32>
    %ge3A_2712 = arith.cmpi sge, %sub3A_2709, %ge3A_2711 : vector<16xi32>
    %lt3A_2713 = arith.constant 16 : i32
    %lt3A_2714 = vector.broadcast %lt3A_2713 : i32 to vector<16xi32>
    %lt3A_2715 = arith.cmpi slt, %sub3A_2709, %lt3A_2714 : vector<16xi32>
    %and3A_2716 = arith.andi %ge3A_2712, %lt3A_2715 : vector<16xi1>
    %mul3A_2717 = arith.constant 4096 : i32
    %mul3A_2718 = vector.broadcast %mul3A_2717 : i32 to vector<16xi32>
    %mul3A_2719 = arith.muli %sub3A_2709, %mul3A_2718 : vector<16xi32>
    %mul3A_2720 = arith.constant 128 : i32
    %mul3A_2721 = vector.broadcast %mul3A_2720 : i32 to vector<16xi32>
    %mul3A_2722 = arith.muli %add3A_2408, %mul3A_2721 : vector<16xi32>
    %add3A_2723 = arith.addi %mul3A_2719, %mul3A_2722 : vector<16xi32>
    %add3A_2724 = arith.addi %add3A_2723, %convert_element_type3A_2396 : vector<16xi32>
    tpu.vector_store_idx %arg10[%add3A_2724], %broadcast_in_dim3A_1 masked %and3A_2716 : memref<65536xf32, #tpu.memory_space<vmem>>[vector<16xi32>], vector<16xf32>, vector<16xi1>
    %mul3A_2725 = arith.constant 524288 : i32
    %mul3A_2726 = arith.muli %add3A_2342, %mul3A_2725 : i32
    %add3A_2727 = arith.constant 458752 : i32
    %add3A_2728 = arith.addi %mul3A_2726, %add3A_2727 : i32
    "tpu.region"() ({
      %run_scoped3A = tpu.sem_alloc : memref<!tpu.dma_semaphore, #tpu.memory_space<semaphore_mem>>
      %dma_start3A = tpu.memref_slice %arg6[%add3A_2728] : memref<134217728xf32, #tpu.memory_space<hbm>> -> memref<65536xf32, #tpu.memory_space<hbm>>
      %dma_start3A_3119 = tpu.memref_slice %arg6[%add3A_2728] : memref<134217728xf32, #tpu.memory_space<hbm>> -> memref<65536xf32, #tpu.memory_space<hbm>>
      tpu.enqueue_dma source(%arg10 : memref<65536xf32, #tpu.memory_space<vmem>>) target(%dma_start3A_3119 : memref<65536xf32, #tpu.memory_space<hbm>>) target_semaphore(%run_scoped3A : memref<!tpu.dma_semaphore, #tpu.memory_space<semaphore_mem>>)
      %dma_wait3A = tpu.memref_slice %arg6[%add3A_2728] : memref<134217728xf32, #tpu.memory_space<hbm>> -> memref<65536xf32, #tpu.memory_space<hbm>>
      %dma_wait3A_3120 = tpu.memref_slice %arg6[%add3A_2728] : memref<134217728xf32, #tpu.memory_space<hbm>> -> memref<65536xf32, #tpu.memory_space<hbm>>
      tpu.wait_dma2 semaphore(%run_scoped3A : memref<!tpu.dma_semaphore, #tpu.memory_space<semaphore_mem>>) src(%arg10 : memref<65536xf32, #tpu.memory_space<vmem>>) dst(%dma_wait3A_3120 : memref<65536xf32, #tpu.memory_space<hbm>>)
      tpu.yield
    }) : () -> ()
    tpu.vector_store_idx %arg10[%add3A_2706], %broadcast_in_dim3A_3 masked %and3A_2698 : memref<65536xf32, #tpu.memory_space<vmem>>[vector<16xi32>], vector<16xf32>, vector<16xi1>
    tpu.vector_store_idx %arg10[%add3A_2724], %broadcast_in_dim3A_3 masked %and3A_2716 : memref<65536xf32, #tpu.memory_space<vmem>>[vector<16xi32>], vector<16xf32>, vector<16xi1>
    %mul3A_2729 = arith.constant 8 : i32
    %mul3A_2730 = arith.muli %add3A, %mul3A_2729 : i32
    %add3A_2731 = arith.constant 7 : i32
    %add3A_2732 = arith.addi %mul3A_2730, %add3A_2731 : i32
    "tpu.region"() ({
      %run_scoped3A = tpu.sem_alloc : memref<!tpu.dma_semaphore, #tpu.memory_space<semaphore_mem>>
      %dma_start3A = arith.constant 0 : i32
      %dma_start3A_3119 = arith.constant 0 : i32
      %dma_start3A_3120 = tpu.memref_slice %arg2[%add3A_2732, %dma_start3A, %dma_start3A_3119] : memref<256x2x16xf32, #tpu.memory_space<hbm>> -> memref<1x2x16xf32, #tpu.memory_space<hbm>>
      %dma_start3A_3121 = arith.constant 0 : i32
      %dma_start3A_3122 = arith.constant 0 : i32
      %dma_start3A_3123 = tpu.memref_slice %arg2[%add3A_2732, %dma_start3A_3121, %dma_start3A_3122] : memref<256x2x16xf32, #tpu.memory_space<hbm>> -> memref<1x2x16xf32, #tpu.memory_space<hbm>>
      tpu.enqueue_dma source(%dma_start3A_3123 : memref<1x2x16xf32, #tpu.memory_space<hbm>>) target(%arg7 : memref<1x2x16xf32, #tpu.memory_space<vmem>>) target_semaphore(%run_scoped3A : memref<!tpu.dma_semaphore, #tpu.memory_space<semaphore_mem>>)
      %dma_wait3A = arith.constant 0 : i32
      %dma_wait3A_3124 = arith.constant 0 : i32
      %dma_wait3A_3125 = tpu.memref_slice %arg2[%add3A_2732, %dma_wait3A, %dma_wait3A_3124] : memref<256x2x16xf32, #tpu.memory_space<hbm>> -> memref<1x2x16xf32, #tpu.memory_space<hbm>>
      %dma_wait3A_3126 = arith.constant 0 : i32
      %dma_wait3A_3127 = arith.constant 0 : i32
      %dma_wait3A_3128 = tpu.memref_slice %arg2[%add3A_2732, %dma_wait3A_3126, %dma_wait3A_3127] : memref<256x2x16xf32, #tpu.memory_space<hbm>> -> memref<1x2x16xf32, #tpu.memory_space<hbm>>
      tpu.wait_dma2 semaphore(%run_scoped3A : memref<!tpu.dma_semaphore, #tpu.memory_space<semaphore_mem>>) src(%dma_wait3A_3128 : memref<1x2x16xf32, #tpu.memory_space<hbm>>) dst(%arg7 : memref<1x2x16xf32, #tpu.memory_space<vmem>>)
      tpu.yield
    }) : () -> ()
    "tpu.region"() ({
      %run_scoped3A = tpu.sem_alloc : memref<!tpu.dma_semaphore, #tpu.memory_space<semaphore_mem>>
      %dma_start3A = arith.constant 0 : i32
      %dma_start3A_3119 = arith.constant 0 : i32
      %dma_start3A_3120 = tpu.memref_slice %arg3[%add3A_2732, %dma_start3A, %dma_start3A_3119] : memref<256x2x16xf32, #tpu.memory_space<hbm>> -> memref<1x2x16xf32, #tpu.memory_space<hbm>>
      %dma_start3A_3121 = arith.constant 0 : i32
      %dma_start3A_3122 = arith.constant 0 : i32
      %dma_start3A_3123 = tpu.memref_slice %arg3[%add3A_2732, %dma_start3A_3121, %dma_start3A_3122] : memref<256x2x16xf32, #tpu.memory_space<hbm>> -> memref<1x2x16xf32, #tpu.memory_space<hbm>>
      tpu.enqueue_dma source(%dma_start3A_3123 : memref<1x2x16xf32, #tpu.memory_space<hbm>>) target(%arg8 : memref<1x2x16xf32, #tpu.memory_space<vmem>>) target_semaphore(%run_scoped3A : memref<!tpu.dma_semaphore, #tpu.memory_space<semaphore_mem>>)
      %dma_wait3A = arith.constant 0 : i32
      %dma_wait3A_3124 = arith.constant 0 : i32
      %dma_wait3A_3125 = tpu.memref_slice %arg3[%add3A_2732, %dma_wait3A, %dma_wait3A_3124] : memref<256x2x16xf32, #tpu.memory_space<hbm>> -> memref<1x2x16xf32, #tpu.memory_space<hbm>>
      %dma_wait3A_3126 = arith.constant 0 : i32
      %dma_wait3A_3127 = arith.constant 0 : i32
      %dma_wait3A_3128 = tpu.memref_slice %arg3[%add3A_2732, %dma_wait3A_3126, %dma_wait3A_3127] : memref<256x2x16xf32, #tpu.memory_space<hbm>> -> memref<1x2x16xf32, #tpu.memory_space<hbm>>
      tpu.wait_dma2 semaphore(%run_scoped3A : memref<!tpu.dma_semaphore, #tpu.memory_space<semaphore_mem>>) src(%dma_wait3A_3128 : memref<1x2x16xf32, #tpu.memory_space<hbm>>) dst(%arg8 : memref<1x2x16xf32, #tpu.memory_space<vmem>>)
      tpu.yield
    }) : () -> ()
    "tpu.region"() ({
      %run_scoped3A = tpu.sem_alloc : memref<!tpu.dma_semaphore, #tpu.memory_space<semaphore_mem>>
      %dma_start3A = arith.constant 0 : i32
      %dma_start3A_3119 = arith.constant 0 : i32
      %dma_start3A_3120 = tpu.memref_slice %arg4[%add3A_2732, %dma_start3A, %dma_start3A_3119] : memref<256x4x16xf32, #tpu.memory_space<hbm>> -> memref<1x4x16xf32, #tpu.memory_space<hbm>>
      %dma_start3A_3121 = arith.constant 0 : i32
      %dma_start3A_3122 = arith.constant 0 : i32
      %dma_start3A_3123 = tpu.memref_slice %arg4[%add3A_2732, %dma_start3A_3121, %dma_start3A_3122] : memref<256x4x16xf32, #tpu.memory_space<hbm>> -> memref<1x4x16xf32, #tpu.memory_space<hbm>>
      tpu.enqueue_dma source(%dma_start3A_3123 : memref<1x4x16xf32, #tpu.memory_space<hbm>>) target(%arg9 : memref<1x4x16xf32, #tpu.memory_space<vmem>>) target_semaphore(%run_scoped3A : memref<!tpu.dma_semaphore, #tpu.memory_space<semaphore_mem>>)
      %dma_wait3A = arith.constant 0 : i32
      %dma_wait3A_3124 = arith.constant 0 : i32
      %dma_wait3A_3125 = tpu.memref_slice %arg4[%add3A_2732, %dma_wait3A, %dma_wait3A_3124] : memref<256x4x16xf32, #tpu.memory_space<hbm>> -> memref<1x4x16xf32, #tpu.memory_space<hbm>>
      %dma_wait3A_3126 = arith.constant 0 : i32
      %dma_wait3A_3127 = arith.constant 0 : i32
      %dma_wait3A_3128 = tpu.memref_slice %arg4[%add3A_2732, %dma_wait3A_3126, %dma_wait3A_3127] : memref<256x4x16xf32, #tpu.memory_space<hbm>> -> memref<1x4x16xf32, #tpu.memory_space<hbm>>
      tpu.wait_dma2 semaphore(%run_scoped3A : memref<!tpu.dma_semaphore, #tpu.memory_space<semaphore_mem>>) src(%dma_wait3A_3128 : memref<1x4x16xf32, #tpu.memory_space<hbm>>) dst(%arg9 : memref<1x4x16xf32, #tpu.memory_space<vmem>>)
      tpu.yield
    }) : () -> ()
    %get3A_2733 = arith.constant 0 : i32
    %get3A_2734 = arith.constant 0 : i32
    %get3A_2735 = arith.index_cast %get3A_2733 : i32 to index
    %get3A_2736 = arith.index_cast %get3A_2734 : i32 to index
    %get3A_2737 = arith.constant 0 : index
    %get3A_2738 = tpu.vector_load %arg9[%get3A_2735, %get3A_2736, %get3A_2737] {strides = array<i32>} : memref<1x4x16xf32, #tpu.memory_space<vmem>>, vector<16xf32>,
    %get3A_2739 = arith.constant 0 : i32
    %get3A_2740 = arith.constant 1 : i32
    %get3A_2741 = arith.index_cast %get3A_2739 : i32 to index
    %get3A_2742 = arith.index_cast %get3A_2740 : i32 to index
    %get3A_2743 = arith.constant 0 : index
    %get3A_2744 = tpu.vector_load %arg9[%get3A_2741, %get3A_2742, %get3A_2743] {strides = array<i32>} : memref<1x4x16xf32, #tpu.memory_space<vmem>>, vector<16xf32>,
    %get3A_2745 = arith.constant 0 : i32
    %get3A_2746 = arith.constant 2 : i32
    %get3A_2747 = arith.index_cast %get3A_2745 : i32 to index
    %get3A_2748 = arith.index_cast %get3A_2746 : i32 to index
    %get3A_2749 = arith.constant 0 : index
    %get3A_2750 = tpu.vector_load %arg9[%get3A_2747, %get3A_2748, %get3A_2749] {strides = array<i32>} : memref<1x4x16xf32, #tpu.memory_space<vmem>>, vector<16xf32>,
    %get3A_2751 = arith.constant 0 : i32
    %get3A_2752 = arith.constant 3 : i32
    %get3A_2753 = arith.index_cast %get3A_2751 : i32 to index
    %get3A_2754 = arith.index_cast %get3A_2752 : i32 to index
    %get3A_2755 = arith.constant 0 : index
    %get3A_2756 = tpu.vector_load %arg9[%get3A_2753, %get3A_2754, %get3A_2755] {strides = array<i32>} : memref<1x4x16xf32, #tpu.memory_space<vmem>>, vector<16xf32>,
    %get3A_2757 = arith.constant 0 : i32
    %get3A_2758 = arith.constant 0 : i32
    %get3A_2759 = arith.index_cast %get3A_2757 : i32 to index
    %get3A_2760 = arith.index_cast %get3A_2758 : i32 to index
    %get3A_2761 = arith.constant 0 : index
    %get3A_2762 = tpu.vector_load %arg7[%get3A_2759, %get3A_2760, %get3A_2761] {strides = array<i32>} : memref<1x2x16xf32, #tpu.memory_space<vmem>>, vector<16xf32>,
    %div3A_2763 = arith.divf %get3A_2762, %get3A_2738 : vector<16xf32>
    %add3A_2764 = arith.addf %div3A_2763, %get3A_2750 : vector<16xf32>
    %convert_element_type3A_2765 = arith.fptosi %add3A_2764 : vector<16xf32> to vector<16xi32>
    %get3A_2766 = arith.constant 0 : i32
    %get3A_2767 = arith.constant 0 : i32
    %get3A_2768 = arith.index_cast %get3A_2766 : i32 to index
    %get3A_2769 = arith.index_cast %get3A_2767 : i32 to index
    %get3A_2770 = arith.constant 0 : index
    %get3A_2771 = tpu.vector_load %arg8[%get3A_2768, %get3A_2769, %get3A_2770] {strides = array<i32>} : memref<1x2x16xf32, #tpu.memory_space<vmem>>, vector<16xf32>,
    %div3A_2772 = arith.divf %get3A_2771, %get3A_2744 : vector<16xf32>
    %add3A_2773 = arith.addf %div3A_2772, %get3A_2756 : vector<16xf32>
    %convert_element_type3A_2774 = arith.fptosi %add3A_2773 : vector<16xf32> to vector<16xi32>
    %add3A_2775 = arith.constant 0 : i32
    %add3A_2776 = vector.broadcast %add3A_2775 : i32 to vector<16xi32>
    %add3A_2777 = arith.addi %iota3A, %add3A_2776 : vector<16xi32>
    %get3A_2778 = arith.constant 0 : i32
    %get3A_2779 = arith.constant 1 : i32
    %get3A_2780 = arith.index_cast %get3A_2778 : i32 to index
    %get3A_2781 = arith.index_cast %get3A_2779 : i32 to index
    %get3A_2782 = arith.constant 0 : index
    %get3A_2783 = tpu.vector_load %arg7[%get3A_2780, %get3A_2781, %get3A_2782] {strides = array<i32>} : memref<1x2x16xf32, #tpu.memory_space<vmem>>, vector<16xf32>,
    %div3A_2784 = arith.divf %get3A_2783, %get3A_2738 : vector<16xf32>
    %add3A_2785 = arith.addf %div3A_2784, %get3A_2750 : vector<16xf32>
    %convert_element_type3A_2786 = arith.fptosi %add3A_2785 : vector<16xf32> to vector<16xi32>
    %get3A_2787 = arith.constant 0 : i32
    %get3A_2788 = arith.constant 1 : i32
    %get3A_2789 = arith.index_cast %get3A_2787 : i32 to index
    %get3A_2790 = arith.index_cast %get3A_2788 : i32 to index
    %get3A_2791 = arith.constant 0 : index
    %get3A_2792 = tpu.vector_load %arg8[%get3A_2789, %get3A_2790, %get3A_2791] {strides = array<i32>} : memref<1x2x16xf32, #tpu.memory_space<vmem>>, vector<16xf32>,
    %div3A_2793 = arith.divf %get3A_2792, %get3A_2744 : vector<16xf32>
    %add3A_2794 = arith.addf %div3A_2793, %get3A_2756 : vector<16xf32>
    %convert_element_type3A_2795 = arith.fptosi %add3A_2794 : vector<16xf32> to vector<16xi32>
    %add3A_2796 = arith.constant 16 : i32
    %add3A_2797 = vector.broadcast %add3A_2796 : i32 to vector<16xi32>
    %add3A_2798 = arith.addi %iota3A, %add3A_2797 : vector<16xi32>
    %sub3A_2799 = arith.constant 0 : i32
    %sub3A_2800 = vector.broadcast %sub3A_2799 : i32 to vector<16xi32>
    %sub3A_2801 = arith.subi %convert_element_type3A_2774, %sub3A_2800 : vector<16xi32>
    %ge3A_2802 = arith.constant 0 : i32
    %ge3A_2803 = vector.broadcast %ge3A_2802 : i32 to vector<16xi32>
    %ge3A_2804 = arith.cmpi sge, %sub3A_2801, %ge3A_2803 : vector<16xi32>
    %lt3A_2805 = arith.constant 16 : i32
    %lt3A_2806 = vector.broadcast %lt3A_2805 : i32 to vector<16xi32>
    %lt3A_2807 = arith.cmpi slt, %sub3A_2801, %lt3A_2806 : vector<16xi32>
    %and3A_2808 = arith.andi %ge3A_2804, %lt3A_2807 : vector<16xi1>
    %mul3A_2809 = arith.constant 4096 : i32
    %mul3A_2810 = vector.broadcast %mul3A_2809 : i32 to vector<16xi32>
    %mul3A_2811 = arith.muli %sub3A_2801, %mul3A_2810 : vector<16xi32>
    %mul3A_2812 = arith.constant 128 : i32
    %mul3A_2813 = vector.broadcast %mul3A_2812 : i32 to vector<16xi32>
    %mul3A_2814 = arith.muli %add3A_2777, %mul3A_2813 : vector<16xi32>
    %add3A_2815 = arith.addi %mul3A_2811, %mul3A_2814 : vector<16xi32>
    %add3A_2816 = arith.addi %add3A_2815, %convert_element_type3A_2765 : vector<16xi32>
    tpu.vector_store_idx %arg10[%add3A_2816], %broadcast_in_dim3A_1 masked %and3A_2808 : memref<65536xf32, #tpu.memory_space<vmem>>[vector<16xi32>], vector<16xf32>, vector<16xi1>
    %sub3A_2817 = arith.constant 0 : i32
    %sub3A_2818 = vector.broadcast %sub3A_2817 : i32 to vector<16xi32>
    %sub3A_2819 = arith.subi %convert_element_type3A_2795, %sub3A_2818 : vector<16xi32>
    %ge3A_2820 = arith.constant 0 : i32
    %ge3A_2821 = vector.broadcast %ge3A_2820 : i32 to vector<16xi32>
    %ge3A_2822 = arith.cmpi sge, %sub3A_2819, %ge3A_2821 : vector<16xi32>
    %lt3A_2823 = arith.constant 16 : i32
    %lt3A_2824 = vector.broadcast %lt3A_2823 : i32 to vector<16xi32>
    %lt3A_2825 = arith.cmpi slt, %sub3A_2819, %lt3A_2824 : vector<16xi32>
    %and3A_2826 = arith.andi %ge3A_2822, %lt3A_2825 : vector<16xi1>
    %mul3A_2827 = arith.constant 4096 : i32
    %mul3A_2828 = vector.broadcast %mul3A_2827 : i32 to vector<16xi32>
    %mul3A_2829 = arith.muli %sub3A_2819, %mul3A_2828 : vector<16xi32>
    %mul3A_2830 = arith.constant 128 : i32
    %mul3A_2831 = vector.broadcast %mul3A_2830 : i32 to vector<16xi32>
    %mul3A_2832 = arith.muli %add3A_2798, %mul3A_2831 : vector<16xi32>
    %add3A_2833 = arith.addi %mul3A_2829, %mul3A_2832 : vector<16xi32>
    %add3A_2834 = arith.addi %add3A_2833, %convert_element_type3A_2786 : vector<16xi32>
    tpu.vector_store_idx %arg10[%add3A_2834], %broadcast_in_dim3A_1 masked %and3A_2826 : memref<65536xf32, #tpu.memory_space<vmem>>[vector<16xi32>], vector<16xf32>, vector<16xi1>
    %mul3A_2835 = arith.constant 524288 : i32
    %mul3A_2836 = arith.muli %add3A_2732, %mul3A_2835 : i32
    %add3A_2837 = arith.constant 0 : i32
    %add3A_2838 = arith.addi %mul3A_2836, %add3A_2837 : i32
    "tpu.region"() ({
      %run_scoped3A = tpu.sem_alloc : memref<!tpu.dma_semaphore, #tpu.memory_space<semaphore_mem>>
      %dma_start3A = tpu.memref_slice %arg6[%add3A_2838] : memref<134217728xf32, #tpu.memory_space<hbm>> -> memref<65536xf32, #tpu.memory_space<hbm>>
      %dma_start3A_3119 = tpu.memref_slice %arg6[%add3A_2838] : memref<134217728xf32, #tpu.memory_space<hbm>> -> memref<65536xf32, #tpu.memory_space<hbm>>
      tpu.enqueue_dma source(%arg10 : memref<65536xf32, #tpu.memory_space<vmem>>) target(%dma_start3A_3119 : memref<65536xf32, #tpu.memory_space<hbm>>) target_semaphore(%run_scoped3A : memref<!tpu.dma_semaphore, #tpu.memory_space<semaphore_mem>>)
      %dma_wait3A = tpu.memref_slice %arg6[%add3A_2838] : memref<134217728xf32, #tpu.memory_space<hbm>> -> memref<65536xf32, #tpu.memory_space<hbm>>
      %dma_wait3A_3120 = tpu.memref_slice %arg6[%add3A_2838] : memref<134217728xf32, #tpu.memory_space<hbm>> -> memref<65536xf32, #tpu.memory_space<hbm>>
      tpu.wait_dma2 semaphore(%run_scoped3A : memref<!tpu.dma_semaphore, #tpu.memory_space<semaphore_mem>>) src(%arg10 : memref<65536xf32, #tpu.memory_space<vmem>>) dst(%dma_wait3A_3120 : memref<65536xf32, #tpu.memory_space<hbm>>)
      tpu.yield
    }) : () -> ()
    tpu.vector_store_idx %arg10[%add3A_2816], %broadcast_in_dim3A_3 masked %and3A_2808 : memref<65536xf32, #tpu.memory_space<vmem>>[vector<16xi32>], vector<16xf32>, vector<16xi1>
    tpu.vector_store_idx %arg10[%add3A_2834], %broadcast_in_dim3A_3 masked %and3A_2826 : memref<65536xf32, #tpu.memory_space<vmem>>[vector<16xi32>], vector<16xf32>, vector<16xi1>
    %sub3A_2839 = arith.constant 16 : i32
    %sub3A_2840 = vector.broadcast %sub3A_2839 : i32 to vector<16xi32>
    %sub3A_2841 = arith.subi %convert_element_type3A_2774, %sub3A_2840 : vector<16xi32>
    %ge3A_2842 = arith.constant 0 : i32
    %ge3A_2843 = vector.broadcast %ge3A_2842 : i32 to vector<16xi32>
    %ge3A_2844 = arith.cmpi sge, %sub3A_2841, %ge3A_2843 : vector<16xi32>
    %lt3A_2845 = arith.constant 16 : i32
    %lt3A_2846 = vector.broadcast %lt3A_2845 : i32 to vector<16xi32>
    %lt3A_2847 = arith.cmpi slt, %sub3A_2841, %lt3A_2846 : vector<16xi32>
    %and3A_2848 = arith.andi %ge3A_2844, %lt3A_2847 : vector<16xi1>
    %mul3A_2849 = arith.constant 4096 : i32
    %mul3A_2850 = vector.broadcast %mul3A_2849 : i32 to vector<16xi32>
    %mul3A_2851 = arith.muli %sub3A_2841, %mul3A_2850 : vector<16xi32>
    %mul3A_2852 = arith.constant 128 : i32
    %mul3A_2853 = vector.broadcast %mul3A_2852 : i32 to vector<16xi32>
    %mul3A_2854 = arith.muli %add3A_2777, %mul3A_2853 : vector<16xi32>
    %add3A_2855 = arith.addi %mul3A_2851, %mul3A_2854 : vector<16xi32>
    %add3A_2856 = arith.addi %add3A_2855, %convert_element_type3A_2765 : vector<16xi32>
    tpu.vector_store_idx %arg10[%add3A_2856], %broadcast_in_dim3A_1 masked %and3A_2848 : memref<65536xf32, #tpu.memory_space<vmem>>[vector<16xi32>], vector<16xf32>, vector<16xi1>
    %sub3A_2857 = arith.constant 16 : i32
    %sub3A_2858 = vector.broadcast %sub3A_2857 : i32 to vector<16xi32>
    %sub3A_2859 = arith.subi %convert_element_type3A_2795, %sub3A_2858 : vector<16xi32>
    %ge3A_2860 = arith.constant 0 : i32
    %ge3A_2861 = vector.broadcast %ge3A_2860 : i32 to vector<16xi32>
    %ge3A_2862 = arith.cmpi sge, %sub3A_2859, %ge3A_2861 : vector<16xi32>
    %lt3A_2863 = arith.constant 16 : i32
    %lt3A_2864 = vector.broadcast %lt3A_2863 : i32 to vector<16xi32>
    %lt3A_2865 = arith.cmpi slt, %sub3A_2859, %lt3A_2864 : vector<16xi32>
    %and3A_2866 = arith.andi %ge3A_2862, %lt3A_2865 : vector<16xi1>
    %mul3A_2867 = arith.constant 4096 : i32
    %mul3A_2868 = vector.broadcast %mul3A_2867 : i32 to vector<16xi32>
    %mul3A_2869 = arith.muli %sub3A_2859, %mul3A_2868 : vector<16xi32>
    %mul3A_2870 = arith.constant 128 : i32
    %mul3A_2871 = vector.broadcast %mul3A_2870 : i32 to vector<16xi32>
    %mul3A_2872 = arith.muli %add3A_2798, %mul3A_2871 : vector<16xi32>
    %add3A_2873 = arith.addi %mul3A_2869, %mul3A_2872 : vector<16xi32>
    %add3A_2874 = arith.addi %add3A_2873, %convert_element_type3A_2786 : vector<16xi32>
    tpu.vector_store_idx %arg10[%add3A_2874], %broadcast_in_dim3A_1 masked %and3A_2866 : memref<65536xf32, #tpu.memory_space<vmem>>[vector<16xi32>], vector<16xf32>, vector<16xi1>
    %mul3A_2875 = arith.constant 524288 : i32
    %mul3A_2876 = arith.muli %add3A_2732, %mul3A_2875 : i32
    %add3A_2877 = arith.constant 65536 : i32
    %add3A_2878 = arith.addi %mul3A_2876, %add3A_2877 : i32
    "tpu.region"() ({
      %run_scoped3A = tpu.sem_alloc : memref<!tpu.dma_semaphore, #tpu.memory_space<semaphore_mem>>
      %dma_start3A = tpu.memref_slice %arg6[%add3A_2878] : memref<134217728xf32, #tpu.memory_space<hbm>> -> memref<65536xf32, #tpu.memory_space<hbm>>
      %dma_start3A_3119 = tpu.memref_slice %arg6[%add3A_2878] : memref<134217728xf32, #tpu.memory_space<hbm>> -> memref<65536xf32, #tpu.memory_space<hbm>>
      tpu.enqueue_dma source(%arg10 : memref<65536xf32, #tpu.memory_space<vmem>>) target(%dma_start3A_3119 : memref<65536xf32, #tpu.memory_space<hbm>>) target_semaphore(%run_scoped3A : memref<!tpu.dma_semaphore, #tpu.memory_space<semaphore_mem>>)
      %dma_wait3A = tpu.memref_slice %arg6[%add3A_2878] : memref<134217728xf32, #tpu.memory_space<hbm>> -> memref<65536xf32, #tpu.memory_space<hbm>>
      %dma_wait3A_3120 = tpu.memref_slice %arg6[%add3A_2878] : memref<134217728xf32, #tpu.memory_space<hbm>> -> memref<65536xf32, #tpu.memory_space<hbm>>
      tpu.wait_dma2 semaphore(%run_scoped3A : memref<!tpu.dma_semaphore, #tpu.memory_space<semaphore_mem>>) src(%arg10 : memref<65536xf32, #tpu.memory_space<vmem>>) dst(%dma_wait3A_3120 : memref<65536xf32, #tpu.memory_space<hbm>>)
      tpu.yield
    }) : () -> ()
    tpu.vector_store_idx %arg10[%add3A_2856], %broadcast_in_dim3A_3 masked %and3A_2848 : memref<65536xf32, #tpu.memory_space<vmem>>[vector<16xi32>], vector<16xf32>, vector<16xi1>
    tpu.vector_store_idx %arg10[%add3A_2874], %broadcast_in_dim3A_3 masked %and3A_2866 : memref<65536xf32, #tpu.memory_space<vmem>>[vector<16xi32>], vector<16xf32>, vector<16xi1>
    %sub3A_2879 = arith.constant 32 : i32
    %sub3A_2880 = vector.broadcast %sub3A_2879 : i32 to vector<16xi32>
    %sub3A_2881 = arith.subi %convert_element_type3A_2774, %sub3A_2880 : vector<16xi32>
    %ge3A_2882 = arith.constant 0 : i32
    %ge3A_2883 = vector.broadcast %ge3A_2882 : i32 to vector<16xi32>
    %ge3A_2884 = arith.cmpi sge, %sub3A_2881, %ge3A_2883 : vector<16xi32>
    %lt3A_2885 = arith.constant 16 : i32
    %lt3A_2886 = vector.broadcast %lt3A_2885 : i32 to vector<16xi32>
    %lt3A_2887 = arith.cmpi slt, %sub3A_2881, %lt3A_2886 : vector<16xi32>
    %and3A_2888 = arith.andi %ge3A_2884, %lt3A_2887 : vector<16xi1>
    %mul3A_2889 = arith.constant 4096 : i32
    %mul3A_2890 = vector.broadcast %mul3A_2889 : i32 to vector<16xi32>
    %mul3A_2891 = arith.muli %sub3A_2881, %mul3A_2890 : vector<16xi32>
    %mul3A_2892 = arith.constant 128 : i32
    %mul3A_2893 = vector.broadcast %mul3A_2892 : i32 to vector<16xi32>
    %mul3A_2894 = arith.muli %add3A_2777, %mul3A_2893 : vector<16xi32>
    %add3A_2895 = arith.addi %mul3A_2891, %mul3A_2894 : vector<16xi32>
    %add3A_2896 = arith.addi %add3A_2895, %convert_element_type3A_2765 : vector<16xi32>
    tpu.vector_store_idx %arg10[%add3A_2896], %broadcast_in_dim3A_1 masked %and3A_2888 : memref<65536xf32, #tpu.memory_space<vmem>>[vector<16xi32>], vector<16xf32>, vector<16xi1>
    %sub3A_2897 = arith.constant 32 : i32
    %sub3A_2898 = vector.broadcast %sub3A_2897 : i32 to vector<16xi32>
    %sub3A_2899 = arith.subi %convert_element_type3A_2795, %sub3A_2898 : vector<16xi32>
    %ge3A_2900 = arith.constant 0 : i32
    %ge3A_2901 = vector.broadcast %ge3A_2900 : i32 to vector<16xi32>
    %ge3A_2902 = arith.cmpi sge, %sub3A_2899, %ge3A_2901 : vector<16xi32>
    %lt3A_2903 = arith.constant 16 : i32
    %lt3A_2904 = vector.broadcast %lt3A_2903 : i32 to vector<16xi32>
    %lt3A_2905 = arith.cmpi slt, %sub3A_2899, %lt3A_2904 : vector<16xi32>
    %and3A_2906 = arith.andi %ge3A_2902, %lt3A_2905 : vector<16xi1>
    %mul3A_2907 = arith.constant 4096 : i32
    %mul3A_2908 = vector.broadcast %mul3A_2907 : i32 to vector<16xi32>
    %mul3A_2909 = arith.muli %sub3A_2899, %mul3A_2908 : vector<16xi32>
    %mul3A_2910 = arith.constant 128 : i32
    %mul3A_2911 = vector.broadcast %mul3A_2910 : i32 to vector<16xi32>
    %mul3A_2912 = arith.muli %add3A_2798, %mul3A_2911 : vector<16xi32>
    %add3A_2913 = arith.addi %mul3A_2909, %mul3A_2912 : vector<16xi32>
    %add3A_2914 = arith.addi %add3A_2913, %convert_element_type3A_2786 : vector<16xi32>
    tpu.vector_store_idx %arg10[%add3A_2914], %broadcast_in_dim3A_1 masked %and3A_2906 : memref<65536xf32, #tpu.memory_space<vmem>>[vector<16xi32>], vector<16xf32>, vector<16xi1>
    %mul3A_2915 = arith.constant 524288 : i32
    %mul3A_2916 = arith.muli %add3A_2732, %mul3A_2915 : i32
    %add3A_2917 = arith.constant 131072 : i32
    %add3A_2918 = arith.addi %mul3A_2916, %add3A_2917 : i32
    "tpu.region"() ({
      %run_scoped3A = tpu.sem_alloc : memref<!tpu.dma_semaphore, #tpu.memory_space<semaphore_mem>>
      %dma_start3A = tpu.memref_slice %arg6[%add3A_2918] : memref<134217728xf32, #tpu.memory_space<hbm>> -> memref<65536xf32, #tpu.memory_space<hbm>>
      %dma_start3A_3119 = tpu.memref_slice %arg6[%add3A_2918] : memref<134217728xf32, #tpu.memory_space<hbm>> -> memref<65536xf32, #tpu.memory_space<hbm>>
      tpu.enqueue_dma source(%arg10 : memref<65536xf32, #tpu.memory_space<vmem>>) target(%dma_start3A_3119 : memref<65536xf32, #tpu.memory_space<hbm>>) target_semaphore(%run_scoped3A : memref<!tpu.dma_semaphore, #tpu.memory_space<semaphore_mem>>)
      %dma_wait3A = tpu.memref_slice %arg6[%add3A_2918] : memref<134217728xf32, #tpu.memory_space<hbm>> -> memref<65536xf32, #tpu.memory_space<hbm>>
      %dma_wait3A_3120 = tpu.memref_slice %arg6[%add3A_2918] : memref<134217728xf32, #tpu.memory_space<hbm>> -> memref<65536xf32, #tpu.memory_space<hbm>>
      tpu.wait_dma2 semaphore(%run_scoped3A : memref<!tpu.dma_semaphore, #tpu.memory_space<semaphore_mem>>) src(%arg10 : memref<65536xf32, #tpu.memory_space<vmem>>) dst(%dma_wait3A_3120 : memref<65536xf32, #tpu.memory_space<hbm>>)
      tpu.yield
    }) : () -> ()
    tpu.vector_store_idx %arg10[%add3A_2896], %broadcast_in_dim3A_3 masked %and3A_2888 : memref<65536xf32, #tpu.memory_space<vmem>>[vector<16xi32>], vector<16xf32>, vector<16xi1>
    tpu.vector_store_idx %arg10[%add3A_2914], %broadcast_in_dim3A_3 masked %and3A_2906 : memref<65536xf32, #tpu.memory_space<vmem>>[vector<16xi32>], vector<16xf32>, vector<16xi1>
    %sub3A_2919 = arith.constant 48 : i32
    %sub3A_2920 = vector.broadcast %sub3A_2919 : i32 to vector<16xi32>
    %sub3A_2921 = arith.subi %convert_element_type3A_2774, %sub3A_2920 : vector<16xi32>
    %ge3A_2922 = arith.constant 0 : i32
    %ge3A_2923 = vector.broadcast %ge3A_2922 : i32 to vector<16xi32>
    %ge3A_2924 = arith.cmpi sge, %sub3A_2921, %ge3A_2923 : vector<16xi32>
    %lt3A_2925 = arith.constant 16 : i32
    %lt3A_2926 = vector.broadcast %lt3A_2925 : i32 to vector<16xi32>
    %lt3A_2927 = arith.cmpi slt, %sub3A_2921, %lt3A_2926 : vector<16xi32>
    %and3A_2928 = arith.andi %ge3A_2924, %lt3A_2927 : vector<16xi1>
    %mul3A_2929 = arith.constant 4096 : i32
    %mul3A_2930 = vector.broadcast %mul3A_2929 : i32 to vector<16xi32>
    %mul3A_2931 = arith.muli %sub3A_2921, %mul3A_2930 : vector<16xi32>
    %mul3A_2932 = arith.constant 128 : i32
    %mul3A_2933 = vector.broadcast %mul3A_2932 : i32 to vector<16xi32>
    %mul3A_2934 = arith.muli %add3A_2777, %mul3A_2933 : vector<16xi32>
    %add3A_2935 = arith.addi %mul3A_2931, %mul3A_2934 : vector<16xi32>
    %add3A_2936 = arith.addi %add3A_2935, %convert_element_type3A_2765 : vector<16xi32>
    tpu.vector_store_idx %arg10[%add3A_2936], %broadcast_in_dim3A_1 masked %and3A_2928 : memref<65536xf32, #tpu.memory_space<vmem>>[vector<16xi32>], vector<16xf32>, vector<16xi1>
    %sub3A_2937 = arith.constant 48 : i32
    %sub3A_2938 = vector.broadcast %sub3A_2937 : i32 to vector<16xi32>
    %sub3A_2939 = arith.subi %convert_element_type3A_2795, %sub3A_2938 : vector<16xi32>
    %ge3A_2940 = arith.constant 0 : i32
    %ge3A_2941 = vector.broadcast %ge3A_2940 : i32 to vector<16xi32>
    %ge3A_2942 = arith.cmpi sge, %sub3A_2939, %ge3A_2941 : vector<16xi32>
    %lt3A_2943 = arith.constant 16 : i32
    %lt3A_2944 = vector.broadcast %lt3A_2943 : i32 to vector<16xi32>
    %lt3A_2945 = arith.cmpi slt, %sub3A_2939, %lt3A_2944 : vector<16xi32>
    %and3A_2946 = arith.andi %ge3A_2942, %lt3A_2945 : vector<16xi1>
    %mul3A_2947 = arith.constant 4096 : i32
    %mul3A_2948 = vector.broadcast %mul3A_2947 : i32 to vector<16xi32>
    %mul3A_2949 = arith.muli %sub3A_2939, %mul3A_2948 : vector<16xi32>
    %mul3A_2950 = arith.constant 128 : i32
    %mul3A_2951 = vector.broadcast %mul3A_2950 : i32 to vector<16xi32>
    %mul3A_2952 = arith.muli %add3A_2798, %mul3A_2951 : vector<16xi32>
    %add3A_2953 = arith.addi %mul3A_2949, %mul3A_2952 : vector<16xi32>
    %add3A_2954 = arith.addi %add3A_2953, %convert_element_type3A_2786 : vector<16xi32>
    tpu.vector_store_idx %arg10[%add3A_2954], %broadcast_in_dim3A_1 masked %and3A_2946 : memref<65536xf32, #tpu.memory_space<vmem>>[vector<16xi32>], vector<16xf32>, vector<16xi1>
    %mul3A_2955 = arith.constant 524288 : i32
    %mul3A_2956 = arith.muli %add3A_2732, %mul3A_2955 : i32
    %add3A_2957 = arith.constant 196608 : i32
    %add3A_2958 = arith.addi %mul3A_2956, %add3A_2957 : i32
    "tpu.region"() ({
      %run_scoped3A = tpu.sem_alloc : memref<!tpu.dma_semaphore, #tpu.memory_space<semaphore_mem>>
      %dma_start3A = tpu.memref_slice %arg6[%add3A_2958] : memref<134217728xf32, #tpu.memory_space<hbm>> -> memref<65536xf32, #tpu.memory_space<hbm>>
      %dma_start3A_3119 = tpu.memref_slice %arg6[%add3A_2958] : memref<134217728xf32, #tpu.memory_space<hbm>> -> memref<65536xf32, #tpu.memory_space<hbm>>
      tpu.enqueue_dma source(%arg10 : memref<65536xf32, #tpu.memory_space<vmem>>) target(%dma_start3A_3119 : memref<65536xf32, #tpu.memory_space<hbm>>) target_semaphore(%run_scoped3A : memref<!tpu.dma_semaphore, #tpu.memory_space<semaphore_mem>>)
      %dma_wait3A = tpu.memref_slice %arg6[%add3A_2958] : memref<134217728xf32, #tpu.memory_space<hbm>> -> memref<65536xf32, #tpu.memory_space<hbm>>
      %dma_wait3A_3120 = tpu.memref_slice %arg6[%add3A_2958] : memref<134217728xf32, #tpu.memory_space<hbm>> -> memref<65536xf32, #tpu.memory_space<hbm>>
      tpu.wait_dma2 semaphore(%run_scoped3A : memref<!tpu.dma_semaphore, #tpu.memory_space<semaphore_mem>>) src(%arg10 : memref<65536xf32, #tpu.memory_space<vmem>>) dst(%dma_wait3A_3120 : memref<65536xf32, #tpu.memory_space<hbm>>)
      tpu.yield
    }) : () -> ()
    tpu.vector_store_idx %arg10[%add3A_2936], %broadcast_in_dim3A_3 masked %and3A_2928 : memref<65536xf32, #tpu.memory_space<vmem>>[vector<16xi32>], vector<16xf32>, vector<16xi1>
    tpu.vector_store_idx %arg10[%add3A_2954], %broadcast_in_dim3A_3 masked %and3A_2946 : memref<65536xf32, #tpu.memory_space<vmem>>[vector<16xi32>], vector<16xf32>, vector<16xi1>
    %sub3A_2959 = arith.constant 64 : i32
    %sub3A_2960 = vector.broadcast %sub3A_2959 : i32 to vector<16xi32>
    %sub3A_2961 = arith.subi %convert_element_type3A_2774, %sub3A_2960 : vector<16xi32>
    %ge3A_2962 = arith.constant 0 : i32
    %ge3A_2963 = vector.broadcast %ge3A_2962 : i32 to vector<16xi32>
    %ge3A_2964 = arith.cmpi sge, %sub3A_2961, %ge3A_2963 : vector<16xi32>
    %lt3A_2965 = arith.constant 16 : i32
    %lt3A_2966 = vector.broadcast %lt3A_2965 : i32 to vector<16xi32>
    %lt3A_2967 = arith.cmpi slt, %sub3A_2961, %lt3A_2966 : vector<16xi32>
    %and3A_2968 = arith.andi %ge3A_2964, %lt3A_2967 : vector<16xi1>
    %mul3A_2969 = arith.constant 4096 : i32
    %mul3A_2970 = vector.broadcast %mul3A_2969 : i32 to vector<16xi32>
    %mul3A_2971 = arith.muli %sub3A_2961, %mul3A_2970 : vector<16xi32>
    %mul3A_2972 = arith.constant 128 : i32
    %mul3A_2973 = vector.broadcast %mul3A_2972 : i32 to vector<16xi32>
    %mul3A_2974 = arith.muli %add3A_2777, %mul3A_2973 : vector<16xi32>
    %add3A_2975 = arith.addi %mul3A_2971, %mul3A_2974 : vector<16xi32>
    %add3A_2976 = arith.addi %add3A_2975, %convert_element_type3A_2765 : vector<16xi32>
    tpu.vector_store_idx %arg10[%add3A_2976], %broadcast_in_dim3A_1 masked %and3A_2968 : memref<65536xf32, #tpu.memory_space<vmem>>[vector<16xi32>], vector<16xf32>, vector<16xi1>
    %sub3A_2977 = arith.constant 64 : i32
    %sub3A_2978 = vector.broadcast %sub3A_2977 : i32 to vector<16xi32>
    %sub3A_2979 = arith.subi %convert_element_type3A_2795, %sub3A_2978 : vector<16xi32>
    %ge3A_2980 = arith.constant 0 : i32
    %ge3A_2981 = vector.broadcast %ge3A_2980 : i32 to vector<16xi32>
    %ge3A_2982 = arith.cmpi sge, %sub3A_2979, %ge3A_2981 : vector<16xi32>
    %lt3A_2983 = arith.constant 16 : i32
    %lt3A_2984 = vector.broadcast %lt3A_2983 : i32 to vector<16xi32>
    %lt3A_2985 = arith.cmpi slt, %sub3A_2979, %lt3A_2984 : vector<16xi32>
    %and3A_2986 = arith.andi %ge3A_2982, %lt3A_2985 : vector<16xi1>
    %mul3A_2987 = arith.constant 4096 : i32
    %mul3A_2988 = vector.broadcast %mul3A_2987 : i32 to vector<16xi32>
    %mul3A_2989 = arith.muli %sub3A_2979, %mul3A_2988 : vector<16xi32>
    %mul3A_2990 = arith.constant 128 : i32
    %mul3A_2991 = vector.broadcast %mul3A_2990 : i32 to vector<16xi32>
    %mul3A_2992 = arith.muli %add3A_2798, %mul3A_2991 : vector<16xi32>
    %add3A_2993 = arith.addi %mul3A_2989, %mul3A_2992 : vector<16xi32>
    %add3A_2994 = arith.addi %add3A_2993, %convert_element_type3A_2786 : vector<16xi32>
    tpu.vector_store_idx %arg10[%add3A_2994], %broadcast_in_dim3A_1 masked %and3A_2986 : memref<65536xf32, #tpu.memory_space<vmem>>[vector<16xi32>], vector<16xf32>, vector<16xi1>
    %mul3A_2995 = arith.constant 524288 : i32
    %mul3A_2996 = arith.muli %add3A_2732, %mul3A_2995 : i32
    %add3A_2997 = arith.constant 262144 : i32
    %add3A_2998 = arith.addi %mul3A_2996, %add3A_2997 : i32
    "tpu.region"() ({
      %run_scoped3A = tpu.sem_alloc : memref<!tpu.dma_semaphore, #tpu.memory_space<semaphore_mem>>
      %dma_start3A = tpu.memref_slice %arg6[%add3A_2998] : memref<134217728xf32, #tpu.memory_space<hbm>> -> memref<65536xf32, #tpu.memory_space<hbm>>
      %dma_start3A_3119 = tpu.memref_slice %arg6[%add3A_2998] : memref<134217728xf32, #tpu.memory_space<hbm>> -> memref<65536xf32, #tpu.memory_space<hbm>>
      tpu.enqueue_dma source(%arg10 : memref<65536xf32, #tpu.memory_space<vmem>>) target(%dma_start3A_3119 : memref<65536xf32, #tpu.memory_space<hbm>>) target_semaphore(%run_scoped3A : memref<!tpu.dma_semaphore, #tpu.memory_space<semaphore_mem>>)
      %dma_wait3A = tpu.memref_slice %arg6[%add3A_2998] : memref<134217728xf32, #tpu.memory_space<hbm>> -> memref<65536xf32, #tpu.memory_space<hbm>>
      %dma_wait3A_3120 = tpu.memref_slice %arg6[%add3A_2998] : memref<134217728xf32, #tpu.memory_space<hbm>> -> memref<65536xf32, #tpu.memory_space<hbm>>
      tpu.wait_dma2 semaphore(%run_scoped3A : memref<!tpu.dma_semaphore, #tpu.memory_space<semaphore_mem>>) src(%arg10 : memref<65536xf32, #tpu.memory_space<vmem>>) dst(%dma_wait3A_3120 : memref<65536xf32, #tpu.memory_space<hbm>>)
      tpu.yield
    }) : () -> ()
    tpu.vector_store_idx %arg10[%add3A_2976], %broadcast_in_dim3A_3 masked %and3A_2968 : memref<65536xf32, #tpu.memory_space<vmem>>[vector<16xi32>], vector<16xf32>, vector<16xi1>
    tpu.vector_store_idx %arg10[%add3A_2994], %broadcast_in_dim3A_3 masked %and3A_2986 : memref<65536xf32, #tpu.memory_space<vmem>>[vector<16xi32>], vector<16xf32>, vector<16xi1>
    %sub3A_2999 = arith.constant 80 : i32
    %sub3A_3000 = vector.broadcast %sub3A_2999 : i32 to vector<16xi32>
    %sub3A_3001 = arith.subi %convert_element_type3A_2774, %sub3A_3000 : vector<16xi32>
    %ge3A_3002 = arith.constant 0 : i32
    %ge3A_3003 = vector.broadcast %ge3A_3002 : i32 to vector<16xi32>
    %ge3A_3004 = arith.cmpi sge, %sub3A_3001, %ge3A_3003 : vector<16xi32>
    %lt3A_3005 = arith.constant 16 : i32
    %lt3A_3006 = vector.broadcast %lt3A_3005 : i32 to vector<16xi32>
    %lt3A_3007 = arith.cmpi slt, %sub3A_3001, %lt3A_3006 : vector<16xi32>
    %and3A_3008 = arith.andi %ge3A_3004, %lt3A_3007 : vector<16xi1>
    %mul3A_3009 = arith.constant 4096 : i32
    %mul3A_3010 = vector.broadcast %mul3A_3009 : i32 to vector<16xi32>
    %mul3A_3011 = arith.muli %sub3A_3001, %mul3A_3010 : vector<16xi32>
    %mul3A_3012 = arith.constant 128 : i32
    %mul3A_3013 = vector.broadcast %mul3A_3012 : i32 to vector<16xi32>
    %mul3A_3014 = arith.muli %add3A_2777, %mul3A_3013 : vector<16xi32>
    %add3A_3015 = arith.addi %mul3A_3011, %mul3A_3014 : vector<16xi32>
    %add3A_3016 = arith.addi %add3A_3015, %convert_element_type3A_2765 : vector<16xi32>
    tpu.vector_store_idx %arg10[%add3A_3016], %broadcast_in_dim3A_1 masked %and3A_3008 : memref<65536xf32, #tpu.memory_space<vmem>>[vector<16xi32>], vector<16xf32>, vector<16xi1>
    %sub3A_3017 = arith.constant 80 : i32
    %sub3A_3018 = vector.broadcast %sub3A_3017 : i32 to vector<16xi32>
    %sub3A_3019 = arith.subi %convert_element_type3A_2795, %sub3A_3018 : vector<16xi32>
    %ge3A_3020 = arith.constant 0 : i32
    %ge3A_3021 = vector.broadcast %ge3A_3020 : i32 to vector<16xi32>
    %ge3A_3022 = arith.cmpi sge, %sub3A_3019, %ge3A_3021 : vector<16xi32>
    %lt3A_3023 = arith.constant 16 : i32
    %lt3A_3024 = vector.broadcast %lt3A_3023 : i32 to vector<16xi32>
    %lt3A_3025 = arith.cmpi slt, %sub3A_3019, %lt3A_3024 : vector<16xi32>
    %and3A_3026 = arith.andi %ge3A_3022, %lt3A_3025 : vector<16xi1>
    %mul3A_3027 = arith.constant 4096 : i32
    %mul3A_3028 = vector.broadcast %mul3A_3027 : i32 to vector<16xi32>
    %mul3A_3029 = arith.muli %sub3A_3019, %mul3A_3028 : vector<16xi32>
    %mul3A_3030 = arith.constant 128 : i32
    %mul3A_3031 = vector.broadcast %mul3A_3030 : i32 to vector<16xi32>
    %mul3A_3032 = arith.muli %add3A_2798, %mul3A_3031 : vector<16xi32>
    %add3A_3033 = arith.addi %mul3A_3029, %mul3A_3032 : vector<16xi32>
    %add3A_3034 = arith.addi %add3A_3033, %convert_element_type3A_2786 : vector<16xi32>
    tpu.vector_store_idx %arg10[%add3A_3034], %broadcast_in_dim3A_1 masked %and3A_3026 : memref<65536xf32, #tpu.memory_space<vmem>>[vector<16xi32>], vector<16xf32>, vector<16xi1>
    %mul3A_3035 = arith.constant 524288 : i32
    %mul3A_3036 = arith.muli %add3A_2732, %mul3A_3035 : i32
    %add3A_3037 = arith.constant 327680 : i32
    %add3A_3038 = arith.addi %mul3A_3036, %add3A_3037 : i32
    "tpu.region"() ({
      %run_scoped3A = tpu.sem_alloc : memref<!tpu.dma_semaphore, #tpu.memory_space<semaphore_mem>>
      %dma_start3A = tpu.memref_slice %arg6[%add3A_3038] : memref<134217728xf32, #tpu.memory_space<hbm>> -> memref<65536xf32, #tpu.memory_space<hbm>>
      %dma_start3A_3119 = tpu.memref_slice %arg6[%add3A_3038] : memref<134217728xf32, #tpu.memory_space<hbm>> -> memref<65536xf32, #tpu.memory_space<hbm>>
      tpu.enqueue_dma source(%arg10 : memref<65536xf32, #tpu.memory_space<vmem>>) target(%dma_start3A_3119 : memref<65536xf32, #tpu.memory_space<hbm>>) target_semaphore(%run_scoped3A : memref<!tpu.dma_semaphore, #tpu.memory_space<semaphore_mem>>)
      %dma_wait3A = tpu.memref_slice %arg6[%add3A_3038] : memref<134217728xf32, #tpu.memory_space<hbm>> -> memref<65536xf32, #tpu.memory_space<hbm>>
      %dma_wait3A_3120 = tpu.memref_slice %arg6[%add3A_3038] : memref<134217728xf32, #tpu.memory_space<hbm>> -> memref<65536xf32, #tpu.memory_space<hbm>>
      tpu.wait_dma2 semaphore(%run_scoped3A : memref<!tpu.dma_semaphore, #tpu.memory_space<semaphore_mem>>) src(%arg10 : memref<65536xf32, #tpu.memory_space<vmem>>) dst(%dma_wait3A_3120 : memref<65536xf32, #tpu.memory_space<hbm>>)
      tpu.yield
    }) : () -> ()
    tpu.vector_store_idx %arg10[%add3A_3016], %broadcast_in_dim3A_3 masked %and3A_3008 : memref<65536xf32, #tpu.memory_space<vmem>>[vector<16xi32>], vector<16xf32>, vector<16xi1>
    tpu.vector_store_idx %arg10[%add3A_3034], %broadcast_in_dim3A_3 masked %and3A_3026 : memref<65536xf32, #tpu.memory_space<vmem>>[vector<16xi32>], vector<16xf32>, vector<16xi1>
    %sub3A_3039 = arith.constant 96 : i32
    %sub3A_3040 = vector.broadcast %sub3A_3039 : i32 to vector<16xi32>
    %sub3A_3041 = arith.subi %convert_element_type3A_2774, %sub3A_3040 : vector<16xi32>
    %ge3A_3042 = arith.constant 0 : i32
    %ge3A_3043 = vector.broadcast %ge3A_3042 : i32 to vector<16xi32>
    %ge3A_3044 = arith.cmpi sge, %sub3A_3041, %ge3A_3043 : vector<16xi32>
    %lt3A_3045 = arith.constant 16 : i32
    %lt3A_3046 = vector.broadcast %lt3A_3045 : i32 to vector<16xi32>
    %lt3A_3047 = arith.cmpi slt, %sub3A_3041, %lt3A_3046 : vector<16xi32>
    %and3A_3048 = arith.andi %ge3A_3044, %lt3A_3047 : vector<16xi1>
    %mul3A_3049 = arith.constant 4096 : i32
    %mul3A_3050 = vector.broadcast %mul3A_3049 : i32 to vector<16xi32>
    %mul3A_3051 = arith.muli %sub3A_3041, %mul3A_3050 : vector<16xi32>
    %mul3A_3052 = arith.constant 128 : i32
    %mul3A_3053 = vector.broadcast %mul3A_3052 : i32 to vector<16xi32>
    %mul3A_3054 = arith.muli %add3A_2777, %mul3A_3053 : vector<16xi32>
    %add3A_3055 = arith.addi %mul3A_3051, %mul3A_3054 : vector<16xi32>
    %add3A_3056 = arith.addi %add3A_3055, %convert_element_type3A_2765 : vector<16xi32>
    tpu.vector_store_idx %arg10[%add3A_3056], %broadcast_in_dim3A_1 masked %and3A_3048 : memref<65536xf32, #tpu.memory_space<vmem>>[vector<16xi32>], vector<16xf32>, vector<16xi1>
    %sub3A_3057 = arith.constant 96 : i32
    %sub3A_3058 = vector.broadcast %sub3A_3057 : i32 to vector<16xi32>
    %sub3A_3059 = arith.subi %convert_element_type3A_2795, %sub3A_3058 : vector<16xi32>
    %ge3A_3060 = arith.constant 0 : i32
    %ge3A_3061 = vector.broadcast %ge3A_3060 : i32 to vector<16xi32>
    %ge3A_3062 = arith.cmpi sge, %sub3A_3059, %ge3A_3061 : vector<16xi32>
    %lt3A_3063 = arith.constant 16 : i32
    %lt3A_3064 = vector.broadcast %lt3A_3063 : i32 to vector<16xi32>
    %lt3A_3065 = arith.cmpi slt, %sub3A_3059, %lt3A_3064 : vector<16xi32>
    %and3A_3066 = arith.andi %ge3A_3062, %lt3A_3065 : vector<16xi1>
    %mul3A_3067 = arith.constant 4096 : i32
    %mul3A_3068 = vector.broadcast %mul3A_3067 : i32 to vector<16xi32>
    %mul3A_3069 = arith.muli %sub3A_3059, %mul3A_3068 : vector<16xi32>
    %mul3A_3070 = arith.constant 128 : i32
    %mul3A_3071 = vector.broadcast %mul3A_3070 : i32 to vector<16xi32>
    %mul3A_3072 = arith.muli %add3A_2798, %mul3A_3071 : vector<16xi32>
    %add3A_3073 = arith.addi %mul3A_3069, %mul3A_3072 : vector<16xi32>
    %add3A_3074 = arith.addi %add3A_3073, %convert_element_type3A_2786 : vector<16xi32>
    tpu.vector_store_idx %arg10[%add3A_3074], %broadcast_in_dim3A_1 masked %and3A_3066 : memref<65536xf32, #tpu.memory_space<vmem>>[vector<16xi32>], vector<16xf32>, vector<16xi1>
    %mul3A_3075 = arith.constant 524288 : i32
    %mul3A_3076 = arith.muli %add3A_2732, %mul3A_3075 : i32
    %add3A_3077 = arith.constant 393216 : i32
    %add3A_3078 = arith.addi %mul3A_3076, %add3A_3077 : i32
    "tpu.region"() ({
      %run_scoped3A = tpu.sem_alloc : memref<!tpu.dma_semaphore, #tpu.memory_space<semaphore_mem>>
      %dma_start3A = tpu.memref_slice %arg6[%add3A_3078] : memref<134217728xf32, #tpu.memory_space<hbm>> -> memref<65536xf32, #tpu.memory_space<hbm>>
      %dma_start3A_3119 = tpu.memref_slice %arg6[%add3A_3078] : memref<134217728xf32, #tpu.memory_space<hbm>> -> memref<65536xf32, #tpu.memory_space<hbm>>
      tpu.enqueue_dma source(%arg10 : memref<65536xf32, #tpu.memory_space<vmem>>) target(%dma_start3A_3119 : memref<65536xf32, #tpu.memory_space<hbm>>) target_semaphore(%run_scoped3A : memref<!tpu.dma_semaphore, #tpu.memory_space<semaphore_mem>>)
      %dma_wait3A = tpu.memref_slice %arg6[%add3A_3078] : memref<134217728xf32, #tpu.memory_space<hbm>> -> memref<65536xf32, #tpu.memory_space<hbm>>
      %dma_wait3A_3120 = tpu.memref_slice %arg6[%add3A_3078] : memref<134217728xf32, #tpu.memory_space<hbm>> -> memref<65536xf32, #tpu.memory_space<hbm>>
      tpu.wait_dma2 semaphore(%run_scoped3A : memref<!tpu.dma_semaphore, #tpu.memory_space<semaphore_mem>>) src(%arg10 : memref<65536xf32, #tpu.memory_space<vmem>>) dst(%dma_wait3A_3120 : memref<65536xf32, #tpu.memory_space<hbm>>)
      tpu.yield
    }) : () -> ()
    tpu.vector_store_idx %arg10[%add3A_3056], %broadcast_in_dim3A_3 masked %and3A_3048 : memref<65536xf32, #tpu.memory_space<vmem>>[vector<16xi32>], vector<16xf32>, vector<16xi1>
    tpu.vector_store_idx %arg10[%add3A_3074], %broadcast_in_dim3A_3 masked %and3A_3066 : memref<65536xf32, #tpu.memory_space<vmem>>[vector<16xi32>], vector<16xf32>, vector<16xi1>
    %sub3A_3079 = arith.constant 112 : i32
    %sub3A_3080 = vector.broadcast %sub3A_3079 : i32 to vector<16xi32>
    %sub3A_3081 = arith.subi %convert_element_type3A_2774, %sub3A_3080 : vector<16xi32>
    %ge3A_3082 = arith.constant 0 : i32
    %ge3A_3083 = vector.broadcast %ge3A_3082 : i32 to vector<16xi32>
    %ge3A_3084 = arith.cmpi sge, %sub3A_3081, %ge3A_3083 : vector<16xi32>
    %lt3A_3085 = arith.constant 16 : i32
    %lt3A_3086 = vector.broadcast %lt3A_3085 : i32 to vector<16xi32>
    %lt3A_3087 = arith.cmpi slt, %sub3A_3081, %lt3A_3086 : vector<16xi32>
    %and3A_3088 = arith.andi %ge3A_3084, %lt3A_3087 : vector<16xi1>
    %mul3A_3089 = arith.constant 4096 : i32
    %mul3A_3090 = vector.broadcast %mul3A_3089 : i32 to vector<16xi32>
    %mul3A_3091 = arith.muli %sub3A_3081, %mul3A_3090 : vector<16xi32>
    %mul3A_3092 = arith.constant 128 : i32
    %mul3A_3093 = vector.broadcast %mul3A_3092 : i32 to vector<16xi32>
    %mul3A_3094 = arith.muli %add3A_2777, %mul3A_3093 : vector<16xi32>
    %add3A_3095 = arith.addi %mul3A_3091, %mul3A_3094 : vector<16xi32>
    %add3A_3096 = arith.addi %add3A_3095, %convert_element_type3A_2765 : vector<16xi32>
    tpu.vector_store_idx %arg10[%add3A_3096], %broadcast_in_dim3A_1 masked %and3A_3088 : memref<65536xf32, #tpu.memory_space<vmem>>[vector<16xi32>], vector<16xf32>, vector<16xi1>
    %sub3A_3097 = arith.constant 112 : i32
    %sub3A_3098 = vector.broadcast %sub3A_3097 : i32 to vector<16xi32>
    %sub3A_3099 = arith.subi %convert_element_type3A_2795, %sub3A_3098 : vector<16xi32>
    %ge3A_3100 = arith.constant 0 : i32
    %ge3A_3101 = vector.broadcast %ge3A_3100 : i32 to vector<16xi32>
    %ge3A_3102 = arith.cmpi sge, %sub3A_3099, %ge3A_3101 : vector<16xi32>
    %lt3A_3103 = arith.constant 16 : i32
    %lt3A_3104 = vector.broadcast %lt3A_3103 : i32 to vector<16xi32>
    %lt3A_3105 = arith.cmpi slt, %sub3A_3099, %lt3A_3104 : vector<16xi32>
    %and3A_3106 = arith.andi %ge3A_3102, %lt3A_3105 : vector<16xi1>
    %mul3A_3107 = arith.constant 4096 : i32
    %mul3A_3108 = vector.broadcast %mul3A_3107 : i32 to vector<16xi32>
    %mul3A_3109 = arith.muli %sub3A_3099, %mul3A_3108 : vector<16xi32>
    %mul3A_3110 = arith.constant 128 : i32
    %mul3A_3111 = vector.broadcast %mul3A_3110 : i32 to vector<16xi32>
    %mul3A_3112 = arith.muli %add3A_2798, %mul3A_3111 : vector<16xi32>
    %add3A_3113 = arith.addi %mul3A_3109, %mul3A_3112 : vector<16xi32>
    %add3A_3114 = arith.addi %add3A_3113, %convert_element_type3A_2786 : vector<16xi32>
    tpu.vector_store_idx %arg10[%add3A_3114], %broadcast_in_dim3A_1 masked %and3A_3106 : memref<65536xf32, #tpu.memory_space<vmem>>[vector<16xi32>], vector<16xf32>, vector<16xi1>
    %mul3A_3115 = arith.constant 524288 : i32
    %mul3A_3116 = arith.muli %add3A_2732, %mul3A_3115 : i32
    %add3A_3117 = arith.constant 458752 : i32
    %add3A_3118 = arith.addi %mul3A_3116, %add3A_3117 : i32
    "tpu.region"() ({
      %run_scoped3A = tpu.sem_alloc : memref<!tpu.dma_semaphore, #tpu.memory_space<semaphore_mem>>
      %dma_start3A = tpu.memref_slice %arg6[%add3A_3118] : memref<134217728xf32, #tpu.memory_space<hbm>> -> memref<65536xf32, #tpu.memory_space<hbm>>
      %dma_start3A_3119 = tpu.memref_slice %arg6[%add3A_3118] : memref<134217728xf32, #tpu.memory_space<hbm>> -> memref<65536xf32, #tpu.memory_space<hbm>>
      tpu.enqueue_dma source(%arg10 : memref<65536xf32, #tpu.memory_space<vmem>>) target(%dma_start3A_3119 : memref<65536xf32, #tpu.memory_space<hbm>>) target_semaphore(%run_scoped3A : memref<!tpu.dma_semaphore, #tpu.memory_space<semaphore_mem>>)
      %dma_wait3A = tpu.memref_slice %arg6[%add3A_3118] : memref<134217728xf32, #tpu.memory_space<hbm>> -> memref<65536xf32, #tpu.memory_space<hbm>>
      %dma_wait3A_3120 = tpu.memref_slice %arg6[%add3A_3118] : memref<134217728xf32, #tpu.memory_space<hbm>> -> memref<65536xf32, #tpu.memory_space<hbm>>
      tpu.wait_dma2 semaphore(%run_scoped3A : memref<!tpu.dma_semaphore, #tpu.memory_space<semaphore_mem>>) src(%arg10 : memref<65536xf32, #tpu.memory_space<vmem>>) dst(%dma_wait3A_3120 : memref<65536xf32, #tpu.memory_space<hbm>>)
      tpu.yield
    }) : () -> ()
    tpu.vector_store_idx %arg10[%add3A_3096], %broadcast_in_dim3A_3 masked %and3A_3088 : memref<65536xf32, #tpu.memory_space<vmem>>[vector<16xi32>], vector<16xf32>, vector<16xi1>
    tpu.vector_store_idx %arg10[%add3A_3114], %broadcast_in_dim3A_3 masked %and3A_3106 : memref<65536xf32, #tpu.memory_space<vmem>>[vector<16xi32>], vector<16xf32>, vector<16xi1>
    return
  }
}

</mosaic_0001>

<sc_bundles>
// kernel: kernel.3.cloned.1.call-start
scs
__scs_entry_jumppad:
0x0: {  	(pc) =	sbr.rel $0x88, $3  }
0x1: {  	(tag) =	ssettag $0x0;
	lr =	simm.s32 $0x1  }
0x2: {  	[smem:$0x3F9E] =	sst lr;
	_ =	strace $0xD0000000  }
0x3: {  	_ = 	snop  }
0x4: {  	_ = 	snop  }
0x5: {  	_ = 	snop  }
0x6: {  	_ = 	snop  }
0x7: {  	_ = 	snop  }
__scs_overlays_trampoline_lowered:
0x8: {  	[smem:$0x3FAD] =	sst s0  }
0x9: {  	[smem:$0x3FAE] =	sst s1  }
0xa: {  	[smem:$0x3FAF] =	sst s2  }
0xb: {  	[smem:$0x3FB0] =	sst s3  }
0xc: {  	[smem:$0x3FB1] =	sst s4  }
0xd: {  	[smem:$0x3FB2] =	sst s5  }
0xe: {  	[smem:$0x3FB3] =	sst s6  }
0xf: {  	[smem:$0x3FB4] =	sst s7  }
0x10: {  	[smem:$0x3FB5] =	sst s8  }
0x11: {  	[smem:$0x3FB6] =	sst s9;
	s0 =	simm.s32 @!p0 $0x0  }
0x12: {  	s1 =	sld [smem:$0x3F9C];
	s0 =	simm.s32 @p0 $0x1  }
0x13: {  	[smem:$0x3FB7] =	sst s0;
	s0 =	simm.s32 @!p1 $0x0  }
0x14: {  	s2 =	sld [smem:$0x3F9B];
	s0 =	simm.s32 @p1 $0x1  }
0x15: {  	[smem:$0x3FB8] =	sst s0;
	s0 =	simm.s32 @!p2 $0x0  }
0x16: {  	s3 =	sld [smem:$0x3FDB];
	s0 =	simm.s32 @p2 $0x1  }
0x17: {  	s4 =	simm.s32 $0x1BF5;
	[smem:$0x3FBA] =	sst s0  }
0x18: {  	s0 =	sld [smem:$0x3F9D];
	_ =	swait.ge [sflag:s4], $0x0  }
0x19: {  	s7 =	sld [smem:$0x3F9E]  }
0x1a: {  	s8 =	sadd.s32 $0xFFFFE003, lr  }
0x1b: {  	s9 =	sadd.s32 $0xFFFFFEF7, lr;
	s5 =	simm.s32 $0xFFFFFFFF;
	p2 =	slt.u32 s8, $0xFFFFF086  }
0x1c: {  	p1 =	slt.u32 s9, $0xF7A;
	s5 =	simm.s32 @!p2 $0x0  }
0x1d: {  	s5 =	simm.s32 @p1 $0x1;
	p0 =	seq.s32 s7, s2  }
0x1e: {  	s7 =	smul.u32 @!p0 $0xF7A, s2;
	p2 =	seq.s32 @!p0 s5, $0x0  }
0x1f: {  	s9 =	smul.u32 $0xF7A, s1;
	s8 =	simm.s32 @!p0 $0x1BF5;
	p2 =	por !p2, p0  }
0x20: {  	[sflag:s8] =	ssyncset.s32 @!p0 $0xFFFFF086;
	s6 =	sadd.s32 @!p0 s3, s7;
	s7 =	simm.s32 @!p0 $0x108  }
0x21: {  	s3 =	sadd.s32 s3, s9;
	s6 =	sadd.s32 @!p0 $0x88, s6;
	s7 =	simm.s32 @p2 $0x1082  }
0x22: {  	[simem:s7], [sflag:s8] =	dma.local @!p0 [hbm:s6], $0xF7A  }
0x23: {  	s9 =	sor.u32 $0xD0000000, s2;
	s6 =	simm.s32 $0x108;
	_ =	swait.ge @!p0 [sflag:s8], $0x0  }
0x24: {  	s3 =	sadd.s32 $0x88, s3;
	s6 =	simm.s32 @!p1 $0x1082;
	[sflag:s4] =	ssyncset.s32 $0xFFFFF086  }
0x25: {  	[simem:s6], [sflag:s4] =	dma.local [hbm:s3], $0xF7A  }
0x26: {  	[smem:$0x3F9E] =	sst s1;
	(tag) =	ssettag s2;
	_ =	strace s9  }
0x27: {  	s1 =	sld [smem:$0x3FAE]  }
0x28: {  	s2 =	sld [smem:$0x3FAF]  }
0x29: {  	s4 =	sld [smem:$0x3FB1]  }
0x2a: {  	p0 =	seq.s32 s5, $0x0;
	s5 =	sld [smem:$0x3FB2]  }
0x2b: {  	s6 =	sld [smem:$0x3FB3]  }
0x2c: {  	s7 =	sld [smem:$0x3FB4]  }
0x2d: {  	s3 =	simm.s32 $0x108;
	s8 =	sld [smem:$0x3FB5]  }
0x2e: {  	s3 =	simm.s32 @!p0 $0x1082;
	s9 =	sld [smem:$0x3FB6]  }
0x2f: {  	lr =	sadd.s32 s0, s3;
	s0 =	sld [smem:$0x3FAD]  }
0x30: {  	s3 =	sld [smem:$0x3FB0]  }
0x31: {  	[smem:$0x3FB9] =	sst s10  }
0x32: {  	s10 =	sld [smem:$0x3FB7];
	_ =	sdelay $0x3  }
0x33: {  	p0 =	seq.s32 s10, $0x1;
	s10 =	sld [smem:$0x3FB9];
	_ =	sdelay $0x3  }
0x34: {  	[smem:$0x3FB9] =	sst s10  }
0x35: {  	s10 =	sld [smem:$0x3FB8];
	_ =	sdelay $0x3  }
0x36: {  	p1 =	seq.s32 s10, $0x1;
	s10 =	sld [smem:$0x3FB9];
	_ =	sdelay $0x3  }
0x37: {  	[smem:$0x3FB9] =	sst s10  }
0x38: {  	s10 =	sld [smem:$0x3FBA]  }
0x39: {  	_ = 	snop;
	(pc) =	sbr.ind lr, $3  }
0x3a: {  	_ = 	snop  }
0x3b: {  	_ = 	snop  }
0x3c: {  	p2 =	seq.s32 s10, $0x1;
	s10 =	sld [smem:$0x3FB9]  }
0x3d: {  	_ =	shalt  }
0x3e: {  	_ =	shalt  }
0x3f: {  	_ =	shalt  }
0x40: {  	_ =	shalt  }
0x41: {  	_ =	shalt  }
0x42: {  	_ =	shalt  }
0x43: {  	_ =	shalt  }
0x44: {  	_ =	shalt  }
0x45: {  	_ =	shalt  }
0x46: {  	_ =	shalt  }
0x47: {  	_ =	shalt  }
0x48: {  	_ =	shalt  }
0x49: {  	_ =	shalt  }
0x4a: {  	_ =	shalt  }
0x4b: {  	_ =	shalt  }
0x4c: {  	_ =	shalt  }
0x4d: {  	_ =	shalt  }
0x4e: {  	_ =	shalt  }
0x4f: {  	_ =	shalt  }
0x50: {  	_ =	shalt  }
0x51: {  	_ =	shalt  }
0x52: {  	_ =	shalt  }
0x53: {  	_ =	shalt  }
0x54: {  	_ =	shalt  }
0x55: {  	_ =	shalt  }
0x56: {  	_ =	shalt  }
0x57: {  	_ =	shalt  }
0x58: {  	_ =	shalt  }
0x59: {  	_ =	shalt  }
0x5a: {  	_ =	shalt  }
0x5b: {  	_ =	shalt  }
0x5c: {  	_ =	shalt  }
0x5d: {  	_ =	shalt  }
0x5e: {  	_ =	shalt  }
0x5f: {  	_ =	shalt  }
0x60: {  	_ =	shalt  }
0x61: {  	_ =	shalt  }
0x62: {  	_ =	shalt  }
0x63: {  	_ =	shalt  }
0x64: {  	_ =	shalt  }
0x65: {  	_ =	shalt  }
0x66: {  	_ =	shalt  }
0x67: {  	_ =	shalt  }
0x68: {  	_ =	shalt  }
0x69: {  	_ =	shalt  }
0x6a: {  	_ =	shalt  }
0x6b: {  	_ =	shalt  }
0x6c: {  	_ =	shalt  }
0x6d: {  	_ =	shalt  }
0x6e: {  	_ =	shalt  }
0x6f: {  	_ =	shalt  }
0x70: {  	_ =	shalt  }
0x71: {  	_ =	shalt  }
0x72: {  	_ =	shalt  }
0x73: {  	_ =	shalt  }
0x74: {  	_ =	shalt  }
0x75: {  	_ =	shalt  }
0x76: {  	_ =	shalt  }
0x77: {  	_ =	shalt  }
0x78: {  	_ =	shalt  }
0x79: {  	_ =	shalt  }
0x7a: {  	_ =	shalt  }
0x7b: {  	_ =	shalt  }
0x7c: {  	_ =	shalt  }
0x7d: {  	_ =	shalt  }
0x7e: {  	_ =	shalt  }
0x7f: {  	_ =	shalt  }
0x80: {  	_ =	shalt  }
0x81: {  	_ =	shalt  }
0x82: {  	_ =	shalt  }
0x83: {  	_ =	shalt  }
0x84: {  	_ =	shalt  }
0x85: {  	_ =	shalt  }
0x86: {  	_ =	shalt  }
0x87: {  	_ =	shalt  }
.Lfunc_end0:
.L_simem_size_0:
called_computation_lowered:
.L_overlay_start_0:
0x88: {  	s2 =	sld [smem:$0x3FD9]  }
0x89: {  	s3 =	sld [smem:$0x3FFE];
	_ =	sdelay $0x1  }
0x8a: {  	s1 =	srdreg.scid  }
0x8b: {  	s0 =	sand.u32 $0x1, s1  }
0x8c: {  	s17 =	sshll.u32 s0, $0xA;
	s2 =	sadd.s32 s3, s2  }
0x8d: {  	s2 =	sadd.s32 s2, s17  }
0x8e: {  	[smem:$0x3FC5] =	sst s2  }
0x8f: {  	_ = 	snop  }
0x90: {  	s2 =	sld [smem:$0x3FD0];
	(tm) =	ssettm $0x1  }
0x91: {  	s18 =	sld [smem:$0x3FFB];
	_ =	sdelay $0x3  }
0x92: {  	_ =	strace s18  }
0x93: {  	s3 =	sld [smem:$0x3FFC];
	_ =	sdelay $0x3  }
0x94: {  	_ =	strace s3  }
0x95: {  	s3 =	sld [smem:$0x3FFD];
	_ =	sdelay $0x3  }
0x96: {  	_ =	strace s3  }
0x97: {  	_ =	strace $0x8FFFFFFF  }
0x98: {  	s19 =	sld [smem:$0x3FDB];
	_ =	sdelay $0x1  }
0x99: {  	s4 =	simm.s32 $_scs_section_size  }
0x9a: {  	s5 =	simm.s32 $_size__tile_overlayer_lowered;
	s6 =	simm.s32 $_tile_overlayer_lowered  }
0x9b: {  	s22 =	simm.s32 $0x1BFF;
	s21 =	sshll.u32 s6, $0x1;
	s3 =	sadd.s32 s4, s19  }
0x9c: {  	s7 =	simm.s32 $0x0;
	s20 =	sshll.u32 s5, $0x1;
	s5 =	sadd.s32 s21, s3  }
0x9d: {  	[timem:s7], [sflag:s22] =	dma.local [hbm:s5], s20  }
0x9e: {  	_ =	swait.ge [sflag:s22], s20  }
0x9f: {  	s4 =	ssub.s32 $0x0, s20;
	[sflag:s22] =	ssyncset.done $0x0  }
0xa0: {  	[sflag:s22] =	ssyncadd.s32 s4;
	_ =	sdelay $0x1  }
0xa1: {  	s23 =	simm.s32 $0x1B8B  }
0xa2: {  	_ =	swait.ge [sflag:s23], $0x1  }
0xa3: {  	[sflag:s23] =	ssyncset.done $0x0  }
0xa4: {  	s25 =	simm.s32 $0x1B8E;
	s24 =	sld [smem:$0x3FFE];
	[sflag:s23] =	ssyncadd.s32 $0xFFFFFFFF  }
0xa5: {  	s26 =	simm.s32 $execute0_lowered;
	[smem:$0x3FD2] =	sst s25  }
0xa6: {  	s5 =	sshll.u32 s26, $0x1;
	_ =	strace $0x80000046;
	[dreg:$0x1] =	wrdreg $0xFFFFFFFF  }
0xa7: {  	s28 =	simm.s32 $_size_execute0_lowered;
	s3 =	sadd.s32 s3, s5;
	[dreg:$0x0] =	wrdreg $0x0  }
0xa8: {  	s5 =	sshll.u32 s28, $0x1;
	[dreg:$0x2] =	wrdreg s3  }
0xa9: {  	[dreg:$0x3] =	wrdreg s5  }
0xaa: {  	[dreg:$0x4] =	wrdreg $0xC0  }
0xab: {  	_ =	task [dreg:s7], $0x5FFFF  }
0xac: {  	[dreg:$0x1] =	wrdreg $0xFFFFFFFF  }
0xad: {  	[dreg:$0x0] =	wrdreg $0x60  }
0xae: {  	[dreg:$0x2] =	wrdreg s24  }
0xaf: {  	[dreg:$0x3] =	wrdreg s2  }
0xb0: {  	[dreg:$0x4] =	wrdreg $0x9  }
0xb1: {  	_ =	task.clear_ibuf [dreg:s7], $0x5FFFF;
	_ =	strace $0x90000046  }
0xb2: {  	s29 =	simm.s32 $0x9;
	_ =	strace $0x80000048  }
0xb3: {  	_ =	swait.ge [sflag:s29], $0x1  }
0xb4: {  	[sflag:s29] =	ssyncadd.s32 $0xFFFFFFFF  }
0xb5: {  	_ =	strace $0x90000048  }
0xb6: {  	_ =	sfence  }
0xb7: {  	s30 =	sld [smem:$0x0];
	_ =	sdelay $0x2  }
0xb8: {  	s31 =	sshll.u32 s1, $0xD;
	s1 =	sshrl.u32 s1, $0x2  }
0xb9: {  	s3 =	sand.u32 $0x4000, s31;
	s1 =	sadd.s32 s1, s30  }
0xba: {  	s0 =	sor.u32 s3, s0;
	s1 =	sshll.u32 s1, $0x11  }
0xbb: {  	s0 =	sor.u32 s1, s0  }
0xbc: {  	s0 =	sadd.s32 $0x8F2B, s0  }
0xbd: {  	[sflag:s0] =	ssyncadd.remote.s32 $0x1  }
0xbe: {  	_ =	sfence.sel $0xFFFF  }
0xbf: {  	[dreg:$0x0] =	wrdreg $0xFFFFFFFF;
	(pc) =	sbr.abs _section_cstart, $3  }
0xc0: {  	[dreg:$0x1] =	wrdreg $0xFFFFFFFF  }
0xc1: {  	_ =	task.clear_ibuf [dreg:s7], $0x2FFFF;
	_ =	strace $0x9FFFFFFF  }
0xc2: {  	(tm) =	ssettm $0x7FFFFFFF  }
0xc3: {  	_ =	shalt  }
tec
execute0_lowered:
.L_overlay_start_1:
0x0: {  	(tag) =	ssettag $0x1  }
0x1: {  	s4 =	rddreg [dreg:$0x0]  }
0x2: {  	s0 =	rddreg [dreg:$0x1]  }
0x3: {  	s2 =	simm.s32 $0x0;
	s3 =	srdreg.scid;
	s1 =	stileid.u32  }
0x4: {  	[smem:$0x7FF] =	sst s2;
	s3 =	sand.u32 $0x1, s3;
	s5 =	sshll.u32 s1, $0x1  }
0x5: {  	s10 =	sadd.s32 $0xA00, s4;
	s11 =	sadd.s32 $0xE00, s4;
	s8 =	sor.u32 s3, s5  }
0x6: {  	s14 =	sadd.s32 $0x1A00, s4;
	s13 =	sadd.s32 $0x1200, s4;
	s6 =	sshll.u32 s8, $0x5  }
0x7: {  	_ =	strace $0x80000047;
	[dreg:$0x3] =	wrdreg s14;
	s15 =	sadd.s32 s10, s6  }
0x8: {  	s17 =	sshll.u32 s8, $0x6;
	s16 =	sadd.s32 s11, s6;
	[dreg:$0x4] =	wrdreg s15  }
0x9: {  	s19 =	sshll.u32 s8, $0x13;
	s18 =	sadd.s32 s13, s17;
	[dreg:$0x5] =	wrdreg s16  }
0xa: {  	s20 =	sadd.s32 $0x2000, s0;
	s25 =	sadd.s32 s0, s19;
	[dreg:$0x6] =	wrdreg s18  }
0xb: {  	s21 =	sadd.s32 $0x4000, s0;
	s26 =	sadd.s32 s19, s20;
	[dreg:$0x7] =	wrdreg s25  }
0xc: {  	s22 =	sadd.s32 $0x6000, s0;
	s1 =	sadd.s32 s19, s21;
	[dreg:$0x8] =	wrdreg s26  }
0xd: {  	s23 =	sadd.s32 $0x8000, s0;
	s6 =	sadd.s32 s19, s22;
	[dreg:$0x9] =	wrdreg s1  }
0xe: {  	s24 =	sadd.s32 $0xA000, s0;
	s7 =	sadd.s32 s19, s23;
	[dreg:$0xa] =	wrdreg s6  }
0xf: {  	s9 =	sadd.s32 s19, s24;
	[dreg:$0xb] =	wrdreg s7  }
0x10: {  	s4 =	sshll.u32 s8, $0x3;
	[dreg:$0xc] =	wrdreg s9;
	s25 =	sadd.s32 $0xC000, s0  }
0x11: {  	s26 =	sadd.s32 $0xE000, s0;
	s7 =	sor.u32 $0x1, s4;
	s12 =	sadd.s32 s19, s25  }
0x12: {  	s5 =	sadd.s32 s19, s26;
	s14 =	sshll.u32 s7, $0x2;
	[dreg:$0xd] =	wrdreg s12  }
0x13: {  	[dreg:$0xe] =	wrdreg s5;
	s15 =	sadd.s32 s10, s14  }
0x14: {  	s17 =	sshll.u32 s7, $0x3;
	s16 =	sadd.s32 s11, s14;
	[dreg:$0xf] =	wrdreg s15  }
0x15: {  	s19 =	sshll.u32 s7, $0x10;
	s18 =	sadd.s32 s13, s17;
	[dreg:$0x10] =	wrdreg s16  }
0x16: {  	s1 =	sadd.s32 s0, s19;
	[dreg:$0x11] =	wrdreg s18  }
0x17: {  	s7 =	sadd.s32 s19, s20;
	[dreg:$0x12] =	wrdreg s1  }
0x18: {  	s9 =	sadd.s32 s19, s21;
	[dreg:$0x13] =	wrdreg s7  }
0x19: {  	s12 =	sadd.s32 s19, s22;
	[dreg:$0x14] =	wrdreg s9  }
0x1a: {  	s14 =	sadd.s32 s19, s23;
	[dreg:$0x15] =	wrdreg s12  }
0x1b: {  	[dreg:$0x16] =	wrdreg s14;
	s15 =	sadd.s32 s19, s24  }
0x1c: {  	s17 =	sor.u32 $0x2, s4;
	s16 =	sadd.s32 s19, s25;
	[dreg:$0x17] =	wrdreg s15  }
0x1d: {  	s18 =	sadd.s32 s19, s26;
	s19 =	sshll.u32 s17, $0x2;
	[dreg:$0x18] =	wrdreg s16  }
0x1e: {  	[dreg:$0x19] =	wrdreg s18;
	s1 =	sadd.s32 s10, s19  }
0x1f: {  	s9 =	sshll.u32 s17, $0x3;
	s6 =	sadd.s32 s11, s19;
	[dreg:$0x1a] =	wrdreg s1  }
0x20: {  	s14 =	sshll.u32 s17, $0x10;
	s12 =	sadd.s32 s13, s9;
	[dreg:$0x1b] =	wrdreg s6  }
0x21: {  	s15 =	sadd.s32 s0, s14;
	[dreg:$0x1c] =	wrdreg s12  }
0x22: {  	s16 =	sadd.s32 s14, s20;
	[dreg:$0x1d] =	wrdreg s15  }
0x23: {  	s17 =	sadd.s32 s14, s21;
	[dreg:$0x1e] =	wrdreg s16  }
0x24: {  	s18 =	sadd.s32 s14, s22;
	[dreg:$0x1f] =	wrdreg s17  }
0x25: {  	s19 =	sadd.s32 s14, s23;
	[smem:$0x7DA] =	sst s18  }
0x26: {  	s7 =	sadd.s32 s14, s25;
	[smem:$0x7DB] =	sst s19  }
0x27: {  	s9 =	sor.u32 $0x3, s4;
	s1 =	sadd.s32 s14, s24;
	[smem:$0x7DD] =	sst s7  }
0x28: {  	s12 =	sadd.s32 s14, s26;
	s14 =	sshll.u32 s9, $0x2;
	[smem:$0x7DC] =	sst s1  }
0x29: {  	[smem:$0x7DE] =	sst s12;
	s15 =	sadd.s32 s10, s14  }
0x2a: {  	s17 =	sshll.u32 s9, $0x3;
	s16 =	sadd.s32 s11, s14;
	[smem:$0x7DF] =	sst s15  }
0x2b: {  	s19 =	sshll.u32 s9, $0x10;
	s18 =	sadd.s32 s13, s17;
	[smem:$0x7E0] =	sst s16  }
0x2c: {  	s1 =	sadd.s32 s0, s19;
	[smem:$0x7E1] =	sst s18  }
0x2d: {  	s7 =	sadd.s32 s19, s20;
	[smem:$0x7E2] =	sst s1  }
0x2e: {  	s9 =	sadd.s32 s19, s21;
	[smem:$0x7E3] =	sst s7  }
0x2f: {  	s12 =	sadd.s32 s19, s22;
	[smem:$0x7E4] =	sst s9  }
0x30: {  	s14 =	sadd.s32 s19, s23;
	[smem:$0x7E5] =	sst s12  }
0x31: {  	[smem:$0x7E6] =	sst s14;
	s15 =	sadd.s32 s19, s24  }
0x32: {  	s17 =	sor.u32 $0x4, s4;
	s16 =	sadd.s32 s19, s25;
	[smem:$0x7E7] =	sst s15  }
0x33: {  	s18 =	sadd.s32 s19, s26;
	s19 =	sshll.u32 s17, $0x2;
	[smem:$0x7E8] =	sst s16  }
0x34: {  	[smem:$0x7E9] =	sst s18;
	s1 =	sadd.s32 s10, s19  }
0x35: {  	s12 =	sshll.u32 s17, $0x3;
	s9 =	sadd.s32 s11, s19;
	[smem:$0x7EA] =	sst s1  }
0x36: {  	s14 =	sadd.s32 s13, s12;
	s15 =	sshll.u32 s17, $0x10;
	[smem:$0x7EB] =	sst s9  }
0x37: {  	[smem:$0x7EC] =	sst s14;
	s16 =	sadd.s32 s0, s15  }
0x38: {  	s17 =	sadd.s32 s15, s20;
	[smem:$0x7ED] =	sst s16  }
0x39: {  	s18 =	sadd.s32 s15, s21;
	[smem:$0x7EE] =	sst s17  }
0x3a: {  	s19 =	sadd.s32 s15, s22;
	[smem:$0x7EF] =	sst s18  }
0x3b: {  	s1 =	sadd.s32 s15, s23;
	[smem:$0x7F0] =	sst s19  }
0x3c: {  	s7 =	sadd.s32 s15, s24;
	[smem:$0x7F1] =	sst s1  }
0x3d: {  	s12 =	sor.u32 $0x5, s4;
	s9 =	sadd.s32 s15, s25;
	[smem:$0x7F2] =	sst s7  }
0x3e: {  	s14 =	sadd.s32 s15, s26;
	s15 =	sshll.u32 s12, $0x2;
	[smem:$0x7F3] =	sst s9  }
0x3f: {  	[smem:$0x7F4] =	sst s14;
	s16 =	sadd.s32 s10, s15  }
0x40: {  	s17 =	sadd.s32 s11, s15;
	s18 =	sshll.u32 s12, $0x3;
	[smem:$0x7F5] =	sst s16  }
0x41: {  	s1 =	sshll.u32 s12, $0x10;
	[smem:$0x7F6] =	sst s17;
	s19 =	sadd.s32 s13, s18  }
0x42: {  	s7 =	sadd.s32 s0, s1;
	[smem:$0x7F7] =	sst s19  }
0x43: {  	s30 =	simm.s32 $0x1;
	s9 =	sadd.s32 s1, s20;
	[smem:$0x7F8] =	sst s7  }
0x44: {  	s31 =	simm.s32 $0x20;
	s12 =	sadd.s32 s1, s21;
	[smem:$0x7F9] =	sst s9  }
0x45: {  	s3 =	ssub.s32 $0x2, s3;
	s14 =	sadd.s32 s1, s22;
	[smem:$0x7FA] =	sst s12  }
0x46: {  	s15 =	sadd.s32 s1, s23;
	s16 =	sshrl.u32 s3, $0x1;
	[smem:$0x7FB] =	sst s14  }
0x47: {  	s17 =	sadd.s32 s1, s24;
	[smem:$0x7FC] =	sst s15;
	s28 =	ssub.s32 s3, s16  }
0x48: {  	[smem:$0x7FD] =	sst s17;
	s9 =	sor.u32 $0x6, s4;
	s3 =	sadd.s32 s1, s25  }
0x49: {  	s4 =	sadd.s32 s1, s26;
	s15 =	sshllo.u32 s8, $0x3;
	s18 =	sshll.u32 s9, $0x2  }
0x4a: {  	s19 =	sshll.u32 s9, $0x3;
	s12 =	sshll.u32 s15, $0x2;
	s14 =	sshll.u32 s15, $0x3  }
0x4b: {  	s29 =	sshll.u32 s15, $0x10;
	s28 =	smax.u32 s28, $0x1;
	s5 =	sadd.s32 s10, s18  }
0x4c: {  	v0 =	vlaneseq.u32;
	s6 =	sadd.s32 s11, s18;
	s7 =	sadd.s32 s13, s19;
	s18 =	sshll.u32 s9, $0x10  }
0x4d: {  	v0 =	vmul.u32 $0x80, v0;
	s10 =	sadd.s32 s10, s12;
	s11 =	sadd.s32 s11, s12;
	s13 =	sadd.s32 s13, s14  }
0x4e: {  	v1 =	vimm.f32 $1.000000000e+00;
	v3 =	vimm.f32 $0.0e+00;
	s19 =	sadd.s32 s0, s29;
	s8 =	sadd.s32 s0, s18;
	s9 =	sadd.s32 s18, s20  }
0x4f: {  	v2 =	vor.u32 $0x800, v0;
	v4 =	vor.u32 $0xFFFF0000, v0;
	v5 =	vor.u32 $0xFFFF0800, v0;
	s12 =	sadd.s32 s18, s21;
	s14 =	sadd.s32 s18, s22;
	s15 =	sadd.s32 s18, s23  }
0x50: {  	v6 =	vor.u32 $0xFFFE0000, v0;
	v7 =	vor.u32 $0xFFFE0800, v0;
	v8 =	vor.u32 $0xFFFD0000, v0;
	s16 =	sadd.s32 s18, s24;
	s17 =	sadd.s32 s18, s25;
	s18 =	sadd.s32 s18, s26  }
0x51: {  	v9 =	vor.u32 $0xFFFD0800, v0;
	v10 =	vor.u32 $0xFFFC0000, v0;
	v11 =	vor.u32 $0xFFFC0800, v0;
	s20 =	sadd.s32 s29, s20;
	s21 =	sadd.s32 s29, s21;
	s22 =	sadd.s32 s29, s22  }
0x52: {  	v12 =	vor.u32 $0xFFFB0000, v0;
	v13 =	vor.u32 $0xFFFB0800, v0;
	v14 =	vor.u32 $0xFFFA0000, v0;
	s23 =	sadd.s32 s29, s23;
	s24 =	sadd.s32 s29, s24;
	s25 =	sadd.s32 s29, s25  }
0x53: {  	v15 =	vor.u32 $0xFFFA0800, v0;
	v16 =	vor.u32 $0xFFF90000, v0;
	v17 =	vor.u32 $0xFFF90800, v0;
	s26 =	sadd.s32 s29, s26;
	s29 =	simm.s32 $0x80;
	s0 =	simm.s32 $0x40  }
.LBB2_1:
0x54: {  	s1 =	rddreg [dreg:$0x3]  }
0x55: {  	[tilespmem:s29], [sflag:$0x1] =	stream.linear.gather [hbm4b:s1+s2], $0x10000, $0x38;
	[tilespmem:$0x10080] =	vst v63  }
0x56: {  	_ =	swait.ge [sflag:s30], $0x10000  }
0x57: {  	[sflag:s30] =	ssyncset.done $0x0  }
0x58: {  	s1 =	rddreg [dreg:$0x4];
	[sflag:s30] =	ssyncadd.s32 $0xFFFF0000  }
0x59: {  	[tilespmem:s2], [sflag:$0x1] =	stream.linear.gather [hbm4b:s1+s2], $0x20, $0x38;
	[tilespmem:$0x10080] =	vst v63  }
0x5a: {  	_ =	swait.ge [sflag:s30], $0x20  }
0x5b: {  	[sflag:s30] =	ssyncset.done $0x0  }
0x5c: {  	s1 =	rddreg [dreg:$0x5];
	[sflag:s30] =	ssyncadd.s32 $0xFFFFFFE0  }
0x5d: {  	[tilespmem:s31], [sflag:$0x1] =	stream.linear.gather [hbm4b:s1+s2], $0x20, $0x38;
	[tilespmem:$0x10080] =	vst v63  }
0x5e: {  	_ =	swait.ge [sflag:s30], $0x20  }
0x5f: {  	[sflag:s30] =	ssyncset.done $0x0  }
0x60: {  	s1 =	rddreg [dreg:$0x6];
	[sflag:s30] =	ssyncadd.s32 $0xFFFFFFE0  }
0x61: {  	[tilespmem:s0], [sflag:$0x1] =	stream.linear.gather [hbm4b:s1+s2], $0x40, $0x38;
	[tilespmem:$0x10080] =	vst v63  }
0x62: {  	_ =	swait.ge [sflag:s30], $0x40  }
0x63: {  	[sflag:s30] =	ssyncset.done $0x0  }
0x64: {  	[sflag:s30] =	ssyncadd.s32 $0xFFFFFFC0  }
0x65: {  	v18 =	vld [tilespmem:$0x40]  }
0x66: {  	v19 =	vld [tilespmem:$0x50];
	_ =	sdelay $0x3  }
0x67: {  	(erf) = vrcp.f32 v18  }
0x68: {  	(erf) = vrcp.f32 v19;
	_ =	sdelay $0x1  }
0x69: {  	v20 =	vld [tilespmem:$0x0]  }
0x6a: {  	v21 =	vld [tilespmem:$0x20]  }
0x6b: {  	v22 =	vld [tilespmem:$0x30]  }
0x6c: {  	v23 =	vld [tilespmem:$0x10]  }
0x6d: {  	v18 =	vld [tilespmem:$0x60]  }
0x6e: {  	v19 =	vld [tilespmem:$0x70]  }
0x6f: {  	v24 =	vpop (erf)  }
0x70: {  	v20 =	vmul.f32 v20, v24;
	v25 =	vpop (erf)  }
0x71: {  	v23 =	vmul.f32 v23, v24;
	v21 =	vmul.f32 v21, v25  }
0x72: {  	v22 =	vmul.f32 v22, v25;
	v20 =	vadd.f32 v20, v18  }
0x73: {  	v18 =	vadd.f32 v23, v18;
	v21 =	vadd.f32 v21, v19  }
0x74: {  	v19 =	vadd.f32 v22, v19;
	v20 =	vtrunc.f32 v20  }
0x75: {  	v18 =	vtrunc.f32 v18;
	v21 =	vtrunc.f32 v21  }
0x76: {  	v19 =	vtrunc.f32 v19;
	v21 =	vcvt.f32.s32 v21  }
0x77: {  	v20 =	vcvt.f32.s32 v20;
	v19 =	vcvt.f32.s32 v19  }
0x78: {  	v18 =	vcvt.f32.s32 v18;
	v46 =	vshll.u32 v21, $0xC  }
0x79: {  	vm0 =	vlt.u32 v21, $0x10;
	v47 =	vshll.u32 v19, $0xC;
	v20 =	vadd.s32 v20, v46  }
0x7a: {  	vm1 =	vlt.u32 v19, $0x10;
	v18 =	vadd.s32 v18, v47;
	v48 =	vadd.s32 v0, v20  }
0x7b: {  	v22 =	vadd.s32 v2, v18;
	_ =	sdelay $0x3  }
0x7c: {  	[tilespmem:v48+s29+$0x0] =	vst.idx.msk vm0, v1  }
0x7d: {  	s1 =	rddreg [dreg:$0x7];
	v21 =	vand.u32 $0xFFFFFFF0, v21;
	[tilespmem:v22+s29+$0x0] =	vst.idx.msk vm1, v1  }
0x7e: {  	v19 =	vand.u32 $0xFFFFFFF0, v19;
	vm2 =	veq.s32 v21, $0x10;
	[hbm4b:s1+s2] =	stream.linear.scatter [tilespmem:s29], [sflag:$0x1], $0x10000, $0x38;
	[tilespmem:$0x10080] =	vst v63  }
0x7f: {  	vm3 =	veq.s32 v19, $0x10;
	v49 =	vadd.s32 v4, v20;
	_ =	swait.ge [sflag:s30], $0x10000  }
0x80: {  	v50 =	vadd.s32 v5, v18;
	[sflag:s30] =	ssyncset.done $0x0  }
0x81: {  	[sflag:s30] =	ssyncadd.s32 $0xFFFF0000  }
0x82: {  	[tilespmem:v48+s29+$0x0] =	vst.idx.msk vm0, v3  }
0x83: {  	[tilespmem:v22+s29+$0x0] =	vst.idx.msk vm1, v3  }
0x84: {  	[tilespmem:v49+s29+$0x0] =	vst.idx.msk vm2, v1  }
0x85: {  	s1 =	rddreg [dreg:$0x8];
	[tilespmem:v50+s29+$0x0] =	vst.idx.msk vm3, v1  }
0x86: {  	vm12 =	veq.s32 v21, $0x20;
	[hbm4b:s1+s2] =	stream.linear.scatter [tilespmem:s29], [sflag:$0x1], $0x10000, $0x38;
	[tilespmem:$0x10080] =	vst v63  }
0x87: {  	vm13 =	veq.s32 v19, $0x20;
	v51 =	vadd.s32 v6, v20;
	_ =	swait.ge [sflag:s30], $0x10000  }
0x88: {  	v52 =	vadd.s32 v7, v18;
	[sflag:s30] =	ssyncset.done $0x0  }
0x89: {  	[sflag:s30] =	ssyncadd.s32 $0xFFFF0000  }
0x8a: {  	[tilespmem:v49+s29+$0x0] =	vst.idx.msk vm2, v3  }
0x8b: {  	[tilespmem:v50+s29+$0x0] =	vst.idx.msk vm3, v3  }
0x8c: {  	[tilespmem:v51+s29+$0x0] =	vst.idx.msk vm12, v1  }
0x8d: {  	s1 =	rddreg [dreg:$0x9];
	[tilespmem:v52+s29+$0x0] =	vst.idx.msk vm13, v1  }
0x8e: {  	vm14 =	veq.s32 v21, $0x30;
	[hbm4b:s1+s2] =	stream.linear.scatter [tilespmem:s29], [sflag:$0x1], $0x10000, $0x38;
	[tilespmem:$0x10080] =	vst v63  }
0x8f: {  	vm15 =	veq.s32 v19, $0x30;
	v53 =	vadd.s32 v8, v20;
	_ =	swait.ge [sflag:s30], $0x10000  }
0x90: {  	v54 =	vadd.s32 v9, v18;
	[sflag:s30] =	ssyncset.done $0x0  }
0x91: {  	[sflag:s30] =	ssyncadd.s32 $0xFFFF0000  }
0x92: {  	[tilespmem:v51+s29+$0x0] =	vst.idx.msk vm12, v3  }
0x93: {  	[tilespmem:v52+s29+$0x0] =	vst.idx.msk vm13, v3  }
0x94: {  	[tilespmem:v53+s29+$0x0] =	vst.idx.msk vm14, v1  }
0x95: {  	s1 =	rddreg [dreg:$0xa];
	[tilespmem:v54+s29+$0x0] =	vst.idx.msk vm15, v1  }
0x96: {  	vm6 =	veq.s32 v21, $0x40;
	[hbm4b:s1+s2] =	stream.linear.scatter [tilespmem:s29], [sflag:$0x1], $0x10000, $0x38;
	[tilespmem:$0x10080] =	vst v63  }
0x97: {  	vm7 =	veq.s32 v19, $0x40;
	v55 =	vadd.s32 v10, v20;
	_ =	swait.ge [sflag:s30], $0x10000  }
0x98: {  	v56 =	vadd.s32 v11, v18;
	[sflag:s30] =	ssyncset.done $0x0  }
0x99: {  	[sflag:s30] =	ssyncadd.s32 $0xFFFF0000  }
0x9a: {  	[tilespmem:v53+s29+$0x0] =	vst.idx.msk vm14, v3  }
0x9b: {  	[tilespmem:v54+s29+$0x0] =	vst.idx.msk vm15, v3  }
0x9c: {  	[tilespmem:v55+s29+$0x0] =	vst.idx.msk vm6, v1  }
0x9d: {  	s1 =	rddreg [dreg:$0xb];
	[tilespmem:v56+s29+$0x0] =	vst.idx.msk vm7, v1  }
0x9e: {  	vm8 =	veq.s32 v21, $0x50;
	[hbm4b:s1+s2] =	stream.linear.scatter [tilespmem:s29], [sflag:$0x1], $0x10000, $0x38;
	[tilespmem:$0x10080] =	vst v63  }
0x9f: {  	vm9 =	veq.s32 v19, $0x50;
	v57 =	vadd.s32 v12, v20;
	_ =	swait.ge [sflag:s30], $0x10000  }
0xa0: {  	v58 =	vadd.s32 v13, v18;
	[sflag:s30] =	ssyncset.done $0x0  }
0xa1: {  	[sflag:s30] =	ssyncadd.s32 $0xFFFF0000  }
0xa2: {  	[tilespmem:v55+s29+$0x0] =	vst.idx.msk vm6, v3  }
0xa3: {  	[tilespmem:v56+s29+$0x0] =	vst.idx.msk vm7, v3  }
0xa4: {  	[tilespmem:v57+s29+$0x0] =	vst.idx.msk vm8, v1  }
0xa5: {  	s1 =	rddreg [dreg:$0xc];
	[tilespmem:v58+s29+$0x0] =	vst.idx.msk vm9, v1  }
0xa6: {  	vm10 =	veq.s32 v21, $0x60;
	[hbm4b:s1+s2] =	stream.linear.scatter [tilespmem:s29], [sflag:$0x1], $0x10000, $0x38;
	[tilespmem:$0x10080] =	vst v63  }
0xa7: {  	vm11 =	veq.s32 v19, $0x60;
	v59 =	vadd.s32 v14, v20;
	_ =	swait.ge [sflag:s30], $0x10000  }
0xa8: {  	v60 =	vadd.s32 v15, v18;
	[sflag:s30] =	ssyncset.done $0x0  }
0xa9: {  	[sflag:s30] =	ssyncadd.s32 $0xFFFF0000  }
0xaa: {  	[tilespmem:v57+s29+$0x0] =	vst.idx.msk vm8, v3  }
0xab: {  	[tilespmem:v58+s29+$0x0] =	vst.idx.msk vm9, v3  }
0xac: {  	[tilespmem:v59+s29+$0x0] =	vst.idx.msk vm10, v1  }
0xad: {  	s1 =	rddreg [dreg:$0xd];
	[tilespmem:v60+s29+$0x0] =	vst.idx.msk vm11, v1  }
0xae: {  	vm12 =	veq.s32 v21, $0x70;
	[hbm4b:s1+s2] =	stream.linear.scatter [tilespmem:s29], [sflag:$0x1], $0x10000, $0x38;
	[tilespmem:$0x10080] =	vst v63  }
0xaf: {  	v20 =	vadd.s32 v16, v20;
	vm13 =	veq.s32 v19, $0x70;
	_ =	swait.ge [sflag:s30], $0x10000  }
0xb0: {  	v18 =	vadd.s32 v17, v18;
	[sflag:s30] =	ssyncset.done $0x0  }
0xb1: {  	[sflag:s30] =	ssyncadd.s32 $0xFFFF0000  }
0xb2: {  	[tilespmem:v59+s29+$0x0] =	vst.idx.msk vm10, v3  }
0xb3: {  	[tilespmem:v60+s29+$0x0] =	vst.idx.msk vm11, v3  }
0xb4: {  	[tilespmem:v20+s29+$0x0] =	vst.idx.msk vm12, v1  }
0xb5: {  	s1 =	rddreg [dreg:$0xe];
	[tilespmem:v18+s29+$0x0] =	vst.idx.msk vm13, v1  }
0xb6: {  	[hbm4b:s1+s2] =	stream.linear.scatter [tilespmem:s29], [sflag:$0x1], $0x10000, $0x38;
	[tilespmem:$0x10080] =	vst v63  }
0xb7: {  	_ =	swait.ge [sflag:s30], $0x10000  }
0xb8: {  	[sflag:s30] =	ssyncset.done $0x0  }
0xb9: {  	[sflag:s30] =	ssyncadd.s32 $0xFFFF0000  }
0xba: {  	[tilespmem:v20+s29+$0x0] =	vst.idx.msk vm12, v3  }
0xbb: {  	s1 =	rddreg [dreg:$0xf];
	[tilespmem:v18+s29+$0x0] =	vst.idx.msk vm13, v3  }
0xbc: {  	[tilespmem:s2], [sflag:$0x1] =	stream.linear.gather [hbm4b:s1+s2], $0x20, $0x38;
	[tilespmem:$0x10080] =	vst v63  }
0xbd: {  	_ =	swait.ge [sflag:s30], $0x20  }
0xbe: {  	[sflag:s30] =	ssyncset.done $0x0  }
0xbf: {  	s1 =	rddreg [dreg:$0x10];
	[sflag:s30] =	ssyncadd.s32 $0xFFFFFFE0  }
0xc0: {  	[tilespmem:s31], [sflag:$0x1] =	stream.linear.gather [hbm4b:s1+s2], $0x20, $0x38;
	[tilespmem:$0x10080] =	vst v63  }
0xc1: {  	_ =	swait.ge [sflag:s30], $0x20  }
0xc2: {  	[sflag:s30] =	ssyncset.done $0x0  }
0xc3: {  	s1 =	rddreg [dreg:$0x11];
	[sflag:s30] =	ssyncadd.s32 $0xFFFFFFE0  }
0xc4: {  	[tilespmem:s0], [sflag:$0x1] =	stream.linear.gather [hbm4b:s1+s2], $0x40, $0x38;
	[tilespmem:$0x10080] =	vst v63  }
0xc5: {  	_ =	swait.ge [sflag:s30], $0x40  }
0xc6: {  	[sflag:s30] =	ssyncset.done $0x0  }
0xc7: {  	[sflag:s30] =	ssyncadd.s32 $0xFFFFFFC0  }
0xc8: {  	v18 =	vld [tilespmem:$0x40]  }
0xc9: {  	v19 =	vld [tilespmem:$0x50];
	_ =	sdelay $0x3  }
0xca: {  	(erf) = vrcp.f32 v18  }
0xcb: {  	(erf) = vrcp.f32 v19;
	_ =	sdelay $0x1  }
0xcc: {  	v61 =	vld [tilespmem:$0x0]  }
0xcd: {  	v62 =	vld [tilespmem:$0x20]  }
0xce: {  	v63 =	vld [tilespmem:$0x30]  }
0xcf: {  	v28 =	vld [tilespmem:$0x10]  }
0xd0: {  	v18 =	vld [tilespmem:$0x60]  }
0xd1: {  	v19 =	vld [tilespmem:$0x70]  }
0xd2: {  	v29 =	vpop (erf)  }
0xd3: {  	v20 =	vmul.f32 v61, v29;
	v30 =	vpop (erf)  }
0xd4: {  	v23 =	vmul.f32 v28, v29;
	v21 =	vmul.f32 v62, v30  }
0xd5: {  	v22 =	vmul.f32 v63, v30;
	v20 =	vadd.f32 v20, v18  }
0xd6: {  	v18 =	vadd.f32 v23, v18;
	v21 =	vadd.f32 v21, v19  }
0xd7: {  	v19 =	vadd.f32 v22, v19;
	v20 =	vtrunc.f32 v20  }
0xd8: {  	v18 =	vtrunc.f32 v18;
	v21 =	vtrunc.f32 v21  }
0xd9: {  	v19 =	vtrunc.f32 v19;
	v21 =	vcvt.f32.s32 v21  }
0xda: {  	v20 =	vcvt.f32.s32 v20;
	v19 =	vcvt.f32.s32 v19  }
0xdb: {  	v18 =	vcvt.f32.s32 v18;
	v31 =	vshll.u32 v21, $0xC  }
0xdc: {  	vm14 =	vlt.u32 v21, $0x10;
	v32 =	vshll.u32 v19, $0xC;
	v20 =	vadd.s32 v20, v31  }
0xdd: {  	vm15 =	vlt.u32 v19, $0x10;
	v18 =	vadd.s32 v18, v32;
	v33 =	vadd.s32 v0, v20  }
0xde: {  	v22 =	vadd.s32 v2, v18;
	_ =	sdelay $0x3  }
0xdf: {  	[tilespmem:v33+s29+$0x0] =	vst.idx.msk vm14, v1  }
0xe0: {  	s1 =	rddreg [dreg:$0x12];
	v21 =	vand.u32 $0xFFFFFFF0, v21;
	[tilespmem:v22+s29+$0x0] =	vst.idx.msk vm15, v1  }
0xe1: {  	v19 =	vand.u32 $0xFFFFFFF0, v19;
	vm6 =	veq.s32 v21, $0x10;
	[hbm4b:s1+s2] =	stream.linear.scatter [tilespmem:s29], [sflag:$0x1], $0x10000, $0x38;
	[tilespmem:$0x10080] =	vst v63  }
0xe2: {  	vm7 =	veq.s32 v19, $0x10;
	v34 =	vadd.s32 v4, v20;
	_ =	swait.ge [sflag:s30], $0x10000  }
0xe3: {  	v35 =	vadd.s32 v5, v18;
	[sflag:s30] =	ssyncset.done $0x0  }
0xe4: {  	[sflag:s30] =	ssyncadd.s32 $0xFFFF0000  }
0xe5: {  	[tilespmem:v33+s29+$0x0] =	vst.idx.msk vm14, v3  }
0xe6: {  	[tilespmem:v22+s29+$0x0] =	vst.idx.msk vm15, v3  }
0xe7: {  	[tilespmem:v34+s29+$0x0] =	vst.idx.msk vm6, v1  }
0xe8: {  	s1 =	rddreg [dreg:$0x13];
	[tilespmem:v35+s29+$0x0] =	vst.idx.msk vm7, v1  }
0xe9: {  	vm8 =	veq.s32 v21, $0x20;
	[hbm4b:s1+s2] =	stream.linear.scatter [tilespmem:s29], [sflag:$0x1], $0x10000, $0x38;
	[tilespmem:$0x10080] =	vst v63  }
0xea: {  	vm9 =	veq.s32 v19, $0x20;
	v36 =	vadd.s32 v6, v20;
	_ =	swait.ge [sflag:s30], $0x10000  }
0xeb: {  	v37 =	vadd.s32 v7, v18;
	[sflag:s30] =	ssyncset.done $0x0  }
0xec: {  	[sflag:s30] =	ssyncadd.s32 $0xFFFF0000  }
0xed: {  	[tilespmem:v34+s29+$0x0] =	vst.idx.msk vm6, v3  }
0xee: {  	[tilespmem:v35+s29+$0x0] =	vst.idx.msk vm7, v3  }
0xef: {  	[tilespmem:v36+s29+$0x0] =	vst.idx.msk vm8, v1  }
0xf0: {  	s1 =	rddreg [dreg:$0x14];
	[tilespmem:v37+s29+$0x0] =	vst.idx.msk vm9, v1  }
0xf1: {  	vm10 =	veq.s32 v21, $0x30;
	[hbm4b:s1+s2] =	stream.linear.scatter [tilespmem:s29], [sflag:$0x1], $0x10000, $0x38;
	[tilespmem:$0x10080] =	vst v63  }
0xf2: {  	vm11 =	veq.s32 v19, $0x30;
	v38 =	vadd.s32 v8, v20;
	_ =	swait.ge [sflag:s30], $0x10000  }
0xf3: {  	v39 =	vadd.s32 v9, v18;
	[sflag:s30] =	ssyncset.done $0x0  }
0xf4: {  	[sflag:s30] =	ssyncadd.s32 $0xFFFF0000  }
0xf5: {  	[tilespmem:v36+s29+$0x0] =	vst.idx.msk vm8, v3  }
0xf6: {  	[tilespmem:v37+s29+$0x0] =	vst.idx.msk vm9, v3  }
0xf7: {  	[tilespmem:v38+s29+$0x0] =	vst.idx.msk vm10, v1  }
0xf8: {  	s1 =	rddreg [dreg:$0x15];
	[tilespmem:v39+s29+$0x0] =	vst.idx.msk vm11, v1  }
0xf9: {  	vm12 =	veq.s32 v21, $0x40;
	[hbm4b:s1+s2] =	stream.linear.scatter [tilespmem:s29], [sflag:$0x1], $0x10000, $0x38;
	[tilespmem:$0x10080] =	vst v63  }
0xfa: {  	vm13 =	veq.s32 v19, $0x40;
	v40 =	vadd.s32 v10, v20;
	_ =	swait.ge [sflag:s30], $0x10000  }
0xfb: {  	v41 =	vadd.s32 v11, v18;
	[sflag:s30] =	ssyncset.done $0x0  }
0xfc: {  	[sflag:s30] =	ssyncadd.s32 $0xFFFF0000  }
0xfd: {  	[tilespmem:v38+s29+$0x0] =	vst.idx.msk vm10, v3  }
0xfe: {  	[tilespmem:v39+s29+$0x0] =	vst.idx.msk vm11, v3  }
0xff: {  	[tilespmem:v40+s29+$0x0] =	vst.idx.msk vm12, v1  }
0x100: {  	s1 =	rddreg [dreg:$0x16];
	[tilespmem:v41+s29+$0x0] =	vst.idx.msk vm13, v1  }
0x101: {  	vm14 =	veq.s32 v21, $0x50;
	[hbm4b:s1+s2] =	stream.linear.scatter [tilespmem:s29], [sflag:$0x1], $0x10000, $0x38;
	[tilespmem:$0x10080] =	vst v63  }
0x102: {  	v42 =	vadd.s32 v12, v20;
	vm15 =	veq.s32 v19, $0x50;
	_ =	swait.ge [sflag:s30], $0x10000  }
0x103: {  	v43 =	vadd.s32 v13, v18;
	[sflag:s30] =	ssyncset.done $0x0  }
0x104: {  	[sflag:s30] =	ssyncadd.s32 $0xFFFF0000  }
0x105: {  	[tilespmem:v40+s29+$0x0] =	vst.idx.msk vm12, v3  }
0x106: {  	[tilespmem:v41+s29+$0x0] =	vst.idx.msk vm13, v3  }
0x107: {  	[tilespmem:v42+s29+$0x0] =	vst.idx.msk vm14, v1  }
0x108: {  	s1 =	rddreg [dreg:$0x17];
	[tilespmem:v43+s29+$0x0] =	vst.idx.msk vm15, v1  }
0x109: {  	vm6 =	veq.s32 v21, $0x60;
	[hbm4b:s1+s2] =	stream.linear.scatter [tilespmem:s29], [sflag:$0x1], $0x10000, $0x38;
	[tilespmem:$0x10080] =	vst v63  }
0x10a: {  	v44 =	vadd.s32 v14, v20;
	vm7 =	veq.s32 v19, $0x60;
	_ =	swait.ge [sflag:s30], $0x10000  }
0x10b: {  	v45 =	vadd.s32 v15, v18;
	[sflag:s30] =	ssyncset.done $0x0  }
0x10c: {  	[sflag:s30] =	ssyncadd.s32 $0xFFFF0000  }
0x10d: {  	[tilespmem:v42+s29+$0x0] =	vst.idx.msk vm14, v3  }
0x10e: {  	[tilespmem:v43+s29+$0x0] =	vst.idx.msk vm15, v3  }
0x10f: {  	[tilespmem:v44+s29+$0x0] =	vst.idx.msk vm6, v1  }
0x110: {  	s1 =	rddreg [dreg:$0x18];
	[tilespmem:v45+s29+$0x0] =	vst.idx.msk vm7, v1  }
0x111: {  	vm8 =	veq.s32 v21, $0x70;
	[hbm4b:s1+s2] =	stream.linear.scatter [tilespmem:s29], [sflag:$0x1], $0x10000, $0x38;
	[tilespmem:$0x10080] =	vst v63  }
0x112: {  	v20 =	vadd.s32 v16, v20;
	vm9 =	veq.s32 v19, $0x70;
	_ =	swait.ge [sflag:s30], $0x10000  }
0x113: {  	v18 =	vadd.s32 v17, v18;
	[sflag:s30] =	ssyncset.done $0x0  }
0x114: {  	[sflag:s30] =	ssyncadd.s32 $0xFFFF0000  }
0x115: {  	[tilespmem:v44+s29+$0x0] =	vst.idx.msk vm6, v3  }
0x116: {  	[tilespmem:v45+s29+$0x0] =	vst.idx.msk vm7, v3  }
0x117: {  	[tilespmem:v20+s29+$0x0] =	vst.idx.msk vm8, v1  }
0x118: {  	s1 =	rddreg [dreg:$0x19];
	[tilespmem:v18+s29+$0x0] =	vst.idx.msk vm9, v1  }
0x119: {  	[hbm4b:s1+s2] =	stream.linear.scatter [tilespmem:s29], [sflag:$0x1], $0x10000, $0x38;
	[tilespmem:$0x10080] =	vst v63  }
0x11a: {  	_ =	swait.ge [sflag:s30], $0x10000  }
0x11b: {  	[sflag:s30] =	ssyncset.done $0x0  }
0x11c: {  	[sflag:s30] =	ssyncadd.s32 $0xFFFF0000  }
0x11d: {  	[tilespmem:v20+s29+$0x0] =	vst.idx.msk vm8, v3  }
0x11e: {  	s1 =	rddreg [dreg:$0x1a];
	[tilespmem:v18+s29+$0x0] =	vst.idx.msk vm9, v3  }
0x11f: {  	[tilespmem:s2], [sflag:$0x1] =	stream.linear.gather [hbm4b:s1+s2], $0x20, $0x38;
	[tilespmem:$0x10080] =	vst v63  }
0x120: {  	_ =	swait.ge [sflag:s30], $0x20  }
0x121: {  	[sflag:s30] =	ssyncset.done $0x0  }
0x122: {  	[sflag:s30] =	ssyncadd.s32 $0xFFFFFFE0  }
0x123: {  	s1 =	rddreg [dreg:$0x1b]  }
0x124: {  	[tilespmem:s31], [sflag:$0x1] =	stream.linear.gather [hbm4b:s1+s2], $0x20, $0x38;
	[tilespmem:$0x10080] =	vst v63  }
0x125: {  	_ =	swait.ge [sflag:s30], $0x20  }
0x126: {  	[sflag:s30] =	ssyncset.done $0x0  }
0x127: {  	s1 =	rddreg [dreg:$0x1c];
	[sflag:s30] =	ssyncadd.s32 $0xFFFFFFE0  }
0x128: {  	[tilespmem:s0], [sflag:$0x1] =	stream.linear.gather [hbm4b:s1+s2], $0x40, $0x38;
	[tilespmem:$0x10080] =	vst v63  }
0x129: {  	_ =	swait.ge [sflag:s30], $0x40  }
0x12a: {  	[sflag:s30] =	ssyncset.done $0x0  }
0x12b: {  	[sflag:s30] =	ssyncadd.s32 $0xFFFFFFC0  }
0x12c: {  	v18 =	vld [tilespmem:$0x40]  }
0x12d: {  	v19 =	vld [tilespmem:$0x50];
	_ =	sdelay $0x3  }
0x12e: {  	(erf) = vrcp.f32 v18  }
0x12f: {  	(erf) = vrcp.f32 v19;
	_ =	sdelay $0x1  }
0x130: {  	v46 =	vld [tilespmem:$0x0]  }
0x131: {  	v47 =	vld [tilespmem:$0x20]  }
0x132: {  	v48 =	vld [tilespmem:$0x30]  }
0x133: {  	v49 =	vld [tilespmem:$0x10]  }
0x134: {  	v18 =	vld [tilespmem:$0x60]  }
0x135: {  	v19 =	vld [tilespmem:$0x70]  }
0x136: {  	v50 =	vpop (erf)  }
0x137: {  	v20 =	vmul.f32 v46, v50;
	v51 =	vpop (erf)  }
0x138: {  	v23 =	vmul.f32 v49, v50;
	v21 =	vmul.f32 v47, v51  }
0x139: {  	v22 =	vmul.f32 v48, v51;
	v20 =	vadd.f32 v20, v18  }
0x13a: {  	v18 =	vadd.f32 v23, v18;
	v21 =	vadd.f32 v21, v19  }
0x13b: {  	v19 =	vadd.f32 v22, v19;
	v20 =	vtrunc.f32 v20  }
0x13c: {  	v18 =	vtrunc.f32 v18;
	v21 =	vtrunc.f32 v21  }
0x13d: {  	v19 =	vtrunc.f32 v19;
	v21 =	vcvt.f32.s32 v21  }
0x13e: {  	v20 =	vcvt.f32.s32 v20;
	v19 =	vcvt.f32.s32 v19  }
0x13f: {  	v18 =	vcvt.f32.s32 v18;
	v52 =	vshll.u32 v21, $0xC  }
0x140: {  	vm10 =	vlt.u32 v21, $0x10;
	v53 =	vshll.u32 v19, $0xC;
	v20 =	vadd.s32 v20, v52  }
0x141: {  	vm11 =	vlt.u32 v19, $0x10;
	v18 =	vadd.s32 v18, v53;
	v54 =	vadd.s32 v0, v20  }
0x142: {  	v22 =	vadd.s32 v2, v18;
	_ =	sdelay $0x3  }
0x143: {  	[tilespmem:v54+s29+$0x0] =	vst.idx.msk vm10, v1  }
0x144: {  	s1 =	rddreg [dreg:$0x1d];
	v21 =	vand.u32 $0xFFFFFFF0, v21;
	[tilespmem:v22+s29+$0x0] =	vst.idx.msk vm11, v1  }
0x145: {  	v19 =	vand.u32 $0xFFFFFFF0, v19;
	vm12 =	veq.s32 v21, $0x10;
	[hbm4b:s1+s2] =	stream.linear.scatter [tilespmem:s29], [sflag:$0x1], $0x10000, $0x38;
	[tilespmem:$0x10080] =	vst v63  }
0x146: {  	vm13 =	veq.s32 v19, $0x10;
	v55 =	vadd.s32 v4, v20;
	_ =	swait.ge [sflag:s30], $0x10000  }
0x147: {  	v56 =	vadd.s32 v5, v18;
	[sflag:s30] =	ssyncset.done $0x0  }
0x148: {  	[sflag:s30] =	ssyncadd.s32 $0xFFFF0000  }
0x149: {  	[tilespmem:v54+s29+$0x0] =	vst.idx.msk vm10, v3  }
0x14a: {  	[tilespmem:v22+s29+$0x0] =	vst.idx.msk vm11, v3  }
0x14b: {  	[tilespmem:v55+s29+$0x0] =	vst.idx.msk vm12, v1  }
0x14c: {  	s1 =	rddreg [dreg:$0x1e];
	[tilespmem:v56+s29+$0x0] =	vst.idx.msk vm13, v1  }
0x14d: {  	vm14 =	veq.s32 v21, $0x20;
	[hbm4b:s1+s2] =	stream.linear.scatter [tilespmem:s29], [sflag:$0x1], $0x10000, $0x38;
	[tilespmem:$0x10080] =	vst v63  }
0x14e: {  	vm15 =	veq.s32 v19, $0x20;
	v57 =	vadd.s32 v6, v20;
	_ =	swait.ge [sflag:s30], $0x10000  }
0x14f: {  	v58 =	vadd.s32 v7, v18;
	[sflag:s30] =	ssyncset.done $0x0  }
0x150: {  	[sflag:s30] =	ssyncadd.s32 $0xFFFF0000  }
0x151: {  	[tilespmem:v55+s29+$0x0] =	vst.idx.msk vm12, v3  }
0x152: {  	[tilespmem:v56+s29+$0x0] =	vst.idx.msk vm13, v3  }
0x153: {  	[tilespmem:v57+s29+$0x0] =	vst.idx.msk vm14, v1  }
0x154: {  	s1 =	rddreg [dreg:$0x1f];
	[tilespmem:v58+s29+$0x0] =	vst.idx.msk vm15, v1  }
0x155: {  	vm6 =	veq.s32 v21, $0x30;
	[hbm4b:s1+s2] =	stream.linear.scatter [tilespmem:s29], [sflag:$0x1], $0x10000, $0x38;
	[tilespmem:$0x10080] =	vst v63  }
0x156: {  	vm7 =	veq.s32 v19, $0x30;
	v59 =	vadd.s32 v8, v20;
	_ =	swait.ge [sflag:s30], $0x10000  }
0x157: {  	v60 =	vadd.s32 v9, v18;
	[sflag:s30] =	ssyncset.done $0x0  }
0x158: {  	[sflag:s30] =	ssyncadd.s32 $0xFFFF0000  }
0x159: {  	[tilespmem:v57+s29+$0x0] =	vst.idx.msk vm14, v3  }
0x15a: {  	s1 =	sld [smem:$0x7DA];
	[tilespmem:v58+s29+$0x0] =	vst.idx.msk vm15, v3  }
0x15b: {  	[tilespmem:v59+s29+$0x0] =	vst.idx.msk vm6, v1  }
0x15c: {  	[tilespmem:v60+s29+$0x0] =	vst.idx.msk vm7, v1  }
0x15d: {  	vm8 =	veq.s32 v21, $0x40;
	[hbm4b:s1+s2] =	stream.linear.scatter [tilespmem:s29], [sflag:$0x1], $0x10000, $0x38;
	[tilespmem:$0x10080] =	vst v63  }
0x15e: {  	vm9 =	veq.s32 v19, $0x40;
	v61 =	vadd.s32 v10, v20;
	_ =	swait.ge [sflag:s30], $0x10000  }
0x15f: {  	v62 =	vadd.s32 v11, v18;
	[sflag:s30] =	ssyncset.done $0x0  }
0x160: {  	[sflag:s30] =	ssyncadd.s32 $0xFFFF0000  }
0x161: {  	[tilespmem:v59+s29+$0x0] =	vst.idx.msk vm6, v3  }
0x162: {  	s1 =	sld [smem:$0x7DB];
	[tilespmem:v60+s29+$0x0] =	vst.idx.msk vm7, v3  }
0x163: {  	[tilespmem:v61+s29+$0x0] =	vst.idx.msk vm8, v1  }
0x164: {  	[tilespmem:v62+s29+$0x0] =	vst.idx.msk vm9, v1  }
0x165: {  	vm10 =	veq.s32 v21, $0x50;
	[hbm4b:s1+s2] =	stream.linear.scatter [tilespmem:s29], [sflag:$0x1], $0x10000, $0x38;
	[tilespmem:$0x10080] =	vst v63  }
0x166: {  	v63 =	vadd.s32 v12, v20;
	vm11 =	veq.s32 v19, $0x50;
	_ =	swait.ge [sflag:s30], $0x10000  }
0x167: {  	v28 =	vadd.s32 v13, v18;
	[sflag:s30] =	ssyncset.done $0x0  }
0x168: {  	[sflag:s30] =	ssyncadd.s32 $0xFFFF0000  }
0x169: {  	[tilespmem:v61+s29+$0x0] =	vst.idx.msk vm8, v3  }
0x16a: {  	s1 =	sld [smem:$0x7DC];
	[tilespmem:v62+s29+$0x0] =	vst.idx.msk vm9, v3  }
0x16b: {  	[tilespmem:v63+s29+$0x0] =	vst.idx.msk vm10, v1  }
0x16c: {  	[tilespmem:v28+s29+$0x0] =	vst.idx.msk vm11, v1  }
0x16d: {  	vm12 =	veq.s32 v21, $0x60;
	[hbm4b:s1+s2] =	stream.linear.scatter [tilespmem:s29], [sflag:$0x1], $0x10000, $0x38;
	[tilespmem:$0x10080] =	vst v63  }
0x16e: {  	v29 =	vadd.s32 v14, v20;
	vm13 =	veq.s32 v19, $0x60;
	_ =	swait.ge [sflag:s30], $0x10000  }
0x16f: {  	v30 =	vadd.s32 v15, v18;
	[sflag:s30] =	ssyncset.done $0x0  }
0x170: {  	[sflag:s30] =	ssyncadd.s32 $0xFFFF0000  }
0x171: {  	[tilespmem:v63+s29+$0x0] =	vst.idx.msk vm10, v3  }
0x172: {  	s1 =	sld [smem:$0x7DD];
	[tilespmem:v28+s29+$0x0] =	vst.idx.msk vm11, v3  }
0x173: {  	[tilespmem:v29+s29+$0x0] =	vst.idx.msk vm12, v1  }
0x174: {  	[tilespmem:v30+s29+$0x0] =	vst.idx.msk vm13, v1  }
0x175: {  	vm14 =	veq.s32 v21, $0x70;
	[hbm4b:s1+s2] =	stream.linear.scatter [tilespmem:s29], [sflag:$0x1], $0x10000, $0x38;
	[tilespmem:$0x10080] =	vst v63  }
0x176: {  	v20 =	vadd.s32 v16, v20;
	vm15 =	veq.s32 v19, $0x70;
	_ =	swait.ge [sflag:s30], $0x10000  }
0x177: {  	v18 =	vadd.s32 v17, v18;
	[sflag:s30] =	ssyncset.done $0x0  }
0x178: {  	[sflag:s30] =	ssyncadd.s32 $0xFFFF0000  }
0x179: {  	[tilespmem:v29+s29+$0x0] =	vst.idx.msk vm12, v3  }
0x17a: {  	s1 =	sld [smem:$0x7DE];
	[tilespmem:v30+s29+$0x0] =	vst.idx.msk vm13, v3  }
0x17b: {  	[tilespmem:v20+s29+$0x0] =	vst.idx.msk vm14, v1  }
0x17c: {  	[tilespmem:v18+s29+$0x0] =	vst.idx.msk vm15, v1  }
0x17d: {  	[hbm4b:s1+s2] =	stream.linear.scatter [tilespmem:s29], [sflag:$0x1], $0x10000, $0x38;
	[tilespmem:$0x10080] =	vst v63  }
0x17e: {  	_ =	swait.ge [sflag:s30], $0x10000  }
0x17f: {  	[sflag:s30] =	ssyncset.done $0x0  }
0x180: {  	s1 =	sld [smem:$0x7DF];
	[sflag:s30] =	ssyncadd.s32 $0xFFFF0000  }
0x181: {  	[tilespmem:v20+s29+$0x0] =	vst.idx.msk vm14, v3  }
0x182: {  	[tilespmem:v18+s29+$0x0] =	vst.idx.msk vm15, v3  }
0x183: {  	[tilespmem:s2], [sflag:$0x1] =	stream.linear.gather [hbm4b:s1+s2], $0x20, $0x38;
	[tilespmem:$0x10080] =	vst v63  }
0x184: {  	_ =	swait.ge [sflag:s30], $0x20  }
0x185: {  	s1 =	sld [smem:$0x7E0]  }
0x186: {  	[sflag:s30] =	ssyncset.done $0x0  }
0x187: {  	[sflag:s30] =	ssyncadd.s32 $0xFFFFFFE0  }
0x188: {  	[tilespmem:s31], [sflag:$0x1] =	stream.linear.gather [hbm4b:s1+s2], $0x20, $0x38;
	[tilespmem:$0x10080] =	vst v63  }
0x189: {  	_ =	swait.ge [sflag:s30], $0x20  }
0x18a: {  	s1 =	sld [smem:$0x7E1]  }
0x18b: {  	[sflag:s30] =	ssyncset.done $0x0  }
0x18c: {  	[sflag:s30] =	ssyncadd.s32 $0xFFFFFFE0  }
0x18d: {  	[tilespmem:s0], [sflag:$0x1] =	stream.linear.gather [hbm4b:s1+s2], $0x40, $0x38;
	[tilespmem:$0x10080] =	vst v63  }
0x18e: {  	_ =	swait.ge [sflag:s30], $0x40  }
0x18f: {  	[sflag:s30] =	ssyncset.done $0x0  }
0x190: {  	[sflag:s30] =	ssyncadd.s32 $0xFFFFFFC0  }
0x191: {  	v18 =	vld [tilespmem:$0x40]  }
0x192: {  	v19 =	vld [tilespmem:$0x50];
	_ =	sdelay $0x3  }
0x193: {  	(erf) = vrcp.f32 v18  }
0x194: {  	(erf) = vrcp.f32 v19;
	_ =	sdelay $0x1  }
0x195: {  	v31 =	vld [tilespmem:$0x0]  }
0x196: {  	v32 =	vld [tilespmem:$0x20]  }
0x197: {  	v33 =	vld [tilespmem:$0x30]  }
0x198: {  	v34 =	vld [tilespmem:$0x10]  }
0x199: {  	v18 =	vld [tilespmem:$0x60]  }
0x19a: {  	v19 =	vld [tilespmem:$0x70]  }
0x19b: {  	v35 =	vpop (erf)  }
0x19c: {  	v20 =	vmul.f32 v31, v35;
	v36 =	vpop (erf)  }
0x19d: {  	v23 =	vmul.f32 v34, v35;
	v21 =	vmul.f32 v32, v36  }
0x19e: {  	v22 =	vmul.f32 v33, v36;
	v20 =	vadd.f32 v20, v18  }
0x19f: {  	v18 =	vadd.f32 v23, v18;
	v21 =	vadd.f32 v21, v19  }
0x1a0: {  	v19 =	vadd.f32 v22, v19;
	v20 =	vtrunc.f32 v20  }
0x1a1: {  	v18 =	vtrunc.f32 v18;
	v21 =	vtrunc.f32 v21  }
0x1a2: {  	v19 =	vtrunc.f32 v19;
	v21 =	vcvt.f32.s32 v21  }
0x1a3: {  	v20 =	vcvt.f32.s32 v20;
	v19 =	vcvt.f32.s32 v19  }
0x1a4: {  	v18 =	vcvt.f32.s32 v18;
	v37 =	vshll.u32 v21, $0xC  }
0x1a5: {  	vm6 =	vlt.u32 v21, $0x10;
	v38 =	vshll.u32 v19, $0xC;
	v20 =	vadd.s32 v20, v37  }
0x1a6: {  	vm7 =	vlt.u32 v19, $0x10;
	v18 =	vadd.s32 v18, v38;
	v39 =	vadd.s32 v0, v20  }
0x1a7: {  	v22 =	vadd.s32 v2, v18;
	_ =	sdelay $0x2  }
0x1a8: {  	s1 =	sld [smem:$0x7E2]  }
0x1a9: {  	[tilespmem:v39+s29+$0x0] =	vst.idx.msk vm6, v1  }
0x1aa: {  	v21 =	vand.u32 $0xFFFFFFF0, v21;
	[tilespmem:v22+s29+$0x0] =	vst.idx.msk vm7, v1  }
0x1ab: {  	v19 =	vand.u32 $0xFFFFFFF0, v19;
	vm8 =	veq.s32 v21, $0x10;
	[hbm4b:s1+s2] =	stream.linear.scatter [tilespmem:s29], [sflag:$0x1], $0x10000, $0x38;
	[tilespmem:$0x10080] =	vst v63  }
0x1ac: {  	vm9 =	veq.s32 v19, $0x10;
	v40 =	vadd.s32 v4, v20;
	_ =	swait.ge [sflag:s30], $0x10000  }
0x1ad: {  	v41 =	vadd.s32 v5, v18;
	[sflag:s30] =	ssyncset.done $0x0  }
0x1ae: {  	[sflag:s30] =	ssyncadd.s32 $0xFFFF0000  }
0x1af: {  	[tilespmem:v39+s29+$0x0] =	vst.idx.msk vm6, v3  }
0x1b0: {  	s1 =	sld [smem:$0x7E3];
	[tilespmem:v22+s29+$0x0] =	vst.idx.msk vm7, v3  }
0x1b1: {  	[tilespmem:v40+s29+$0x0] =	vst.idx.msk vm8, v1  }
0x1b2: {  	[tilespmem:v41+s29+$0x0] =	vst.idx.msk vm9, v1  }
0x1b3: {  	vm10 =	veq.s32 v21, $0x20;
	[hbm4b:s1+s2] =	stream.linear.scatter [tilespmem:s29], [sflag:$0x1], $0x10000, $0x38;
	[tilespmem:$0x10080] =	vst v63  }
0x1b4: {  	vm11 =	veq.s32 v19, $0x20;
	v42 =	vadd.s32 v6, v20;
	_ =	swait.ge [sflag:s30], $0x10000  }
0x1b5: {  	v43 =	vadd.s32 v7, v18;
	[sflag:s30] =	ssyncset.done $0x0  }
0x1b6: {  	[sflag:s30] =	ssyncadd.s32 $0xFFFF0000  }
0x1b7: {  	[tilespmem:v40+s29+$0x0] =	vst.idx.msk vm8, v3  }
0x1b8: {  	s1 =	sld [smem:$0x7E4];
	[tilespmem:v41+s29+$0x0] =	vst.idx.msk vm9, v3  }
0x1b9: {  	[tilespmem:v42+s29+$0x0] =	vst.idx.msk vm10, v1  }
0x1ba: {  	[tilespmem:v43+s29+$0x0] =	vst.idx.msk vm11, v1  }
0x1bb: {  	vm12 =	veq.s32 v21, $0x30;
	[hbm4b:s1+s2] =	stream.linear.scatter [tilespmem:s29], [sflag:$0x1], $0x10000, $0x38;
	[tilespmem:$0x10080] =	vst v63  }
0x1bc: {  	vm13 =	veq.s32 v19, $0x30;
	v44 =	vadd.s32 v8, v20;
	_ =	swait.ge [sflag:s30], $0x10000  }
0x1bd: {  	v45 =	vadd.s32 v9, v18;
	[sflag:s30] =	ssyncset.done $0x0  }
0x1be: {  	[sflag:s30] =	ssyncadd.s32 $0xFFFF0000  }
0x1bf: {  	[tilespmem:v42+s29+$0x0] =	vst.idx.msk vm10, v3  }
0x1c0: {  	s1 =	sld [smem:$0x7E5];
	[tilespmem:v43+s29+$0x0] =	vst.idx.msk vm11, v3  }
0x1c1: {  	[tilespmem:v44+s29+$0x0] =	vst.idx.msk vm12, v1  }
0x1c2: {  	[tilespmem:v45+s29+$0x0] =	vst.idx.msk vm13, v1  }
0x1c3: {  	vm14 =	veq.s32 v21, $0x40;
	[hbm4b:s1+s2] =	stream.linear.scatter [tilespmem:s29], [sflag:$0x1], $0x10000, $0x38;
	[tilespmem:$0x10080] =	vst v63  }
0x1c4: {  	vm15 =	veq.s32 v19, $0x40;
	v46 =	vadd.s32 v10, v20;
	_ =	swait.ge [sflag:s30], $0x10000  }
0x1c5: {  	v47 =	vadd.s32 v11, v18;
	[sflag:s30] =	ssyncset.done $0x0  }
0x1c6: {  	[sflag:s30] =	ssyncadd.s32 $0xFFFF0000  }
0x1c7: {  	[tilespmem:v44+s29+$0x0] =	vst.idx.msk vm12, v3  }
0x1c8: {  	s1 =	sld [smem:$0x7E6];
	[tilespmem:v45+s29+$0x0] =	vst.idx.msk vm13, v3  }
0x1c9: {  	[tilespmem:v46+s29+$0x0] =	vst.idx.msk vm14, v1  }
0x1ca: {  	[tilespmem:v47+s29+$0x0] =	vst.idx.msk vm15, v1  }
0x1cb: {  	vm6 =	veq.s32 v21, $0x50;
	[hbm4b:s1+s2] =	stream.linear.scatter [tilespmem:s29], [sflag:$0x1], $0x10000, $0x38;
	[tilespmem:$0x10080] =	vst v63  }
0x1cc: {  	v48 =	vadd.s32 v12, v20;
	vm7 =	veq.s32 v19, $0x50;
	_ =	swait.ge [sflag:s30], $0x10000  }
0x1cd: {  	v49 =	vadd.s32 v13, v18;
	[sflag:s30] =	ssyncset.done $0x0  }
0x1ce: {  	[sflag:s30] =	ssyncadd.s32 $0xFFFF0000  }
0x1cf: {  	[tilespmem:v46+s29+$0x0] =	vst.idx.msk vm14, v3  }
0x1d0: {  	s1 =	sld [smem:$0x7E7];
	[tilespmem:v47+s29+$0x0] =	vst.idx.msk vm15, v3  }
0x1d1: {  	[tilespmem:v48+s29+$0x0] =	vst.idx.msk vm6, v1  }
0x1d2: {  	[tilespmem:v49+s29+$0x0] =	vst.idx.msk vm7, v1  }
0x1d3: {  	vm8 =	veq.s32 v21, $0x60;
	[hbm4b:s1+s2] =	stream.linear.scatter [tilespmem:s29], [sflag:$0x1], $0x10000, $0x38;
	[tilespmem:$0x10080] =	vst v63  }
0x1d4: {  	v50 =	vadd.s32 v14, v20;
	vm9 =	veq.s32 v19, $0x60;
	_ =	swait.ge [sflag:s30], $0x10000  }
0x1d5: {  	v51 =	vadd.s32 v15, v18;
	[sflag:s30] =	ssyncset.done $0x0  }
0x1d6: {  	[sflag:s30] =	ssyncadd.s32 $0xFFFF0000  }
0x1d7: {  	[tilespmem:v48+s29+$0x0] =	vst.idx.msk vm6, v3  }
0x1d8: {  	s1 =	sld [smem:$0x7E8];
	[tilespmem:v49+s29+$0x0] =	vst.idx.msk vm7, v3  }
0x1d9: {  	[tilespmem:v50+s29+$0x0] =	vst.idx.msk vm8, v1  }
0x1da: {  	[tilespmem:v51+s29+$0x0] =	vst.idx.msk vm9, v1  }
0x1db: {  	vm10 =	veq.s32 v21, $0x70;
	[hbm4b:s1+s2] =	stream.linear.scatter [tilespmem:s29], [sflag:$0x1], $0x10000, $0x38;
	[tilespmem:$0x10080] =	vst v63  }
0x1dc: {  	v20 =	vadd.s32 v16, v20;
	vm11 =	veq.s32 v19, $0x70;
	_ =	swait.ge [sflag:s30], $0x10000  }
0x1dd: {  	v18 =	vadd.s32 v17, v18;
	[sflag:s30] =	ssyncset.done $0x0  }
0x1de: {  	[sflag:s30] =	ssyncadd.s32 $0xFFFF0000  }
0x1df: {  	[tilespmem:v50+s29+$0x0] =	vst.idx.msk vm8, v3  }
0x1e0: {  	s1 =	sld [smem:$0x7E9];
	[tilespmem:v51+s29+$0x0] =	vst.idx.msk vm9, v3  }
0x1e1: {  	[tilespmem:v20+s29+$0x0] =	vst.idx.msk vm10, v1  }
0x1e2: {  	[tilespmem:v18+s29+$0x0] =	vst.idx.msk vm11, v1  }
0x1e3: {  	[hbm4b:s1+s2] =	stream.linear.scatter [tilespmem:s29], [sflag:$0x1], $0x10000, $0x38;
	[tilespmem:$0x10080] =	vst v63  }
0x1e4: {  	_ =	swait.ge [sflag:s30], $0x10000  }
0x1e5: {  	[sflag:s30] =	ssyncset.done $0x0  }
0x1e6: {  	s1 =	sld [smem:$0x7EA];
	[sflag:s30] =	ssyncadd.s32 $0xFFFF0000  }
0x1e7: {  	[tilespmem:v20+s29+$0x0] =	vst.idx.msk vm10, v3  }
0x1e8: {  	[tilespmem:v18+s29+$0x0] =	vst.idx.msk vm11, v3  }
0x1e9: {  	[tilespmem:s2], [sflag:$0x1] =	stream.linear.gather [hbm4b:s1+s2], $0x20, $0x38;
	[tilespmem:$0x10080] =	vst v63  }
0x1ea: {  	_ =	swait.ge [sflag:s30], $0x20  }
0x1eb: {  	s1 =	sld [smem:$0x7EB]  }
0x1ec: {  	[sflag:s30] =	ssyncset.done $0x0  }
0x1ed: {  	[sflag:s30] =	ssyncadd.s32 $0xFFFFFFE0  }
0x1ee: {  	[tilespmem:s31], [sflag:$0x1] =	stream.linear.gather [hbm4b:s1+s2], $0x20, $0x38;
	[tilespmem:$0x10080] =	vst v63  }
0x1ef: {  	_ =	swait.ge [sflag:s30], $0x20  }
0x1f0: {  	s1 =	sld [smem:$0x7EC]  }
0x1f1: {  	[sflag:s30] =	ssyncset.done $0x0  }
0x1f2: {  	[sflag:s30] =	ssyncadd.s32 $0xFFFFFFE0  }
0x1f3: {  	[tilespmem:s0], [sflag:$0x1] =	stream.linear.gather [hbm4b:s1+s2], $0x40, $0x38;
	[tilespmem:$0x10080] =	vst v63  }
0x1f4: {  	_ =	swait.ge [sflag:s30], $0x40  }
0x1f5: {  	[sflag:s30] =	ssyncset.done $0x0  }
0x1f6: {  	[sflag:s30] =	ssyncadd.s32 $0xFFFFFFC0  }
0x1f7: {  	v18 =	vld [tilespmem:$0x40]  }
0x1f8: {  	v19 =	vld [tilespmem:$0x50];
	_ =	sdelay $0x3  }
0x1f9: {  	(erf) = vrcp.f32 v18  }
0x1fa: {  	(erf) = vrcp.f32 v19;
	_ =	sdelay $0x1  }
0x1fb: {  	v52 =	vld [tilespmem:$0x0]  }
0x1fc: {  	v53 =	vld [tilespmem:$0x20]  }
0x1fd: {  	v54 =	vld [tilespmem:$0x30]  }
0x1fe: {  	v55 =	vld [tilespmem:$0x10]  }
0x1ff: {  	v18 =	vld [tilespmem:$0x60]  }
0x200: {  	v19 =	vld [tilespmem:$0x70]  }
0x201: {  	v56 =	vpop (erf)  }
0x202: {  	v20 =	vmul.f32 v52, v56;
	v57 =	vpop (erf)  }
0x203: {  	v23 =	vmul.f32 v55, v56;
	v21 =	vmul.f32 v53, v57  }
0x204: {  	v22 =	vmul.f32 v54, v57;
	v20 =	vadd.f32 v20, v18  }
0x205: {  	v18 =	vadd.f32 v23, v18;
	v21 =	vadd.f32 v21, v19  }
0x206: {  	v19 =	vadd.f32 v22, v19;
	v20 =	vtrunc.f32 v20  }
0x207: {  	v18 =	vtrunc.f32 v18;
	v21 =	vtrunc.f32 v21  }
0x208: {  	v19 =	vtrunc.f32 v19;
	v21 =	vcvt.f32.s32 v21  }
0x209: {  	v20 =	vcvt.f32.s32 v20;
	v19 =	vcvt.f32.s32 v19  }
0x20a: {  	v18 =	vcvt.f32.s32 v18;
	v58 =	vshll.u32 v21, $0xC  }
0x20b: {  	vm12 =	vlt.u32 v21, $0x10;
	v59 =	vshll.u32 v19, $0xC;
	v20 =	vadd.s32 v20, v58  }
0x20c: {  	vm13 =	vlt.u32 v19, $0x10;
	v18 =	vadd.s32 v18, v59;
	v60 =	vadd.s32 v0, v20  }
0x20d: {  	v22 =	vadd.s32 v2, v18;
	_ =	sdelay $0x2  }
0x20e: {  	s1 =	sld [smem:$0x7ED]  }
0x20f: {  	[tilespmem:v60+s29+$0x0] =	vst.idx.msk vm12, v1  }
0x210: {  	v21 =	vand.u32 $0xFFFFFFF0, v21;
	[tilespmem:v22+s29+$0x0] =	vst.idx.msk vm13, v1  }
0x211: {  	v19 =	vand.u32 $0xFFFFFFF0, v19;
	vm14 =	veq.s32 v21, $0x10;
	[hbm4b:s1+s2] =	stream.linear.scatter [tilespmem:s29], [sflag:$0x1], $0x10000, $0x38;
	[tilespmem:$0x10080] =	vst v63  }
0x212: {  	vm15 =	veq.s32 v19, $0x10;
	v61 =	vadd.s32 v4, v20;
	_ =	swait.ge [sflag:s30], $0x10000  }
0x213: {  	v62 =	vadd.s32 v5, v18;
	[sflag:s30] =	ssyncset.done $0x0  }
0x214: {  	[sflag:s30] =	ssyncadd.s32 $0xFFFF0000  }
0x215: {  	[tilespmem:v60+s29+$0x0] =	vst.idx.msk vm12, v3  }
0x216: {  	s1 =	sld [smem:$0x7EE];
	[tilespmem:v22+s29+$0x0] =	vst.idx.msk vm13, v3  }
0x217: {  	[tilespmem:v61+s29+$0x0] =	vst.idx.msk vm14, v1  }
0x218: {  	[tilespmem:v62+s29+$0x0] =	vst.idx.msk vm15, v1  }
0x219: {  	vm6 =	veq.s32 v21, $0x20;
	[hbm4b:s1+s2] =	stream.linear.scatter [tilespmem:s29], [sflag:$0x1], $0x10000, $0x38;
	[tilespmem:$0x10080] =	vst v63  }
0x21a: {  	vm7 =	veq.s32 v19, $0x20;
	v63 =	vadd.s32 v6, v20;
	_ =	swait.ge [sflag:s30], $0x10000  }
0x21b: {  	v28 =	vadd.s32 v7, v18;
	[sflag:s30] =	ssyncset.done $0x0  }
0x21c: {  	[sflag:s30] =	ssyncadd.s32 $0xFFFF0000  }
0x21d: {  	[tilespmem:v61+s29+$0x0] =	vst.idx.msk vm14, v3  }
0x21e: {  	s1 =	sld [smem:$0x7EF];
	[tilespmem:v62+s29+$0x0] =	vst.idx.msk vm15, v3  }
0x21f: {  	[tilespmem:v63+s29+$0x0] =	vst.idx.msk vm6, v1  }
0x220: {  	[tilespmem:v28+s29+$0x0] =	vst.idx.msk vm7, v1  }
0x221: {  	vm8 =	veq.s32 v21, $0x30;
	[hbm4b:s1+s2] =	stream.linear.scatter [tilespmem:s29], [sflag:$0x1], $0x10000, $0x38;
	[tilespmem:$0x10080] =	vst v63  }
0x222: {  	vm9 =	veq.s32 v19, $0x30;
	v29 =	vadd.s32 v8, v20;
	_ =	swait.ge [sflag:s30], $0x10000  }
0x223: {  	v30 =	vadd.s32 v9, v18;
	[sflag:s30] =	ssyncset.done $0x0  }
0x224: {  	[sflag:s30] =	ssyncadd.s32 $0xFFFF0000  }
0x225: {  	[tilespmem:v63+s29+$0x0] =	vst.idx.msk vm6, v3  }
0x226: {  	s1 =	sld [smem:$0x7F0];
	[tilespmem:v28+s29+$0x0] =	vst.idx.msk vm7, v3  }
0x227: {  	[tilespmem:v29+s29+$0x0] =	vst.idx.msk vm8, v1  }
0x228: {  	[tilespmem:v30+s29+$0x0] =	vst.idx.msk vm9, v1  }
0x229: {  	vm10 =	veq.s32 v21, $0x40;
	[hbm4b:s1+s2] =	stream.linear.scatter [tilespmem:s29], [sflag:$0x1], $0x10000, $0x38;
	[tilespmem:$0x10080] =	vst v63  }
0x22a: {  	vm11 =	veq.s32 v19, $0x40;
	v31 =	vadd.s32 v10, v20;
	_ =	swait.ge [sflag:s30], $0x10000  }
0x22b: {  	v32 =	vadd.s32 v11, v18;
	[sflag:s30] =	ssyncset.done $0x0  }
0x22c: {  	[sflag:s30] =	ssyncadd.s32 $0xFFFF0000  }
0x22d: {  	[tilespmem:v29+s29+$0x0] =	vst.idx.msk vm8, v3  }
0x22e: {  	s1 =	sld [smem:$0x7F1];
	[tilespmem:v30+s29+$0x0] =	vst.idx.msk vm9, v3  }
0x22f: {  	[tilespmem:v31+s29+$0x0] =	vst.idx.msk vm10, v1  }
0x230: {  	[tilespmem:v32+s29+$0x0] =	vst.idx.msk vm11, v1  }
0x231: {  	vm12 =	veq.s32 v21, $0x50;
	[hbm4b:s1+s2] =	stream.linear.scatter [tilespmem:s29], [sflag:$0x1], $0x10000, $0x38;
	[tilespmem:$0x10080] =	vst v63  }
0x232: {  	v33 =	vadd.s32 v12, v20;
	vm13 =	veq.s32 v19, $0x50;
	_ =	swait.ge [sflag:s30], $0x10000  }
0x233: {  	v34 =	vadd.s32 v13, v18;
	[sflag:s30] =	ssyncset.done $0x0  }
0x234: {  	[sflag:s30] =	ssyncadd.s32 $0xFFFF0000  }
0x235: {  	[tilespmem:v31+s29+$0x0] =	vst.idx.msk vm10, v3  }
0x236: {  	s1 =	sld [smem:$0x7F2];
	[tilespmem:v32+s29+$0x0] =	vst.idx.msk vm11, v3  }
0x237: {  	[tilespmem:v33+s29+$0x0] =	vst.idx.msk vm12, v1  }
0x238: {  	[tilespmem:v34+s29+$0x0] =	vst.idx.msk vm13, v1  }
0x239: {  	vm14 =	veq.s32 v21, $0x60;
	[hbm4b:s1+s2] =	stream.linear.scatter [tilespmem:s29], [sflag:$0x1], $0x10000, $0x38;
	[tilespmem:$0x10080] =	vst v63  }
0x23a: {  	v35 =	vadd.s32 v14, v20;
	vm15 =	veq.s32 v19, $0x60;
	_ =	swait.ge [sflag:s30], $0x10000  }
0x23b: {  	v36 =	vadd.s32 v15, v18;
	[sflag:s30] =	ssyncset.done $0x0  }
0x23c: {  	[sflag:s30] =	ssyncadd.s32 $0xFFFF0000  }
0x23d: {  	[tilespmem:v33+s29+$0x0] =	vst.idx.msk vm12, v3  }
0x23e: {  	s1 =	sld [smem:$0x7F3];
	[tilespmem:v34+s29+$0x0] =	vst.idx.msk vm13, v3  }
0x23f: {  	[tilespmem:v35+s29+$0x0] =	vst.idx.msk vm14, v1  }
0x240: {  	[tilespmem:v36+s29+$0x0] =	vst.idx.msk vm15, v1  }
0x241: {  	vm6 =	veq.s32 v21, $0x70;
	[hbm4b:s1+s2] =	stream.linear.scatter [tilespmem:s29], [sflag:$0x1], $0x10000, $0x38;
	[tilespmem:$0x10080] =	vst v63  }
0x242: {  	v20 =	vadd.s32 v16, v20;
	vm7 =	veq.s32 v19, $0x70;
	_ =	swait.ge [sflag:s30], $0x10000  }
0x243: {  	v18 =	vadd.s32 v17, v18;
	[sflag:s30] =	ssyncset.done $0x0  }
0x244: {  	[sflag:s30] =	ssyncadd.s32 $0xFFFF0000  }
0x245: {  	[tilespmem:v35+s29+$0x0] =	vst.idx.msk vm14, v3  }
0x246: {  	s1 =	sld [smem:$0x7F4];
	[tilespmem:v36+s29+$0x0] =	vst.idx.msk vm15, v3  }
0x247: {  	[tilespmem:v20+s29+$0x0] =	vst.idx.msk vm6, v1  }
0x248: {  	[tilespmem:v18+s29+$0x0] =	vst.idx.msk vm7, v1  }
0x249: {  	[hbm4b:s1+s2] =	stream.linear.scatter [tilespmem:s29], [sflag:$0x1], $0x10000, $0x38;
	[tilespmem:$0x10080] =	vst v63  }
0x24a: {  	_ =	swait.ge [sflag:s30], $0x10000  }
0x24b: {  	[sflag:s30] =	ssyncset.done $0x0  }
0x24c: {  	s1 =	sld [smem:$0x7F5];
	[sflag:s30] =	ssyncadd.s32 $0xFFFF0000  }
0x24d: {  	[tilespmem:v20+s29+$0x0] =	vst.idx.msk vm6, v3  }
0x24e: {  	[tilespmem:v18+s29+$0x0] =	vst.idx.msk vm7, v3  }
0x24f: {  	[tilespmem:s2], [sflag:$0x1] =	stream.linear.gather [hbm4b:s1+s2], $0x20, $0x38;
	[tilespmem:$0x10080] =	vst v63  }
0x250: {  	_ =	swait.ge [sflag:s30], $0x20  }
0x251: {  	s1 =	sld [smem:$0x7F6]  }
0x252: {  	[sflag:s30] =	ssyncset.done $0x0  }
0x253: {  	[sflag:s30] =	ssyncadd.s32 $0xFFFFFFE0  }
0x254: {  	[tilespmem:s31], [sflag:$0x1] =	stream.linear.gather [hbm4b:s1+s2], $0x20, $0x38;
	[tilespmem:$0x10080] =	vst v63  }
0x255: {  	_ =	swait.ge [sflag:s30], $0x20  }
0x256: {  	s1 =	sld [smem:$0x7F7]  }
0x257: {  	[sflag:s30] =	ssyncset.done $0x0  }
0x258: {  	[sflag:s30] =	ssyncadd.s32 $0xFFFFFFE0  }
0x259: {  	[tilespmem:s0], [sflag:$0x1] =	stream.linear.gather [hbm4b:s1+s2], $0x40, $0x38;
	[tilespmem:$0x10080] =	vst v63  }
0x25a: {  	_ =	swait.ge [sflag:s30], $0x40  }
0x25b: {  	[sflag:s30] =	ssyncset.done $0x0  }
0x25c: {  	[sflag:s30] =	ssyncadd.s32 $0xFFFFFFC0  }
0x25d: {  	v18 =	vld [tilespmem:$0x40]  }
0x25e: {  	v19 =	vld [tilespmem:$0x50];
	_ =	sdelay $0x3  }
0x25f: {  	(erf) = vrcp.f32 v18  }
0x260: {  	(erf) = vrcp.f32 v19;
	_ =	sdelay $0x1  }
0x261: {  	v37 =	vld [tilespmem:$0x0]  }
0x262: {  	v38 =	vld [tilespmem:$0x20]  }
0x263: {  	v39 =	vld [tilespmem:$0x30]  }
0x264: {  	v40 =	vld [tilespmem:$0x10]  }
0x265: {  	v18 =	vld [tilespmem:$0x60]  }
0x266: {  	v19 =	vld [tilespmem:$0x70]  }
0x267: {  	v41 =	vpop (erf)  }
0x268: {  	v20 =	vmul.f32 v37, v41;
	v42 =	vpop (erf)  }
0x269: {  	v23 =	vmul.f32 v40, v41;
	v21 =	vmul.f32 v38, v42  }
0x26a: {  	v22 =	vmul.f32 v39, v42;
	v20 =	vadd.f32 v20, v18  }
0x26b: {  	v18 =	vadd.f32 v23, v18;
	v21 =	vadd.f32 v21, v19  }
0x26c: {  	v19 =	vadd.f32 v22, v19;
	v20 =	vtrunc.f32 v20  }
0x26d: {  	v18 =	vtrunc.f32 v18;
	v21 =	vtrunc.f32 v21  }
0x26e: {  	v19 =	vtrunc.f32 v19;
	v21 =	vcvt.f32.s32 v21  }
0x26f: {  	v20 =	vcvt.f32.s32 v20;
	v19 =	vcvt.f32.s32 v19  }
0x270: {  	v18 =	vcvt.f32.s32 v18;
	v43 =	vshll.u32 v21, $0xC  }
0x271: {  	vm8 =	vlt.u32 v21, $0x10;
	v44 =	vshll.u32 v19, $0xC;
	v20 =	vadd.s32 v20, v43  }
0x272: {  	vm9 =	vlt.u32 v19, $0x10;
	v18 =	vadd.s32 v18, v44;
	v45 =	vadd.s32 v0, v20  }
0x273: {  	v22 =	vadd.s32 v2, v18;
	_ =	sdelay $0x2  }
0x274: {  	s1 =	sld [smem:$0x7F8]  }
0x275: {  	[tilespmem:v45+s29+$0x0] =	vst.idx.msk vm8, v1  }
0x276: {  	v21 =	vand.u32 $0xFFFFFFF0, v21;
	[tilespmem:v22+s29+$0x0] =	vst.idx.msk vm9, v1  }
0x277: {  	v19 =	vand.u32 $0xFFFFFFF0, v19;
	vm10 =	veq.s32 v21, $0x10;
	[hbm4b:s1+s2] =	stream.linear.scatter [tilespmem:s29], [sflag:$0x1], $0x10000, $0x38;
	[tilespmem:$0x10080] =	vst v63  }
0x278: {  	vm11 =	veq.s32 v19, $0x10;
	v46 =	vadd.s32 v4, v20;
	_ =	swait.ge [sflag:s30], $0x10000  }
0x279: {  	v47 =	vadd.s32 v5, v18;
	[sflag:s30] =	ssyncset.done $0x0  }
0x27a: {  	[sflag:s30] =	ssyncadd.s32 $0xFFFF0000  }
0x27b: {  	[tilespmem:v45+s29+$0x0] =	vst.idx.msk vm8, v3  }
0x27c: {  	s1 =	sld [smem:$0x7F9];
	[tilespmem:v22+s29+$0x0] =	vst.idx.msk vm9, v3  }
0x27d: {  	[tilespmem:v46+s29+$0x0] =	vst.idx.msk vm10, v1  }
0x27e: {  	[tilespmem:v47+s29+$0x0] =	vst.idx.msk vm11, v1  }
0x27f: {  	vm12 =	veq.s32 v21, $0x20;
	[hbm4b:s1+s2] =	stream.linear.scatter [tilespmem:s29], [sflag:$0x1], $0x10000, $0x38;
	[tilespmem:$0x10080] =	vst v63  }
0x280: {  	vm13 =	veq.s32 v19, $0x20;
	v48 =	vadd.s32 v6, v20;
	_ =	swait.ge [sflag:s30], $0x10000  }
0x281: {  	v49 =	vadd.s32 v7, v18;
	[sflag:s30] =	ssyncset.done $0x0  }
0x282: {  	[sflag:s30] =	ssyncadd.s32 $0xFFFF0000  }
0x283: {  	[tilespmem:v46+s29+$0x0] =	vst.idx.msk vm10, v3  }
0x284: {  	s1 =	sld [smem:$0x7FA];
	[tilespmem:v47+s29+$0x0] =	vst.idx.msk vm11, v3  }
0x285: {  	[tilespmem:v48+s29+$0x0] =	vst.idx.msk vm12, v1  }
0x286: {  	[tilespmem:v49+s29+$0x0] =	vst.idx.msk vm13, v1  }
0x287: {  	vm14 =	veq.s32 v21, $0x30;
	[hbm4b:s1+s2] =	stream.linear.scatter [tilespmem:s29], [sflag:$0x1], $0x10000, $0x38;
	[tilespmem:$0x10080] =	vst v63  }
0x288: {  	vm15 =	veq.s32 v19, $0x30;
	v50 =	vadd.s32 v8, v20;
	_ =	swait.ge [sflag:s30], $0x10000  }
0x289: {  	v51 =	vadd.s32 v9, v18;
	[sflag:s30] =	ssyncset.done $0x0  }
0x28a: {  	[sflag:s30] =	ssyncadd.s32 $0xFFFF0000  }
0x28b: {  	[tilespmem:v48+s29+$0x0] =	vst.idx.msk vm12, v3  }
0x28c: {  	s1 =	sld [smem:$0x7FB];
	[tilespmem:v49+s29+$0x0] =	vst.idx.msk vm13, v3  }
0x28d: {  	[tilespmem:v50+s29+$0x0] =	vst.idx.msk vm14, v1  }
0x28e: {  	[tilespmem:v51+s29+$0x0] =	vst.idx.msk vm15, v1  }
0x28f: {  	vm6 =	veq.s32 v21, $0x40;
	[hbm4b:s1+s2] =	stream.linear.scatter [tilespmem:s29], [sflag:$0x1], $0x10000, $0x38;
	[tilespmem:$0x10080] =	vst v63  }
0x290: {  	vm7 =	veq.s32 v19, $0x40;
	v52 =	vadd.s32 v10, v20;
	_ =	swait.ge [sflag:s30], $0x10000  }
0x291: {  	v53 =	vadd.s32 v11, v18;
	[sflag:s30] =	ssyncset.done $0x0  }
0x292: {  	[sflag:s30] =	ssyncadd.s32 $0xFFFF0000  }
0x293: {  	[tilespmem:v50+s29+$0x0] =	vst.idx.msk vm14, v3  }
0x294: {  	s1 =	sld [smem:$0x7FC];
	[tilespmem:v51+s29+$0x0] =	vst.idx.msk vm15, v3  }
0x295: {  	[tilespmem:v52+s29+$0x0] =	vst.idx.msk vm6, v1  }
0x296: {  	[tilespmem:v53+s29+$0x0] =	vst.idx.msk vm7, v1  }
0x297: {  	vm8 =	veq.s32 v21, $0x50;
	[hbm4b:s1+s2] =	stream.linear.scatter [tilespmem:s29], [sflag:$0x1], $0x10000, $0x38;
	[tilespmem:$0x10080] =	vst v63  }
0x298: {  	v54 =	vadd.s32 v12, v20;
	vm9 =	veq.s32 v19, $0x50;
	_ =	swait.ge [sflag:s30], $0x10000  }
0x299: {  	v55 =	vadd.s32 v13, v18;
	[sflag:s30] =	ssyncset.done $0x0  }
0x29a: {  	[sflag:s30] =	ssyncadd.s32 $0xFFFF0000  }
0x29b: {  	[tilespmem:v52+s29+$0x0] =	vst.idx.msk vm6, v3  }
0x29c: {  	s1 =	sld [smem:$0x7FD];
	[tilespmem:v53+s29+$0x0] =	vst.idx.msk vm7, v3  }
0x29d: {  	[tilespmem:v54+s29+$0x0] =	vst.idx.msk vm8, v1  }
0x29e: {  	[tilespmem:v55+s29+$0x0] =	vst.idx.msk vm9, v1  }
0x29f: {  	vm10 =	veq.s32 v21, $0x60;
	[hbm4b:s1+s2] =	stream.linear.scatter [tilespmem:s29], [sflag:$0x1], $0x10000, $0x38;
	[tilespmem:$0x10080] =	vst v63  }
0x2a0: {  	v56 =	vadd.s32 v14, v20;
	vm11 =	veq.s32 v19, $0x60;
	_ =	swait.ge [sflag:s30], $0x10000  }
0x2a1: {  	v57 =	vadd.s32 v15, v18;
	[sflag:s30] =	ssyncset.done $0x0  }
0x2a2: {  	[sflag:s30] =	ssyncadd.s32 $0xFFFF0000  }
0x2a3: {  	[tilespmem:v54+s29+$0x0] =	vst.idx.msk vm8, v3  }
0x2a4: {  	[tilespmem:v55+s29+$0x0] =	vst.idx.msk vm9, v3  }
0x2a5: {  	[tilespmem:v56+s29+$0x0] =	vst.idx.msk vm10, v1  }
0x2a6: {  	[tilespmem:v57+s29+$0x0] =	vst.idx.msk vm11, v1  }
0x2a7: {  	vm12 =	veq.s32 v21, $0x70;
	[hbm4b:s3+s2] =	stream.linear.scatter [tilespmem:s29], [sflag:$0x1], $0x10000, $0x38;
	[tilespmem:$0x10080] =	vst v63  }
0x2a8: {  	v20 =	vadd.s32 v16, v20;
	vm13 =	veq.s32 v19, $0x70;
	_ =	swait.ge [sflag:s30], $0x10000  }
0x2a9: {  	v18 =	vadd.s32 v17, v18;
	[sflag:s30] =	ssyncset.done $0x0  }
0x2aa: {  	[sflag:s30] =	ssyncadd.s32 $0xFFFF0000  }
0x2ab: {  	[tilespmem:v56+s29+$0x0] =	vst.idx.msk vm10, v3  }
0x2ac: {  	[tilespmem:v57+s29+$0x0] =	vst.idx.msk vm11, v3  }
0x2ad: {  	[tilespmem:v20+s29+$0x0] =	vst.idx.msk vm12, v1  }
0x2ae: {  	[tilespmem:v18+s29+$0x0] =	vst.idx.msk vm13, v1  }
0x2af: {  	[hbm4b:s4+s2] =	stream.linear.scatter [tilespmem:s29], [sflag:$0x1], $0x10000, $0x38;
	[tilespmem:$0x10080] =	vst v63  }
0x2b0: {  	_ =	swait.ge [sflag:s30], $0x10000  }
0x2b1: {  	[sflag:s30] =	ssyncset.done $0x0  }
0x2b2: {  	[sflag:s30] =	ssyncadd.s32 $0xFFFF0000  }
0x2b3: {  	[tilespmem:v20+s29+$0x0] =	vst.idx.msk vm12, v3  }
0x2b4: {  	[tilespmem:v18+s29+$0x0] =	vst.idx.msk vm13, v3  }
0x2b5: {  	[tilespmem:s2], [sflag:$0x1] =	stream.linear.gather [hbm4b:s5+s2], $0x20, $0x38;
	[tilespmem:$0x10080] =	vst v63  }
0x2b6: {  	_ =	swait.ge [sflag:s30], $0x20  }
0x2b7: {  	[sflag:s30] =	ssyncset.done $0x0  }
0x2b8: {  	[sflag:s30] =	ssyncadd.s32 $0xFFFFFFE0  }
0x2b9: {  	[tilespmem:s31], [sflag:$0x1] =	stream.linear.gather [hbm4b:s6+s2], $0x20, $0x38;
	[tilespmem:$0x10080] =	vst v63  }
0x2ba: {  	_ =	swait.ge [sflag:s30], $0x20  }
0x2bb: {  	[sflag:s30] =	ssyncset.done $0x0  }
0x2bc: {  	[sflag:s30] =	ssyncadd.s32 $0xFFFFFFE0  }
0x2bd: {  	[tilespmem:s0], [sflag:$0x1] =	stream.linear.gather [hbm4b:s7+s2], $0x40, $0x38;
	[tilespmem:$0x10080] =	vst v63  }
0x2be: {  	_ =	swait.ge [sflag:s30], $0x40  }
0x2bf: {  	[sflag:s30] =	ssyncset.done $0x0  }
0x2c0: {  	[sflag:s30] =	ssyncadd.s32 $0xFFFFFFC0  }
0x2c1: {  	v18 =	vld [tilespmem:$0x40]  }
0x2c2: {  	v19 =	vld [tilespmem:$0x50];
	_ =	sdelay $0x3  }
0x2c3: {  	(erf) = vrcp.f32 v18  }
0x2c4: {  	(erf) = vrcp.f32 v19;
	_ =	sdelay $0x1  }
0x2c5: {  	v58 =	vld [tilespmem:$0x0]  }
0x2c6: {  	v59 =	vld [tilespmem:$0x20]  }
0x2c7: {  	v60 =	vld [tilespmem:$0x30]  }
0x2c8: {  	v61 =	vld [tilespmem:$0x10]  }
0x2c9: {  	v18 =	vld [tilespmem:$0x60]  }
0x2ca: {  	v19 =	vld [tilespmem:$0x70]  }
0x2cb: {  	v62 =	vpop (erf)  }
0x2cc: {  	v20 =	vmul.f32 v58, v62;
	v63 =	vpop (erf)  }
0x2cd: {  	v23 =	vmul.f32 v61, v62;
	v21 =	vmul.f32 v59, v63  }
0x2ce: {  	v22 =	vmul.f32 v60, v63;
	v20 =	vadd.f32 v20, v18  }
0x2cf: {  	v18 =	vadd.f32 v23, v18;
	v21 =	vadd.f32 v21, v19  }
0x2d0: {  	v19 =	vadd.f32 v22, v19;
	v20 =	vtrunc.f32 v20  }
0x2d1: {  	v18 =	vtrunc.f32 v18;
	v21 =	vtrunc.f32 v21  }
0x2d2: {  	v19 =	vtrunc.f32 v19;
	v21 =	vcvt.f32.s32 v21  }
0x2d3: {  	v20 =	vcvt.f32.s32 v20;
	v19 =	vcvt.f32.s32 v19  }
0x2d4: {  	v18 =	vcvt.f32.s32 v18;
	v28 =	vshll.u32 v21, $0xC  }
0x2d5: {  	vm14 =	vlt.u32 v21, $0x10;
	v29 =	vshll.u32 v19, $0xC;
	v20 =	vadd.s32 v20, v28  }
0x2d6: {  	vm15 =	vlt.u32 v19, $0x10;
	v18 =	vadd.s32 v18, v29;
	v30 =	vadd.s32 v0, v20  }
0x2d7: {  	v22 =	vadd.s32 v2, v18;
	_ =	sdelay $0x3  }
0x2d8: {  	[tilespmem:v30+s29+$0x0] =	vst.idx.msk vm14, v1  }
0x2d9: {  	v21 =	vand.u32 $0xFFFFFFF0, v21;
	[tilespmem:v22+s29+$0x0] =	vst.idx.msk vm15, v1  }
0x2da: {  	v19 =	vand.u32 $0xFFFFFFF0, v19;
	vm6 =	veq.s32 v21, $0x10;
	[hbm4b:s8+s2] =	stream.linear.scatter [tilespmem:s29], [sflag:$0x1], $0x10000, $0x38;
	[tilespmem:$0x10080] =	vst v63  }
0x2db: {  	vm7 =	veq.s32 v19, $0x10;
	v31 =	vadd.s32 v4, v20;
	_ =	swait.ge [sflag:s30], $0x10000  }
0x2dc: {  	v32 =	vadd.s32 v5, v18;
	[sflag:s30] =	ssyncset.done $0x0  }
0x2dd: {  	[sflag:s30] =	ssyncadd.s32 $0xFFFF0000  }
0x2de: {  	[tilespmem:v30+s29+$0x0] =	vst.idx.msk vm14, v3  }
0x2df: {  	[tilespmem:v22+s29+$0x0] =	vst.idx.msk vm15, v3  }
0x2e0: {  	[tilespmem:v31+s29+$0x0] =	vst.idx.msk vm6, v1  }
0x2e1: {  	[tilespmem:v32+s29+$0x0] =	vst.idx.msk vm7, v1  }
0x2e2: {  	vm8 =	veq.s32 v21, $0x20;
	[hbm4b:s9+s2] =	stream.linear.scatter [tilespmem:s29], [sflag:$0x1], $0x10000, $0x38;
	[tilespmem:$0x10080] =	vst v63  }
0x2e3: {  	vm9 =	veq.s32 v19, $0x20;
	v33 =	vadd.s32 v6, v20;
	_ =	swait.ge [sflag:s30], $0x10000  }
0x2e4: {  	v34 =	vadd.s32 v7, v18;
	[sflag:s30] =	ssyncset.done $0x0  }
0x2e5: {  	[sflag:s30] =	ssyncadd.s32 $0xFFFF0000  }
0x2e6: {  	[tilespmem:v31+s29+$0x0] =	vst.idx.msk vm6, v3  }
0x2e7: {  	[tilespmem:v32+s29+$0x0] =	vst.idx.msk vm7, v3  }
0x2e8: {  	[tilespmem:v33+s29+$0x0] =	vst.idx.msk vm8, v1  }
0x2e9: {  	[tilespmem:v34+s29+$0x0] =	vst.idx.msk vm9, v1  }
0x2ea: {  	vm10 =	veq.s32 v21, $0x30;
	[hbm4b:s12+s2] =	stream.linear.scatter [tilespmem:s29], [sflag:$0x1], $0x10000, $0x38;
	[tilespmem:$0x10080] =	vst v63  }
0x2eb: {  	vm11 =	veq.s32 v19, $0x30;
	v35 =	vadd.s32 v8, v20;
	_ =	swait.ge [sflag:s30], $0x10000  }
0x2ec: {  	v36 =	vadd.s32 v9, v18;
	[sflag:s30] =	ssyncset.done $0x0  }
0x2ed: {  	[sflag:s30] =	ssyncadd.s32 $0xFFFF0000  }
0x2ee: {  	[tilespmem:v33+s29+$0x0] =	vst.idx.msk vm8, v3  }
0x2ef: {  	[tilespmem:v34+s29+$0x0] =	vst.idx.msk vm9, v3  }
0x2f0: {  	[tilespmem:v35+s29+$0x0] =	vst.idx.msk vm10, v1  }
0x2f1: {  	[tilespmem:v36+s29+$0x0] =	vst.idx.msk vm11, v1  }
0x2f2: {  	vm12 =	veq.s32 v21, $0x40;
	[hbm4b:s14+s2] =	stream.linear.scatter [tilespmem:s29], [sflag:$0x1], $0x10000, $0x38;
	[tilespmem:$0x10080] =	vst v63  }
0x2f3: {  	vm13 =	veq.s32 v19, $0x40;
	v37 =	vadd.s32 v10, v20;
	_ =	swait.ge [sflag:s30], $0x10000  }
0x2f4: {  	v38 =	vadd.s32 v11, v18;
	[sflag:s30] =	ssyncset.done $0x0  }
0x2f5: {  	[sflag:s30] =	ssyncadd.s32 $0xFFFF0000  }
0x2f6: {  	[tilespmem:v35+s29+$0x0] =	vst.idx.msk vm10, v3  }
0x2f7: {  	[tilespmem:v36+s29+$0x0] =	vst.idx.msk vm11, v3  }
0x2f8: {  	[tilespmem:v37+s29+$0x0] =	vst.idx.msk vm12, v1  }
0x2f9: {  	[tilespmem:v38+s29+$0x0] =	vst.idx.msk vm13, v1  }
0x2fa: {  	vm14 =	veq.s32 v21, $0x50;
	[hbm4b:s15+s2] =	stream.linear.scatter [tilespmem:s29], [sflag:$0x1], $0x10000, $0x38;
	[tilespmem:$0x10080] =	vst v63  }
0x2fb: {  	v39 =	vadd.s32 v12, v20;
	vm15 =	veq.s32 v19, $0x50;
	_ =	swait.ge [sflag:s30], $0x10000  }
0x2fc: {  	v40 =	vadd.s32 v13, v18;
	[sflag:s30] =	ssyncset.done $0x0  }
0x2fd: {  	[sflag:s30] =	ssyncadd.s32 $0xFFFF0000  }
0x2fe: {  	[tilespmem:v37+s29+$0x0] =	vst.idx.msk vm12, v3  }
0x2ff: {  	[tilespmem:v38+s29+$0x0] =	vst.idx.msk vm13, v3  }
0x300: {  	[tilespmem:v39+s29+$0x0] =	vst.idx.msk vm14, v1  }
0x301: {  	[tilespmem:v40+s29+$0x0] =	vst.idx.msk vm15, v1  }
0x302: {  	vm6 =	veq.s32 v21, $0x60;
	[hbm4b:s16+s2] =	stream.linear.scatter [tilespmem:s29], [sflag:$0x1], $0x10000, $0x38;
	[tilespmem:$0x10080] =	vst v63  }
0x303: {  	v41 =	vadd.s32 v14, v20;
	vm7 =	veq.s32 v19, $0x60;
	_ =	swait.ge [sflag:s30], $0x10000  }
0x304: {  	v42 =	vadd.s32 v15, v18;
	[sflag:s30] =	ssyncset.done $0x0  }
0x305: {  	[sflag:s30] =	ssyncadd.s32 $0xFFFF0000  }
0x306: {  	[tilespmem:v39+s29+$0x0] =	vst.idx.msk vm14, v3  }
0x307: {  	[tilespmem:v40+s29+$0x0] =	vst.idx.msk vm15, v3  }
0x308: {  	[tilespmem:v41+s29+$0x0] =	vst.idx.msk vm6, v1  }
0x309: {  	[tilespmem:v42+s29+$0x0] =	vst.idx.msk vm7, v1  }
0x30a: {  	vm8 =	veq.s32 v21, $0x70;
	[hbm4b:s17+s2] =	stream.linear.scatter [tilespmem:s29], [sflag:$0x1], $0x10000, $0x38;
	[tilespmem:$0x10080] =	vst v63  }
0x30b: {  	v20 =	vadd.s32 v16, v20;
	vm9 =	veq.s32 v19, $0x70;
	_ =	swait.ge [sflag:s30], $0x10000  }
0x30c: {  	v18 =	vadd.s32 v17, v18;
	[sflag:s30] =	ssyncset.done $0x0  }
0x30d: {  	[sflag:s30] =	ssyncadd.s32 $0xFFFF0000  }
0x30e: {  	[tilespmem:v41+s29+$0x0] =	vst.idx.msk vm6, v3  }
0x30f: {  	[tilespmem:v42+s29+$0x0] =	vst.idx.msk vm7, v3  }
0x310: {  	[tilespmem:v20+s29+$0x0] =	vst.idx.msk vm8, v1  }
0x311: {  	[tilespmem:v18+s29+$0x0] =	vst.idx.msk vm9, v1  }
0x312: {  	[hbm4b:s18+s2] =	stream.linear.scatter [tilespmem:s29], [sflag:$0x1], $0x10000, $0x38;
	[tilespmem:$0x10080] =	vst v63  }
0x313: {  	_ =	swait.ge [sflag:s30], $0x10000  }
0x314: {  	[sflag:s30] =	ssyncset.done $0x0  }
0x315: {  	[sflag:s30] =	ssyncadd.s32 $0xFFFF0000  }
0x316: {  	[tilespmem:v20+s29+$0x0] =	vst.idx.msk vm8, v3  }
0x317: {  	[tilespmem:v18+s29+$0x0] =	vst.idx.msk vm9, v3  }
0x318: {  	[tilespmem:s2], [sflag:$0x1] =	stream.linear.gather [hbm4b:s10+s2], $0x20, $0x38;
	[tilespmem:$0x10080] =	vst v63  }
0x319: {  	_ =	swait.ge [sflag:s30], $0x20  }
0x31a: {  	[sflag:s30] =	ssyncset.done $0x0  }
0x31b: {  	[sflag:s30] =	ssyncadd.s32 $0xFFFFFFE0  }
0x31c: {  	[tilespmem:s31], [sflag:$0x1] =	stream.linear.gather [hbm4b:s11+s2], $0x20, $0x38;
	[tilespmem:$0x10080] =	vst v63  }
0x31d: {  	_ =	swait.ge [sflag:s30], $0x20  }
0x31e: {  	[sflag:s30] =	ssyncset.done $0x0  }
0x31f: {  	[sflag:s30] =	ssyncadd.s32 $0xFFFFFFE0  }
0x320: {  	[tilespmem:s0], [sflag:$0x1] =	stream.linear.gather [hbm4b:s13+s2], $0x40, $0x38;
	[tilespmem:$0x10080] =	vst v63  }
0x321: {  	_ =	swait.ge [sflag:s30], $0x40  }
0x322: {  	[sflag:s30] =	ssyncset.done $0x0  }
0x323: {  	[sflag:s30] =	ssyncadd.s32 $0xFFFFFFC0  }
0x324: {  	v18 =	vld [tilespmem:$0x40]  }
0x325: {  	v19 =	vld [tilespmem:$0x50];
	_ =	sdelay $0x3  }
0x326: {  	(erf) = vrcp.f32 v18  }
0x327: {  	(erf) = vrcp.f32 v19;
	_ =	sdelay $0x1  }
0x328: {  	v43 =	vld [tilespmem:$0x0]  }
0x329: {  	v44 =	vld [tilespmem:$0x20]  }
0x32a: {  	v45 =	vld [tilespmem:$0x30]  }
0x32b: {  	v46 =	vld [tilespmem:$0x10]  }
0x32c: {  	v18 =	vld [tilespmem:$0x60]  }
0x32d: {  	v19 =	vld [tilespmem:$0x70]  }
0x32e: {  	v47 =	vpop (erf)  }
0x32f: {  	v20 =	vmul.f32 v43, v47;
	v48 =	vpop (erf)  }
0x330: {  	v23 =	vmul.f32 v46, v47;
	v21 =	vmul.f32 v44, v48  }
0x331: {  	v22 =	vmul.f32 v45, v48;
	v20 =	vadd.f32 v20, v18  }
0x332: {  	v18 =	vadd.f32 v23, v18;
	v21 =	vadd.f32 v21, v19  }
0x333: {  	v19 =	vadd.f32 v22, v19;
	v20 =	vtrunc.f32 v20  }
0x334: {  	v18 =	vtrunc.f32 v18;
	v21 =	vtrunc.f32 v21  }
0x335: {  	v19 =	vtrunc.f32 v19;
	v21 =	vcvt.f32.s32 v21  }
0x336: {  	v20 =	vcvt.f32.s32 v20;
	v19 =	vcvt.f32.s32 v19  }
0x337: {  	v18 =	vcvt.f32.s32 v18;
	v49 =	vshll.u32 v21, $0xC  }
0x338: {  	vm10 =	vlt.u32 v21, $0x10;
	v50 =	vshll.u32 v19, $0xC;
	v20 =	vadd.s32 v20, v49  }
0x339: {  	vm11 =	vlt.u32 v19, $0x10;
	v18 =	vadd.s32 v18, v50;
	v51 =	vadd.s32 v0, v20  }
0x33a: {  	v22 =	vadd.s32 v2, v18;
	_ =	sdelay $0x3  }
0x33b: {  	[tilespmem:v51+s29+$0x0] =	vst.idx.msk vm10, v1  }
0x33c: {  	v21 =	vand.u32 $0xFFFFFFF0, v21;
	[tilespmem:v22+s29+$0x0] =	vst.idx.msk vm11, v1  }
0x33d: {  	v19 =	vand.u32 $0xFFFFFFF0, v19;
	vm12 =	veq.s32 v21, $0x10;
	[hbm4b:s19+s2] =	stream.linear.scatter [tilespmem:s29], [sflag:$0x1], $0x10000, $0x38;
	[tilespmem:$0x10080] =	vst v63  }
0x33e: {  	vm13 =	veq.s32 v19, $0x10;
	v52 =	vadd.s32 v4, v20;
	_ =	swait.ge [sflag:s30], $0x10000  }
0x33f: {  	v53 =	vadd.s32 v5, v18;
	[sflag:s30] =	ssyncset.done $0x0  }
0x340: {  	[sflag:s30] =	ssyncadd.s32 $0xFFFF0000  }
0x341: {  	[tilespmem:v51+s29+$0x0] =	vst.idx.msk vm10, v3  }
0x342: {  	[tilespmem:v22+s29+$0x0] =	vst.idx.msk vm11, v3  }
0x343: {  	[tilespmem:v52+s29+$0x0] =	vst.idx.msk vm12, v1  }
0x344: {  	[tilespmem:v53+s29+$0x0] =	vst.idx.msk vm13, v1  }
0x345: {  	vm14 =	veq.s32 v21, $0x20;
	[hbm4b:s20+s2] =	stream.linear.scatter [tilespmem:s29], [sflag:$0x1], $0x10000, $0x38;
	[tilespmem:$0x10080] =	vst v63  }
0x346: {  	vm15 =	veq.s32 v19, $0x20;
	v54 =	vadd.s32 v6, v20;
	_ =	swait.ge [sflag:s30], $0x10000  }
0x347: {  	v55 =	vadd.s32 v7, v18;
	[sflag:s30] =	ssyncset.done $0x0  }
0x348: {  	[sflag:s30] =	ssyncadd.s32 $0xFFFF0000  }
0x349: {  	[tilespmem:v52+s29+$0x0] =	vst.idx.msk vm12, v3  }
0x34a: {  	[tilespmem:v53+s29+$0x0] =	vst.idx.msk vm13, v3  }
0x34b: {  	[tilespmem:v54+s29+$0x0] =	vst.idx.msk vm14, v1  }
0x34c: {  	[tilespmem:v55+s29+$0x0] =	vst.idx.msk vm15, v1  }
0x34d: {  	vm6 =	veq.s32 v21, $0x30;
	[hbm4b:s21+s2] =	stream.linear.scatter [tilespmem:s29], [sflag:$0x1], $0x10000, $0x38;
	[tilespmem:$0x10080] =	vst v63  }
0x34e: {  	vm7 =	veq.s32 v19, $0x30;
	v56 =	vadd.s32 v8, v20;
	_ =	swait.ge [sflag:s30], $0x10000  }
0x34f: {  	v57 =	vadd.s32 v9, v18;
	[sflag:s30] =	ssyncset.done $0x0  }
0x350: {  	[sflag:s30] =	ssyncadd.s32 $0xFFFF0000  }
0x351: {  	[tilespmem:v54+s29+$0x0] =	vst.idx.msk vm14, v3  }
0x352: {  	[tilespmem:v55+s29+$0x0] =	vst.idx.msk vm15, v3  }
0x353: {  	[tilespmem:v56+s29+$0x0] =	vst.idx.msk vm6, v1  }
0x354: {  	[tilespmem:v57+s29+$0x0] =	vst.idx.msk vm7, v1  }
0x355: {  	vm8 =	veq.s32 v21, $0x40;
	[hbm4b:s22+s2] =	stream.linear.scatter [tilespmem:s29], [sflag:$0x1], $0x10000, $0x38;
	[tilespmem:$0x10080] =	vst v63  }
0x356: {  	vm9 =	veq.s32 v19, $0x40;
	v58 =	vadd.s32 v10, v20;
	_ =	swait.ge [sflag:s30], $0x10000  }
0x357: {  	v59 =	vadd.s32 v11, v18;
	[sflag:s30] =	ssyncset.done $0x0  }
0x358: {  	[sflag:s30] =	ssyncadd.s32 $0xFFFF0000  }
0x359: {  	[tilespmem:v56+s29+$0x0] =	vst.idx.msk vm6, v3  }
0x35a: {  	[tilespmem:v57+s29+$0x0] =	vst.idx.msk vm7, v3  }
0x35b: {  	[tilespmem:v58+s29+$0x0] =	vst.idx.msk vm8, v1  }
0x35c: {  	[tilespmem:v59+s29+$0x0] =	vst.idx.msk vm9, v1  }
0x35d: {  	vm10 =	veq.s32 v21, $0x50;
	[hbm4b:s23+s2] =	stream.linear.scatter [tilespmem:s29], [sflag:$0x1], $0x10000, $0x38;
	[tilespmem:$0x10080] =	vst v63  }
0x35e: {  	v60 =	vadd.s32 v12, v20;
	vm11 =	veq.s32 v19, $0x50;
	_ =	swait.ge [sflag:s30], $0x10000  }
0x35f: {  	v61 =	vadd.s32 v13, v18;
	[sflag:s30] =	ssyncset.done $0x0  }
0x360: {  	[sflag:s30] =	ssyncadd.s32 $0xFFFF0000  }
0x361: {  	[tilespmem:v58+s29+$0x0] =	vst.idx.msk vm8, v3  }
0x362: {  	[tilespmem:v59+s29+$0x0] =	vst.idx.msk vm9, v3  }
0x363: {  	[tilespmem:v60+s29+$0x0] =	vst.idx.msk vm10, v1  }
0x364: {  	[tilespmem:v61+s29+$0x0] =	vst.idx.msk vm11, v1  }
0x365: {  	vm12 =	veq.s32 v21, $0x60;
	[hbm4b:s24+s2] =	stream.linear.scatter [tilespmem:s29], [sflag:$0x1], $0x10000, $0x38;
	[tilespmem:$0x10080] =	vst v63  }
0x366: {  	v62 =	vadd.s32 v14, v20;
	vm13 =	veq.s32 v19, $0x60;
	_ =	swait.ge [sflag:s30], $0x10000  }
0x367: {  	v63 =	vadd.s32 v15, v18;
	[sflag:s30] =	ssyncset.done $0x0  }
0x368: {  	[sflag:s30] =	ssyncadd.s32 $0xFFFF0000  }
0x369: {  	[tilespmem:v60+s29+$0x0] =	vst.idx.msk vm10, v3  }
0x36a: {  	[tilespmem:v61+s29+$0x0] =	vst.idx.msk vm11, v3  }
0x36b: {  	[tilespmem:v62+s29+$0x0] =	vst.idx.msk vm12, v1  }
0x36c: {  	[tilespmem:v63+s29+$0x0] =	vst.idx.msk vm13, v1  }
0x36d: {  	vm14 =	veq.s32 v21, $0x70;
	[hbm4b:s25+s2] =	stream.linear.scatter [tilespmem:s29], [sflag:$0x1], $0x10000, $0x38;
	[tilespmem:$0x10080] =	vst v63  }
0x36e: {  	v20 =	vadd.s32 v16, v20;
	vm15 =	veq.s32 v19, $0x70;
	_ =	swait.ge [sflag:s30], $0x10000  }
0x36f: {  	v18 =	vadd.s32 v17, v18;
	[sflag:s30] =	ssyncset.done $0x0  }
0x370: {  	[sflag:s30] =	ssyncadd.s32 $0xFFFF0000  }
0x371: {  	[tilespmem:v62+s29+$0x0] =	vst.idx.msk vm12, v3  }
0x372: {  	[tilespmem:v63+s29+$0x0] =	vst.idx.msk vm13, v3  }
0x373: {  	[tilespmem:v20+s29+$0x0] =	vst.idx.msk vm14, v1  }
0x374: {  	p0 =	sne.s32 s28, $0x1;
	[tilespmem:v18+s29+$0x0] =	vst.idx.msk vm15, v1  }
0x375: {  	[hbm4b:s26+s2] =	stream.linear.scatter [tilespmem:s29], [sflag:$0x1], $0x10000, $0x38;
	[tilespmem:$0x10080] =	vst v63  }
.Ltmp0:
0x376: {  	_ =	swait.ge [sflag:s30], $0x10000;
	(pc) =	sbr.rel @p0 .LBB2_1-.Ltmp0, $4  }
0x377: {  	[sflag:s30] =	ssyncset.done $0x0  }
0x378: {  	[sflag:s30] =	ssyncadd.s32 $0xFFFF0000  }
0x379: {  	[tilespmem:v20+s29+$0x0] =	vst.idx.msk vm14, v3  }
0x37a: {  	s28 =	sadd.s32 $0xFFFFFFFF, s28;
	[tilespmem:v18+s29+$0x0] =	vst.idx.msk vm15, v3  }
0x37b: {  	_ =	sfence.sel $0x180000  }
0x37c: {  	[bflag:$0x0] =	sbarrier.arrive $0xFFFF  }
0x37d: {  	_ =	strace $0x90000047  }
0x37e: {  	s0 =	stileid.u32;
	[bflag:$0x2] =	sbarrier.arrive $0xFFFF  }
0x37f: {  	p0 =	sne.s32 s0, $0x0;
	s0 =	rddreg [dreg:$0x2]  }
0x380: {  	s0 =	sadd.s32 @!p0 $0x100000, s0  }
0x381: {  	[sflag:s0] =	ssyncadd.tile.s32 @!p0 $0x1;
	_ =	shalt  }
.Lfunc_end2:
_tile_overlayer_lowered:
.L_overlay_start_2:
0x382: {  	(tag) =	ssettag $0x2  }
0x383: {  	s0 =	rddreg [dreg:$0x0];
	s2 =	stileid.u32  }
0x384: {  	s1 =	rddreg [dreg:$0x1];
	p0 =	sne.s32 s2, $0x0  }
0x385: {  	s3 =	rddreg [dreg:$0x2];
	[bflag:$0x3] =	sbarrier.arrive $0xFFFF;
	s2 =	simm.s32 @!p0 $0x1C01  }
0x386: {  	[timem:s3], [sflag:s2] =	dma.local @!p0 [hbm:s0], s1  }
0x387: {  	s0 =	simm.s32 @!p0 $0x1  }
0x388: {  	_ =	swait.ge @!p0 [sflag:s0], s1  }
0x389: {  	s1 =	ssub.s32 @!p0 $0x0, s1;
	[sflag:s0] =	ssyncset.done @!p0 $0x0  }
0x38a: {  	[sflag:s0] =	ssyncadd.s32 @!p0 s1  }
0x38b: {  	[bflag:$0x3] =	sbarrier.arrive $0xFFFF  }
0x38c: {  	_ =	shalt  }

</sc_bundles>
